<compile_context>
chip_gen: v7x
topology: tpu7x:2x2x1
jax: 0.10.2.dev20260603
libtpu: 0.0.44.dev20260713+nightly
codegen_flags: <defaults>
</compile_context>

<pallas_src>
import functools
import math

import jax
import jax.numpy as jnp
from jax import lax
from jax.experimental import pallas as pl
from jax.experimental.pallas import tpu as pltpu
from jax.experimental.pallas import tpu_sc as plsc

_LANES = 16
_NUM_WORKERS = 32


def kernel(input_ids, token_table, pos_table):
    B, S = input_ids.shape
    V, D = token_table.shape
    N = B * S
    scale = math.sqrt(float(D))
    s_per_w = S // _NUM_WORKERS
    nvec = D // _LANES

    mesh = plsc.VectorSubcoreMesh(core_axis_name="c", subcore_axis_name="s")

    @functools.partial(
        pl.kernel,
        mesh=mesh,
        out_type=jax.ShapeDtypeStruct((N, D), jnp.float32),
        scratch_types=[
            pltpu.VMEM((B, s_per_w), jnp.int32),
            pltpu.VMEM((s_per_w, D), jnp.float32),
            pltpu.VMEM((s_per_w, D), jnp.float32),
            pltpu.VMEM((s_per_w, D), jnp.float32),
            pltpu.SemaphoreType.DMA,
            pltpu.SemaphoreType.DMA,
            pltpu.SemaphoreType.DMA,
            pltpu.SemaphoreType.DMA,
            pltpu.SemaphoreType.DMA,
            pltpu.SemaphoreType.DMA,
        ],
    )
    def body(ids_hbm, tok_hbm, pos_hbm, out_hbm, idx_v, pos_v, t0, t1,
             g0, g1, o0, o1, isem, psem):
        wid = lax.axis_index("s") * 2 + lax.axis_index("c")
        s0 = wid * s_per_w
        idx_cps = [
            pltpu.async_copy(ids_hbm.at[pl.ds(b * S + s0, s_per_w)],
                             idx_v.at[b], isem)
            for b in range(B)
        ]
        pos_cp = pltpu.async_copy(pos_hbm.at[pl.ds(s0, s_per_w)], pos_v, psem)
        for cp in idx_cps:
            cp.wait()

        tbufs = [t0, t1]
        gsems = [g0, g1]
        osems = [o0, o1]
        gathers = [None, None]
        stores = [None, None]
        gathers[0] = pltpu.async_copy(tok_hbm.at[idx_v.at[0]], t0, g0)
        pos_cp.wait()
        for b in range(B):
            cur = b % 2
            nxt = (b + 1) % 2
            if b + 1 < B:
                if stores[nxt] is not None:
                    stores[nxt].wait()
                gathers[nxt] = pltpu.async_copy(
                    tok_hbm.at[idx_v.at[b + 1]], tbufs[nxt], gsems[nxt])
            gathers[cur].wait()
            buf = tbufs[cur]

            def row(r, _, buf=buf):
                for k in range(nvec):
                    sl = pl.ds(k * _LANES, _LANES)
                    buf[r, sl] = buf[r, sl] * scale + pos_v[r, sl]
                return 0

            lax.fori_loop(0, s_per_w, row, 0)
            stores[cur] = pltpu.async_copy(
                buf, out_hbm.at[pl.ds(b * S + s0, s_per_w)], osems[cur])
        stores[0].wait()
        stores[1].wait()

    out = body(input_ids.reshape(N), token_table, pos_table)
    return out.reshape(B, S, D)

# --- scband reference (transcript-rebuilt; emitter-appended) ---
"""Pipeline reference for scband-input-embedding-4853313045097 (READ-ONLY COPY).

The authoritative reference and input builder live on the scoring server;
editing this copy changes nothing except your own understanding.
"""

import jax, jax.numpy as jnp
import numpy as np

VOCAB = 100000
D_MODEL = 512
MAX_SEQ_LEN = 2048
BATCH = 4
SEQ_LEN = 2048


def setup_inputs(seed: int = 0) -> dict:
    key = jax.random.key(seed)
    k1, k2, k3 = jax.random.split(key, 3)
    input_ids = jax.random.randint(k1, (BATCH, SEQ_LEN), 0, VOCAB, dtype=jnp.int64 if jax.config.jax_enable_x64 else jnp.int32).astype(jnp.int32)
    token_table = jax.random.normal(k2, (VOCAB, D_MODEL), dtype=jnp.float32) * 0.02
    pos_table = jax.random.normal(k3, (MAX_SEQ_LEN, D_MODEL), dtype=jnp.float32) * 0.02
    return {"input_ids": input_ids, "token_table": token_table, "pos_table": pos_table}


def reference(input_ids, token_table, pos_table):
    # token embedding lookup (gather) scaled by sqrt(d_model)
    scale = jnp.sqrt(jnp.float32(D_MODEL))
    token_embeds = jnp.take(token_table, input_ids, axis=0) * scale
    seq_len = input_ids.shape[1]
    position_ids = jnp.arange(seq_len, dtype=jnp.int32)
    pos_embeds = jnp.take(pos_table, position_ids, axis=0)[None, :, :]
    # dropout is identity in eval mode
    embeddings = token_embeds + pos_embeds
    return embeddings

if __name__ == "__main__":
    import jax
    _d = setup_inputs()
    print(jax.jit(kernel)(*tuple(_d.values())))

</pallas_src>

<mosaic_0001>
#map = affine_map<(d0, d1) -> (0)>
#map1 = affine_map<(d0, d1) -> (0, 0)>
module attributes {stable_mosaic.version = 14 : i64} {
  func.func @body(%arg0: i32, %arg1: i32, %arg2: memref<8192xi32, #tpu.memory_space<hbm>>, %arg3: memref<100000x512xf32, #tpu.memory_space<hbm>>, %arg4: memref<2048x512xf32, #tpu.memory_space<hbm>>, %arg5: memref<8192x512xf32, #tpu.memory_space<hbm>>, %arg6: memref<4x64xi32, #tpu.memory_space<vmem>>, %arg7: memref<64x512xf32, #tpu.memory_space<vmem>>, %arg8: memref<64x512xf32, #tpu.memory_space<vmem>>, %arg9: memref<64x512xf32, #tpu.memory_space<vmem>>, %arg10: memref<!tpu.dma_semaphore, #tpu.memory_space<semaphore_mem>>, %arg11: memref<!tpu.dma_semaphore, #tpu.memory_space<semaphore_mem>>, %arg12: memref<!tpu.dma_semaphore, #tpu.memory_space<semaphore_mem>>, %arg13: memref<!tpu.dma_semaphore, #tpu.memory_space<semaphore_mem>>, %arg14: memref<!tpu.dma_semaphore, #tpu.memory_space<semaphore_mem>>, %arg15: memref<!tpu.dma_semaphore, #tpu.memory_space<semaphore_mem>>) attributes {dimension_semantics = [#tpu.dimension_semantics<core_parallel>, #tpu.dimension_semantics<subcore_parallel>], iteration_bounds = array<i64: 2, 16>, scalar_prefetch = 0 : i64, scratch_operands = 10 : i64, tpu.core_type = #tpu.core_type<sc_vector_subcore>, window_params = [{transform_indices = #map}, {transform_indices = #map1}, {transform_indices = #map1}, {transform_indices = #map1}]} {
    %mul3A = arith.constant 2 : i32
    %mul3A_0 = arith.muli %arg1, %mul3A : i32
    %add3A = arith.addi %mul3A_0, %arg0 : i32
    %mul3A_1 = arith.constant 64 : i32
    %mul3A_2 = arith.muli %add3A, %mul3A_1 : i32
    %add3A_3 = arith.constant 0 : i32
    %add3A_4 = arith.addi %add3A_3, %mul3A_2 : i32
    %dma_start3A = arith.constant 0 : i32
    %dma_start3A_5 = arith.constant 0 : i32
    %dma_start3A_6 = tpu.memref_slice %arg6[%dma_start3A, %dma_start3A_5] : memref<4x64xi32, #tpu.memory_space<vmem>> -> memref<1x64xi32, #tpu.memory_space<vmem>>
    %dma_start3A_7 = tpu.memref_squeeze %dma_start3A_6 : memref<1x64xi32, #tpu.memory_space<vmem>> -> memref<64xi32, #tpu.memory_space<vmem>>
    %dma_start3A_8 = tpu.memref_slice %arg2[%add3A_4] : memref<8192xi32, #tpu.memory_space<hbm>> -> memref<64xi32, #tpu.memory_space<hbm>>
    %dma_start3A_9 = arith.constant 0 : i32
    %dma_start3A_10 = tpu.memref_slice %arg6[%dma_start3A, %dma_start3A_9] : memref<4x64xi32, #tpu.memory_space<vmem>> -> memref<1x64xi32, #tpu.memory_space<vmem>>
    %dma_start3A_11 = tpu.memref_squeeze %dma_start3A_10 : memref<1x64xi32, #tpu.memory_space<vmem>> -> memref<64xi32, #tpu.memory_space<vmem>>
    %dma_start3A_12 = tpu.memref_slice %arg2[%add3A_4] : memref<8192xi32, #tpu.memory_space<hbm>> -> memref<64xi32, #tpu.memory_space<hbm>>
    tpu.enqueue_dma source(%dma_start3A_12 : memref<64xi32, #tpu.memory_space<hbm>>) target(%dma_start3A_11 : memref<64xi32, #tpu.memory_space<vmem>>) target_semaphore(%arg14 : memref<!tpu.dma_semaphore, #tpu.memory_space<semaphore_mem>>)
    %add3A_13 = arith.constant 2048 : i32
    %add3A_14 = arith.addi %add3A_13, %mul3A_2 : i32
    %dma_start3A_15 = arith.constant 1 : i32
    %dma_start3A_16 = arith.constant 0 : i32
    %dma_start3A_17 = tpu.memref_slice %arg6[%dma_start3A_15, %dma_start3A_16] : memref<4x64xi32, #tpu.memory_space<vmem>> -> memref<1x64xi32, #tpu.memory_space<vmem>>
    %dma_start3A_18 = tpu.memref_squeeze %dma_start3A_17 : memref<1x64xi32, #tpu.memory_space<vmem>> -> memref<64xi32, #tpu.memory_space<vmem>>
    %dma_start3A_19 = tpu.memref_slice %arg2[%add3A_14] : memref<8192xi32, #tpu.memory_space<hbm>> -> memref<64xi32, #tpu.memory_space<hbm>>
    %dma_start3A_20 = arith.constant 0 : i32
    %dma_start3A_21 = tpu.memref_slice %arg6[%dma_start3A_15, %dma_start3A_20] : memref<4x64xi32, #tpu.memory_space<vmem>> -> memref<1x64xi32, #tpu.memory_space<vmem>>
    %dma_start3A_22 = tpu.memref_squeeze %dma_start3A_21 : memref<1x64xi32, #tpu.memory_space<vmem>> -> memref<64xi32, #tpu.memory_space<vmem>>
    %dma_start3A_23 = tpu.memref_slice %arg2[%add3A_14] : memref<8192xi32, #tpu.memory_space<hbm>> -> memref<64xi32, #tpu.memory_space<hbm>>
    tpu.enqueue_dma source(%dma_start3A_23 : memref<64xi32, #tpu.memory_space<hbm>>) target(%dma_start3A_22 : memref<64xi32, #tpu.memory_space<vmem>>) target_semaphore(%arg14 : memref<!tpu.dma_semaphore, #tpu.memory_space<semaphore_mem>>)
    %add3A_24 = arith.constant 4096 : i32
    %add3A_25 = arith.addi %add3A_24, %mul3A_2 : i32
    %dma_start3A_26 = arith.constant 2 : i32
    %dma_start3A_27 = arith.constant 0 : i32
    %dma_start3A_28 = tpu.memref_slice %arg6[%dma_start3A_26, %dma_start3A_27] : memref<4x64xi32, #tpu.memory_space<vmem>> -> memref<1x64xi32, #tpu.memory_space<vmem>>
    %dma_start3A_29 = tpu.memref_squeeze %dma_start3A_28 : memref<1x64xi32, #tpu.memory_space<vmem>> -> memref<64xi32, #tpu.memory_space<vmem>>
    %dma_start3A_30 = tpu.memref_slice %arg2[%add3A_25] : memref<8192xi32, #tpu.memory_space<hbm>> -> memref<64xi32, #tpu.memory_space<hbm>>
    %dma_start3A_31 = arith.constant 0 : i32
    %dma_start3A_32 = tpu.memref_slice %arg6[%dma_start3A_26, %dma_start3A_31] : memref<4x64xi32, #tpu.memory_space<vmem>> -> memref<1x64xi32, #tpu.memory_space<vmem>>
    %dma_start3A_33 = tpu.memref_squeeze %dma_start3A_32 : memref<1x64xi32, #tpu.memory_space<vmem>> -> memref<64xi32, #tpu.memory_space<vmem>>
    %dma_start3A_34 = tpu.memref_slice %arg2[%add3A_25] : memref<8192xi32, #tpu.memory_space<hbm>> -> memref<64xi32, #tpu.memory_space<hbm>>
    tpu.enqueue_dma source(%dma_start3A_34 : memref<64xi32, #tpu.memory_space<hbm>>) target(%dma_start3A_33 : memref<64xi32, #tpu.memory_space<vmem>>) target_semaphore(%arg14 : memref<!tpu.dma_semaphore, #tpu.memory_space<semaphore_mem>>)
    %add3A_35 = arith.constant 6144 : i32
    %add3A_36 = arith.addi %add3A_35, %mul3A_2 : i32
    %dma_start3A_37 = arith.constant 3 : i32
    %dma_start3A_38 = arith.constant 0 : i32
    %dma_start3A_39 = tpu.memref_slice %arg6[%dma_start3A_37, %dma_start3A_38] : memref<4x64xi32, #tpu.memory_space<vmem>> -> memref<1x64xi32, #tpu.memory_space<vmem>>
    %dma_start3A_40 = tpu.memref_squeeze %dma_start3A_39 : memref<1x64xi32, #tpu.memory_space<vmem>> -> memref<64xi32, #tpu.memory_space<vmem>>
    %dma_start3A_41 = tpu.memref_slice %arg2[%add3A_36] : memref<8192xi32, #tpu.memory_space<hbm>> -> memref<64xi32, #tpu.memory_space<hbm>>
    %dma_start3A_42 = arith.constant 0 : i32
    %dma_start3A_43 = tpu.memref_slice %arg6[%dma_start3A_37, %dma_start3A_42] : memref<4x64xi32, #tpu.memory_space<vmem>> -> memref<1x64xi32, #tpu.memory_space<vmem>>
    %dma_start3A_44 = tpu.memref_squeeze %dma_start3A_43 : memref<1x64xi32, #tpu.memory_space<vmem>> -> memref<64xi32, #tpu.memory_space<vmem>>
    %dma_start3A_45 = tpu.memref_slice %arg2[%add3A_36] : memref<8192xi32, #tpu.memory_space<hbm>> -> memref<64xi32, #tpu.memory_space<hbm>>
    tpu.enqueue_dma source(%dma_start3A_45 : memref<64xi32, #tpu.memory_space<hbm>>) target(%dma_start3A_44 : memref<64xi32, #tpu.memory_space<vmem>>) target_semaphore(%arg14 : memref<!tpu.dma_semaphore, #tpu.memory_space<semaphore_mem>>)
    %dma_start3A_46 = arith.constant 0 : i32
    %dma_start3A_47 = tpu.memref_slice %arg4[%mul3A_2, %dma_start3A_46] : memref<2048x512xf32, #tpu.memory_space<hbm>> -> memref<64x512xf32, #tpu.memory_space<hbm>>
    %dma_start3A_48 = arith.constant 0 : i32
    %dma_start3A_49 = tpu.memref_slice %arg4[%mul3A_2, %dma_start3A_48] : memref<2048x512xf32, #tpu.memory_space<hbm>> -> memref<64x512xf32, #tpu.memory_space<hbm>>
    tpu.enqueue_dma source(%dma_start3A_49 : memref<64x512xf32, #tpu.memory_space<hbm>>) target(%arg7 : memref<64x512xf32, #tpu.memory_space<vmem>>) target_semaphore(%arg15 : memref<!tpu.dma_semaphore, #tpu.memory_space<semaphore_mem>>)
    %dma_wait3A = arith.constant 0 : i32
    %dma_wait3A_50 = arith.constant 0 : i32
    %dma_wait3A_51 = tpu.memref_slice %arg6[%dma_wait3A, %dma_wait3A_50] : memref<4x64xi32, #tpu.memory_space<vmem>> -> memref<1x64xi32, #tpu.memory_space<vmem>>
    %dma_wait3A_52 = tpu.memref_squeeze %dma_wait3A_51 : memref<1x64xi32, #tpu.memory_space<vmem>> -> memref<64xi32, #tpu.memory_space<vmem>>
    %dma_wait3A_53 = tpu.memref_slice %arg2[%add3A_4] : memref<8192xi32, #tpu.memory_space<hbm>> -> memref<64xi32, #tpu.memory_space<hbm>>
    %dma_wait3A_54 = arith.constant 0 : i32
    %dma_wait3A_55 = tpu.memref_slice %arg6[%dma_wait3A, %dma_wait3A_54] : memref<4x64xi32, #tpu.memory_space<vmem>> -> memref<1x64xi32, #tpu.memory_space<vmem>>
    %dma_wait3A_56 = tpu.memref_squeeze %dma_wait3A_55 : memref<1x64xi32, #tpu.memory_space<vmem>> -> memref<64xi32, #tpu.memory_space<vmem>>
    %dma_wait3A_57 = tpu.memref_slice %arg2[%add3A_4] : memref<8192xi32, #tpu.memory_space<hbm>> -> memref<64xi32, #tpu.memory_space<hbm>>
    tpu.wait_dma2 semaphore(%arg14 : memref<!tpu.dma_semaphore, #tpu.memory_space<semaphore_mem>>) src(%dma_wait3A_57 : memref<64xi32, #tpu.memory_space<hbm>>) dst(%dma_wait3A_56 : memref<64xi32, #tpu.memory_space<vmem>>)
    %dma_wait3A_58 = arith.constant 1 : i32
    %dma_wait3A_59 = arith.constant 0 : i32
    %dma_wait3A_60 = tpu.memref_slice %arg6[%dma_wait3A_58, %dma_wait3A_59] : memref<4x64xi32, #tpu.memory_space<vmem>> -> memref<1x64xi32, #tpu.memory_space<vmem>>
    %dma_wait3A_61 = tpu.memref_squeeze %dma_wait3A_60 : memref<1x64xi32, #tpu.memory_space<vmem>> -> memref<64xi32, #tpu.memory_space<vmem>>
    %dma_wait3A_62 = tpu.memref_slice %arg2[%add3A_14] : memref<8192xi32, #tpu.memory_space<hbm>> -> memref<64xi32, #tpu.memory_space<hbm>>
    %dma_wait3A_63 = arith.constant 0 : i32
    %dma_wait3A_64 = tpu.memref_slice %arg6[%dma_wait3A_58, %dma_wait3A_63] : memref<4x64xi32, #tpu.memory_space<vmem>> -> memref<1x64xi32, #tpu.memory_space<vmem>>
    %dma_wait3A_65 = tpu.memref_squeeze %dma_wait3A_64 : memref<1x64xi32, #tpu.memory_space<vmem>> -> memref<64xi32, #tpu.memory_space<vmem>>
    %dma_wait3A_66 = tpu.memref_slice %arg2[%add3A_14] : memref<8192xi32, #tpu.memory_space<hbm>> -> memref<64xi32, #tpu.memory_space<hbm>>
    tpu.wait_dma2 semaphore(%arg14 : memref<!tpu.dma_semaphore, #tpu.memory_space<semaphore_mem>>) src(%dma_wait3A_66 : memref<64xi32, #tpu.memory_space<hbm>>) dst(%dma_wait3A_65 : memref<64xi32, #tpu.memory_space<vmem>>)
    %dma_wait3A_67 = arith.constant 2 : i32
    %dma_wait3A_68 = arith.constant 0 : i32
    %dma_wait3A_69 = tpu.memref_slice %arg6[%dma_wait3A_67, %dma_wait3A_68] : memref<4x64xi32, #tpu.memory_space<vmem>> -> memref<1x64xi32, #tpu.memory_space<vmem>>
    %dma_wait3A_70 = tpu.memref_squeeze %dma_wait3A_69 : memref<1x64xi32, #tpu.memory_space<vmem>> -> memref<64xi32, #tpu.memory_space<vmem>>
    %dma_wait3A_71 = tpu.memref_slice %arg2[%add3A_25] : memref<8192xi32, #tpu.memory_space<hbm>> -> memref<64xi32, #tpu.memory_space<hbm>>
    %dma_wait3A_72 = arith.constant 0 : i32
    %dma_wait3A_73 = tpu.memref_slice %arg6[%dma_wait3A_67, %dma_wait3A_72] : memref<4x64xi32, #tpu.memory_space<vmem>> -> memref<1x64xi32, #tpu.memory_space<vmem>>
    %dma_wait3A_74 = tpu.memref_squeeze %dma_wait3A_73 : memref<1x64xi32, #tpu.memory_space<vmem>> -> memref<64xi32, #tpu.memory_space<vmem>>
    %dma_wait3A_75 = tpu.memref_slice %arg2[%add3A_25] : memref<8192xi32, #tpu.memory_space<hbm>> -> memref<64xi32, #tpu.memory_space<hbm>>
    tpu.wait_dma2 semaphore(%arg14 : memref<!tpu.dma_semaphore, #tpu.memory_space<semaphore_mem>>) src(%dma_wait3A_75 : memref<64xi32, #tpu.memory_space<hbm>>) dst(%dma_wait3A_74 : memref<64xi32, #tpu.memory_space<vmem>>)
    %dma_wait3A_76 = arith.constant 3 : i32
    %dma_wait3A_77 = arith.constant 0 : i32
    %dma_wait3A_78 = tpu.memref_slice %arg6[%dma_wait3A_76, %dma_wait3A_77] : memref<4x64xi32, #tpu.memory_space<vmem>> -> memref<1x64xi32, #tpu.memory_space<vmem>>
    %dma_wait3A_79 = tpu.memref_squeeze %dma_wait3A_78 : memref<1x64xi32, #tpu.memory_space<vmem>> -> memref<64xi32, #tpu.memory_space<vmem>>
    %dma_wait3A_80 = tpu.memref_slice %arg2[%add3A_36] : memref<8192xi32, #tpu.memory_space<hbm>> -> memref<64xi32, #tpu.memory_space<hbm>>
    %dma_wait3A_81 = arith.constant 0 : i32
    %dma_wait3A_82 = tpu.memref_slice %arg6[%dma_wait3A_76, %dma_wait3A_81] : memref<4x64xi32, #tpu.memory_space<vmem>> -> memref<1x64xi32, #tpu.memory_space<vmem>>
    %dma_wait3A_83 = tpu.memref_squeeze %dma_wait3A_82 : memref<1x64xi32, #tpu.memory_space<vmem>> -> memref<64xi32, #tpu.memory_space<vmem>>
    %dma_wait3A_84 = tpu.memref_slice %arg2[%add3A_36] : memref<8192xi32, #tpu.memory_space<hbm>> -> memref<64xi32, #tpu.memory_space<hbm>>
    tpu.wait_dma2 semaphore(%arg14 : memref<!tpu.dma_semaphore, #tpu.memory_space<semaphore_mem>>) src(%dma_wait3A_84 : memref<64xi32, #tpu.memory_space<hbm>>) dst(%dma_wait3A_83 : memref<64xi32, #tpu.memory_space<vmem>>)
    %dma_start3A_85 = arith.constant 0 : i32
    %dma_start3A_86 = arith.constant 0 : i32
    %dma_start3A_87 = tpu.memref_slice %arg6[%dma_start3A_85, %dma_start3A_86] : memref<4x64xi32, #tpu.memory_space<vmem>> -> memref<1x64xi32, #tpu.memory_space<vmem>>
    %dma_start3A_88 = tpu.memref_squeeze %dma_start3A_87 : memref<1x64xi32, #tpu.memory_space<vmem>> -> memref<64xi32, #tpu.memory_space<vmem>>
    %dma_start3A_89 = arith.constant 0 : i32
    %dma_start3A_90 = arith.constant 0 : i32
    %dma_start3A_91 = tpu.memref_slice %arg3[%dma_start3A_89, %dma_start3A_90] : memref<100000x512xf32, #tpu.memory_space<hbm>> -> memref<100000x512xf32, #tpu.memory_space<hbm>>
    tpu.enqueue_indirect_dma source(%dma_start3A_91 : memref<100000x512xf32, #tpu.memory_space<hbm>>) target(%arg8 : memref<64x512xf32, #tpu.memory_space<vmem>>) offsets(%dma_start3A_88 : memref<64xi32, #tpu.memory_space<vmem>>) semaphore(%arg10 : memref<!tpu.dma_semaphore, #tpu.memory_space<semaphore_mem>>)
    %dma_wait3A_92 = arith.constant 0 : i32
    %dma_wait3A_93 = tpu.memref_slice %arg4[%mul3A_2, %dma_wait3A_92] : memref<2048x512xf32, #tpu.memory_space<hbm>> -> memref<64x512xf32, #tpu.memory_space<hbm>>
    %dma_wait3A_94 = arith.constant 0 : i32
    %dma_wait3A_95 = tpu.memref_slice %arg4[%mul3A_2, %dma_wait3A_94] : memref<2048x512xf32, #tpu.memory_space<hbm>> -> memref<64x512xf32, #tpu.memory_space<hbm>>
    tpu.wait_dma2 semaphore(%arg15 : memref<!tpu.dma_semaphore, #tpu.memory_space<semaphore_mem>>) src(%dma_wait3A_95 : memref<64x512xf32, #tpu.memory_space<hbm>>) dst(%arg7 : memref<64x512xf32, #tpu.memory_space<vmem>>)
    %dma_start3A_96 = arith.constant 1 : i32
    %dma_start3A_97 = arith.constant 0 : i32
    %dma_start3A_98 = tpu.memref_slice %arg6[%dma_start3A_96, %dma_start3A_97] : memref<4x64xi32, #tpu.memory_space<vmem>> -> memref<1x64xi32, #tpu.memory_space<vmem>>
    %dma_start3A_99 = tpu.memref_squeeze %dma_start3A_98 : memref<1x64xi32, #tpu.memory_space<vmem>> -> memref<64xi32, #tpu.memory_space<vmem>>
    %dma_start3A_100 = arith.constant 0 : i32
    %dma_start3A_101 = arith.constant 0 : i32
    %dma_start3A_102 = tpu.memref_slice %arg3[%dma_start3A_100, %dma_start3A_101] : memref<100000x512xf32, #tpu.memory_space<hbm>> -> memref<100000x512xf32, #tpu.memory_space<hbm>>
    tpu.enqueue_indirect_dma source(%dma_start3A_102 : memref<100000x512xf32, #tpu.memory_space<hbm>>) target(%arg9 : memref<64x512xf32, #tpu.memory_space<vmem>>) offsets(%dma_start3A_99 : memref<64xi32, #tpu.memory_space<vmem>>) semaphore(%arg11 : memref<!tpu.dma_semaphore, #tpu.memory_space<semaphore_mem>>)
    %dma_wait3A_103 = arith.constant 0 : i32
    %dma_wait3A_104 = arith.constant 0 : i32
    %dma_wait3A_105 = tpu.memref_slice %arg6[%dma_wait3A_103, %dma_wait3A_104] : memref<4x64xi32, #tpu.memory_space<vmem>> -> memref<1x64xi32, #tpu.memory_space<vmem>>
    %dma_wait3A_106 = tpu.memref_squeeze %dma_wait3A_105 : memref<1x64xi32, #tpu.memory_space<vmem>> -> memref<64xi32, #tpu.memory_space<vmem>>
    %dma_wait3A_107 = arith.constant 0 : i32
    %dma_wait3A_108 = arith.constant 0 : i32
    %dma_wait3A_109 = tpu.memref_slice %arg3[%dma_wait3A_107, %dma_wait3A_108] : memref<100000x512xf32, #tpu.memory_space<hbm>> -> memref<100000x512xf32, #tpu.memory_space<hbm>>
    tpu.wait_indirect_dma semaphore(%arg10 : memref<!tpu.dma_semaphore, #tpu.memory_space<semaphore_mem>>) src(%dma_wait3A_109 : memref<100000x512xf32, #tpu.memory_space<hbm>>) dst(%arg8 : memref<64x512xf32, #tpu.memory_space<vmem>>)
    %scan3A = arith.constant 0 : i32
    %scan3A_110 = arith.constant 0 : i32
    %scan3A_111 = arith.constant 64 : i32
    %scan3A_112 = arith.addi %scan3A_110, %scan3A_111 : i32
    %scan3A_113 = arith.constant 1 : i32
    %scan3A_114 = scf.for %scan3A_212 = %scan3A_110 to %scan3A_112 step %scan3A_113 iter_args(%scan3A_213 = %scan3A) -> (i32)  : i32 {
      %get3A = arith.index_cast %scan3A_212 : i32 to index
      %get3A_214 = arith.constant 0 : index
      %get3A_215 = tpu.vector_load %arg8[%get3A, %get3A_214] {strides = array<i32>} : memref<64x512xf32, #tpu.memory_space<vmem>>, vector<1x16xf32>,
      %get3A_216 = vector.shape_cast %get3A_215 : vector<1x16xf32> to vector<16xf32>
      %mul3A_217 = arith.constant 22.6274166 : f32
      %mul3A_218 = vector.broadcast %mul3A_217 : f32 to vector<16xf32>
      %mul3A_219 = arith.mulf %get3A_216, %mul3A_218 : vector<16xf32>
      %get3A_220 = arith.index_cast %scan3A_212 : i32 to index
      %get3A_221 = arith.constant 0 : index
      %get3A_222 = tpu.vector_load %arg7[%get3A_220, %get3A_221] {strides = array<i32>} : memref<64x512xf32, #tpu.memory_space<vmem>>, vector<1x16xf32>,
      %get3A_223 = vector.shape_cast %get3A_222 : vector<1x16xf32> to vector<16xf32>
      %add3A_224 = arith.addf %mul3A_219, %get3A_223 : vector<16xf32>
      %swap3A = arith.index_cast %scan3A_212 : i32 to index
      %swap3A_225 = arith.constant 0 : index
      %swap3A_226 = tpu.vector_load %arg8[%swap3A, %swap3A_225] {strides = array<i32>} : memref<64x512xf32, #tpu.memory_space<vmem>>, vector<1x16xf32>,
      %swap3A_227 = vector.shape_cast %swap3A_226 : vector<1x16xf32> to vector<16xf32>
      %swap3A_228 = vector.shape_cast %add3A_224 : vector<16xf32> to vector<1x16xf32>
      tpu.vector_store %arg8[%swap3A, %swap3A_225], %swap3A_228 {strides = array<i32>} : memref<64x512xf32, #tpu.memory_space<vmem>>, vector<1x16xf32>,
      %get3A_229 = arith.index_cast %scan3A_212 : i32 to index
      %get3A_230 = arith.constant 16 : index
      %get3A_231 = tpu.vector_load %arg8[%get3A_229, %get3A_230] {strides = array<i32>} : memref<64x512xf32, #tpu.memory_space<vmem>>, vector<1x16xf32>,
      %get3A_232 = vector.shape_cast %get3A_231 : vector<1x16xf32> to vector<16xf32>
      %mul3A_233 = arith.constant 22.6274166 : f32
      %mul3A_234 = vector.broadcast %mul3A_233 : f32 to vector<16xf32>
      %mul3A_235 = arith.mulf %get3A_232, %mul3A_234 : vector<16xf32>
      %get3A_236 = arith.index_cast %scan3A_212 : i32 to index
      %get3A_237 = arith.constant 16 : index
      %get3A_238 = tpu.vector_load %arg7[%get3A_236, %get3A_237] {strides = array<i32>} : memref<64x512xf32, #tpu.memory_space<vmem>>, vector<1x16xf32>,
      %get3A_239 = vector.shape_cast %get3A_238 : vector<1x16xf32> to vector<16xf32>
      %add3A_240 = arith.addf %mul3A_235, %get3A_239 : vector<16xf32>
      %swap3A_241 = arith.index_cast %scan3A_212 : i32 to index
      %swap3A_242 = arith.constant 16 : index
      %swap3A_243 = tpu.vector_load %arg8[%swap3A_241, %swap3A_242] {strides = array<i32>} : memref<64x512xf32, #tpu.memory_space<vmem>>, vector<1x16xf32>,
      %swap3A_244 = vector.shape_cast %swap3A_243 : vector<1x16xf32> to vector<16xf32>
      %swap3A_245 = vector.shape_cast %add3A_240 : vector<16xf32> to vector<1x16xf32>
      tpu.vector_store %arg8[%swap3A_241, %swap3A_242], %swap3A_245 {strides = array<i32>} : memref<64x512xf32, #tpu.memory_space<vmem>>, vector<1x16xf32>,
      %get3A_246 = arith.index_cast %scan3A_212 : i32 to index
      %get3A_247 = arith.constant 32 : index
      %get3A_248 = tpu.vector_load %arg8[%get3A_246, %get3A_247] {strides = array<i32>} : memref<64x512xf32, #tpu.memory_space<vmem>>, vector<1x16xf32>,
      %get3A_249 = vector.shape_cast %get3A_248 : vector<1x16xf32> to vector<16xf32>
      %mul3A_250 = arith.constant 22.6274166 : f32
      %mul3A_251 = vector.broadcast %mul3A_250 : f32 to vector<16xf32>
      %mul3A_252 = arith.mulf %get3A_249, %mul3A_251 : vector<16xf32>
      %get3A_253 = arith.index_cast %scan3A_212 : i32 to index
      %get3A_254 = arith.constant 32 : index
      %get3A_255 = tpu.vector_load %arg7[%get3A_253, %get3A_254] {strides = array<i32>} : memref<64x512xf32, #tpu.memory_space<vmem>>, vector<1x16xf32>,
      %get3A_256 = vector.shape_cast %get3A_255 : vector<1x16xf32> to vector<16xf32>
      %add3A_257 = arith.addf %mul3A_252, %get3A_256 : vector<16xf32>
      %swap3A_258 = arith.index_cast %scan3A_212 : i32 to index
      %swap3A_259 = arith.constant 32 : index
      %swap3A_260 = tpu.vector_load %arg8[%swap3A_258, %swap3A_259] {strides = array<i32>} : memref<64x512xf32, #tpu.memory_space<vmem>>, vector<1x16xf32>,
      %swap3A_261 = vector.shape_cast %swap3A_260 : vector<1x16xf32> to vector<16xf32>
      %swap3A_262 = vector.shape_cast %add3A_257 : vector<16xf32> to vector<1x16xf32>
      tpu.vector_store %arg8[%swap3A_258, %swap3A_259], %swap3A_262 {strides = array<i32>} : memref<64x512xf32, #tpu.memory_space<vmem>>, vector<1x16xf32>,
      %get3A_263 = arith.index_cast %scan3A_212 : i32 to index
      %get3A_264 = arith.constant 48 : index
      %get3A_265 = tpu.vector_load %arg8[%get3A_263, %get3A_264] {strides = array<i32>} : memref<64x512xf32, #tpu.memory_space<vmem>>, vector<1x16xf32>,
      %get3A_266 = vector.shape_cast %get3A_265 : vector<1x16xf32> to vector<16xf32>
      %mul3A_267 = arith.constant 22.6274166 : f32
      %mul3A_268 = vector.broadcast %mul3A_267 : f32 to vector<16xf32>
      %mul3A_269 = arith.mulf %get3A_266, %mul3A_268 : vector<16xf32>
      %get3A_270 = arith.index_cast %scan3A_212 : i32 to index
      %get3A_271 = arith.constant 48 : index
      %get3A_272 = tpu.vector_load %arg7[%get3A_270, %get3A_271] {strides = array<i32>} : memref<64x512xf32, #tpu.memory_space<vmem>>, vector<1x16xf32>,
      %get3A_273 = vector.shape_cast %get3A_272 : vector<1x16xf32> to vector<16xf32>
      %add3A_274 = arith.addf %mul3A_269, %get3A_273 : vector<16xf32>
      %swap3A_275 = arith.index_cast %scan3A_212 : i32 to index
      %swap3A_276 = arith.constant 48 : index
      %swap3A_277 = tpu.vector_load %arg8[%swap3A_275, %swap3A_276] {strides = array<i32>} : memref<64x512xf32, #tpu.memory_space<vmem>>, vector<1x16xf32>,
      %swap3A_278 = vector.shape_cast %swap3A_277 : vector<1x16xf32> to vector<16xf32>
      %swap3A_279 = vector.shape_cast %add3A_274 : vector<16xf32> to vector<1x16xf32>
      tpu.vector_store %arg8[%swap3A_275, %swap3A_276], %swap3A_279 {strides = array<i32>} : memref<64x512xf32, #tpu.memory_space<vmem>>, vector<1x16xf32>,
      %get3A_280 = arith.index_cast %scan3A_212 : i32 to index
      %get3A_281 = arith.constant 64 : index
      %get3A_282 = tpu.vector_load %arg8[%get3A_280, %get3A_281] {strides = array<i32>} : memref<64x512xf32, #tpu.memory_space<vmem>>, vector<1x16xf32>,
      %get3A_283 = vector.shape_cast %get3A_282 : vector<1x16xf32> to vector<16xf32>
      %mul3A_284 = arith.constant 22.6274166 : f32
      %mul3A_285 = vector.broadcast %mul3A_284 : f32 to vector<16xf32>
      %mul3A_286 = arith.mulf %get3A_283, %mul3A_285 : vector<16xf32>
      %get3A_287 = arith.index_cast %scan3A_212 : i32 to index
      %get3A_288 = arith.constant 64 : index
      %get3A_289 = tpu.vector_load %arg7[%get3A_287, %get3A_288] {strides = array<i32>} : memref<64x512xf32, #tpu.memory_space<vmem>>, vector<1x16xf32>,
      %get3A_290 = vector.shape_cast %get3A_289 : vector<1x16xf32> to vector<16xf32>
      %add3A_291 = arith.addf %mul3A_286, %get3A_290 : vector<16xf32>
      %swap3A_292 = arith.index_cast %scan3A_212 : i32 to index
      %swap3A_293 = arith.constant 64 : index
      %swap3A_294 = tpu.vector_load %arg8[%swap3A_292, %swap3A_293] {strides = array<i32>} : memref<64x512xf32, #tpu.memory_space<vmem>>, vector<1x16xf32>,
      %swap3A_295 = vector.shape_cast %swap3A_294 : vector<1x16xf32> to vector<16xf32>
      %swap3A_296 = vector.shape_cast %add3A_291 : vector<16xf32> to vector<1x16xf32>
      tpu.vector_store %arg8[%swap3A_292, %swap3A_293], %swap3A_296 {strides = array<i32>} : memref<64x512xf32, #tpu.memory_space<vmem>>, vector<1x16xf32>,
      %get3A_297 = arith.index_cast %scan3A_212 : i32 to index
      %get3A_298 = arith.constant 80 : index
      %get3A_299 = tpu.vector_load %arg8[%get3A_297, %get3A_298] {strides = array<i32>} : memref<64x512xf32, #tpu.memory_space<vmem>>, vector<1x16xf32>,
      %get3A_300 = vector.shape_cast %get3A_299 : vector<1x16xf32> to vector<16xf32>
      %mul3A_301 = arith.constant 22.6274166 : f32
      %mul3A_302 = vector.broadcast %mul3A_301 : f32 to vector<16xf32>
      %mul3A_303 = arith.mulf %get3A_300, %mul3A_302 : vector<16xf32>
      %get3A_304 = arith.index_cast %scan3A_212 : i32 to index
      %get3A_305 = arith.constant 80 : index
      %get3A_306 = tpu.vector_load %arg7[%get3A_304, %get3A_305] {strides = array<i32>} : memref<64x512xf32, #tpu.memory_space<vmem>>, vector<1x16xf32>,
      %get3A_307 = vector.shape_cast %get3A_306 : vector<1x16xf32> to vector<16xf32>
      %add3A_308 = arith.addf %mul3A_303, %get3A_307 : vector<16xf32>
      %swap3A_309 = arith.index_cast %scan3A_212 : i32 to index
      %swap3A_310 = arith.constant 80 : index
      %swap3A_311 = tpu.vector_load %arg8[%swap3A_309, %swap3A_310] {strides = array<i32>} : memref<64x512xf32, #tpu.memory_space<vmem>>, vector<1x16xf32>,
      %swap3A_312 = vector.shape_cast %swap3A_311 : vector<1x16xf32> to vector<16xf32>
      %swap3A_313 = vector.shape_cast %add3A_308 : vector<16xf32> to vector<1x16xf32>
      tpu.vector_store %arg8[%swap3A_309, %swap3A_310], %swap3A_313 {strides = array<i32>} : memref<64x512xf32, #tpu.memory_space<vmem>>, vector<1x16xf32>,
      %get3A_314 = arith.index_cast %scan3A_212 : i32 to index
      %get3A_315 = arith.constant 96 : index
      %get3A_316 = tpu.vector_load %arg8[%get3A_314, %get3A_315] {strides = array<i32>} : memref<64x512xf32, #tpu.memory_space<vmem>>, vector<1x16xf32>,
      %get3A_317 = vector.shape_cast %get3A_316 : vector<1x16xf32> to vector<16xf32>
      %mul3A_318 = arith.constant 22.6274166 : f32
      %mul3A_319 = vector.broadcast %mul3A_318 : f32 to vector<16xf32>
      %mul3A_320 = arith.mulf %get3A_317, %mul3A_319 : vector<16xf32>
      %get3A_321 = arith.index_cast %scan3A_212 : i32 to index
      %get3A_322 = arith.constant 96 : index
      %get3A_323 = tpu.vector_load %arg7[%get3A_321, %get3A_322] {strides = array<i32>} : memref<64x512xf32, #tpu.memory_space<vmem>>, vector<1x16xf32>,
      %get3A_324 = vector.shape_cast %get3A_323 : vector<1x16xf32> to vector<16xf32>
      %add3A_325 = arith.addf %mul3A_320, %get3A_324 : vector<16xf32>
      %swap3A_326 = arith.index_cast %scan3A_212 : i32 to index
      %swap3A_327 = arith.constant 96 : index
      %swap3A_328 = tpu.vector_load %arg8[%swap3A_326, %swap3A_327] {strides = array<i32>} : memref<64x512xf32, #tpu.memory_space<vmem>>, vector<1x16xf32>,
      %swap3A_329 = vector.shape_cast %swap3A_328 : vector<1x16xf32> to vector<16xf32>
      %swap3A_330 = vector.shape_cast %add3A_325 : vector<16xf32> to vector<1x16xf32>
      tpu.vector_store %arg8[%swap3A_326, %swap3A_327], %swap3A_330 {strides = array<i32>} : memref<64x512xf32, #tpu.memory_space<vmem>>, vector<1x16xf32>,
      %get3A_331 = arith.index_cast %scan3A_212 : i32 to index
      %get3A_332 = arith.constant 112 : index
      %get3A_333 = tpu.vector_load %arg8[%get3A_331, %get3A_332] {strides = array<i32>} : memref<64x512xf32, #tpu.memory_space<vmem>>, vector<1x16xf32>,
      %get3A_334 = vector.shape_cast %get3A_333 : vector<1x16xf32> to vector<16xf32>
      %mul3A_335 = arith.constant 22.6274166 : f32
      %mul3A_336 = vector.broadcast %mul3A_335 : f32 to vector<16xf32>
      %mul3A_337 = arith.mulf %get3A_334, %mul3A_336 : vector<16xf32>
      %get3A_338 = arith.index_cast %scan3A_212 : i32 to index
      %get3A_339 = arith.constant 112 : index
      %get3A_340 = tpu.vector_load %arg7[%get3A_338, %get3A_339] {strides = array<i32>} : memref<64x512xf32, #tpu.memory_space<vmem>>, vector<1x16xf32>,
      %get3A_341 = vector.shape_cast %get3A_340 : vector<1x16xf32> to vector<16xf32>
      %add3A_342 = arith.addf %mul3A_337, %get3A_341 : vector<16xf32>
      %swap3A_343 = arith.index_cast %scan3A_212 : i32 to index
      %swap3A_344 = arith.constant 112 : index
      %swap3A_345 = tpu.vector_load %arg8[%swap3A_343, %swap3A_344] {strides = array<i32>} : memref<64x512xf32, #tpu.memory_space<vmem>>, vector<1x16xf32>,
      %swap3A_346 = vector.shape_cast %swap3A_345 : vector<1x16xf32> to vector<16xf32>
      %swap3A_347 = vector.shape_cast %add3A_342 : vector<16xf32> to vector<1x16xf32>
      tpu.vector_store %arg8[%swap3A_343, %swap3A_344], %swap3A_347 {strides = array<i32>} : memref<64x512xf32, #tpu.memory_space<vmem>>, vector<1x16xf32>,
      %get3A_348 = arith.index_cast %scan3A_212 : i32 to index
      %get3A_349 = arith.constant 128 : index
      %get3A_350 = tpu.vector_load %arg8[%get3A_348, %get3A_349] {strides = array<i32>} : memref<64x512xf32, #tpu.memory_space<vmem>>, vector<1x16xf32>,
      %get3A_351 = vector.shape_cast %get3A_350 : vector<1x16xf32> to vector<16xf32>
      %mul3A_352 = arith.constant 22.6274166 : f32
      %mul3A_353 = vector.broadcast %mul3A_352 : f32 to vector<16xf32>
      %mul3A_354 = arith.mulf %get3A_351, %mul3A_353 : vector<16xf32>
      %get3A_355 = arith.index_cast %scan3A_212 : i32 to index
      %get3A_356 = arith.constant 128 : index
      %get3A_357 = tpu.vector_load %arg7[%get3A_355, %get3A_356] {strides = array<i32>} : memref<64x512xf32, #tpu.memory_space<vmem>>, vector<1x16xf32>,
      %get3A_358 = vector.shape_cast %get3A_357 : vector<1x16xf32> to vector<16xf32>
      %add3A_359 = arith.addf %mul3A_354, %get3A_358 : vector<16xf32>
      %swap3A_360 = arith.index_cast %scan3A_212 : i32 to index
      %swap3A_361 = arith.constant 128 : index
      %swap3A_362 = tpu.vector_load %arg8[%swap3A_360, %swap3A_361] {strides = array<i32>} : memref<64x512xf32, #tpu.memory_space<vmem>>, vector<1x16xf32>,
      %swap3A_363 = vector.shape_cast %swap3A_362 : vector<1x16xf32> to vector<16xf32>
      %swap3A_364 = vector.shape_cast %add3A_359 : vector<16xf32> to vector<1x16xf32>
      tpu.vector_store %arg8[%swap3A_360, %swap3A_361], %swap3A_364 {strides = array<i32>} : memref<64x512xf32, #tpu.memory_space<vmem>>, vector<1x16xf32>,
      %get3A_365 = arith.index_cast %scan3A_212 : i32 to index
      %get3A_366 = arith.constant 144 : index
      %get3A_367 = tpu.vector_load %arg8[%get3A_365, %get3A_366] {strides = array<i32>} : memref<64x512xf32, #tpu.memory_space<vmem>>, vector<1x16xf32>,
      %get3A_368 = vector.shape_cast %get3A_367 : vector<1x16xf32> to vector<16xf32>
      %mul3A_369 = arith.constant 22.6274166 : f32
      %mul3A_370 = vector.broadcast %mul3A_369 : f32 to vector<16xf32>
      %mul3A_371 = arith.mulf %get3A_368, %mul3A_370 : vector<16xf32>
      %get3A_372 = arith.index_cast %scan3A_212 : i32 to index
      %get3A_373 = arith.constant 144 : index
      %get3A_374 = tpu.vector_load %arg7[%get3A_372, %get3A_373] {strides = array<i32>} : memref<64x512xf32, #tpu.memory_space<vmem>>, vector<1x16xf32>,
      %get3A_375 = vector.shape_cast %get3A_374 : vector<1x16xf32> to vector<16xf32>
      %add3A_376 = arith.addf %mul3A_371, %get3A_375 : vector<16xf32>
      %swap3A_377 = arith.index_cast %scan3A_212 : i32 to index
      %swap3A_378 = arith.constant 144 : index
      %swap3A_379 = tpu.vector_load %arg8[%swap3A_377, %swap3A_378] {strides = array<i32>} : memref<64x512xf32, #tpu.memory_space<vmem>>, vector<1x16xf32>,
      %swap3A_380 = vector.shape_cast %swap3A_379 : vector<1x16xf32> to vector<16xf32>
      %swap3A_381 = vector.shape_cast %add3A_376 : vector<16xf32> to vector<1x16xf32>
      tpu.vector_store %arg8[%swap3A_377, %swap3A_378], %swap3A_381 {strides = array<i32>} : memref<64x512xf32, #tpu.memory_space<vmem>>, vector<1x16xf32>,
      %get3A_382 = arith.index_cast %scan3A_212 : i32 to index
      %get3A_383 = arith.constant 160 : index
      %get3A_384 = tpu.vector_load %arg8[%get3A_382, %get3A_383] {strides = array<i32>} : memref<64x512xf32, #tpu.memory_space<vmem>>, vector<1x16xf32>,
      %get3A_385 = vector.shape_cast %get3A_384 : vector<1x16xf32> to vector<16xf32>
      %mul3A_386 = arith.constant 22.6274166 : f32
      %mul3A_387 = vector.broadcast %mul3A_386 : f32 to vector<16xf32>
      %mul3A_388 = arith.mulf %get3A_385, %mul3A_387 : vector<16xf32>
      %get3A_389 = arith.index_cast %scan3A_212 : i32 to index
      %get3A_390 = arith.constant 160 : index
      %get3A_391 = tpu.vector_load %arg7[%get3A_389, %get3A_390] {strides = array<i32>} : memref<64x512xf32, #tpu.memory_space<vmem>>, vector<1x16xf32>,
      %get3A_392 = vector.shape_cast %get3A_391 : vector<1x16xf32> to vector<16xf32>
      %add3A_393 = arith.addf %mul3A_388, %get3A_392 : vector<16xf32>
      %swap3A_394 = arith.index_cast %scan3A_212 : i32 to index
      %swap3A_395 = arith.constant 160 : index
      %swap3A_396 = tpu.vector_load %arg8[%swap3A_394, %swap3A_395] {strides = array<i32>} : memref<64x512xf32, #tpu.memory_space<vmem>>, vector<1x16xf32>,
      %swap3A_397 = vector.shape_cast %swap3A_396 : vector<1x16xf32> to vector<16xf32>
      %swap3A_398 = vector.shape_cast %add3A_393 : vector<16xf32> to vector<1x16xf32>
      tpu.vector_store %arg8[%swap3A_394, %swap3A_395], %swap3A_398 {strides = array<i32>} : memref<64x512xf32, #tpu.memory_space<vmem>>, vector<1x16xf32>,
      %get3A_399 = arith.index_cast %scan3A_212 : i32 to index
      %get3A_400 = arith.constant 176 : index
      %get3A_401 = tpu.vector_load %arg8[%get3A_399, %get3A_400] {strides = array<i32>} : memref<64x512xf32, #tpu.memory_space<vmem>>, vector<1x16xf32>,
      %get3A_402 = vector.shape_cast %get3A_401 : vector<1x16xf32> to vector<16xf32>
      %mul3A_403 = arith.constant 22.6274166 : f32
      %mul3A_404 = vector.broadcast %mul3A_403 : f32 to vector<16xf32>
      %mul3A_405 = arith.mulf %get3A_402, %mul3A_404 : vector<16xf32>
      %get3A_406 = arith.index_cast %scan3A_212 : i32 to index
      %get3A_407 = arith.constant 176 : index
      %get3A_408 = tpu.vector_load %arg7[%get3A_406, %get3A_407] {strides = array<i32>} : memref<64x512xf32, #tpu.memory_space<vmem>>, vector<1x16xf32>,
      %get3A_409 = vector.shape_cast %get3A_408 : vector<1x16xf32> to vector<16xf32>
      %add3A_410 = arith.addf %mul3A_405, %get3A_409 : vector<16xf32>
      %swap3A_411 = arith.index_cast %scan3A_212 : i32 to index
      %swap3A_412 = arith.constant 176 : index
      %swap3A_413 = tpu.vector_load %arg8[%swap3A_411, %swap3A_412] {strides = array<i32>} : memref<64x512xf32, #tpu.memory_space<vmem>>, vector<1x16xf32>,
      %swap3A_414 = vector.shape_cast %swap3A_413 : vector<1x16xf32> to vector<16xf32>
      %swap3A_415 = vector.shape_cast %add3A_410 : vector<16xf32> to vector<1x16xf32>
      tpu.vector_store %arg8[%swap3A_411, %swap3A_412], %swap3A_415 {strides = array<i32>} : memref<64x512xf32, #tpu.memory_space<vmem>>, vector<1x16xf32>,
      %get3A_416 = arith.index_cast %scan3A_212 : i32 to index
      %get3A_417 = arith.constant 192 : index
      %get3A_418 = tpu.vector_load %arg8[%get3A_416, %get3A_417] {strides = array<i32>} : memref<64x512xf32, #tpu.memory_space<vmem>>, vector<1x16xf32>,
      %get3A_419 = vector.shape_cast %get3A_418 : vector<1x16xf32> to vector<16xf32>
      %mul3A_420 = arith.constant 22.6274166 : f32
      %mul3A_421 = vector.broadcast %mul3A_420 : f32 to vector<16xf32>
      %mul3A_422 = arith.mulf %get3A_419, %mul3A_421 : vector<16xf32>
      %get3A_423 = arith.index_cast %scan3A_212 : i32 to index
      %get3A_424 = arith.constant 192 : index
      %get3A_425 = tpu.vector_load %arg7[%get3A_423, %get3A_424] {strides = array<i32>} : memref<64x512xf32, #tpu.memory_space<vmem>>, vector<1x16xf32>,
      %get3A_426 = vector.shape_cast %get3A_425 : vector<1x16xf32> to vector<16xf32>
      %add3A_427 = arith.addf %mul3A_422, %get3A_426 : vector<16xf32>
      %swap3A_428 = arith.index_cast %scan3A_212 : i32 to index
      %swap3A_429 = arith.constant 192 : index
      %swap3A_430 = tpu.vector_load %arg8[%swap3A_428, %swap3A_429] {strides = array<i32>} : memref<64x512xf32, #tpu.memory_space<vmem>>, vector<1x16xf32>,
      %swap3A_431 = vector.shape_cast %swap3A_430 : vector<1x16xf32> to vector<16xf32>
      %swap3A_432 = vector.shape_cast %add3A_427 : vector<16xf32> to vector<1x16xf32>
      tpu.vector_store %arg8[%swap3A_428, %swap3A_429], %swap3A_432 {strides = array<i32>} : memref<64x512xf32, #tpu.memory_space<vmem>>, vector<1x16xf32>,
      %get3A_433 = arith.index_cast %scan3A_212 : i32 to index
      %get3A_434 = arith.constant 208 : index
      %get3A_435 = tpu.vector_load %arg8[%get3A_433, %get3A_434] {strides = array<i32>} : memref<64x512xf32, #tpu.memory_space<vmem>>, vector<1x16xf32>,
      %get3A_436 = vector.shape_cast %get3A_435 : vector<1x16xf32> to vector<16xf32>
      %mul3A_437 = arith.constant 22.6274166 : f32
      %mul3A_438 = vector.broadcast %mul3A_437 : f32 to vector<16xf32>
      %mul3A_439 = arith.mulf %get3A_436, %mul3A_438 : vector<16xf32>
      %get3A_440 = arith.index_cast %scan3A_212 : i32 to index
      %get3A_441 = arith.constant 208 : index
      %get3A_442 = tpu.vector_load %arg7[%get3A_440, %get3A_441] {strides = array<i32>} : memref<64x512xf32, #tpu.memory_space<vmem>>, vector<1x16xf32>,
      %get3A_443 = vector.shape_cast %get3A_442 : vector<1x16xf32> to vector<16xf32>
      %add3A_444 = arith.addf %mul3A_439, %get3A_443 : vector<16xf32>
      %swap3A_445 = arith.index_cast %scan3A_212 : i32 to index
      %swap3A_446 = arith.constant 208 : index
      %swap3A_447 = tpu.vector_load %arg8[%swap3A_445, %swap3A_446] {strides = array<i32>} : memref<64x512xf32, #tpu.memory_space<vmem>>, vector<1x16xf32>,
      %swap3A_448 = vector.shape_cast %swap3A_447 : vector<1x16xf32> to vector<16xf32>
      %swap3A_449 = vector.shape_cast %add3A_444 : vector<16xf32> to vector<1x16xf32>
      tpu.vector_store %arg8[%swap3A_445, %swap3A_446], %swap3A_449 {strides = array<i32>} : memref<64x512xf32, #tpu.memory_space<vmem>>, vector<1x16xf32>,
      %get3A_450 = arith.index_cast %scan3A_212 : i32 to index
      %get3A_451 = arith.constant 224 : index
      %get3A_452 = tpu.vector_load %arg8[%get3A_450, %get3A_451] {strides = array<i32>} : memref<64x512xf32, #tpu.memory_space<vmem>>, vector<1x16xf32>,
      %get3A_453 = vector.shape_cast %get3A_452 : vector<1x16xf32> to vector<16xf32>
      %mul3A_454 = arith.constant 22.6274166 : f32
      %mul3A_455 = vector.broadcast %mul3A_454 : f32 to vector<16xf32>
      %mul3A_456 = arith.mulf %get3A_453, %mul3A_455 : vector<16xf32>
      %get3A_457 = arith.index_cast %scan3A_212 : i32 to index
      %get3A_458 = arith.constant 224 : index
      %get3A_459 = tpu.vector_load %arg7[%get3A_457, %get3A_458] {strides = array<i32>} : memref<64x512xf32, #tpu.memory_space<vmem>>, vector<1x16xf32>,
      %get3A_460 = vector.shape_cast %get3A_459 : vector<1x16xf32> to vector<16xf32>
      %add3A_461 = arith.addf %mul3A_456, %get3A_460 : vector<16xf32>
      %swap3A_462 = arith.index_cast %scan3A_212 : i32 to index
      %swap3A_463 = arith.constant 224 : index
      %swap3A_464 = tpu.vector_load %arg8[%swap3A_462, %swap3A_463] {strides = array<i32>} : memref<64x512xf32, #tpu.memory_space<vmem>>, vector<1x16xf32>,
      %swap3A_465 = vector.shape_cast %swap3A_464 : vector<1x16xf32> to vector<16xf32>
      %swap3A_466 = vector.shape_cast %add3A_461 : vector<16xf32> to vector<1x16xf32>
      tpu.vector_store %arg8[%swap3A_462, %swap3A_463], %swap3A_466 {strides = array<i32>} : memref<64x512xf32, #tpu.memory_space<vmem>>, vector<1x16xf32>,
      %get3A_467 = arith.index_cast %scan3A_212 : i32 to index
      %get3A_468 = arith.constant 240 : index
      %get3A_469 = tpu.vector_load %arg8[%get3A_467, %get3A_468] {strides = array<i32>} : memref<64x512xf32, #tpu.memory_space<vmem>>, vector<1x16xf32>,
      %get3A_470 = vector.shape_cast %get3A_469 : vector<1x16xf32> to vector<16xf32>
      %mul3A_471 = arith.constant 22.6274166 : f32
      %mul3A_472 = vector.broadcast %mul3A_471 : f32 to vector<16xf32>
      %mul3A_473 = arith.mulf %get3A_470, %mul3A_472 : vector<16xf32>
      %get3A_474 = arith.index_cast %scan3A_212 : i32 to index
      %get3A_475 = arith.constant 240 : index
      %get3A_476 = tpu.vector_load %arg7[%get3A_474, %get3A_475] {strides = array<i32>} : memref<64x512xf32, #tpu.memory_space<vmem>>, vector<1x16xf32>,
      %get3A_477 = vector.shape_cast %get3A_476 : vector<1x16xf32> to vector<16xf32>
      %add3A_478 = arith.addf %mul3A_473, %get3A_477 : vector<16xf32>
      %swap3A_479 = arith.index_cast %scan3A_212 : i32 to index
      %swap3A_480 = arith.constant 240 : index
      %swap3A_481 = tpu.vector_load %arg8[%swap3A_479, %swap3A_480] {strides = array<i32>} : memref<64x512xf32, #tpu.memory_space<vmem>>, vector<1x16xf32>,
      %swap3A_482 = vector.shape_cast %swap3A_481 : vector<1x16xf32> to vector<16xf32>
      %swap3A_483 = vector.shape_cast %add3A_478 : vector<16xf32> to vector<1x16xf32>
      tpu.vector_store %arg8[%swap3A_479, %swap3A_480], %swap3A_483 {strides = array<i32>} : memref<64x512xf32, #tpu.memory_space<vmem>>, vector<1x16xf32>,
      %get3A_484 = arith.index_cast %scan3A_212 : i32 to index
      %get3A_485 = arith.constant 256 : index
      %get3A_486 = tpu.vector_load %arg8[%get3A_484, %get3A_485] {strides = array<i32>} : memref<64x512xf32, #tpu.memory_space<vmem>>, vector<1x16xf32>,
      %get3A_487 = vector.shape_cast %get3A_486 : vector<1x16xf32> to vector<16xf32>
      %mul3A_488 = arith.constant 22.6274166 : f32
      %mul3A_489 = vector.broadcast %mul3A_488 : f32 to vector<16xf32>
      %mul3A_490 = arith.mulf %get3A_487, %mul3A_489 : vector<16xf32>
      %get3A_491 = arith.index_cast %scan3A_212 : i32 to index
      %get3A_492 = arith.constant 256 : index
      %get3A_493 = tpu.vector_load %arg7[%get3A_491, %get3A_492] {strides = array<i32>} : memref<64x512xf32, #tpu.memory_space<vmem>>, vector<1x16xf32>,
      %get3A_494 = vector.shape_cast %get3A_493 : vector<1x16xf32> to vector<16xf32>
      %add3A_495 = arith.addf %mul3A_490, %get3A_494 : vector<16xf32>
      %swap3A_496 = arith.index_cast %scan3A_212 : i32 to index
      %swap3A_497 = arith.constant 256 : index
      %swap3A_498 = tpu.vector_load %arg8[%swap3A_496, %swap3A_497] {strides = array<i32>} : memref<64x512xf32, #tpu.memory_space<vmem>>, vector<1x16xf32>,
      %swap3A_499 = vector.shape_cast %swap3A_498 : vector<1x16xf32> to vector<16xf32>
      %swap3A_500 = vector.shape_cast %add3A_495 : vector<16xf32> to vector<1x16xf32>
      tpu.vector_store %arg8[%swap3A_496, %swap3A_497], %swap3A_500 {strides = array<i32>} : memref<64x512xf32, #tpu.memory_space<vmem>>, vector<1x16xf32>,
      %get3A_501 = arith.index_cast %scan3A_212 : i32 to index
      %get3A_502 = arith.constant 272 : index
      %get3A_503 = tpu.vector_load %arg8[%get3A_501, %get3A_502] {strides = array<i32>} : memref<64x512xf32, #tpu.memory_space<vmem>>, vector<1x16xf32>,
      %get3A_504 = vector.shape_cast %get3A_503 : vector<1x16xf32> to vector<16xf32>
      %mul3A_505 = arith.constant 22.6274166 : f32
      %mul3A_506 = vector.broadcast %mul3A_505 : f32 to vector<16xf32>
      %mul3A_507 = arith.mulf %get3A_504, %mul3A_506 : vector<16xf32>
      %get3A_508 = arith.index_cast %scan3A_212 : i32 to index
      %get3A_509 = arith.constant 272 : index
      %get3A_510 = tpu.vector_load %arg7[%get3A_508, %get3A_509] {strides = array<i32>} : memref<64x512xf32, #tpu.memory_space<vmem>>, vector<1x16xf32>,
      %get3A_511 = vector.shape_cast %get3A_510 : vector<1x16xf32> to vector<16xf32>
      %add3A_512 = arith.addf %mul3A_507, %get3A_511 : vector<16xf32>
      %swap3A_513 = arith.index_cast %scan3A_212 : i32 to index
      %swap3A_514 = arith.constant 272 : index
      %swap3A_515 = tpu.vector_load %arg8[%swap3A_513, %swap3A_514] {strides = array<i32>} : memref<64x512xf32, #tpu.memory_space<vmem>>, vector<1x16xf32>,
      %swap3A_516 = vector.shape_cast %swap3A_515 : vector<1x16xf32> to vector<16xf32>
      %swap3A_517 = vector.shape_cast %add3A_512 : vector<16xf32> to vector<1x16xf32>
      tpu.vector_store %arg8[%swap3A_513, %swap3A_514], %swap3A_517 {strides = array<i32>} : memref<64x512xf32, #tpu.memory_space<vmem>>, vector<1x16xf32>,
      %get3A_518 = arith.index_cast %scan3A_212 : i32 to index
      %get3A_519 = arith.constant 288 : index
      %get3A_520 = tpu.vector_load %arg8[%get3A_518, %get3A_519] {strides = array<i32>} : memref<64x512xf32, #tpu.memory_space<vmem>>, vector<1x16xf32>,
      %get3A_521 = vector.shape_cast %get3A_520 : vector<1x16xf32> to vector<16xf32>
      %mul3A_522 = arith.constant 22.6274166 : f32
      %mul3A_523 = vector.broadcast %mul3A_522 : f32 to vector<16xf32>
      %mul3A_524 = arith.mulf %get3A_521, %mul3A_523 : vector<16xf32>
      %get3A_525 = arith.index_cast %scan3A_212 : i32 to index
      %get3A_526 = arith.constant 288 : index
      %get3A_527 = tpu.vector_load %arg7[%get3A_525, %get3A_526] {strides = array<i32>} : memref<64x512xf32, #tpu.memory_space<vmem>>, vector<1x16xf32>,
      %get3A_528 = vector.shape_cast %get3A_527 : vector<1x16xf32> to vector<16xf32>
      %add3A_529 = arith.addf %mul3A_524, %get3A_528 : vector<16xf32>
      %swap3A_530 = arith.index_cast %scan3A_212 : i32 to index
      %swap3A_531 = arith.constant 288 : index
      %swap3A_532 = tpu.vector_load %arg8[%swap3A_530, %swap3A_531] {strides = array<i32>} : memref<64x512xf32, #tpu.memory_space<vmem>>, vector<1x16xf32>,
      %swap3A_533 = vector.shape_cast %swap3A_532 : vector<1x16xf32> to vector<16xf32>
      %swap3A_534 = vector.shape_cast %add3A_529 : vector<16xf32> to vector<1x16xf32>
      tpu.vector_store %arg8[%swap3A_530, %swap3A_531], %swap3A_534 {strides = array<i32>} : memref<64x512xf32, #tpu.memory_space<vmem>>, vector<1x16xf32>,
      %get3A_535 = arith.index_cast %scan3A_212 : i32 to index
      %get3A_536 = arith.constant 304 : index
      %get3A_537 = tpu.vector_load %arg8[%get3A_535, %get3A_536] {strides = array<i32>} : memref<64x512xf32, #tpu.memory_space<vmem>>, vector<1x16xf32>,
      %get3A_538 = vector.shape_cast %get3A_537 : vector<1x16xf32> to vector<16xf32>
      %mul3A_539 = arith.constant 22.6274166 : f32
      %mul3A_540 = vector.broadcast %mul3A_539 : f32 to vector<16xf32>
      %mul3A_541 = arith.mulf %get3A_538, %mul3A_540 : vector<16xf32>
      %get3A_542 = arith.index_cast %scan3A_212 : i32 to index
      %get3A_543 = arith.constant 304 : index
      %get3A_544 = tpu.vector_load %arg7[%get3A_542, %get3A_543] {strides = array<i32>} : memref<64x512xf32, #tpu.memory_space<vmem>>, vector<1x16xf32>,
      %get3A_545 = vector.shape_cast %get3A_544 : vector<1x16xf32> to vector<16xf32>
      %add3A_546 = arith.addf %mul3A_541, %get3A_545 : vector<16xf32>
      %swap3A_547 = arith.index_cast %scan3A_212 : i32 to index
      %swap3A_548 = arith.constant 304 : index
      %swap3A_549 = tpu.vector_load %arg8[%swap3A_547, %swap3A_548] {strides = array<i32>} : memref<64x512xf32, #tpu.memory_space<vmem>>, vector<1x16xf32>,
      %swap3A_550 = vector.shape_cast %swap3A_549 : vector<1x16xf32> to vector<16xf32>
      %swap3A_551 = vector.shape_cast %add3A_546 : vector<16xf32> to vector<1x16xf32>
      tpu.vector_store %arg8[%swap3A_547, %swap3A_548], %swap3A_551 {strides = array<i32>} : memref<64x512xf32, #tpu.memory_space<vmem>>, vector<1x16xf32>,
      %get3A_552 = arith.index_cast %scan3A_212 : i32 to index
      %get3A_553 = arith.constant 320 : index
      %get3A_554 = tpu.vector_load %arg8[%get3A_552, %get3A_553] {strides = array<i32>} : memref<64x512xf32, #tpu.memory_space<vmem>>, vector<1x16xf32>,
      %get3A_555 = vector.shape_cast %get3A_554 : vector<1x16xf32> to vector<16xf32>
      %mul3A_556 = arith.constant 22.6274166 : f32
      %mul3A_557 = vector.broadcast %mul3A_556 : f32 to vector<16xf32>
      %mul3A_558 = arith.mulf %get3A_555, %mul3A_557 : vector<16xf32>
      %get3A_559 = arith.index_cast %scan3A_212 : i32 to index
      %get3A_560 = arith.constant 320 : index
      %get3A_561 = tpu.vector_load %arg7[%get3A_559, %get3A_560] {strides = array<i32>} : memref<64x512xf32, #tpu.memory_space<vmem>>, vector<1x16xf32>,
      %get3A_562 = vector.shape_cast %get3A_561 : vector<1x16xf32> to vector<16xf32>
      %add3A_563 = arith.addf %mul3A_558, %get3A_562 : vector<16xf32>
      %swap3A_564 = arith.index_cast %scan3A_212 : i32 to index
      %swap3A_565 = arith.constant 320 : index
      %swap3A_566 = tpu.vector_load %arg8[%swap3A_564, %swap3A_565] {strides = array<i32>} : memref<64x512xf32, #tpu.memory_space<vmem>>, vector<1x16xf32>,
      %swap3A_567 = vector.shape_cast %swap3A_566 : vector<1x16xf32> to vector<16xf32>
      %swap3A_568 = vector.shape_cast %add3A_563 : vector<16xf32> to vector<1x16xf32>
      tpu.vector_store %arg8[%swap3A_564, %swap3A_565], %swap3A_568 {strides = array<i32>} : memref<64x512xf32, #tpu.memory_space<vmem>>, vector<1x16xf32>,
      %get3A_569 = arith.index_cast %scan3A_212 : i32 to index
      %get3A_570 = arith.constant 336 : index
      %get3A_571 = tpu.vector_load %arg8[%get3A_569, %get3A_570] {strides = array<i32>} : memref<64x512xf32, #tpu.memory_space<vmem>>, vector<1x16xf32>,
      %get3A_572 = vector.shape_cast %get3A_571 : vector<1x16xf32> to vector<16xf32>
      %mul3A_573 = arith.constant 22.6274166 : f32
      %mul3A_574 = vector.broadcast %mul3A_573 : f32 to vector<16xf32>
      %mul3A_575 = arith.mulf %get3A_572, %mul3A_574 : vector<16xf32>
      %get3A_576 = arith.index_cast %scan3A_212 : i32 to index
      %get3A_577 = arith.constant 336 : index
      %get3A_578 = tpu.vector_load %arg7[%get3A_576, %get3A_577] {strides = array<i32>} : memref<64x512xf32, #tpu.memory_space<vmem>>, vector<1x16xf32>,
      %get3A_579 = vector.shape_cast %get3A_578 : vector<1x16xf32> to vector<16xf32>
      %add3A_580 = arith.addf %mul3A_575, %get3A_579 : vector<16xf32>
      %swap3A_581 = arith.index_cast %scan3A_212 : i32 to index
      %swap3A_582 = arith.constant 336 : index
      %swap3A_583 = tpu.vector_load %arg8[%swap3A_581, %swap3A_582] {strides = array<i32>} : memref<64x512xf32, #tpu.memory_space<vmem>>, vector<1x16xf32>,
      %swap3A_584 = vector.shape_cast %swap3A_583 : vector<1x16xf32> to vector<16xf32>
      %swap3A_585 = vector.shape_cast %add3A_580 : vector<16xf32> to vector<1x16xf32>
      tpu.vector_store %arg8[%swap3A_581, %swap3A_582], %swap3A_585 {strides = array<i32>} : memref<64x512xf32, #tpu.memory_space<vmem>>, vector<1x16xf32>,
      %get3A_586 = arith.index_cast %scan3A_212 : i32 to index
      %get3A_587 = arith.constant 352 : index
      %get3A_588 = tpu.vector_load %arg8[%get3A_586, %get3A_587] {strides = array<i32>} : memref<64x512xf32, #tpu.memory_space<vmem>>, vector<1x16xf32>,
      %get3A_589 = vector.shape_cast %get3A_588 : vector<1x16xf32> to vector<16xf32>
      %mul3A_590 = arith.constant 22.6274166 : f32
      %mul3A_591 = vector.broadcast %mul3A_590 : f32 to vector<16xf32>
      %mul3A_592 = arith.mulf %get3A_589, %mul3A_591 : vector<16xf32>
      %get3A_593 = arith.index_cast %scan3A_212 : i32 to index
      %get3A_594 = arith.constant 352 : index
      %get3A_595 = tpu.vector_load %arg7[%get3A_593, %get3A_594] {strides = array<i32>} : memref<64x512xf32, #tpu.memory_space<vmem>>, vector<1x16xf32>,
      %get3A_596 = vector.shape_cast %get3A_595 : vector<1x16xf32> to vector<16xf32>
      %add3A_597 = arith.addf %mul3A_592, %get3A_596 : vector<16xf32>
      %swap3A_598 = arith.index_cast %scan3A_212 : i32 to index
      %swap3A_599 = arith.constant 352 : index
      %swap3A_600 = tpu.vector_load %arg8[%swap3A_598, %swap3A_599] {strides = array<i32>} : memref<64x512xf32, #tpu.memory_space<vmem>>, vector<1x16xf32>,
      %swap3A_601 = vector.shape_cast %swap3A_600 : vector<1x16xf32> to vector<16xf32>
      %swap3A_602 = vector.shape_cast %add3A_597 : vector<16xf32> to vector<1x16xf32>
      tpu.vector_store %arg8[%swap3A_598, %swap3A_599], %swap3A_602 {strides = array<i32>} : memref<64x512xf32, #tpu.memory_space<vmem>>, vector<1x16xf32>,
      %get3A_603 = arith.index_cast %scan3A_212 : i32 to index
      %get3A_604 = arith.constant 368 : index
      %get3A_605 = tpu.vector_load %arg8[%get3A_603, %get3A_604] {strides = array<i32>} : memref<64x512xf32, #tpu.memory_space<vmem>>, vector<1x16xf32>,
      %get3A_606 = vector.shape_cast %get3A_605 : vector<1x16xf32> to vector<16xf32>
      %mul3A_607 = arith.constant 22.6274166 : f32
      %mul3A_608 = vector.broadcast %mul3A_607 : f32 to vector<16xf32>
      %mul3A_609 = arith.mulf %get3A_606, %mul3A_608 : vector<16xf32>
      %get3A_610 = arith.index_cast %scan3A_212 : i32 to index
      %get3A_611 = arith.constant 368 : index
      %get3A_612 = tpu.vector_load %arg7[%get3A_610, %get3A_611] {strides = array<i32>} : memref<64x512xf32, #tpu.memory_space<vmem>>, vector<1x16xf32>,
      %get3A_613 = vector.shape_cast %get3A_612 : vector<1x16xf32> to vector<16xf32>
      %add3A_614 = arith.addf %mul3A_609, %get3A_613 : vector<16xf32>
      %swap3A_615 = arith.index_cast %scan3A_212 : i32 to index
      %swap3A_616 = arith.constant 368 : index
      %swap3A_617 = tpu.vector_load %arg8[%swap3A_615, %swap3A_616] {strides = array<i32>} : memref<64x512xf32, #tpu.memory_space<vmem>>, vector<1x16xf32>,
      %swap3A_618 = vector.shape_cast %swap3A_617 : vector<1x16xf32> to vector<16xf32>
      %swap3A_619 = vector.shape_cast %add3A_614 : vector<16xf32> to vector<1x16xf32>
      tpu.vector_store %arg8[%swap3A_615, %swap3A_616], %swap3A_619 {strides = array<i32>} : memref<64x512xf32, #tpu.memory_space<vmem>>, vector<1x16xf32>,
      %get3A_620 = arith.index_cast %scan3A_212 : i32 to index
      %get3A_621 = arith.constant 384 : index
      %get3A_622 = tpu.vector_load %arg8[%get3A_620, %get3A_621] {strides = array<i32>} : memref<64x512xf32, #tpu.memory_space<vmem>>, vector<1x16xf32>,
      %get3A_623 = vector.shape_cast %get3A_622 : vector<1x16xf32> to vector<16xf32>
      %mul3A_624 = arith.constant 22.6274166 : f32
      %mul3A_625 = vector.broadcast %mul3A_624 : f32 to vector<16xf32>
      %mul3A_626 = arith.mulf %get3A_623, %mul3A_625 : vector<16xf32>
      %get3A_627 = arith.index_cast %scan3A_212 : i32 to index
      %get3A_628 = arith.constant 384 : index
      %get3A_629 = tpu.vector_load %arg7[%get3A_627, %get3A_628] {strides = array<i32>} : memref<64x512xf32, #tpu.memory_space<vmem>>, vector<1x16xf32>,
      %get3A_630 = vector.shape_cast %get3A_629 : vector<1x16xf32> to vector<16xf32>
      %add3A_631 = arith.addf %mul3A_626, %get3A_630 : vector<16xf32>
      %swap3A_632 = arith.index_cast %scan3A_212 : i32 to index
      %swap3A_633 = arith.constant 384 : index
      %swap3A_634 = tpu.vector_load %arg8[%swap3A_632, %swap3A_633] {strides = array<i32>} : memref<64x512xf32, #tpu.memory_space<vmem>>, vector<1x16xf32>,
      %swap3A_635 = vector.shape_cast %swap3A_634 : vector<1x16xf32> to vector<16xf32>
      %swap3A_636 = vector.shape_cast %add3A_631 : vector<16xf32> to vector<1x16xf32>
      tpu.vector_store %arg8[%swap3A_632, %swap3A_633], %swap3A_636 {strides = array<i32>} : memref<64x512xf32, #tpu.memory_space<vmem>>, vector<1x16xf32>,
      %get3A_637 = arith.index_cast %scan3A_212 : i32 to index
      %get3A_638 = arith.constant 400 : index
      %get3A_639 = tpu.vector_load %arg8[%get3A_637, %get3A_638] {strides = array<i32>} : memref<64x512xf32, #tpu.memory_space<vmem>>, vector<1x16xf32>,
      %get3A_640 = vector.shape_cast %get3A_639 : vector<1x16xf32> to vector<16xf32>
      %mul3A_641 = arith.constant 22.6274166 : f32
      %mul3A_642 = vector.broadcast %mul3A_641 : f32 to vector<16xf32>
      %mul3A_643 = arith.mulf %get3A_640, %mul3A_642 : vector<16xf32>
      %get3A_644 = arith.index_cast %scan3A_212 : i32 to index
      %get3A_645 = arith.constant 400 : index
      %get3A_646 = tpu.vector_load %arg7[%get3A_644, %get3A_645] {strides = array<i32>} : memref<64x512xf32, #tpu.memory_space<vmem>>, vector<1x16xf32>,
      %get3A_647 = vector.shape_cast %get3A_646 : vector<1x16xf32> to vector<16xf32>
      %add3A_648 = arith.addf %mul3A_643, %get3A_647 : vector<16xf32>
      %swap3A_649 = arith.index_cast %scan3A_212 : i32 to index
      %swap3A_650 = arith.constant 400 : index
      %swap3A_651 = tpu.vector_load %arg8[%swap3A_649, %swap3A_650] {strides = array<i32>} : memref<64x512xf32, #tpu.memory_space<vmem>>, vector<1x16xf32>,
      %swap3A_652 = vector.shape_cast %swap3A_651 : vector<1x16xf32> to vector<16xf32>
      %swap3A_653 = vector.shape_cast %add3A_648 : vector<16xf32> to vector<1x16xf32>
      tpu.vector_store %arg8[%swap3A_649, %swap3A_650], %swap3A_653 {strides = array<i32>} : memref<64x512xf32, #tpu.memory_space<vmem>>, vector<1x16xf32>,
      %get3A_654 = arith.index_cast %scan3A_212 : i32 to index
      %get3A_655 = arith.constant 416 : index
      %get3A_656 = tpu.vector_load %arg8[%get3A_654, %get3A_655] {strides = array<i32>} : memref<64x512xf32, #tpu.memory_space<vmem>>, vector<1x16xf32>,
      %get3A_657 = vector.shape_cast %get3A_656 : vector<1x16xf32> to vector<16xf32>
      %mul3A_658 = arith.constant 22.6274166 : f32
      %mul3A_659 = vector.broadcast %mul3A_658 : f32 to vector<16xf32>
      %mul3A_660 = arith.mulf %get3A_657, %mul3A_659 : vector<16xf32>
      %get3A_661 = arith.index_cast %scan3A_212 : i32 to index
      %get3A_662 = arith.constant 416 : index
      %get3A_663 = tpu.vector_load %arg7[%get3A_661, %get3A_662] {strides = array<i32>} : memref<64x512xf32, #tpu.memory_space<vmem>>, vector<1x16xf32>,
      %get3A_664 = vector.shape_cast %get3A_663 : vector<1x16xf32> to vector<16xf32>
      %add3A_665 = arith.addf %mul3A_660, %get3A_664 : vector<16xf32>
      %swap3A_666 = arith.index_cast %scan3A_212 : i32 to index
      %swap3A_667 = arith.constant 416 : index
      %swap3A_668 = tpu.vector_load %arg8[%swap3A_666, %swap3A_667] {strides = array<i32>} : memref<64x512xf32, #tpu.memory_space<vmem>>, vector<1x16xf32>,
      %swap3A_669 = vector.shape_cast %swap3A_668 : vector<1x16xf32> to vector<16xf32>
      %swap3A_670 = vector.shape_cast %add3A_665 : vector<16xf32> to vector<1x16xf32>
      tpu.vector_store %arg8[%swap3A_666, %swap3A_667], %swap3A_670 {strides = array<i32>} : memref<64x512xf32, #tpu.memory_space<vmem>>, vector<1x16xf32>,
      %get3A_671 = arith.index_cast %scan3A_212 : i32 to index
      %get3A_672 = arith.constant 432 : index
      %get3A_673 = tpu.vector_load %arg8[%get3A_671, %get3A_672] {strides = array<i32>} : memref<64x512xf32, #tpu.memory_space<vmem>>, vector<1x16xf32>,
      %get3A_674 = vector.shape_cast %get3A_673 : vector<1x16xf32> to vector<16xf32>
      %mul3A_675 = arith.constant 22.6274166 : f32
      %mul3A_676 = vector.broadcast %mul3A_675 : f32 to vector<16xf32>
      %mul3A_677 = arith.mulf %get3A_674, %mul3A_676 : vector<16xf32>
      %get3A_678 = arith.index_cast %scan3A_212 : i32 to index
      %get3A_679 = arith.constant 432 : index
      %get3A_680 = tpu.vector_load %arg7[%get3A_678, %get3A_679] {strides = array<i32>} : memref<64x512xf32, #tpu.memory_space<vmem>>, vector<1x16xf32>,
      %get3A_681 = vector.shape_cast %get3A_680 : vector<1x16xf32> to vector<16xf32>
      %add3A_682 = arith.addf %mul3A_677, %get3A_681 : vector<16xf32>
      %swap3A_683 = arith.index_cast %scan3A_212 : i32 to index
      %swap3A_684 = arith.constant 432 : index
      %swap3A_685 = tpu.vector_load %arg8[%swap3A_683, %swap3A_684] {strides = array<i32>} : memref<64x512xf32, #tpu.memory_space<vmem>>, vector<1x16xf32>,
      %swap3A_686 = vector.shape_cast %swap3A_685 : vector<1x16xf32> to vector<16xf32>
      %swap3A_687 = vector.shape_cast %add3A_682 : vector<16xf32> to vector<1x16xf32>
      tpu.vector_store %arg8[%swap3A_683, %swap3A_684], %swap3A_687 {strides = array<i32>} : memref<64x512xf32, #tpu.memory_space<vmem>>, vector<1x16xf32>,
      %get3A_688 = arith.index_cast %scan3A_212 : i32 to index
      %get3A_689 = arith.constant 448 : index
      %get3A_690 = tpu.vector_load %arg8[%get3A_688, %get3A_689] {strides = array<i32>} : memref<64x512xf32, #tpu.memory_space<vmem>>, vector<1x16xf32>,
      %get3A_691 = vector.shape_cast %get3A_690 : vector<1x16xf32> to vector<16xf32>
      %mul3A_692 = arith.constant 22.6274166 : f32
      %mul3A_693 = vector.broadcast %mul3A_692 : f32 to vector<16xf32>
      %mul3A_694 = arith.mulf %get3A_691, %mul3A_693 : vector<16xf32>
      %get3A_695 = arith.index_cast %scan3A_212 : i32 to index
      %get3A_696 = arith.constant 448 : index
      %get3A_697 = tpu.vector_load %arg7[%get3A_695, %get3A_696] {strides = array<i32>} : memref<64x512xf32, #tpu.memory_space<vmem>>, vector<1x16xf32>,
      %get3A_698 = vector.shape_cast %get3A_697 : vector<1x16xf32> to vector<16xf32>
      %add3A_699 = arith.addf %mul3A_694, %get3A_698 : vector<16xf32>
      %swap3A_700 = arith.index_cast %scan3A_212 : i32 to index
      %swap3A_701 = arith.constant 448 : index
      %swap3A_702 = tpu.vector_load %arg8[%swap3A_700, %swap3A_701] {strides = array<i32>} : memref<64x512xf32, #tpu.memory_space<vmem>>, vector<1x16xf32>,
      %swap3A_703 = vector.shape_cast %swap3A_702 : vector<1x16xf32> to vector<16xf32>
      %swap3A_704 = vector.shape_cast %add3A_699 : vector<16xf32> to vector<1x16xf32>
      tpu.vector_store %arg8[%swap3A_700, %swap3A_701], %swap3A_704 {strides = array<i32>} : memref<64x512xf32, #tpu.memory_space<vmem>>, vector<1x16xf32>,
      %get3A_705 = arith.index_cast %scan3A_212 : i32 to index
      %get3A_706 = arith.constant 464 : index
      %get3A_707 = tpu.vector_load %arg8[%get3A_705, %get3A_706] {strides = array<i32>} : memref<64x512xf32, #tpu.memory_space<vmem>>, vector<1x16xf32>,
      %get3A_708 = vector.shape_cast %get3A_707 : vector<1x16xf32> to vector<16xf32>
      %mul3A_709 = arith.constant 22.6274166 : f32
      %mul3A_710 = vector.broadcast %mul3A_709 : f32 to vector<16xf32>
      %mul3A_711 = arith.mulf %get3A_708, %mul3A_710 : vector<16xf32>
      %get3A_712 = arith.index_cast %scan3A_212 : i32 to index
      %get3A_713 = arith.constant 464 : index
      %get3A_714 = tpu.vector_load %arg7[%get3A_712, %get3A_713] {strides = array<i32>} : memref<64x512xf32, #tpu.memory_space<vmem>>, vector<1x16xf32>,
      %get3A_715 = vector.shape_cast %get3A_714 : vector<1x16xf32> to vector<16xf32>
      %add3A_716 = arith.addf %mul3A_711, %get3A_715 : vector<16xf32>
      %swap3A_717 = arith.index_cast %scan3A_212 : i32 to index
      %swap3A_718 = arith.constant 464 : index
      %swap3A_719 = tpu.vector_load %arg8[%swap3A_717, %swap3A_718] {strides = array<i32>} : memref<64x512xf32, #tpu.memory_space<vmem>>, vector<1x16xf32>,
      %swap3A_720 = vector.shape_cast %swap3A_719 : vector<1x16xf32> to vector<16xf32>
      %swap3A_721 = vector.shape_cast %add3A_716 : vector<16xf32> to vector<1x16xf32>
      tpu.vector_store %arg8[%swap3A_717, %swap3A_718], %swap3A_721 {strides = array<i32>} : memref<64x512xf32, #tpu.memory_space<vmem>>, vector<1x16xf32>,
      %get3A_722 = arith.index_cast %scan3A_212 : i32 to index
      %get3A_723 = arith.constant 480 : index
      %get3A_724 = tpu.vector_load %arg8[%get3A_722, %get3A_723] {strides = array<i32>} : memref<64x512xf32, #tpu.memory_space<vmem>>, vector<1x16xf32>,
      %get3A_725 = vector.shape_cast %get3A_724 : vector<1x16xf32> to vector<16xf32>
      %mul3A_726 = arith.constant 22.6274166 : f32
      %mul3A_727 = vector.broadcast %mul3A_726 : f32 to vector<16xf32>
      %mul3A_728 = arith.mulf %get3A_725, %mul3A_727 : vector<16xf32>
      %get3A_729 = arith.index_cast %scan3A_212 : i32 to index
      %get3A_730 = arith.constant 480 : index
      %get3A_731 = tpu.vector_load %arg7[%get3A_729, %get3A_730] {strides = array<i32>} : memref<64x512xf32, #tpu.memory_space<vmem>>, vector<1x16xf32>,
      %get3A_732 = vector.shape_cast %get3A_731 : vector<1x16xf32> to vector<16xf32>
      %add3A_733 = arith.addf %mul3A_728, %get3A_732 : vector<16xf32>
      %swap3A_734 = arith.index_cast %scan3A_212 : i32 to index
      %swap3A_735 = arith.constant 480 : index
      %swap3A_736 = tpu.vector_load %arg8[%swap3A_734, %swap3A_735] {strides = array<i32>} : memref<64x512xf32, #tpu.memory_space<vmem>>, vector<1x16xf32>,
      %swap3A_737 = vector.shape_cast %swap3A_736 : vector<1x16xf32> to vector<16xf32>
      %swap3A_738 = vector.shape_cast %add3A_733 : vector<16xf32> to vector<1x16xf32>
      tpu.vector_store %arg8[%swap3A_734, %swap3A_735], %swap3A_738 {strides = array<i32>} : memref<64x512xf32, #tpu.memory_space<vmem>>, vector<1x16xf32>,
      %get3A_739 = arith.index_cast %scan3A_212 : i32 to index
      %get3A_740 = arith.constant 496 : index
      %get3A_741 = tpu.vector_load %arg8[%get3A_739, %get3A_740] {strides = array<i32>} : memref<64x512xf32, #tpu.memory_space<vmem>>, vector<1x16xf32>,
      %get3A_742 = vector.shape_cast %get3A_741 : vector<1x16xf32> to vector<16xf32>
      %mul3A_743 = arith.constant 22.6274166 : f32
      %mul3A_744 = vector.broadcast %mul3A_743 : f32 to vector<16xf32>
      %mul3A_745 = arith.mulf %get3A_742, %mul3A_744 : vector<16xf32>
      %get3A_746 = arith.index_cast %scan3A_212 : i32 to index
      %get3A_747 = arith.constant 496 : index
      %get3A_748 = tpu.vector_load %arg7[%get3A_746, %get3A_747] {strides = array<i32>} : memref<64x512xf32, #tpu.memory_space<vmem>>, vector<1x16xf32>,
      %get3A_749 = vector.shape_cast %get3A_748 : vector<1x16xf32> to vector<16xf32>
      %add3A_750 = arith.addf %mul3A_745, %get3A_749 : vector<16xf32>
      %swap3A_751 = arith.index_cast %scan3A_212 : i32 to index
      %swap3A_752 = arith.constant 496 : index
      %swap3A_753 = tpu.vector_load %arg8[%swap3A_751, %swap3A_752] {strides = array<i32>} : memref<64x512xf32, #tpu.memory_space<vmem>>, vector<1x16xf32>,
      %swap3A_754 = vector.shape_cast %swap3A_753 : vector<1x16xf32> to vector<16xf32>
      %swap3A_755 = vector.shape_cast %add3A_750 : vector<16xf32> to vector<1x16xf32>
      tpu.vector_store %arg8[%swap3A_751, %swap3A_752], %swap3A_755 {strides = array<i32>} : memref<64x512xf32, #tpu.memory_space<vmem>>, vector<1x16xf32>,
      %scan3A_756 = arith.constant 0 : i32
      scf.yield %scan3A_756 : i32
    }
    %scan3A_115 = arith.constant 64 : i32
    %add3A_116 = arith.constant 0 : i32
    %add3A_117 = arith.addi %add3A_116, %mul3A_2 : i32
    %dma_start3A_118 = arith.constant 0 : i32
    %dma_start3A_119 = tpu.memref_slice %arg5[%add3A_117, %dma_start3A_118] : memref<8192x512xf32, #tpu.memory_space<hbm>> -> memref<64x512xf32, #tpu.memory_space<hbm>>
    %dma_start3A_120 = arith.constant 0 : i32
    %dma_start3A_121 = tpu.memref_slice %arg5[%add3A_117, %dma_start3A_120] : memref<8192x512xf32, #tpu.memory_space<hbm>> -> memref<64x512xf32, #tpu.memory_space<hbm>>
    tpu.enqueue_dma source(%arg8 : memref<64x512xf32, #tpu.memory_space<vmem>>) target(%dma_start3A_121 : memref<64x512xf32, #tpu.memory_space<hbm>>) target_semaphore(%arg12 : memref<!tpu.dma_semaphore, #tpu.memory_space<semaphore_mem>>)
    %dma_wait3A_122 = arith.constant 0 : i32
    %dma_wait3A_123 = tpu.memref_slice %arg5[%add3A_117, %dma_wait3A_122] : memref<8192x512xf32, #tpu.memory_space<hbm>> -> memref<64x512xf32, #tpu.memory_space<hbm>>
    %dma_wait3A_124 = arith.constant 0 : i32
    %dma_wait3A_125 = tpu.memref_slice %arg5[%add3A_117, %dma_wait3A_124] : memref<8192x512xf32, #tpu.memory_space<hbm>> -> memref<64x512xf32, #tpu.memory_space<hbm>>
    tpu.wait_dma2 semaphore(%arg12 : memref<!tpu.dma_semaphore, #tpu.memory_space<semaphore_mem>>) src(%arg8 : memref<64x512xf32, #tpu.memory_space<vmem>>) dst(%dma_wait3A_125 : memref<64x512xf32, #tpu.memory_space<hbm>>)
    %dma_start3A_126 = arith.constant 2 : i32
    %dma_start3A_127 = arith.constant 0 : i32
    %dma_start3A_128 = tpu.memref_slice %arg6[%dma_start3A_126, %dma_start3A_127] : memref<4x64xi32, #tpu.memory_space<vmem>> -> memref<1x64xi32, #tpu.memory_space<vmem>>
    %dma_start3A_129 = tpu.memref_squeeze %dma_start3A_128 : memref<1x64xi32, #tpu.memory_space<vmem>> -> memref<64xi32, #tpu.memory_space<vmem>>
    %dma_start3A_130 = arith.constant 0 : i32
    %dma_start3A_131 = arith.constant 0 : i32
    %dma_start3A_132 = tpu.memref_slice %arg3[%dma_start3A_130, %dma_start3A_131] : memref<100000x512xf32, #tpu.memory_space<hbm>> -> memref<100000x512xf32, #tpu.memory_space<hbm>>
    tpu.enqueue_indirect_dma source(%dma_start3A_132 : memref<100000x512xf32, #tpu.memory_space<hbm>>) target(%arg8 : memref<64x512xf32, #tpu.memory_space<vmem>>) offsets(%dma_start3A_129 : memref<64xi32, #tpu.memory_space<vmem>>) semaphore(%arg10 : memref<!tpu.dma_semaphore, #tpu.memory_space<semaphore_mem>>)
    %dma_wait3A_133 = arith.constant 1 : i32
    %dma_wait3A_134 = arith.constant 0 : i32
    %dma_wait3A_135 = tpu.memref_slice %arg6[%dma_wait3A_133, %dma_wait3A_134] : memref<4x64xi32, #tpu.memory_space<vmem>> -> memref<1x64xi32, #tpu.memory_space<vmem>>
    %dma_wait3A_136 = tpu.memref_squeeze %dma_wait3A_135 : memref<1x64xi32, #tpu.memory_space<vmem>> -> memref<64xi32, #tpu.memory_space<vmem>>
    %dma_wait3A_137 = arith.constant 0 : i32
    %dma_wait3A_138 = arith.constant 0 : i32
    %dma_wait3A_139 = tpu.memref_slice %arg3[%dma_wait3A_137, %dma_wait3A_138] : memref<100000x512xf32, #tpu.memory_space<hbm>> -> memref<100000x512xf32, #tpu.memory_space<hbm>>
    tpu.wait_indirect_dma semaphore(%arg11 : memref<!tpu.dma_semaphore, #tpu.memory_space<semaphore_mem>>) src(%dma_wait3A_139 : memref<100000x512xf32, #tpu.memory_space<hbm>>) dst(%arg9 : memref<64x512xf32, #tpu.memory_space<vmem>>)
    %scan3A_140 = arith.constant 0 : i32
    %scan3A_141 = arith.constant 0 : i32
    %scan3A_142 = arith.constant 64 : i32
    %scan3A_143 = arith.addi %scan3A_141, %scan3A_142 : i32
    %scan3A_144 = arith.constant 1 : i32
    %scan3A_145 = scf.for %scan3A_212 = %scan3A_141 to %scan3A_143 step %scan3A_144 iter_args(%scan3A_213 = %scan3A_140) -> (i32)  : i32 {
      %get3A = arith.index_cast %scan3A_212 : i32 to index
      %get3A_214 = arith.constant 0 : index
      %get3A_215 = tpu.vector_load %arg9[%get3A, %get3A_214] {strides = array<i32>} : memref<64x512xf32, #tpu.memory_space<vmem>>, vector<1x16xf32>,
      %get3A_216 = vector.shape_cast %get3A_215 : vector<1x16xf32> to vector<16xf32>
      %mul3A_217 = arith.constant 22.6274166 : f32
      %mul3A_218 = vector.broadcast %mul3A_217 : f32 to vector<16xf32>
      %mul3A_219 = arith.mulf %get3A_216, %mul3A_218 : vector<16xf32>
      %get3A_220 = arith.index_cast %scan3A_212 : i32 to index
      %get3A_221 = arith.constant 0 : index
      %get3A_222 = tpu.vector_load %arg7[%get3A_220, %get3A_221] {strides = array<i32>} : memref<64x512xf32, #tpu.memory_space<vmem>>, vector<1x16xf32>,
      %get3A_223 = vector.shape_cast %get3A_222 : vector<1x16xf32> to vector<16xf32>
      %add3A_224 = arith.addf %mul3A_219, %get3A_223 : vector<16xf32>
      %swap3A = arith.index_cast %scan3A_212 : i32 to index
      %swap3A_225 = arith.constant 0 : index
      %swap3A_226 = tpu.vector_load %arg9[%swap3A, %swap3A_225] {strides = array<i32>} : memref<64x512xf32, #tpu.memory_space<vmem>>, vector<1x16xf32>,
      %swap3A_227 = vector.shape_cast %swap3A_226 : vector<1x16xf32> to vector<16xf32>
      %swap3A_228 = vector.shape_cast %add3A_224 : vector<16xf32> to vector<1x16xf32>
      tpu.vector_store %arg9[%swap3A, %swap3A_225], %swap3A_228 {strides = array<i32>} : memref<64x512xf32, #tpu.memory_space<vmem>>, vector<1x16xf32>,
      %get3A_229 = arith.index_cast %scan3A_212 : i32 to index
      %get3A_230 = arith.constant 16 : index
      %get3A_231 = tpu.vector_load %arg9[%get3A_229, %get3A_230] {strides = array<i32>} : memref<64x512xf32, #tpu.memory_space<vmem>>, vector<1x16xf32>,
      %get3A_232 = vector.shape_cast %get3A_231 : vector<1x16xf32> to vector<16xf32>
      %mul3A_233 = arith.constant 22.6274166 : f32
      %mul3A_234 = vector.broadcast %mul3A_233 : f32 to vector<16xf32>
      %mul3A_235 = arith.mulf %get3A_232, %mul3A_234 : vector<16xf32>
      %get3A_236 = arith.index_cast %scan3A_212 : i32 to index
      %get3A_237 = arith.constant 16 : index
      %get3A_238 = tpu.vector_load %arg7[%get3A_236, %get3A_237] {strides = array<i32>} : memref<64x512xf32, #tpu.memory_space<vmem>>, vector<1x16xf32>,
      %get3A_239 = vector.shape_cast %get3A_238 : vector<1x16xf32> to vector<16xf32>
      %add3A_240 = arith.addf %mul3A_235, %get3A_239 : vector<16xf32>
      %swap3A_241 = arith.index_cast %scan3A_212 : i32 to index
      %swap3A_242 = arith.constant 16 : index
      %swap3A_243 = tpu.vector_load %arg9[%swap3A_241, %swap3A_242] {strides = array<i32>} : memref<64x512xf32, #tpu.memory_space<vmem>>, vector<1x16xf32>,
      %swap3A_244 = vector.shape_cast %swap3A_243 : vector<1x16xf32> to vector<16xf32>
      %swap3A_245 = vector.shape_cast %add3A_240 : vector<16xf32> to vector<1x16xf32>
      tpu.vector_store %arg9[%swap3A_241, %swap3A_242], %swap3A_245 {strides = array<i32>} : memref<64x512xf32, #tpu.memory_space<vmem>>, vector<1x16xf32>,
      %get3A_246 = arith.index_cast %scan3A_212 : i32 to index
      %get3A_247 = arith.constant 32 : index
      %get3A_248 = tpu.vector_load %arg9[%get3A_246, %get3A_247] {strides = array<i32>} : memref<64x512xf32, #tpu.memory_space<vmem>>, vector<1x16xf32>,
      %get3A_249 = vector.shape_cast %get3A_248 : vector<1x16xf32> to vector<16xf32>
      %mul3A_250 = arith.constant 22.6274166 : f32
      %mul3A_251 = vector.broadcast %mul3A_250 : f32 to vector<16xf32>
      %mul3A_252 = arith.mulf %get3A_249, %mul3A_251 : vector<16xf32>
      %get3A_253 = arith.index_cast %scan3A_212 : i32 to index
      %get3A_254 = arith.constant 32 : index
      %get3A_255 = tpu.vector_load %arg7[%get3A_253, %get3A_254] {strides = array<i32>} : memref<64x512xf32, #tpu.memory_space<vmem>>, vector<1x16xf32>,
      %get3A_256 = vector.shape_cast %get3A_255 : vector<1x16xf32> to vector<16xf32>
      %add3A_257 = arith.addf %mul3A_252, %get3A_256 : vector<16xf32>
      %swap3A_258 = arith.index_cast %scan3A_212 : i32 to index
      %swap3A_259 = arith.constant 32 : index
      %swap3A_260 = tpu.vector_load %arg9[%swap3A_258, %swap3A_259] {strides = array<i32>} : memref<64x512xf32, #tpu.memory_space<vmem>>, vector<1x16xf32>,
      %swap3A_261 = vector.shape_cast %swap3A_260 : vector<1x16xf32> to vector<16xf32>
      %swap3A_262 = vector.shape_cast %add3A_257 : vector<16xf32> to vector<1x16xf32>
      tpu.vector_store %arg9[%swap3A_258, %swap3A_259], %swap3A_262 {strides = array<i32>} : memref<64x512xf32, #tpu.memory_space<vmem>>, vector<1x16xf32>,
      %get3A_263 = arith.index_cast %scan3A_212 : i32 to index
      %get3A_264 = arith.constant 48 : index
      %get3A_265 = tpu.vector_load %arg9[%get3A_263, %get3A_264] {strides = array<i32>} : memref<64x512xf32, #tpu.memory_space<vmem>>, vector<1x16xf32>,
      %get3A_266 = vector.shape_cast %get3A_265 : vector<1x16xf32> to vector<16xf32>
      %mul3A_267 = arith.constant 22.6274166 : f32
      %mul3A_268 = vector.broadcast %mul3A_267 : f32 to vector<16xf32>
      %mul3A_269 = arith.mulf %get3A_266, %mul3A_268 : vector<16xf32>
      %get3A_270 = arith.index_cast %scan3A_212 : i32 to index
      %get3A_271 = arith.constant 48 : index
      %get3A_272 = tpu.vector_load %arg7[%get3A_270, %get3A_271] {strides = array<i32>} : memref<64x512xf32, #tpu.memory_space<vmem>>, vector<1x16xf32>,
      %get3A_273 = vector.shape_cast %get3A_272 : vector<1x16xf32> to vector<16xf32>
      %add3A_274 = arith.addf %mul3A_269, %get3A_273 : vector<16xf32>
      %swap3A_275 = arith.index_cast %scan3A_212 : i32 to index
      %swap3A_276 = arith.constant 48 : index
      %swap3A_277 = tpu.vector_load %arg9[%swap3A_275, %swap3A_276] {strides = array<i32>} : memref<64x512xf32, #tpu.memory_space<vmem>>, vector<1x16xf32>,
      %swap3A_278 = vector.shape_cast %swap3A_277 : vector<1x16xf32> to vector<16xf32>
      %swap3A_279 = vector.shape_cast %add3A_274 : vector<16xf32> to vector<1x16xf32>
      tpu.vector_store %arg9[%swap3A_275, %swap3A_276], %swap3A_279 {strides = array<i32>} : memref<64x512xf32, #tpu.memory_space<vmem>>, vector<1x16xf32>,
      %get3A_280 = arith.index_cast %scan3A_212 : i32 to index
      %get3A_281 = arith.constant 64 : index
      %get3A_282 = tpu.vector_load %arg9[%get3A_280, %get3A_281] {strides = array<i32>} : memref<64x512xf32, #tpu.memory_space<vmem>>, vector<1x16xf32>,
      %get3A_283 = vector.shape_cast %get3A_282 : vector<1x16xf32> to vector<16xf32>
      %mul3A_284 = arith.constant 22.6274166 : f32
      %mul3A_285 = vector.broadcast %mul3A_284 : f32 to vector<16xf32>
      %mul3A_286 = arith.mulf %get3A_283, %mul3A_285 : vector<16xf32>
      %get3A_287 = arith.index_cast %scan3A_212 : i32 to index
      %get3A_288 = arith.constant 64 : index
      %get3A_289 = tpu.vector_load %arg7[%get3A_287, %get3A_288] {strides = array<i32>} : memref<64x512xf32, #tpu.memory_space<vmem>>, vector<1x16xf32>,
      %get3A_290 = vector.shape_cast %get3A_289 : vector<1x16xf32> to vector<16xf32>
      %add3A_291 = arith.addf %mul3A_286, %get3A_290 : vector<16xf32>
      %swap3A_292 = arith.index_cast %scan3A_212 : i32 to index
      %swap3A_293 = arith.constant 64 : index
      %swap3A_294 = tpu.vector_load %arg9[%swap3A_292, %swap3A_293] {strides = array<i32>} : memref<64x512xf32, #tpu.memory_space<vmem>>, vector<1x16xf32>,
      %swap3A_295 = vector.shape_cast %swap3A_294 : vector<1x16xf32> to vector<16xf32>
      %swap3A_296 = vector.shape_cast %add3A_291 : vector<16xf32> to vector<1x16xf32>
      tpu.vector_store %arg9[%swap3A_292, %swap3A_293], %swap3A_296 {strides = array<i32>} : memref<64x512xf32, #tpu.memory_space<vmem>>, vector<1x16xf32>,
      %get3A_297 = arith.index_cast %scan3A_212 : i32 to index
      %get3A_298 = arith.constant 80 : index
      %get3A_299 = tpu.vector_load %arg9[%get3A_297, %get3A_298] {strides = array<i32>} : memref<64x512xf32, #tpu.memory_space<vmem>>, vector<1x16xf32>,
      %get3A_300 = vector.shape_cast %get3A_299 : vector<1x16xf32> to vector<16xf32>
      %mul3A_301 = arith.constant 22.6274166 : f32
      %mul3A_302 = vector.broadcast %mul3A_301 : f32 to vector<16xf32>
      %mul3A_303 = arith.mulf %get3A_300, %mul3A_302 : vector<16xf32>
      %get3A_304 = arith.index_cast %scan3A_212 : i32 to index
      %get3A_305 = arith.constant 80 : index
      %get3A_306 = tpu.vector_load %arg7[%get3A_304, %get3A_305] {strides = array<i32>} : memref<64x512xf32, #tpu.memory_space<vmem>>, vector<1x16xf32>,
      %get3A_307 = vector.shape_cast %get3A_306 : vector<1x16xf32> to vector<16xf32>
      %add3A_308 = arith.addf %mul3A_303, %get3A_307 : vector<16xf32>
      %swap3A_309 = arith.index_cast %scan3A_212 : i32 to index
      %swap3A_310 = arith.constant 80 : index
      %swap3A_311 = tpu.vector_load %arg9[%swap3A_309, %swap3A_310] {strides = array<i32>} : memref<64x512xf32, #tpu.memory_space<vmem>>, vector<1x16xf32>,
      %swap3A_312 = vector.shape_cast %swap3A_311 : vector<1x16xf32> to vector<16xf32>
      %swap3A_313 = vector.shape_cast %add3A_308 : vector<16xf32> to vector<1x16xf32>
      tpu.vector_store %arg9[%swap3A_309, %swap3A_310], %swap3A_313 {strides = array<i32>} : memref<64x512xf32, #tpu.memory_space<vmem>>, vector<1x16xf32>,
      %get3A_314 = arith.index_cast %scan3A_212 : i32 to index
      %get3A_315 = arith.constant 96 : index
      %get3A_316 = tpu.vector_load %arg9[%get3A_314, %get3A_315] {strides = array<i32>} : memref<64x512xf32, #tpu.memory_space<vmem>>, vector<1x16xf32>,
      %get3A_317 = vector.shape_cast %get3A_316 : vector<1x16xf32> to vector<16xf32>
      %mul3A_318 = arith.constant 22.6274166 : f32
      %mul3A_319 = vector.broadcast %mul3A_318 : f32 to vector<16xf32>
      %mul3A_320 = arith.mulf %get3A_317, %mul3A_319 : vector<16xf32>
      %get3A_321 = arith.index_cast %scan3A_212 : i32 to index
      %get3A_322 = arith.constant 96 : index
      %get3A_323 = tpu.vector_load %arg7[%get3A_321, %get3A_322] {strides = array<i32>} : memref<64x512xf32, #tpu.memory_space<vmem>>, vector<1x16xf32>,
      %get3A_324 = vector.shape_cast %get3A_323 : vector<1x16xf32> to vector<16xf32>
      %add3A_325 = arith.addf %mul3A_320, %get3A_324 : vector<16xf32>
      %swap3A_326 = arith.index_cast %scan3A_212 : i32 to index
      %swap3A_327 = arith.constant 96 : index
      %swap3A_328 = tpu.vector_load %arg9[%swap3A_326, %swap3A_327] {strides = array<i32>} : memref<64x512xf32, #tpu.memory_space<vmem>>, vector<1x16xf32>,
      %swap3A_329 = vector.shape_cast %swap3A_328 : vector<1x16xf32> to vector<16xf32>
      %swap3A_330 = vector.shape_cast %add3A_325 : vector<16xf32> to vector<1x16xf32>
      tpu.vector_store %arg9[%swap3A_326, %swap3A_327], %swap3A_330 {strides = array<i32>} : memref<64x512xf32, #tpu.memory_space<vmem>>, vector<1x16xf32>,
      %get3A_331 = arith.index_cast %scan3A_212 : i32 to index
      %get3A_332 = arith.constant 112 : index
      %get3A_333 = tpu.vector_load %arg9[%get3A_331, %get3A_332] {strides = array<i32>} : memref<64x512xf32, #tpu.memory_space<vmem>>, vector<1x16xf32>,
      %get3A_334 = vector.shape_cast %get3A_333 : vector<1x16xf32> to vector<16xf32>
      %mul3A_335 = arith.constant 22.6274166 : f32
      %mul3A_336 = vector.broadcast %mul3A_335 : f32 to vector<16xf32>
      %mul3A_337 = arith.mulf %get3A_334, %mul3A_336 : vector<16xf32>
      %get3A_338 = arith.index_cast %scan3A_212 : i32 to index
      %get3A_339 = arith.constant 112 : index
      %get3A_340 = tpu.vector_load %arg7[%get3A_338, %get3A_339] {strides = array<i32>} : memref<64x512xf32, #tpu.memory_space<vmem>>, vector<1x16xf32>,
      %get3A_341 = vector.shape_cast %get3A_340 : vector<1x16xf32> to vector<16xf32>
      %add3A_342 = arith.addf %mul3A_337, %get3A_341 : vector<16xf32>
      %swap3A_343 = arith.index_cast %scan3A_212 : i32 to index
      %swap3A_344 = arith.constant 112 : index
      %swap3A_345 = tpu.vector_load %arg9[%swap3A_343, %swap3A_344] {strides = array<i32>} : memref<64x512xf32, #tpu.memory_space<vmem>>, vector<1x16xf32>,
      %swap3A_346 = vector.shape_cast %swap3A_345 : vector<1x16xf32> to vector<16xf32>
      %swap3A_347 = vector.shape_cast %add3A_342 : vector<16xf32> to vector<1x16xf32>
      tpu.vector_store %arg9[%swap3A_343, %swap3A_344], %swap3A_347 {strides = array<i32>} : memref<64x512xf32, #tpu.memory_space<vmem>>, vector<1x16xf32>,
      %get3A_348 = arith.index_cast %scan3A_212 : i32 to index
      %get3A_349 = arith.constant 128 : index
      %get3A_350 = tpu.vector_load %arg9[%get3A_348, %get3A_349] {strides = array<i32>} : memref<64x512xf32, #tpu.memory_space<vmem>>, vector<1x16xf32>,
      %get3A_351 = vector.shape_cast %get3A_350 : vector<1x16xf32> to vector<16xf32>
      %mul3A_352 = arith.constant 22.6274166 : f32
      %mul3A_353 = vector.broadcast %mul3A_352 : f32 to vector<16xf32>
      %mul3A_354 = arith.mulf %get3A_351, %mul3A_353 : vector<16xf32>
      %get3A_355 = arith.index_cast %scan3A_212 : i32 to index
      %get3A_356 = arith.constant 128 : index
      %get3A_357 = tpu.vector_load %arg7[%get3A_355, %get3A_356] {strides = array<i32>} : memref<64x512xf32, #tpu.memory_space<vmem>>, vector<1x16xf32>,
      %get3A_358 = vector.shape_cast %get3A_357 : vector<1x16xf32> to vector<16xf32>
      %add3A_359 = arith.addf %mul3A_354, %get3A_358 : vector<16xf32>
      %swap3A_360 = arith.index_cast %scan3A_212 : i32 to index
      %swap3A_361 = arith.constant 128 : index
      %swap3A_362 = tpu.vector_load %arg9[%swap3A_360, %swap3A_361] {strides = array<i32>} : memref<64x512xf32, #tpu.memory_space<vmem>>, vector<1x16xf32>,
      %swap3A_363 = vector.shape_cast %swap3A_362 : vector<1x16xf32> to vector<16xf32>
      %swap3A_364 = vector.shape_cast %add3A_359 : vector<16xf32> to vector<1x16xf32>
      tpu.vector_store %arg9[%swap3A_360, %swap3A_361], %swap3A_364 {strides = array<i32>} : memref<64x512xf32, #tpu.memory_space<vmem>>, vector<1x16xf32>,
      %get3A_365 = arith.index_cast %scan3A_212 : i32 to index
      %get3A_366 = arith.constant 144 : index
      %get3A_367 = tpu.vector_load %arg9[%get3A_365, %get3A_366] {strides = array<i32>} : memref<64x512xf32, #tpu.memory_space<vmem>>, vector<1x16xf32>,
      %get3A_368 = vector.shape_cast %get3A_367 : vector<1x16xf32> to vector<16xf32>
      %mul3A_369 = arith.constant 22.6274166 : f32
      %mul3A_370 = vector.broadcast %mul3A_369 : f32 to vector<16xf32>
      %mul3A_371 = arith.mulf %get3A_368, %mul3A_370 : vector<16xf32>
      %get3A_372 = arith.index_cast %scan3A_212 : i32 to index
      %get3A_373 = arith.constant 144 : index
      %get3A_374 = tpu.vector_load %arg7[%get3A_372, %get3A_373] {strides = array<i32>} : memref<64x512xf32, #tpu.memory_space<vmem>>, vector<1x16xf32>,
      %get3A_375 = vector.shape_cast %get3A_374 : vector<1x16xf32> to vector<16xf32>
      %add3A_376 = arith.addf %mul3A_371, %get3A_375 : vector<16xf32>
      %swap3A_377 = arith.index_cast %scan3A_212 : i32 to index
      %swap3A_378 = arith.constant 144 : index
      %swap3A_379 = tpu.vector_load %arg9[%swap3A_377, %swap3A_378] {strides = array<i32>} : memref<64x512xf32, #tpu.memory_space<vmem>>, vector<1x16xf32>,
      %swap3A_380 = vector.shape_cast %swap3A_379 : vector<1x16xf32> to vector<16xf32>
      %swap3A_381 = vector.shape_cast %add3A_376 : vector<16xf32> to vector<1x16xf32>
      tpu.vector_store %arg9[%swap3A_377, %swap3A_378], %swap3A_381 {strides = array<i32>} : memref<64x512xf32, #tpu.memory_space<vmem>>, vector<1x16xf32>,
      %get3A_382 = arith.index_cast %scan3A_212 : i32 to index
      %get3A_383 = arith.constant 160 : index
      %get3A_384 = tpu.vector_load %arg9[%get3A_382, %get3A_383] {strides = array<i32>} : memref<64x512xf32, #tpu.memory_space<vmem>>, vector<1x16xf32>,
      %get3A_385 = vector.shape_cast %get3A_384 : vector<1x16xf32> to vector<16xf32>
      %mul3A_386 = arith.constant 22.6274166 : f32
      %mul3A_387 = vector.broadcast %mul3A_386 : f32 to vector<16xf32>
      %mul3A_388 = arith.mulf %get3A_385, %mul3A_387 : vector<16xf32>
      %get3A_389 = arith.index_cast %scan3A_212 : i32 to index
      %get3A_390 = arith.constant 160 : index
      %get3A_391 = tpu.vector_load %arg7[%get3A_389, %get3A_390] {strides = array<i32>} : memref<64x512xf32, #tpu.memory_space<vmem>>, vector<1x16xf32>,
      %get3A_392 = vector.shape_cast %get3A_391 : vector<1x16xf32> to vector<16xf32>
      %add3A_393 = arith.addf %mul3A_388, %get3A_392 : vector<16xf32>
      %swap3A_394 = arith.index_cast %scan3A_212 : i32 to index
      %swap3A_395 = arith.constant 160 : index
      %swap3A_396 = tpu.vector_load %arg9[%swap3A_394, %swap3A_395] {strides = array<i32>} : memref<64x512xf32, #tpu.memory_space<vmem>>, vector<1x16xf32>,
      %swap3A_397 = vector.shape_cast %swap3A_396 : vector<1x16xf32> to vector<16xf32>
      %swap3A_398 = vector.shape_cast %add3A_393 : vector<16xf32> to vector<1x16xf32>
      tpu.vector_store %arg9[%swap3A_394, %swap3A_395], %swap3A_398 {strides = array<i32>} : memref<64x512xf32, #tpu.memory_space<vmem>>, vector<1x16xf32>,
      %get3A_399 = arith.index_cast %scan3A_212 : i32 to index
      %get3A_400 = arith.constant 176 : index
      %get3A_401 = tpu.vector_load %arg9[%get3A_399, %get3A_400] {strides = array<i32>} : memref<64x512xf32, #tpu.memory_space<vmem>>, vector<1x16xf32>,
      %get3A_402 = vector.shape_cast %get3A_401 : vector<1x16xf32> to vector<16xf32>
      %mul3A_403 = arith.constant 22.6274166 : f32
      %mul3A_404 = vector.broadcast %mul3A_403 : f32 to vector<16xf32>
      %mul3A_405 = arith.mulf %get3A_402, %mul3A_404 : vector<16xf32>
      %get3A_406 = arith.index_cast %scan3A_212 : i32 to index
      %get3A_407 = arith.constant 176 : index
      %get3A_408 = tpu.vector_load %arg7[%get3A_406, %get3A_407] {strides = array<i32>} : memref<64x512xf32, #tpu.memory_space<vmem>>, vector<1x16xf32>,
      %get3A_409 = vector.shape_cast %get3A_408 : vector<1x16xf32> to vector<16xf32>
      %add3A_410 = arith.addf %mul3A_405, %get3A_409 : vector<16xf32>
      %swap3A_411 = arith.index_cast %scan3A_212 : i32 to index
      %swap3A_412 = arith.constant 176 : index
      %swap3A_413 = tpu.vector_load %arg9[%swap3A_411, %swap3A_412] {strides = array<i32>} : memref<64x512xf32, #tpu.memory_space<vmem>>, vector<1x16xf32>,
      %swap3A_414 = vector.shape_cast %swap3A_413 : vector<1x16xf32> to vector<16xf32>
      %swap3A_415 = vector.shape_cast %add3A_410 : vector<16xf32> to vector<1x16xf32>
      tpu.vector_store %arg9[%swap3A_411, %swap3A_412], %swap3A_415 {strides = array<i32>} : memref<64x512xf32, #tpu.memory_space<vmem>>, vector<1x16xf32>,
      %get3A_416 = arith.index_cast %scan3A_212 : i32 to index
      %get3A_417 = arith.constant 192 : index
      %get3A_418 = tpu.vector_load %arg9[%get3A_416, %get3A_417] {strides = array<i32>} : memref<64x512xf32, #tpu.memory_space<vmem>>, vector<1x16xf32>,
      %get3A_419 = vector.shape_cast %get3A_418 : vector<1x16xf32> to vector<16xf32>
      %mul3A_420 = arith.constant 22.6274166 : f32
      %mul3A_421 = vector.broadcast %mul3A_420 : f32 to vector<16xf32>
      %mul3A_422 = arith.mulf %get3A_419, %mul3A_421 : vector<16xf32>
      %get3A_423 = arith.index_cast %scan3A_212 : i32 to index
      %get3A_424 = arith.constant 192 : index
      %get3A_425 = tpu.vector_load %arg7[%get3A_423, %get3A_424] {strides = array<i32>} : memref<64x512xf32, #tpu.memory_space<vmem>>, vector<1x16xf32>,
      %get3A_426 = vector.shape_cast %get3A_425 : vector<1x16xf32> to vector<16xf32>
      %add3A_427 = arith.addf %mul3A_422, %get3A_426 : vector<16xf32>
      %swap3A_428 = arith.index_cast %scan3A_212 : i32 to index
      %swap3A_429 = arith.constant 192 : index
      %swap3A_430 = tpu.vector_load %arg9[%swap3A_428, %swap3A_429] {strides = array<i32>} : memref<64x512xf32, #tpu.memory_space<vmem>>, vector<1x16xf32>,
      %swap3A_431 = vector.shape_cast %swap3A_430 : vector<1x16xf32> to vector<16xf32>
      %swap3A_432 = vector.shape_cast %add3A_427 : vector<16xf32> to vector<1x16xf32>
      tpu.vector_store %arg9[%swap3A_428, %swap3A_429], %swap3A_432 {strides = array<i32>} : memref<64x512xf32, #tpu.memory_space<vmem>>, vector<1x16xf32>,
      %get3A_433 = arith.index_cast %scan3A_212 : i32 to index
      %get3A_434 = arith.constant 208 : index
      %get3A_435 = tpu.vector_load %arg9[%get3A_433, %get3A_434] {strides = array<i32>} : memref<64x512xf32, #tpu.memory_space<vmem>>, vector<1x16xf32>,
      %get3A_436 = vector.shape_cast %get3A_435 : vector<1x16xf32> to vector<16xf32>
      %mul3A_437 = arith.constant 22.6274166 : f32
      %mul3A_438 = vector.broadcast %mul3A_437 : f32 to vector<16xf32>
      %mul3A_439 = arith.mulf %get3A_436, %mul3A_438 : vector<16xf32>
      %get3A_440 = arith.index_cast %scan3A_212 : i32 to index
      %get3A_441 = arith.constant 208 : index
      %get3A_442 = tpu.vector_load %arg7[%get3A_440, %get3A_441] {strides = array<i32>} : memref<64x512xf32, #tpu.memory_space<vmem>>, vector<1x16xf32>,
      %get3A_443 = vector.shape_cast %get3A_442 : vector<1x16xf32> to vector<16xf32>
      %add3A_444 = arith.addf %mul3A_439, %get3A_443 : vector<16xf32>
      %swap3A_445 = arith.index_cast %scan3A_212 : i32 to index
      %swap3A_446 = arith.constant 208 : index
      %swap3A_447 = tpu.vector_load %arg9[%swap3A_445, %swap3A_446] {strides = array<i32>} : memref<64x512xf32, #tpu.memory_space<vmem>>, vector<1x16xf32>,
      %swap3A_448 = vector.shape_cast %swap3A_447 : vector<1x16xf32> to vector<16xf32>
      %swap3A_449 = vector.shape_cast %add3A_444 : vector<16xf32> to vector<1x16xf32>
      tpu.vector_store %arg9[%swap3A_445, %swap3A_446], %swap3A_449 {strides = array<i32>} : memref<64x512xf32, #tpu.memory_space<vmem>>, vector<1x16xf32>,
      %get3A_450 = arith.index_cast %scan3A_212 : i32 to index
      %get3A_451 = arith.constant 224 : index
      %get3A_452 = tpu.vector_load %arg9[%get3A_450, %get3A_451] {strides = array<i32>} : memref<64x512xf32, #tpu.memory_space<vmem>>, vector<1x16xf32>,
      %get3A_453 = vector.shape_cast %get3A_452 : vector<1x16xf32> to vector<16xf32>
      %mul3A_454 = arith.constant 22.6274166 : f32
      %mul3A_455 = vector.broadcast %mul3A_454 : f32 to vector<16xf32>
      %mul3A_456 = arith.mulf %get3A_453, %mul3A_455 : vector<16xf32>
      %get3A_457 = arith.index_cast %scan3A_212 : i32 to index
      %get3A_458 = arith.constant 224 : index
      %get3A_459 = tpu.vector_load %arg7[%get3A_457, %get3A_458] {strides = array<i32>} : memref<64x512xf32, #tpu.memory_space<vmem>>, vector<1x16xf32>,
      %get3A_460 = vector.shape_cast %get3A_459 : vector<1x16xf32> to vector<16xf32>
      %add3A_461 = arith.addf %mul3A_456, %get3A_460 : vector<16xf32>
      %swap3A_462 = arith.index_cast %scan3A_212 : i32 to index
      %swap3A_463 = arith.constant 224 : index
      %swap3A_464 = tpu.vector_load %arg9[%swap3A_462, %swap3A_463] {strides = array<i32>} : memref<64x512xf32, #tpu.memory_space<vmem>>, vector<1x16xf32>,
      %swap3A_465 = vector.shape_cast %swap3A_464 : vector<1x16xf32> to vector<16xf32>
      %swap3A_466 = vector.shape_cast %add3A_461 : vector<16xf32> to vector<1x16xf32>
      tpu.vector_store %arg9[%swap3A_462, %swap3A_463], %swap3A_466 {strides = array<i32>} : memref<64x512xf32, #tpu.memory_space<vmem>>, vector<1x16xf32>,
      %get3A_467 = arith.index_cast %scan3A_212 : i32 to index
      %get3A_468 = arith.constant 240 : index
      %get3A_469 = tpu.vector_load %arg9[%get3A_467, %get3A_468] {strides = array<i32>} : memref<64x512xf32, #tpu.memory_space<vmem>>, vector<1x16xf32>,
      %get3A_470 = vector.shape_cast %get3A_469 : vector<1x16xf32> to vector<16xf32>
      %mul3A_471 = arith.constant 22.6274166 : f32
      %mul3A_472 = vector.broadcast %mul3A_471 : f32 to vector<16xf32>
      %mul3A_473 = arith.mulf %get3A_470, %mul3A_472 : vector<16xf32>
      %get3A_474 = arith.index_cast %scan3A_212 : i32 to index
      %get3A_475 = arith.constant 240 : index
      %get3A_476 = tpu.vector_load %arg7[%get3A_474, %get3A_475] {strides = array<i32>} : memref<64x512xf32, #tpu.memory_space<vmem>>, vector<1x16xf32>,
      %get3A_477 = vector.shape_cast %get3A_476 : vector<1x16xf32> to vector<16xf32>
      %add3A_478 = arith.addf %mul3A_473, %get3A_477 : vector<16xf32>
      %swap3A_479 = arith.index_cast %scan3A_212 : i32 to index
      %swap3A_480 = arith.constant 240 : index
      %swap3A_481 = tpu.vector_load %arg9[%swap3A_479, %swap3A_480] {strides = array<i32>} : memref<64x512xf32, #tpu.memory_space<vmem>>, vector<1x16xf32>,
      %swap3A_482 = vector.shape_cast %swap3A_481 : vector<1x16xf32> to vector<16xf32>
      %swap3A_483 = vector.shape_cast %add3A_478 : vector<16xf32> to vector<1x16xf32>
      tpu.vector_store %arg9[%swap3A_479, %swap3A_480], %swap3A_483 {strides = array<i32>} : memref<64x512xf32, #tpu.memory_space<vmem>>, vector<1x16xf32>,
      %get3A_484 = arith.index_cast %scan3A_212 : i32 to index
      %get3A_485 = arith.constant 256 : index
      %get3A_486 = tpu.vector_load %arg9[%get3A_484, %get3A_485] {strides = array<i32>} : memref<64x512xf32, #tpu.memory_space<vmem>>, vector<1x16xf32>,
      %get3A_487 = vector.shape_cast %get3A_486 : vector<1x16xf32> to vector<16xf32>
      %mul3A_488 = arith.constant 22.6274166 : f32
      %mul3A_489 = vector.broadcast %mul3A_488 : f32 to vector<16xf32>
      %mul3A_490 = arith.mulf %get3A_487, %mul3A_489 : vector<16xf32>
      %get3A_491 = arith.index_cast %scan3A_212 : i32 to index
      %get3A_492 = arith.constant 256 : index
      %get3A_493 = tpu.vector_load %arg7[%get3A_491, %get3A_492] {strides = array<i32>} : memref<64x512xf32, #tpu.memory_space<vmem>>, vector<1x16xf32>,
      %get3A_494 = vector.shape_cast %get3A_493 : vector<1x16xf32> to vector<16xf32>
      %add3A_495 = arith.addf %mul3A_490, %get3A_494 : vector<16xf32>
      %swap3A_496 = arith.index_cast %scan3A_212 : i32 to index
      %swap3A_497 = arith.constant 256 : index
      %swap3A_498 = tpu.vector_load %arg9[%swap3A_496, %swap3A_497] {strides = array<i32>} : memref<64x512xf32, #tpu.memory_space<vmem>>, vector<1x16xf32>,
      %swap3A_499 = vector.shape_cast %swap3A_498 : vector<1x16xf32> to vector<16xf32>
      %swap3A_500 = vector.shape_cast %add3A_495 : vector<16xf32> to vector<1x16xf32>
      tpu.vector_store %arg9[%swap3A_496, %swap3A_497], %swap3A_500 {strides = array<i32>} : memref<64x512xf32, #tpu.memory_space<vmem>>, vector<1x16xf32>,
      %get3A_501 = arith.index_cast %scan3A_212 : i32 to index
      %get3A_502 = arith.constant 272 : index
      %get3A_503 = tpu.vector_load %arg9[%get3A_501, %get3A_502] {strides = array<i32>} : memref<64x512xf32, #tpu.memory_space<vmem>>, vector<1x16xf32>,
      %get3A_504 = vector.shape_cast %get3A_503 : vector<1x16xf32> to vector<16xf32>
      %mul3A_505 = arith.constant 22.6274166 : f32
      %mul3A_506 = vector.broadcast %mul3A_505 : f32 to vector<16xf32>
      %mul3A_507 = arith.mulf %get3A_504, %mul3A_506 : vector<16xf32>
      %get3A_508 = arith.index_cast %scan3A_212 : i32 to index
      %get3A_509 = arith.constant 272 : index
      %get3A_510 = tpu.vector_load %arg7[%get3A_508, %get3A_509] {strides = array<i32>} : memref<64x512xf32, #tpu.memory_space<vmem>>, vector<1x16xf32>,
      %get3A_511 = vector.shape_cast %get3A_510 : vector<1x16xf32> to vector<16xf32>
      %add3A_512 = arith.addf %mul3A_507, %get3A_511 : vector<16xf32>
      %swap3A_513 = arith.index_cast %scan3A_212 : i32 to index
      %swap3A_514 = arith.constant 272 : index
      %swap3A_515 = tpu.vector_load %arg9[%swap3A_513, %swap3A_514] {strides = array<i32>} : memref<64x512xf32, #tpu.memory_space<vmem>>, vector<1x16xf32>,
      %swap3A_516 = vector.shape_cast %swap3A_515 : vector<1x16xf32> to vector<16xf32>
      %swap3A_517 = vector.shape_cast %add3A_512 : vector<16xf32> to vector<1x16xf32>
      tpu.vector_store %arg9[%swap3A_513, %swap3A_514], %swap3A_517 {strides = array<i32>} : memref<64x512xf32, #tpu.memory_space<vmem>>, vector<1x16xf32>,
      %get3A_518 = arith.index_cast %scan3A_212 : i32 to index
      %get3A_519 = arith.constant 288 : index
      %get3A_520 = tpu.vector_load %arg9[%get3A_518, %get3A_519] {strides = array<i32>} : memref<64x512xf32, #tpu.memory_space<vmem>>, vector<1x16xf32>,
      %get3A_521 = vector.shape_cast %get3A_520 : vector<1x16xf32> to vector<16xf32>
      %mul3A_522 = arith.constant 22.6274166 : f32
      %mul3A_523 = vector.broadcast %mul3A_522 : f32 to vector<16xf32>
      %mul3A_524 = arith.mulf %get3A_521, %mul3A_523 : vector<16xf32>
      %get3A_525 = arith.index_cast %scan3A_212 : i32 to index
      %get3A_526 = arith.constant 288 : index
      %get3A_527 = tpu.vector_load %arg7[%get3A_525, %get3A_526] {strides = array<i32>} : memref<64x512xf32, #tpu.memory_space<vmem>>, vector<1x16xf32>,
      %get3A_528 = vector.shape_cast %get3A_527 : vector<1x16xf32> to vector<16xf32>
      %add3A_529 = arith.addf %mul3A_524, %get3A_528 : vector<16xf32>
      %swap3A_530 = arith.index_cast %scan3A_212 : i32 to index
      %swap3A_531 = arith.constant 288 : index
      %swap3A_532 = tpu.vector_load %arg9[%swap3A_530, %swap3A_531] {strides = array<i32>} : memref<64x512xf32, #tpu.memory_space<vmem>>, vector<1x16xf32>,
      %swap3A_533 = vector.shape_cast %swap3A_532 : vector<1x16xf32> to vector<16xf32>
      %swap3A_534 = vector.shape_cast %add3A_529 : vector<16xf32> to vector<1x16xf32>
      tpu.vector_store %arg9[%swap3A_530, %swap3A_531], %swap3A_534 {strides = array<i32>} : memref<64x512xf32, #tpu.memory_space<vmem>>, vector<1x16xf32>,
      %get3A_535 = arith.index_cast %scan3A_212 : i32 to index
      %get3A_536 = arith.constant 304 : index
      %get3A_537 = tpu.vector_load %arg9[%get3A_535, %get3A_536] {strides = array<i32>} : memref<64x512xf32, #tpu.memory_space<vmem>>, vector<1x16xf32>,
      %get3A_538 = vector.shape_cast %get3A_537 : vector<1x16xf32> to vector<16xf32>
      %mul3A_539 = arith.constant 22.6274166 : f32
      %mul3A_540 = vector.broadcast %mul3A_539 : f32 to vector<16xf32>
      %mul3A_541 = arith.mulf %get3A_538, %mul3A_540 : vector<16xf32>
      %get3A_542 = arith.index_cast %scan3A_212 : i32 to index
      %get3A_543 = arith.constant 304 : index
      %get3A_544 = tpu.vector_load %arg7[%get3A_542, %get3A_543] {strides = array<i32>} : memref<64x512xf32, #tpu.memory_space<vmem>>, vector<1x16xf32>,
      %get3A_545 = vector.shape_cast %get3A_544 : vector<1x16xf32> to vector<16xf32>
      %add3A_546 = arith.addf %mul3A_541, %get3A_545 : vector<16xf32>
      %swap3A_547 = arith.index_cast %scan3A_212 : i32 to index
      %swap3A_548 = arith.constant 304 : index
      %swap3A_549 = tpu.vector_load %arg9[%swap3A_547, %swap3A_548] {strides = array<i32>} : memref<64x512xf32, #tpu.memory_space<vmem>>, vector<1x16xf32>,
      %swap3A_550 = vector.shape_cast %swap3A_549 : vector<1x16xf32> to vector<16xf32>
      %swap3A_551 = vector.shape_cast %add3A_546 : vector<16xf32> to vector<1x16xf32>
      tpu.vector_store %arg9[%swap3A_547, %swap3A_548], %swap3A_551 {strides = array<i32>} : memref<64x512xf32, #tpu.memory_space<vmem>>, vector<1x16xf32>,
      %get3A_552 = arith.index_cast %scan3A_212 : i32 to index
      %get3A_553 = arith.constant 320 : index
      %get3A_554 = tpu.vector_load %arg9[%get3A_552, %get3A_553] {strides = array<i32>} : memref<64x512xf32, #tpu.memory_space<vmem>>, vector<1x16xf32>,
      %get3A_555 = vector.shape_cast %get3A_554 : vector<1x16xf32> to vector<16xf32>
      %mul3A_556 = arith.constant 22.6274166 : f32
      %mul3A_557 = vector.broadcast %mul3A_556 : f32 to vector<16xf32>
      %mul3A_558 = arith.mulf %get3A_555, %mul3A_557 : vector<16xf32>
      %get3A_559 = arith.index_cast %scan3A_212 : i32 to index
      %get3A_560 = arith.constant 320 : index
      %get3A_561 = tpu.vector_load %arg7[%get3A_559, %get3A_560] {strides = array<i32>} : memref<64x512xf32, #tpu.memory_space<vmem>>, vector<1x16xf32>,
      %get3A_562 = vector.shape_cast %get3A_561 : vector<1x16xf32> to vector<16xf32>
      %add3A_563 = arith.addf %mul3A_558, %get3A_562 : vector<16xf32>
      %swap3A_564 = arith.index_cast %scan3A_212 : i32 to index
      %swap3A_565 = arith.constant 320 : index
      %swap3A_566 = tpu.vector_load %arg9[%swap3A_564, %swap3A_565] {strides = array<i32>} : memref<64x512xf32, #tpu.memory_space<vmem>>, vector<1x16xf32>,
      %swap3A_567 = vector.shape_cast %swap3A_566 : vector<1x16xf32> to vector<16xf32>
      %swap3A_568 = vector.shape_cast %add3A_563 : vector<16xf32> to vector<1x16xf32>
      tpu.vector_store %arg9[%swap3A_564, %swap3A_565], %swap3A_568 {strides = array<i32>} : memref<64x512xf32, #tpu.memory_space<vmem>>, vector<1x16xf32>,
      %get3A_569 = arith.index_cast %scan3A_212 : i32 to index
      %get3A_570 = arith.constant 336 : index
      %get3A_571 = tpu.vector_load %arg9[%get3A_569, %get3A_570] {strides = array<i32>} : memref<64x512xf32, #tpu.memory_space<vmem>>, vector<1x16xf32>,
      %get3A_572 = vector.shape_cast %get3A_571 : vector<1x16xf32> to vector<16xf32>
      %mul3A_573 = arith.constant 22.6274166 : f32
      %mul3A_574 = vector.broadcast %mul3A_573 : f32 to vector<16xf32>
      %mul3A_575 = arith.mulf %get3A_572, %mul3A_574 : vector<16xf32>
      %get3A_576 = arith.index_cast %scan3A_212 : i32 to index
      %get3A_577 = arith.constant 336 : index
      %get3A_578 = tpu.vector_load %arg7[%get3A_576, %get3A_577] {strides = array<i32>} : memref<64x512xf32, #tpu.memory_space<vmem>>, vector<1x16xf32>,
      %get3A_579 = vector.shape_cast %get3A_578 : vector<1x16xf32> to vector<16xf32>
      %add3A_580 = arith.addf %mul3A_575, %get3A_579 : vector<16xf32>
      %swap3A_581 = arith.index_cast %scan3A_212 : i32 to index
      %swap3A_582 = arith.constant 336 : index
      %swap3A_583 = tpu.vector_load %arg9[%swap3A_581, %swap3A_582] {strides = array<i32>} : memref<64x512xf32, #tpu.memory_space<vmem>>, vector<1x16xf32>,
      %swap3A_584 = vector.shape_cast %swap3A_583 : vector<1x16xf32> to vector<16xf32>
      %swap3A_585 = vector.shape_cast %add3A_580 : vector<16xf32> to vector<1x16xf32>
      tpu.vector_store %arg9[%swap3A_581, %swap3A_582], %swap3A_585 {strides = array<i32>} : memref<64x512xf32, #tpu.memory_space<vmem>>, vector<1x16xf32>,
      %get3A_586 = arith.index_cast %scan3A_212 : i32 to index
      %get3A_587 = arith.constant 352 : index
      %get3A_588 = tpu.vector_load %arg9[%get3A_586, %get3A_587] {strides = array<i32>} : memref<64x512xf32, #tpu.memory_space<vmem>>, vector<1x16xf32>,
      %get3A_589 = vector.shape_cast %get3A_588 : vector<1x16xf32> to vector<16xf32>
      %mul3A_590 = arith.constant 22.6274166 : f32
      %mul3A_591 = vector.broadcast %mul3A_590 : f32 to vector<16xf32>
      %mul3A_592 = arith.mulf %get3A_589, %mul3A_591 : vector<16xf32>
      %get3A_593 = arith.index_cast %scan3A_212 : i32 to index
      %get3A_594 = arith.constant 352 : index
      %get3A_595 = tpu.vector_load %arg7[%get3A_593, %get3A_594] {strides = array<i32>} : memref<64x512xf32, #tpu.memory_space<vmem>>, vector<1x16xf32>,
      %get3A_596 = vector.shape_cast %get3A_595 : vector<1x16xf32> to vector<16xf32>
      %add3A_597 = arith.addf %mul3A_592, %get3A_596 : vector<16xf32>
      %swap3A_598 = arith.index_cast %scan3A_212 : i32 to index
      %swap3A_599 = arith.constant 352 : index
      %swap3A_600 = tpu.vector_load %arg9[%swap3A_598, %swap3A_599] {strides = array<i32>} : memref<64x512xf32, #tpu.memory_space<vmem>>, vector<1x16xf32>,
      %swap3A_601 = vector.shape_cast %swap3A_600 : vector<1x16xf32> to vector<16xf32>
      %swap3A_602 = vector.shape_cast %add3A_597 : vector<16xf32> to vector<1x16xf32>
      tpu.vector_store %arg9[%swap3A_598, %swap3A_599], %swap3A_602 {strides = array<i32>} : memref<64x512xf32, #tpu.memory_space<vmem>>, vector<1x16xf32>,
      %get3A_603 = arith.index_cast %scan3A_212 : i32 to index
      %get3A_604 = arith.constant 368 : index
      %get3A_605 = tpu.vector_load %arg9[%get3A_603, %get3A_604] {strides = array<i32>} : memref<64x512xf32, #tpu.memory_space<vmem>>, vector<1x16xf32>,
      %get3A_606 = vector.shape_cast %get3A_605 : vector<1x16xf32> to vector<16xf32>
      %mul3A_607 = arith.constant 22.6274166 : f32
      %mul3A_608 = vector.broadcast %mul3A_607 : f32 to vector<16xf32>
      %mul3A_609 = arith.mulf %get3A_606, %mul3A_608 : vector<16xf32>
      %get3A_610 = arith.index_cast %scan3A_212 : i32 to index
      %get3A_611 = arith.constant 368 : index
      %get3A_612 = tpu.vector_load %arg7[%get3A_610, %get3A_611] {strides = array<i32>} : memref<64x512xf32, #tpu.memory_space<vmem>>, vector<1x16xf32>,
      %get3A_613 = vector.shape_cast %get3A_612 : vector<1x16xf32> to vector<16xf32>
      %add3A_614 = arith.addf %mul3A_609, %get3A_613 : vector<16xf32>
      %swap3A_615 = arith.index_cast %scan3A_212 : i32 to index
      %swap3A_616 = arith.constant 368 : index
      %swap3A_617 = tpu.vector_load %arg9[%swap3A_615, %swap3A_616] {strides = array<i32>} : memref<64x512xf32, #tpu.memory_space<vmem>>, vector<1x16xf32>,
      %swap3A_618 = vector.shape_cast %swap3A_617 : vector<1x16xf32> to vector<16xf32>
      %swap3A_619 = vector.shape_cast %add3A_614 : vector<16xf32> to vector<1x16xf32>
      tpu.vector_store %arg9[%swap3A_615, %swap3A_616], %swap3A_619 {strides = array<i32>} : memref<64x512xf32, #tpu.memory_space<vmem>>, vector<1x16xf32>,
      %get3A_620 = arith.index_cast %scan3A_212 : i32 to index
      %get3A_621 = arith.constant 384 : index
      %get3A_622 = tpu.vector_load %arg9[%get3A_620, %get3A_621] {strides = array<i32>} : memref<64x512xf32, #tpu.memory_space<vmem>>, vector<1x16xf32>,
      %get3A_623 = vector.shape_cast %get3A_622 : vector<1x16xf32> to vector<16xf32>
      %mul3A_624 = arith.constant 22.6274166 : f32
      %mul3A_625 = vector.broadcast %mul3A_624 : f32 to vector<16xf32>
      %mul3A_626 = arith.mulf %get3A_623, %mul3A_625 : vector<16xf32>
      %get3A_627 = arith.index_cast %scan3A_212 : i32 to index
      %get3A_628 = arith.constant 384 : index
      %get3A_629 = tpu.vector_load %arg7[%get3A_627, %get3A_628] {strides = array<i32>} : memref<64x512xf32, #tpu.memory_space<vmem>>, vector<1x16xf32>,
      %get3A_630 = vector.shape_cast %get3A_629 : vector<1x16xf32> to vector<16xf32>
      %add3A_631 = arith.addf %mul3A_626, %get3A_630 : vector<16xf32>
      %swap3A_632 = arith.index_cast %scan3A_212 : i32 to index
      %swap3A_633 = arith.constant 384 : index
      %swap3A_634 = tpu.vector_load %arg9[%swap3A_632, %swap3A_633] {strides = array<i32>} : memref<64x512xf32, #tpu.memory_space<vmem>>, vector<1x16xf32>,
      %swap3A_635 = vector.shape_cast %swap3A_634 : vector<1x16xf32> to vector<16xf32>
      %swap3A_636 = vector.shape_cast %add3A_631 : vector<16xf32> to vector<1x16xf32>
      tpu.vector_store %arg9[%swap3A_632, %swap3A_633], %swap3A_636 {strides = array<i32>} : memref<64x512xf32, #tpu.memory_space<vmem>>, vector<1x16xf32>,
      %get3A_637 = arith.index_cast %scan3A_212 : i32 to index
      %get3A_638 = arith.constant 400 : index
      %get3A_639 = tpu.vector_load %arg9[%get3A_637, %get3A_638] {strides = array<i32>} : memref<64x512xf32, #tpu.memory_space<vmem>>, vector<1x16xf32>,
      %get3A_640 = vector.shape_cast %get3A_639 : vector<1x16xf32> to vector<16xf32>
      %mul3A_641 = arith.constant 22.6274166 : f32
      %mul3A_642 = vector.broadcast %mul3A_641 : f32 to vector<16xf32>
      %mul3A_643 = arith.mulf %get3A_640, %mul3A_642 : vector<16xf32>
      %get3A_644 = arith.index_cast %scan3A_212 : i32 to index
      %get3A_645 = arith.constant 400 : index
      %get3A_646 = tpu.vector_load %arg7[%get3A_644, %get3A_645] {strides = array<i32>} : memref<64x512xf32, #tpu.memory_space<vmem>>, vector<1x16xf32>,
      %get3A_647 = vector.shape_cast %get3A_646 : vector<1x16xf32> to vector<16xf32>
      %add3A_648 = arith.addf %mul3A_643, %get3A_647 : vector<16xf32>
      %swap3A_649 = arith.index_cast %scan3A_212 : i32 to index
      %swap3A_650 = arith.constant 400 : index
      %swap3A_651 = tpu.vector_load %arg9[%swap3A_649, %swap3A_650] {strides = array<i32>} : memref<64x512xf32, #tpu.memory_space<vmem>>, vector<1x16xf32>,
      %swap3A_652 = vector.shape_cast %swap3A_651 : vector<1x16xf32> to vector<16xf32>
      %swap3A_653 = vector.shape_cast %add3A_648 : vector<16xf32> to vector<1x16xf32>
      tpu.vector_store %arg9[%swap3A_649, %swap3A_650], %swap3A_653 {strides = array<i32>} : memref<64x512xf32, #tpu.memory_space<vmem>>, vector<1x16xf32>,
      %get3A_654 = arith.index_cast %scan3A_212 : i32 to index
      %get3A_655 = arith.constant 416 : index
      %get3A_656 = tpu.vector_load %arg9[%get3A_654, %get3A_655] {strides = array<i32>} : memref<64x512xf32, #tpu.memory_space<vmem>>, vector<1x16xf32>,
      %get3A_657 = vector.shape_cast %get3A_656 : vector<1x16xf32> to vector<16xf32>
      %mul3A_658 = arith.constant 22.6274166 : f32
      %mul3A_659 = vector.broadcast %mul3A_658 : f32 to vector<16xf32>
      %mul3A_660 = arith.mulf %get3A_657, %mul3A_659 : vector<16xf32>
      %get3A_661 = arith.index_cast %scan3A_212 : i32 to index
      %get3A_662 = arith.constant 416 : index
      %get3A_663 = tpu.vector_load %arg7[%get3A_661, %get3A_662] {strides = array<i32>} : memref<64x512xf32, #tpu.memory_space<vmem>>, vector<1x16xf32>,
      %get3A_664 = vector.shape_cast %get3A_663 : vector<1x16xf32> to vector<16xf32>
      %add3A_665 = arith.addf %mul3A_660, %get3A_664 : vector<16xf32>
      %swap3A_666 = arith.index_cast %scan3A_212 : i32 to index
      %swap3A_667 = arith.constant 416 : index
      %swap3A_668 = tpu.vector_load %arg9[%swap3A_666, %swap3A_667] {strides = array<i32>} : memref<64x512xf32, #tpu.memory_space<vmem>>, vector<1x16xf32>,
      %swap3A_669 = vector.shape_cast %swap3A_668 : vector<1x16xf32> to vector<16xf32>
      %swap3A_670 = vector.shape_cast %add3A_665 : vector<16xf32> to vector<1x16xf32>
      tpu.vector_store %arg9[%swap3A_666, %swap3A_667], %swap3A_670 {strides = array<i32>} : memref<64x512xf32, #tpu.memory_space<vmem>>, vector<1x16xf32>,
      %get3A_671 = arith.index_cast %scan3A_212 : i32 to index
      %get3A_672 = arith.constant 432 : index
      %get3A_673 = tpu.vector_load %arg9[%get3A_671, %get3A_672] {strides = array<i32>} : memref<64x512xf32, #tpu.memory_space<vmem>>, vector<1x16xf32>,
      %get3A_674 = vector.shape_cast %get3A_673 : vector<1x16xf32> to vector<16xf32>
      %mul3A_675 = arith.constant 22.6274166 : f32
      %mul3A_676 = vector.broadcast %mul3A_675 : f32 to vector<16xf32>
      %mul3A_677 = arith.mulf %get3A_674, %mul3A_676 : vector<16xf32>
      %get3A_678 = arith.index_cast %scan3A_212 : i32 to index
      %get3A_679 = arith.constant 432 : index
      %get3A_680 = tpu.vector_load %arg7[%get3A_678, %get3A_679] {strides = array<i32>} : memref<64x512xf32, #tpu.memory_space<vmem>>, vector<1x16xf32>,
      %get3A_681 = vector.shape_cast %get3A_680 : vector<1x16xf32> to vector<16xf32>
      %add3A_682 = arith.addf %mul3A_677, %get3A_681 : vector<16xf32>
      %swap3A_683 = arith.index_cast %scan3A_212 : i32 to index
      %swap3A_684 = arith.constant 432 : index
      %swap3A_685 = tpu.vector_load %arg9[%swap3A_683, %swap3A_684] {strides = array<i32>} : memref<64x512xf32, #tpu.memory_space<vmem>>, vector<1x16xf32>,
      %swap3A_686 = vector.shape_cast %swap3A_685 : vector<1x16xf32> to vector<16xf32>
      %swap3A_687 = vector.shape_cast %add3A_682 : vector<16xf32> to vector<1x16xf32>
      tpu.vector_store %arg9[%swap3A_683, %swap3A_684], %swap3A_687 {strides = array<i32>} : memref<64x512xf32, #tpu.memory_space<vmem>>, vector<1x16xf32>,
      %get3A_688 = arith.index_cast %scan3A_212 : i32 to index
      %get3A_689 = arith.constant 448 : index
      %get3A_690 = tpu.vector_load %arg9[%get3A_688, %get3A_689] {strides = array<i32>} : memref<64x512xf32, #tpu.memory_space<vmem>>, vector<1x16xf32>,
      %get3A_691 = vector.shape_cast %get3A_690 : vector<1x16xf32> to vector<16xf32>
      %mul3A_692 = arith.constant 22.6274166 : f32
      %mul3A_693 = vector.broadcast %mul3A_692 : f32 to vector<16xf32>
      %mul3A_694 = arith.mulf %get3A_691, %mul3A_693 : vector<16xf32>
      %get3A_695 = arith.index_cast %scan3A_212 : i32 to index
      %get3A_696 = arith.constant 448 : index
      %get3A_697 = tpu.vector_load %arg7[%get3A_695, %get3A_696] {strides = array<i32>} : memref<64x512xf32, #tpu.memory_space<vmem>>, vector<1x16xf32>,
      %get3A_698 = vector.shape_cast %get3A_697 : vector<1x16xf32> to vector<16xf32>
      %add3A_699 = arith.addf %mul3A_694, %get3A_698 : vector<16xf32>
      %swap3A_700 = arith.index_cast %scan3A_212 : i32 to index
      %swap3A_701 = arith.constant 448 : index
      %swap3A_702 = tpu.vector_load %arg9[%swap3A_700, %swap3A_701] {strides = array<i32>} : memref<64x512xf32, #tpu.memory_space<vmem>>, vector<1x16xf32>,
      %swap3A_703 = vector.shape_cast %swap3A_702 : vector<1x16xf32> to vector<16xf32>
      %swap3A_704 = vector.shape_cast %add3A_699 : vector<16xf32> to vector<1x16xf32>
      tpu.vector_store %arg9[%swap3A_700, %swap3A_701], %swap3A_704 {strides = array<i32>} : memref<64x512xf32, #tpu.memory_space<vmem>>, vector<1x16xf32>,
      %get3A_705 = arith.index_cast %scan3A_212 : i32 to index
      %get3A_706 = arith.constant 464 : index
      %get3A_707 = tpu.vector_load %arg9[%get3A_705, %get3A_706] {strides = array<i32>} : memref<64x512xf32, #tpu.memory_space<vmem>>, vector<1x16xf32>,
      %get3A_708 = vector.shape_cast %get3A_707 : vector<1x16xf32> to vector<16xf32>
      %mul3A_709 = arith.constant 22.6274166 : f32
      %mul3A_710 = vector.broadcast %mul3A_709 : f32 to vector<16xf32>
      %mul3A_711 = arith.mulf %get3A_708, %mul3A_710 : vector<16xf32>
      %get3A_712 = arith.index_cast %scan3A_212 : i32 to index
      %get3A_713 = arith.constant 464 : index
      %get3A_714 = tpu.vector_load %arg7[%get3A_712, %get3A_713] {strides = array<i32>} : memref<64x512xf32, #tpu.memory_space<vmem>>, vector<1x16xf32>,
      %get3A_715 = vector.shape_cast %get3A_714 : vector<1x16xf32> to vector<16xf32>
      %add3A_716 = arith.addf %mul3A_711, %get3A_715 : vector<16xf32>
      %swap3A_717 = arith.index_cast %scan3A_212 : i32 to index
      %swap3A_718 = arith.constant 464 : index
      %swap3A_719 = tpu.vector_load %arg9[%swap3A_717, %swap3A_718] {strides = array<i32>} : memref<64x512xf32, #tpu.memory_space<vmem>>, vector<1x16xf32>,
      %swap3A_720 = vector.shape_cast %swap3A_719 : vector<1x16xf32> to vector<16xf32>
      %swap3A_721 = vector.shape_cast %add3A_716 : vector<16xf32> to vector<1x16xf32>
      tpu.vector_store %arg9[%swap3A_717, %swap3A_718], %swap3A_721 {strides = array<i32>} : memref<64x512xf32, #tpu.memory_space<vmem>>, vector<1x16xf32>,
      %get3A_722 = arith.index_cast %scan3A_212 : i32 to index
      %get3A_723 = arith.constant 480 : index
      %get3A_724 = tpu.vector_load %arg9[%get3A_722, %get3A_723] {strides = array<i32>} : memref<64x512xf32, #tpu.memory_space<vmem>>, vector<1x16xf32>,
      %get3A_725 = vector.shape_cast %get3A_724 : vector<1x16xf32> to vector<16xf32>
      %mul3A_726 = arith.constant 22.6274166 : f32
      %mul3A_727 = vector.broadcast %mul3A_726 : f32 to vector<16xf32>
      %mul3A_728 = arith.mulf %get3A_725, %mul3A_727 : vector<16xf32>
      %get3A_729 = arith.index_cast %scan3A_212 : i32 to index
      %get3A_730 = arith.constant 480 : index
      %get3A_731 = tpu.vector_load %arg7[%get3A_729, %get3A_730] {strides = array<i32>} : memref<64x512xf32, #tpu.memory_space<vmem>>, vector<1x16xf32>,
      %get3A_732 = vector.shape_cast %get3A_731 : vector<1x16xf32> to vector<16xf32>
      %add3A_733 = arith.addf %mul3A_728, %get3A_732 : vector<16xf32>
      %swap3A_734 = arith.index_cast %scan3A_212 : i32 to index
      %swap3A_735 = arith.constant 480 : index
      %swap3A_736 = tpu.vector_load %arg9[%swap3A_734, %swap3A_735] {strides = array<i32>} : memref<64x512xf32, #tpu.memory_space<vmem>>, vector<1x16xf32>,
      %swap3A_737 = vector.shape_cast %swap3A_736 : vector<1x16xf32> to vector<16xf32>
      %swap3A_738 = vector.shape_cast %add3A_733 : vector<16xf32> to vector<1x16xf32>
      tpu.vector_store %arg9[%swap3A_734, %swap3A_735], %swap3A_738 {strides = array<i32>} : memref<64x512xf32, #tpu.memory_space<vmem>>, vector<1x16xf32>,
      %get3A_739 = arith.index_cast %scan3A_212 : i32 to index
      %get3A_740 = arith.constant 496 : index
      %get3A_741 = tpu.vector_load %arg9[%get3A_739, %get3A_740] {strides = array<i32>} : memref<64x512xf32, #tpu.memory_space<vmem>>, vector<1x16xf32>,
      %get3A_742 = vector.shape_cast %get3A_741 : vector<1x16xf32> to vector<16xf32>
      %mul3A_743 = arith.constant 22.6274166 : f32
      %mul3A_744 = vector.broadcast %mul3A_743 : f32 to vector<16xf32>
      %mul3A_745 = arith.mulf %get3A_742, %mul3A_744 : vector<16xf32>
      %get3A_746 = arith.index_cast %scan3A_212 : i32 to index
      %get3A_747 = arith.constant 496 : index
      %get3A_748 = tpu.vector_load %arg7[%get3A_746, %get3A_747] {strides = array<i32>} : memref<64x512xf32, #tpu.memory_space<vmem>>, vector<1x16xf32>,
      %get3A_749 = vector.shape_cast %get3A_748 : vector<1x16xf32> to vector<16xf32>
      %add3A_750 = arith.addf %mul3A_745, %get3A_749 : vector<16xf32>
      %swap3A_751 = arith.index_cast %scan3A_212 : i32 to index
      %swap3A_752 = arith.constant 496 : index
      %swap3A_753 = tpu.vector_load %arg9[%swap3A_751, %swap3A_752] {strides = array<i32>} : memref<64x512xf32, #tpu.memory_space<vmem>>, vector<1x16xf32>,
      %swap3A_754 = vector.shape_cast %swap3A_753 : vector<1x16xf32> to vector<16xf32>
      %swap3A_755 = vector.shape_cast %add3A_750 : vector<16xf32> to vector<1x16xf32>
      tpu.vector_store %arg9[%swap3A_751, %swap3A_752], %swap3A_755 {strides = array<i32>} : memref<64x512xf32, #tpu.memory_space<vmem>>, vector<1x16xf32>,
      %scan3A_756 = arith.constant 0 : i32
      scf.yield %scan3A_756 : i32
    }
    %scan3A_146 = arith.constant 64 : i32
    %add3A_147 = arith.constant 2048 : i32
    %add3A_148 = arith.addi %add3A_147, %mul3A_2 : i32
    %dma_start3A_149 = arith.constant 0 : i32
    %dma_start3A_150 = tpu.memref_slice %arg5[%add3A_148, %dma_start3A_149] : memref<8192x512xf32, #tpu.memory_space<hbm>> -> memref<64x512xf32, #tpu.memory_space<hbm>>
    %dma_start3A_151 = arith.constant 0 : i32
    %dma_start3A_152 = tpu.memref_slice %arg5[%add3A_148, %dma_start3A_151] : memref<8192x512xf32, #tpu.memory_space<hbm>> -> memref<64x512xf32, #tpu.memory_space<hbm>>
    tpu.enqueue_dma source(%arg9 : memref<64x512xf32, #tpu.memory_space<vmem>>) target(%dma_start3A_152 : memref<64x512xf32, #tpu.memory_space<hbm>>) target_semaphore(%arg13 : memref<!tpu.dma_semaphore, #tpu.memory_space<semaphore_mem>>)
    %dma_wait3A_153 = arith.constant 0 : i32
    %dma_wait3A_154 = tpu.memref_slice %arg5[%add3A_148, %dma_wait3A_153] : memref<8192x512xf32, #tpu.memory_space<hbm>> -> memref<64x512xf32, #tpu.memory_space<hbm>>
    %dma_wait3A_155 = arith.constant 0 : i32
    %dma_wait3A_156 = tpu.memref_slice %arg5[%add3A_148, %dma_wait3A_155] : memref<8192x512xf32, #tpu.memory_space<hbm>> -> memref<64x512xf32, #tpu.memory_space<hbm>>
    tpu.wait_dma2 semaphore(%arg13 : memref<!tpu.dma_semaphore, #tpu.memory_space<semaphore_mem>>) src(%arg9 : memref<64x512xf32, #tpu.memory_space<vmem>>) dst(%dma_wait3A_156 : memref<64x512xf32, #tpu.memory_space<hbm>>)
    %dma_start3A_157 = arith.constant 3 : i32
    %dma_start3A_158 = arith.constant 0 : i32
    %dma_start3A_159 = tpu.memref_slice %arg6[%dma_start3A_157, %dma_start3A_158] : memref<4x64xi32, #tpu.memory_space<vmem>> -> memref<1x64xi32, #tpu.memory_space<vmem>>
    %dma_start3A_160 = tpu.memref_squeeze %dma_start3A_159 : memref<1x64xi32, #tpu.memory_space<vmem>> -> memref<64xi32, #tpu.memory_space<vmem>>
    %dma_start3A_161 = arith.constant 0 : i32
    %dma_start3A_162 = arith.constant 0 : i32
    %dma_start3A_163 = tpu.memref_slice %arg3[%dma_start3A_161, %dma_start3A_162] : memref<100000x512xf32, #tpu.memory_space<hbm>> -> memref<100000x512xf32, #tpu.memory_space<hbm>>
    tpu.enqueue_indirect_dma source(%dma_start3A_163 : memref<100000x512xf32, #tpu.memory_space<hbm>>) target(%arg9 : memref<64x512xf32, #tpu.memory_space<vmem>>) offsets(%dma_start3A_160 : memref<64xi32, #tpu.memory_space<vmem>>) semaphore(%arg11 : memref<!tpu.dma_semaphore, #tpu.memory_space<semaphore_mem>>)
    %dma_wait3A_164 = arith.constant 2 : i32
    %dma_wait3A_165 = arith.constant 0 : i32
    %dma_wait3A_166 = tpu.memref_slice %arg6[%dma_wait3A_164, %dma_wait3A_165] : memref<4x64xi32, #tpu.memory_space<vmem>> -> memref<1x64xi32, #tpu.memory_space<vmem>>
    %dma_wait3A_167 = tpu.memref_squeeze %dma_wait3A_166 : memref<1x64xi32, #tpu.memory_space<vmem>> -> memref<64xi32, #tpu.memory_space<vmem>>
    %dma_wait3A_168 = arith.constant 0 : i32
    %dma_wait3A_169 = arith.constant 0 : i32
    %dma_wait3A_170 = tpu.memref_slice %arg3[%dma_wait3A_168, %dma_wait3A_169] : memref<100000x512xf32, #tpu.memory_space<hbm>> -> memref<100000x512xf32, #tpu.memory_space<hbm>>
    tpu.wait_indirect_dma semaphore(%arg10 : memref<!tpu.dma_semaphore, #tpu.memory_space<semaphore_mem>>) src(%dma_wait3A_170 : memref<100000x512xf32, #tpu.memory_space<hbm>>) dst(%arg8 : memref<64x512xf32, #tpu.memory_space<vmem>>)
    %scan3A_171 = arith.constant 0 : i32
    %scan3A_172 = arith.constant 0 : i32
    %scan3A_173 = arith.constant 64 : i32
    %scan3A_174 = arith.addi %scan3A_172, %scan3A_173 : i32
    %scan3A_175 = arith.constant 1 : i32
    %scan3A_176 = scf.for %scan3A_212 = %scan3A_172 to %scan3A_174 step %scan3A_175 iter_args(%scan3A_213 = %scan3A_171) -> (i32)  : i32 {
      %get3A = arith.index_cast %scan3A_212 : i32 to index
      %get3A_214 = arith.constant 0 : index
      %get3A_215 = tpu.vector_load %arg8[%get3A, %get3A_214] {strides = array<i32>} : memref<64x512xf32, #tpu.memory_space<vmem>>, vector<1x16xf32>,
      %get3A_216 = vector.shape_cast %get3A_215 : vector<1x16xf32> to vector<16xf32>
      %mul3A_217 = arith.constant 22.6274166 : f32
      %mul3A_218 = vector.broadcast %mul3A_217 : f32 to vector<16xf32>
      %mul3A_219 = arith.mulf %get3A_216, %mul3A_218 : vector<16xf32>
      %get3A_220 = arith.index_cast %scan3A_212 : i32 to index
      %get3A_221 = arith.constant 0 : index
      %get3A_222 = tpu.vector_load %arg7[%get3A_220, %get3A_221] {strides = array<i32>} : memref<64x512xf32, #tpu.memory_space<vmem>>, vector<1x16xf32>,
      %get3A_223 = vector.shape_cast %get3A_222 : vector<1x16xf32> to vector<16xf32>
      %add3A_224 = arith.addf %mul3A_219, %get3A_223 : vector<16xf32>
      %swap3A = arith.index_cast %scan3A_212 : i32 to index
      %swap3A_225 = arith.constant 0 : index
      %swap3A_226 = tpu.vector_load %arg8[%swap3A, %swap3A_225] {strides = array<i32>} : memref<64x512xf32, #tpu.memory_space<vmem>>, vector<1x16xf32>,
      %swap3A_227 = vector.shape_cast %swap3A_226 : vector<1x16xf32> to vector<16xf32>
      %swap3A_228 = vector.shape_cast %add3A_224 : vector<16xf32> to vector<1x16xf32>
      tpu.vector_store %arg8[%swap3A, %swap3A_225], %swap3A_228 {strides = array<i32>} : memref<64x512xf32, #tpu.memory_space<vmem>>, vector<1x16xf32>,
      %get3A_229 = arith.index_cast %scan3A_212 : i32 to index
      %get3A_230 = arith.constant 16 : index
      %get3A_231 = tpu.vector_load %arg8[%get3A_229, %get3A_230] {strides = array<i32>} : memref<64x512xf32, #tpu.memory_space<vmem>>, vector<1x16xf32>,
      %get3A_232 = vector.shape_cast %get3A_231 : vector<1x16xf32> to vector<16xf32>
      %mul3A_233 = arith.constant 22.6274166 : f32
      %mul3A_234 = vector.broadcast %mul3A_233 : f32 to vector<16xf32>
      %mul3A_235 = arith.mulf %get3A_232, %mul3A_234 : vector<16xf32>
      %get3A_236 = arith.index_cast %scan3A_212 : i32 to index
      %get3A_237 = arith.constant 16 : index
      %get3A_238 = tpu.vector_load %arg7[%get3A_236, %get3A_237] {strides = array<i32>} : memref<64x512xf32, #tpu.memory_space<vmem>>, vector<1x16xf32>,
      %get3A_239 = vector.shape_cast %get3A_238 : vector<1x16xf32> to vector<16xf32>
      %add3A_240 = arith.addf %mul3A_235, %get3A_239 : vector<16xf32>
      %swap3A_241 = arith.index_cast %scan3A_212 : i32 to index
      %swap3A_242 = arith.constant 16 : index
      %swap3A_243 = tpu.vector_load %arg8[%swap3A_241, %swap3A_242] {strides = array<i32>} : memref<64x512xf32, #tpu.memory_space<vmem>>, vector<1x16xf32>,
      %swap3A_244 = vector.shape_cast %swap3A_243 : vector<1x16xf32> to vector<16xf32>
      %swap3A_245 = vector.shape_cast %add3A_240 : vector<16xf32> to vector<1x16xf32>
      tpu.vector_store %arg8[%swap3A_241, %swap3A_242], %swap3A_245 {strides = array<i32>} : memref<64x512xf32, #tpu.memory_space<vmem>>, vector<1x16xf32>,
      %get3A_246 = arith.index_cast %scan3A_212 : i32 to index
      %get3A_247 = arith.constant 32 : index
      %get3A_248 = tpu.vector_load %arg8[%get3A_246, %get3A_247] {strides = array<i32>} : memref<64x512xf32, #tpu.memory_space<vmem>>, vector<1x16xf32>,
      %get3A_249 = vector.shape_cast %get3A_248 : vector<1x16xf32> to vector<16xf32>
      %mul3A_250 = arith.constant 22.6274166 : f32
      %mul3A_251 = vector.broadcast %mul3A_250 : f32 to vector<16xf32>
      %mul3A_252 = arith.mulf %get3A_249, %mul3A_251 : vector<16xf32>
      %get3A_253 = arith.index_cast %scan3A_212 : i32 to index
      %get3A_254 = arith.constant 32 : index
      %get3A_255 = tpu.vector_load %arg7[%get3A_253, %get3A_254] {strides = array<i32>} : memref<64x512xf32, #tpu.memory_space<vmem>>, vector<1x16xf32>,
      %get3A_256 = vector.shape_cast %get3A_255 : vector<1x16xf32> to vector<16xf32>
      %add3A_257 = arith.addf %mul3A_252, %get3A_256 : vector<16xf32>
      %swap3A_258 = arith.index_cast %scan3A_212 : i32 to index
      %swap3A_259 = arith.constant 32 : index
      %swap3A_260 = tpu.vector_load %arg8[%swap3A_258, %swap3A_259] {strides = array<i32>} : memref<64x512xf32, #tpu.memory_space<vmem>>, vector<1x16xf32>,
      %swap3A_261 = vector.shape_cast %swap3A_260 : vector<1x16xf32> to vector<16xf32>
      %swap3A_262 = vector.shape_cast %add3A_257 : vector<16xf32> to vector<1x16xf32>
      tpu.vector_store %arg8[%swap3A_258, %swap3A_259], %swap3A_262 {strides = array<i32>} : memref<64x512xf32, #tpu.memory_space<vmem>>, vector<1x16xf32>,
      %get3A_263 = arith.index_cast %scan3A_212 : i32 to index
      %get3A_264 = arith.constant 48 : index
      %get3A_265 = tpu.vector_load %arg8[%get3A_263, %get3A_264] {strides = array<i32>} : memref<64x512xf32, #tpu.memory_space<vmem>>, vector<1x16xf32>,
      %get3A_266 = vector.shape_cast %get3A_265 : vector<1x16xf32> to vector<16xf32>
      %mul3A_267 = arith.constant 22.6274166 : f32
      %mul3A_268 = vector.broadcast %mul3A_267 : f32 to vector<16xf32>
      %mul3A_269 = arith.mulf %get3A_266, %mul3A_268 : vector<16xf32>
      %get3A_270 = arith.index_cast %scan3A_212 : i32 to index
      %get3A_271 = arith.constant 48 : index
      %get3A_272 = tpu.vector_load %arg7[%get3A_270, %get3A_271] {strides = array<i32>} : memref<64x512xf32, #tpu.memory_space<vmem>>, vector<1x16xf32>,
      %get3A_273 = vector.shape_cast %get3A_272 : vector<1x16xf32> to vector<16xf32>
      %add3A_274 = arith.addf %mul3A_269, %get3A_273 : vector<16xf32>
      %swap3A_275 = arith.index_cast %scan3A_212 : i32 to index
      %swap3A_276 = arith.constant 48 : index
      %swap3A_277 = tpu.vector_load %arg8[%swap3A_275, %swap3A_276] {strides = array<i32>} : memref<64x512xf32, #tpu.memory_space<vmem>>, vector<1x16xf32>,
      %swap3A_278 = vector.shape_cast %swap3A_277 : vector<1x16xf32> to vector<16xf32>
      %swap3A_279 = vector.shape_cast %add3A_274 : vector<16xf32> to vector<1x16xf32>
      tpu.vector_store %arg8[%swap3A_275, %swap3A_276], %swap3A_279 {strides = array<i32>} : memref<64x512xf32, #tpu.memory_space<vmem>>, vector<1x16xf32>,
      %get3A_280 = arith.index_cast %scan3A_212 : i32 to index
      %get3A_281 = arith.constant 64 : index
      %get3A_282 = tpu.vector_load %arg8[%get3A_280, %get3A_281] {strides = array<i32>} : memref<64x512xf32, #tpu.memory_space<vmem>>, vector<1x16xf32>,
      %get3A_283 = vector.shape_cast %get3A_282 : vector<1x16xf32> to vector<16xf32>
      %mul3A_284 = arith.constant 22.6274166 : f32
      %mul3A_285 = vector.broadcast %mul3A_284 : f32 to vector<16xf32>
      %mul3A_286 = arith.mulf %get3A_283, %mul3A_285 : vector<16xf32>
      %get3A_287 = arith.index_cast %scan3A_212 : i32 to index
      %get3A_288 = arith.constant 64 : index
      %get3A_289 = tpu.vector_load %arg7[%get3A_287, %get3A_288] {strides = array<i32>} : memref<64x512xf32, #tpu.memory_space<vmem>>, vector<1x16xf32>,
      %get3A_290 = vector.shape_cast %get3A_289 : vector<1x16xf32> to vector<16xf32>
      %add3A_291 = arith.addf %mul3A_286, %get3A_290 : vector<16xf32>
      %swap3A_292 = arith.index_cast %scan3A_212 : i32 to index
      %swap3A_293 = arith.constant 64 : index
      %swap3A_294 = tpu.vector_load %arg8[%swap3A_292, %swap3A_293] {strides = array<i32>} : memref<64x512xf32, #tpu.memory_space<vmem>>, vector<1x16xf32>,
      %swap3A_295 = vector.shape_cast %swap3A_294 : vector<1x16xf32> to vector<16xf32>
      %swap3A_296 = vector.shape_cast %add3A_291 : vector<16xf32> to vector<1x16xf32>
      tpu.vector_store %arg8[%swap3A_292, %swap3A_293], %swap3A_296 {strides = array<i32>} : memref<64x512xf32, #tpu.memory_space<vmem>>, vector<1x16xf32>,
      %get3A_297 = arith.index_cast %scan3A_212 : i32 to index
      %get3A_298 = arith.constant 80 : index
      %get3A_299 = tpu.vector_load %arg8[%get3A_297, %get3A_298] {strides = array<i32>} : memref<64x512xf32, #tpu.memory_space<vmem>>, vector<1x16xf32>,
      %get3A_300 = vector.shape_cast %get3A_299 : vector<1x16xf32> to vector<16xf32>
      %mul3A_301 = arith.constant 22.6274166 : f32
      %mul3A_302 = vector.broadcast %mul3A_301 : f32 to vector<16xf32>
      %mul3A_303 = arith.mulf %get3A_300, %mul3A_302 : vector<16xf32>
      %get3A_304 = arith.index_cast %scan3A_212 : i32 to index
      %get3A_305 = arith.constant 80 : index
      %get3A_306 = tpu.vector_load %arg7[%get3A_304, %get3A_305] {strides = array<i32>} : memref<64x512xf32, #tpu.memory_space<vmem>>, vector<1x16xf32>,
      %get3A_307 = vector.shape_cast %get3A_306 : vector<1x16xf32> to vector<16xf32>
      %add3A_308 = arith.addf %mul3A_303, %get3A_307 : vector<16xf32>
      %swap3A_309 = arith.index_cast %scan3A_212 : i32 to index
      %swap3A_310 = arith.constant 80 : index
      %swap3A_311 = tpu.vector_load %arg8[%swap3A_309, %swap3A_310] {strides = array<i32>} : memref<64x512xf32, #tpu.memory_space<vmem>>, vector<1x16xf32>,
      %swap3A_312 = vector.shape_cast %swap3A_311 : vector<1x16xf32> to vector<16xf32>
      %swap3A_313 = vector.shape_cast %add3A_308 : vector<16xf32> to vector<1x16xf32>
      tpu.vector_store %arg8[%swap3A_309, %swap3A_310], %swap3A_313 {strides = array<i32>} : memref<64x512xf32, #tpu.memory_space<vmem>>, vector<1x16xf32>,
      %get3A_314 = arith.index_cast %scan3A_212 : i32 to index
      %get3A_315 = arith.constant 96 : index
      %get3A_316 = tpu.vector_load %arg8[%get3A_314, %get3A_315] {strides = array<i32>} : memref<64x512xf32, #tpu.memory_space<vmem>>, vector<1x16xf32>,
      %get3A_317 = vector.shape_cast %get3A_316 : vector<1x16xf32> to vector<16xf32>
      %mul3A_318 = arith.constant 22.6274166 : f32
      %mul3A_319 = vector.broadcast %mul3A_318 : f32 to vector<16xf32>
      %mul3A_320 = arith.mulf %get3A_317, %mul3A_319 : vector<16xf32>
      %get3A_321 = arith.index_cast %scan3A_212 : i32 to index
      %get3A_322 = arith.constant 96 : index
      %get3A_323 = tpu.vector_load %arg7[%get3A_321, %get3A_322] {strides = array<i32>} : memref<64x512xf32, #tpu.memory_space<vmem>>, vector<1x16xf32>,
      %get3A_324 = vector.shape_cast %get3A_323 : vector<1x16xf32> to vector<16xf32>
      %add3A_325 = arith.addf %mul3A_320, %get3A_324 : vector<16xf32>
      %swap3A_326 = arith.index_cast %scan3A_212 : i32 to index
      %swap3A_327 = arith.constant 96 : index
      %swap3A_328 = tpu.vector_load %arg8[%swap3A_326, %swap3A_327] {strides = array<i32>} : memref<64x512xf32, #tpu.memory_space<vmem>>, vector<1x16xf32>,
      %swap3A_329 = vector.shape_cast %swap3A_328 : vector<1x16xf32> to vector<16xf32>
      %swap3A_330 = vector.shape_cast %add3A_325 : vector<16xf32> to vector<1x16xf32>
      tpu.vector_store %arg8[%swap3A_326, %swap3A_327], %swap3A_330 {strides = array<i32>} : memref<64x512xf32, #tpu.memory_space<vmem>>, vector<1x16xf32>,
      %get3A_331 = arith.index_cast %scan3A_212 : i32 to index
      %get3A_332 = arith.constant 112 : index
      %get3A_333 = tpu.vector_load %arg8[%get3A_331, %get3A_332] {strides = array<i32>} : memref<64x512xf32, #tpu.memory_space<vmem>>, vector<1x16xf32>,
      %get3A_334 = vector.shape_cast %get3A_333 : vector<1x16xf32> to vector<16xf32>
      %mul3A_335 = arith.constant 22.6274166 : f32
      %mul3A_336 = vector.broadcast %mul3A_335 : f32 to vector<16xf32>
      %mul3A_337 = arith.mulf %get3A_334, %mul3A_336 : vector<16xf32>
      %get3A_338 = arith.index_cast %scan3A_212 : i32 to index
      %get3A_339 = arith.constant 112 : index
      %get3A_340 = tpu.vector_load %arg7[%get3A_338, %get3A_339] {strides = array<i32>} : memref<64x512xf32, #tpu.memory_space<vmem>>, vector<1x16xf32>,
      %get3A_341 = vector.shape_cast %get3A_340 : vector<1x16xf32> to vector<16xf32>
      %add3A_342 = arith.addf %mul3A_337, %get3A_341 : vector<16xf32>
      %swap3A_343 = arith.index_cast %scan3A_212 : i32 to index
      %swap3A_344 = arith.constant 112 : index
      %swap3A_345 = tpu.vector_load %arg8[%swap3A_343, %swap3A_344] {strides = array<i32>} : memref<64x512xf32, #tpu.memory_space<vmem>>, vector<1x16xf32>,
      %swap3A_346 = vector.shape_cast %swap3A_345 : vector<1x16xf32> to vector<16xf32>
      %swap3A_347 = vector.shape_cast %add3A_342 : vector<16xf32> to vector<1x16xf32>
      tpu.vector_store %arg8[%swap3A_343, %swap3A_344], %swap3A_347 {strides = array<i32>} : memref<64x512xf32, #tpu.memory_space<vmem>>, vector<1x16xf32>,
      %get3A_348 = arith.index_cast %scan3A_212 : i32 to index
      %get3A_349 = arith.constant 128 : index
      %get3A_350 = tpu.vector_load %arg8[%get3A_348, %get3A_349] {strides = array<i32>} : memref<64x512xf32, #tpu.memory_space<vmem>>, vector<1x16xf32>,
      %get3A_351 = vector.shape_cast %get3A_350 : vector<1x16xf32> to vector<16xf32>
      %mul3A_352 = arith.constant 22.6274166 : f32
      %mul3A_353 = vector.broadcast %mul3A_352 : f32 to vector<16xf32>
      %mul3A_354 = arith.mulf %get3A_351, %mul3A_353 : vector<16xf32>
      %get3A_355 = arith.index_cast %scan3A_212 : i32 to index
      %get3A_356 = arith.constant 128 : index
      %get3A_357 = tpu.vector_load %arg7[%get3A_355, %get3A_356] {strides = array<i32>} : memref<64x512xf32, #tpu.memory_space<vmem>>, vector<1x16xf32>,
      %get3A_358 = vector.shape_cast %get3A_357 : vector<1x16xf32> to vector<16xf32>
      %add3A_359 = arith.addf %mul3A_354, %get3A_358 : vector<16xf32>
      %swap3A_360 = arith.index_cast %scan3A_212 : i32 to index
      %swap3A_361 = arith.constant 128 : index
      %swap3A_362 = tpu.vector_load %arg8[%swap3A_360, %swap3A_361] {strides = array<i32>} : memref<64x512xf32, #tpu.memory_space<vmem>>, vector<1x16xf32>,
      %swap3A_363 = vector.shape_cast %swap3A_362 : vector<1x16xf32> to vector<16xf32>
      %swap3A_364 = vector.shape_cast %add3A_359 : vector<16xf32> to vector<1x16xf32>
      tpu.vector_store %arg8[%swap3A_360, %swap3A_361], %swap3A_364 {strides = array<i32>} : memref<64x512xf32, #tpu.memory_space<vmem>>, vector<1x16xf32>,
      %get3A_365 = arith.index_cast %scan3A_212 : i32 to index
      %get3A_366 = arith.constant 144 : index
      %get3A_367 = tpu.vector_load %arg8[%get3A_365, %get3A_366] {strides = array<i32>} : memref<64x512xf32, #tpu.memory_space<vmem>>, vector<1x16xf32>,
      %get3A_368 = vector.shape_cast %get3A_367 : vector<1x16xf32> to vector<16xf32>
      %mul3A_369 = arith.constant 22.6274166 : f32
      %mul3A_370 = vector.broadcast %mul3A_369 : f32 to vector<16xf32>
      %mul3A_371 = arith.mulf %get3A_368, %mul3A_370 : vector<16xf32>
      %get3A_372 = arith.index_cast %scan3A_212 : i32 to index
      %get3A_373 = arith.constant 144 : index
      %get3A_374 = tpu.vector_load %arg7[%get3A_372, %get3A_373] {strides = array<i32>} : memref<64x512xf32, #tpu.memory_space<vmem>>, vector<1x16xf32>,
      %get3A_375 = vector.shape_cast %get3A_374 : vector<1x16xf32> to vector<16xf32>
      %add3A_376 = arith.addf %mul3A_371, %get3A_375 : vector<16xf32>
      %swap3A_377 = arith.index_cast %scan3A_212 : i32 to index
      %swap3A_378 = arith.constant 144 : index
      %swap3A_379 = tpu.vector_load %arg8[%swap3A_377, %swap3A_378] {strides = array<i32>} : memref<64x512xf32, #tpu.memory_space<vmem>>, vector<1x16xf32>,
      %swap3A_380 = vector.shape_cast %swap3A_379 : vector<1x16xf32> to vector<16xf32>
      %swap3A_381 = vector.shape_cast %add3A_376 : vector<16xf32> to vector<1x16xf32>
      tpu.vector_store %arg8[%swap3A_377, %swap3A_378], %swap3A_381 {strides = array<i32>} : memref<64x512xf32, #tpu.memory_space<vmem>>, vector<1x16xf32>,
      %get3A_382 = arith.index_cast %scan3A_212 : i32 to index
      %get3A_383 = arith.constant 160 : index
      %get3A_384 = tpu.vector_load %arg8[%get3A_382, %get3A_383] {strides = array<i32>} : memref<64x512xf32, #tpu.memory_space<vmem>>, vector<1x16xf32>,
      %get3A_385 = vector.shape_cast %get3A_384 : vector<1x16xf32> to vector<16xf32>
      %mul3A_386 = arith.constant 22.6274166 : f32
      %mul3A_387 = vector.broadcast %mul3A_386 : f32 to vector<16xf32>
      %mul3A_388 = arith.mulf %get3A_385, %mul3A_387 : vector<16xf32>
      %get3A_389 = arith.index_cast %scan3A_212 : i32 to index
      %get3A_390 = arith.constant 160 : index
      %get3A_391 = tpu.vector_load %arg7[%get3A_389, %get3A_390] {strides = array<i32>} : memref<64x512xf32, #tpu.memory_space<vmem>>, vector<1x16xf32>,
      %get3A_392 = vector.shape_cast %get3A_391 : vector<1x16xf32> to vector<16xf32>
      %add3A_393 = arith.addf %mul3A_388, %get3A_392 : vector<16xf32>
      %swap3A_394 = arith.index_cast %scan3A_212 : i32 to index
      %swap3A_395 = arith.constant 160 : index
      %swap3A_396 = tpu.vector_load %arg8[%swap3A_394, %swap3A_395] {strides = array<i32>} : memref<64x512xf32, #tpu.memory_space<vmem>>, vector<1x16xf32>,
      %swap3A_397 = vector.shape_cast %swap3A_396 : vector<1x16xf32> to vector<16xf32>
      %swap3A_398 = vector.shape_cast %add3A_393 : vector<16xf32> to vector<1x16xf32>
      tpu.vector_store %arg8[%swap3A_394, %swap3A_395], %swap3A_398 {strides = array<i32>} : memref<64x512xf32, #tpu.memory_space<vmem>>, vector<1x16xf32>,
      %get3A_399 = arith.index_cast %scan3A_212 : i32 to index
      %get3A_400 = arith.constant 176 : index
      %get3A_401 = tpu.vector_load %arg8[%get3A_399, %get3A_400] {strides = array<i32>} : memref<64x512xf32, #tpu.memory_space<vmem>>, vector<1x16xf32>,
      %get3A_402 = vector.shape_cast %get3A_401 : vector<1x16xf32> to vector<16xf32>
      %mul3A_403 = arith.constant 22.6274166 : f32
      %mul3A_404 = vector.broadcast %mul3A_403 : f32 to vector<16xf32>
      %mul3A_405 = arith.mulf %get3A_402, %mul3A_404 : vector<16xf32>
      %get3A_406 = arith.index_cast %scan3A_212 : i32 to index
      %get3A_407 = arith.constant 176 : index
      %get3A_408 = tpu.vector_load %arg7[%get3A_406, %get3A_407] {strides = array<i32>} : memref<64x512xf32, #tpu.memory_space<vmem>>, vector<1x16xf32>,
      %get3A_409 = vector.shape_cast %get3A_408 : vector<1x16xf32> to vector<16xf32>
      %add3A_410 = arith.addf %mul3A_405, %get3A_409 : vector<16xf32>
      %swap3A_411 = arith.index_cast %scan3A_212 : i32 to index
      %swap3A_412 = arith.constant 176 : index
      %swap3A_413 = tpu.vector_load %arg8[%swap3A_411, %swap3A_412] {strides = array<i32>} : memref<64x512xf32, #tpu.memory_space<vmem>>, vector<1x16xf32>,
      %swap3A_414 = vector.shape_cast %swap3A_413 : vector<1x16xf32> to vector<16xf32>
      %swap3A_415 = vector.shape_cast %add3A_410 : vector<16xf32> to vector<1x16xf32>
      tpu.vector_store %arg8[%swap3A_411, %swap3A_412], %swap3A_415 {strides = array<i32>} : memref<64x512xf32, #tpu.memory_space<vmem>>, vector<1x16xf32>,
      %get3A_416 = arith.index_cast %scan3A_212 : i32 to index
      %get3A_417 = arith.constant 192 : index
      %get3A_418 = tpu.vector_load %arg8[%get3A_416, %get3A_417] {strides = array<i32>} : memref<64x512xf32, #tpu.memory_space<vmem>>, vector<1x16xf32>,
      %get3A_419 = vector.shape_cast %get3A_418 : vector<1x16xf32> to vector<16xf32>
      %mul3A_420 = arith.constant 22.6274166 : f32
      %mul3A_421 = vector.broadcast %mul3A_420 : f32 to vector<16xf32>
      %mul3A_422 = arith.mulf %get3A_419, %mul3A_421 : vector<16xf32>
      %get3A_423 = arith.index_cast %scan3A_212 : i32 to index
      %get3A_424 = arith.constant 192 : index
      %get3A_425 = tpu.vector_load %arg7[%get3A_423, %get3A_424] {strides = array<i32>} : memref<64x512xf32, #tpu.memory_space<vmem>>, vector<1x16xf32>,
      %get3A_426 = vector.shape_cast %get3A_425 : vector<1x16xf32> to vector<16xf32>
      %add3A_427 = arith.addf %mul3A_422, %get3A_426 : vector<16xf32>
      %swap3A_428 = arith.index_cast %scan3A_212 : i32 to index
      %swap3A_429 = arith.constant 192 : index
      %swap3A_430 = tpu.vector_load %arg8[%swap3A_428, %swap3A_429] {strides = array<i32>} : memref<64x512xf32, #tpu.memory_space<vmem>>, vector<1x16xf32>,
      %swap3A_431 = vector.shape_cast %swap3A_430 : vector<1x16xf32> to vector<16xf32>
      %swap3A_432 = vector.shape_cast %add3A_427 : vector<16xf32> to vector<1x16xf32>
      tpu.vector_store %arg8[%swap3A_428, %swap3A_429], %swap3A_432 {strides = array<i32>} : memref<64x512xf32, #tpu.memory_space<vmem>>, vector<1x16xf32>,
      %get3A_433 = arith.index_cast %scan3A_212 : i32 to index
      %get3A_434 = arith.constant 208 : index
      %get3A_435 = tpu.vector_load %arg8[%get3A_433, %get3A_434] {strides = array<i32>} : memref<64x512xf32, #tpu.memory_space<vmem>>, vector<1x16xf32>,
      %get3A_436 = vector.shape_cast %get3A_435 : vector<1x16xf32> to vector<16xf32>
      %mul3A_437 = arith.constant 22.6274166 : f32
      %mul3A_438 = vector.broadcast %mul3A_437 : f32 to vector<16xf32>
      %mul3A_439 = arith.mulf %get3A_436, %mul3A_438 : vector<16xf32>
      %get3A_440 = arith.index_cast %scan3A_212 : i32 to index
      %get3A_441 = arith.constant 208 : index
      %get3A_442 = tpu.vector_load %arg7[%get3A_440, %get3A_441] {strides = array<i32>} : memref<64x512xf32, #tpu.memory_space<vmem>>, vector<1x16xf32>,
      %get3A_443 = vector.shape_cast %get3A_442 : vector<1x16xf32> to vector<16xf32>
      %add3A_444 = arith.addf %mul3A_439, %get3A_443 : vector<16xf32>
      %swap3A_445 = arith.index_cast %scan3A_212 : i32 to index
      %swap3A_446 = arith.constant 208 : index
      %swap3A_447 = tpu.vector_load %arg8[%swap3A_445, %swap3A_446] {strides = array<i32>} : memref<64x512xf32, #tpu.memory_space<vmem>>, vector<1x16xf32>,
      %swap3A_448 = vector.shape_cast %swap3A_447 : vector<1x16xf32> to vector<16xf32>
      %swap3A_449 = vector.shape_cast %add3A_444 : vector<16xf32> to vector<1x16xf32>
      tpu.vector_store %arg8[%swap3A_445, %swap3A_446], %swap3A_449 {strides = array<i32>} : memref<64x512xf32, #tpu.memory_space<vmem>>, vector<1x16xf32>,
      %get3A_450 = arith.index_cast %scan3A_212 : i32 to index
      %get3A_451 = arith.constant 224 : index
      %get3A_452 = tpu.vector_load %arg8[%get3A_450, %get3A_451] {strides = array<i32>} : memref<64x512xf32, #tpu.memory_space<vmem>>, vector<1x16xf32>,
      %get3A_453 = vector.shape_cast %get3A_452 : vector<1x16xf32> to vector<16xf32>
      %mul3A_454 = arith.constant 22.6274166 : f32
      %mul3A_455 = vector.broadcast %mul3A_454 : f32 to vector<16xf32>
      %mul3A_456 = arith.mulf %get3A_453, %mul3A_455 : vector<16xf32>
      %get3A_457 = arith.index_cast %scan3A_212 : i32 to index
      %get3A_458 = arith.constant 224 : index
      %get3A_459 = tpu.vector_load %arg7[%get3A_457, %get3A_458] {strides = array<i32>} : memref<64x512xf32, #tpu.memory_space<vmem>>, vector<1x16xf32>,
      %get3A_460 = vector.shape_cast %get3A_459 : vector<1x16xf32> to vector<16xf32>
      %add3A_461 = arith.addf %mul3A_456, %get3A_460 : vector<16xf32>
      %swap3A_462 = arith.index_cast %scan3A_212 : i32 to index
      %swap3A_463 = arith.constant 224 : index
      %swap3A_464 = tpu.vector_load %arg8[%swap3A_462, %swap3A_463] {strides = array<i32>} : memref<64x512xf32, #tpu.memory_space<vmem>>, vector<1x16xf32>,
      %swap3A_465 = vector.shape_cast %swap3A_464 : vector<1x16xf32> to vector<16xf32>
      %swap3A_466 = vector.shape_cast %add3A_461 : vector<16xf32> to vector<1x16xf32>
      tpu.vector_store %arg8[%swap3A_462, %swap3A_463], %swap3A_466 {strides = array<i32>} : memref<64x512xf32, #tpu.memory_space<vmem>>, vector<1x16xf32>,
      %get3A_467 = arith.index_cast %scan3A_212 : i32 to index
      %get3A_468 = arith.constant 240 : index
      %get3A_469 = tpu.vector_load %arg8[%get3A_467, %get3A_468] {strides = array<i32>} : memref<64x512xf32, #tpu.memory_space<vmem>>, vector<1x16xf32>,
      %get3A_470 = vector.shape_cast %get3A_469 : vector<1x16xf32> to vector<16xf32>
      %mul3A_471 = arith.constant 22.6274166 : f32
      %mul3A_472 = vector.broadcast %mul3A_471 : f32 to vector<16xf32>
      %mul3A_473 = arith.mulf %get3A_470, %mul3A_472 : vector<16xf32>
      %get3A_474 = arith.index_cast %scan3A_212 : i32 to index
      %get3A_475 = arith.constant 240 : index
      %get3A_476 = tpu.vector_load %arg7[%get3A_474, %get3A_475] {strides = array<i32>} : memref<64x512xf32, #tpu.memory_space<vmem>>, vector<1x16xf32>,
      %get3A_477 = vector.shape_cast %get3A_476 : vector<1x16xf32> to vector<16xf32>
      %add3A_478 = arith.addf %mul3A_473, %get3A_477 : vector<16xf32>
      %swap3A_479 = arith.index_cast %scan3A_212 : i32 to index
      %swap3A_480 = arith.constant 240 : index
      %swap3A_481 = tpu.vector_load %arg8[%swap3A_479, %swap3A_480] {strides = array<i32>} : memref<64x512xf32, #tpu.memory_space<vmem>>, vector<1x16xf32>,
      %swap3A_482 = vector.shape_cast %swap3A_481 : vector<1x16xf32> to vector<16xf32>
      %swap3A_483 = vector.shape_cast %add3A_478 : vector<16xf32> to vector<1x16xf32>
      tpu.vector_store %arg8[%swap3A_479, %swap3A_480], %swap3A_483 {strides = array<i32>} : memref<64x512xf32, #tpu.memory_space<vmem>>, vector<1x16xf32>,
      %get3A_484 = arith.index_cast %scan3A_212 : i32 to index
      %get3A_485 = arith.constant 256 : index
      %get3A_486 = tpu.vector_load %arg8[%get3A_484, %get3A_485] {strides = array<i32>} : memref<64x512xf32, #tpu.memory_space<vmem>>, vector<1x16xf32>,
      %get3A_487 = vector.shape_cast %get3A_486 : vector<1x16xf32> to vector<16xf32>
      %mul3A_488 = arith.constant 22.6274166 : f32
      %mul3A_489 = vector.broadcast %mul3A_488 : f32 to vector<16xf32>
      %mul3A_490 = arith.mulf %get3A_487, %mul3A_489 : vector<16xf32>
      %get3A_491 = arith.index_cast %scan3A_212 : i32 to index
      %get3A_492 = arith.constant 256 : index
      %get3A_493 = tpu.vector_load %arg7[%get3A_491, %get3A_492] {strides = array<i32>} : memref<64x512xf32, #tpu.memory_space<vmem>>, vector<1x16xf32>,
      %get3A_494 = vector.shape_cast %get3A_493 : vector<1x16xf32> to vector<16xf32>
      %add3A_495 = arith.addf %mul3A_490, %get3A_494 : vector<16xf32>
      %swap3A_496 = arith.index_cast %scan3A_212 : i32 to index
      %swap3A_497 = arith.constant 256 : index
      %swap3A_498 = tpu.vector_load %arg8[%swap3A_496, %swap3A_497] {strides = array<i32>} : memref<64x512xf32, #tpu.memory_space<vmem>>, vector<1x16xf32>,
      %swap3A_499 = vector.shape_cast %swap3A_498 : vector<1x16xf32> to vector<16xf32>
      %swap3A_500 = vector.shape_cast %add3A_495 : vector<16xf32> to vector<1x16xf32>
      tpu.vector_store %arg8[%swap3A_496, %swap3A_497], %swap3A_500 {strides = array<i32>} : memref<64x512xf32, #tpu.memory_space<vmem>>, vector<1x16xf32>,
      %get3A_501 = arith.index_cast %scan3A_212 : i32 to index
      %get3A_502 = arith.constant 272 : index
      %get3A_503 = tpu.vector_load %arg8[%get3A_501, %get3A_502] {strides = array<i32>} : memref<64x512xf32, #tpu.memory_space<vmem>>, vector<1x16xf32>,
      %get3A_504 = vector.shape_cast %get3A_503 : vector<1x16xf32> to vector<16xf32>
      %mul3A_505 = arith.constant 22.6274166 : f32
      %mul3A_506 = vector.broadcast %mul3A_505 : f32 to vector<16xf32>
      %mul3A_507 = arith.mulf %get3A_504, %mul3A_506 : vector<16xf32>
      %get3A_508 = arith.index_cast %scan3A_212 : i32 to index
      %get3A_509 = arith.constant 272 : index
      %get3A_510 = tpu.vector_load %arg7[%get3A_508, %get3A_509] {strides = array<i32>} : memref<64x512xf32, #tpu.memory_space<vmem>>, vector<1x16xf32>,
      %get3A_511 = vector.shape_cast %get3A_510 : vector<1x16xf32> to vector<16xf32>
      %add3A_512 = arith.addf %mul3A_507, %get3A_511 : vector<16xf32>
      %swap3A_513 = arith.index_cast %scan3A_212 : i32 to index
      %swap3A_514 = arith.constant 272 : index
      %swap3A_515 = tpu.vector_load %arg8[%swap3A_513, %swap3A_514] {strides = array<i32>} : memref<64x512xf32, #tpu.memory_space<vmem>>, vector<1x16xf32>,
      %swap3A_516 = vector.shape_cast %swap3A_515 : vector<1x16xf32> to vector<16xf32>
      %swap3A_517 = vector.shape_cast %add3A_512 : vector<16xf32> to vector<1x16xf32>
      tpu.vector_store %arg8[%swap3A_513, %swap3A_514], %swap3A_517 {strides = array<i32>} : memref<64x512xf32, #tpu.memory_space<vmem>>, vector<1x16xf32>,
      %get3A_518 = arith.index_cast %scan3A_212 : i32 to index
      %get3A_519 = arith.constant 288 : index
      %get3A_520 = tpu.vector_load %arg8[%get3A_518, %get3A_519] {strides = array<i32>} : memref<64x512xf32, #tpu.memory_space<vmem>>, vector<1x16xf32>,
      %get3A_521 = vector.shape_cast %get3A_520 : vector<1x16xf32> to vector<16xf32>
      %mul3A_522 = arith.constant 22.6274166 : f32
      %mul3A_523 = vector.broadcast %mul3A_522 : f32 to vector<16xf32>
      %mul3A_524 = arith.mulf %get3A_521, %mul3A_523 : vector<16xf32>
      %get3A_525 = arith.index_cast %scan3A_212 : i32 to index
      %get3A_526 = arith.constant 288 : index
      %get3A_527 = tpu.vector_load %arg7[%get3A_525, %get3A_526] {strides = array<i32>} : memref<64x512xf32, #tpu.memory_space<vmem>>, vector<1x16xf32>,
      %get3A_528 = vector.shape_cast %get3A_527 : vector<1x16xf32> to vector<16xf32>
      %add3A_529 = arith.addf %mul3A_524, %get3A_528 : vector<16xf32>
      %swap3A_530 = arith.index_cast %scan3A_212 : i32 to index
      %swap3A_531 = arith.constant 288 : index
      %swap3A_532 = tpu.vector_load %arg8[%swap3A_530, %swap3A_531] {strides = array<i32>} : memref<64x512xf32, #tpu.memory_space<vmem>>, vector<1x16xf32>,
      %swap3A_533 = vector.shape_cast %swap3A_532 : vector<1x16xf32> to vector<16xf32>
      %swap3A_534 = vector.shape_cast %add3A_529 : vector<16xf32> to vector<1x16xf32>
      tpu.vector_store %arg8[%swap3A_530, %swap3A_531], %swap3A_534 {strides = array<i32>} : memref<64x512xf32, #tpu.memory_space<vmem>>, vector<1x16xf32>,
      %get3A_535 = arith.index_cast %scan3A_212 : i32 to index
      %get3A_536 = arith.constant 304 : index
      %get3A_537 = tpu.vector_load %arg8[%get3A_535, %get3A_536] {strides = array<i32>} : memref<64x512xf32, #tpu.memory_space<vmem>>, vector<1x16xf32>,
      %get3A_538 = vector.shape_cast %get3A_537 : vector<1x16xf32> to vector<16xf32>
      %mul3A_539 = arith.constant 22.6274166 : f32
      %mul3A_540 = vector.broadcast %mul3A_539 : f32 to vector<16xf32>
      %mul3A_541 = arith.mulf %get3A_538, %mul3A_540 : vector<16xf32>
      %get3A_542 = arith.index_cast %scan3A_212 : i32 to index
      %get3A_543 = arith.constant 304 : index
      %get3A_544 = tpu.vector_load %arg7[%get3A_542, %get3A_543] {strides = array<i32>} : memref<64x512xf32, #tpu.memory_space<vmem>>, vector<1x16xf32>,
      %get3A_545 = vector.shape_cast %get3A_544 : vector<1x16xf32> to vector<16xf32>
      %add3A_546 = arith.addf %mul3A_541, %get3A_545 : vector<16xf32>
      %swap3A_547 = arith.index_cast %scan3A_212 : i32 to index
      %swap3A_548 = arith.constant 304 : index
      %swap3A_549 = tpu.vector_load %arg8[%swap3A_547, %swap3A_548] {strides = array<i32>} : memref<64x512xf32, #tpu.memory_space<vmem>>, vector<1x16xf32>,
      %swap3A_550 = vector.shape_cast %swap3A_549 : vector<1x16xf32> to vector<16xf32>
      %swap3A_551 = vector.shape_cast %add3A_546 : vector<16xf32> to vector<1x16xf32>
      tpu.vector_store %arg8[%swap3A_547, %swap3A_548], %swap3A_551 {strides = array<i32>} : memref<64x512xf32, #tpu.memory_space<vmem>>, vector<1x16xf32>,
      %get3A_552 = arith.index_cast %scan3A_212 : i32 to index
      %get3A_553 = arith.constant 320 : index
      %get3A_554 = tpu.vector_load %arg8[%get3A_552, %get3A_553] {strides = array<i32>} : memref<64x512xf32, #tpu.memory_space<vmem>>, vector<1x16xf32>,
      %get3A_555 = vector.shape_cast %get3A_554 : vector<1x16xf32> to vector<16xf32>
      %mul3A_556 = arith.constant 22.6274166 : f32
      %mul3A_557 = vector.broadcast %mul3A_556 : f32 to vector<16xf32>
      %mul3A_558 = arith.mulf %get3A_555, %mul3A_557 : vector<16xf32>
      %get3A_559 = arith.index_cast %scan3A_212 : i32 to index
      %get3A_560 = arith.constant 320 : index
      %get3A_561 = tpu.vector_load %arg7[%get3A_559, %get3A_560] {strides = array<i32>} : memref<64x512xf32, #tpu.memory_space<vmem>>, vector<1x16xf32>,
      %get3A_562 = vector.shape_cast %get3A_561 : vector<1x16xf32> to vector<16xf32>
      %add3A_563 = arith.addf %mul3A_558, %get3A_562 : vector<16xf32>
      %swap3A_564 = arith.index_cast %scan3A_212 : i32 to index
      %swap3A_565 = arith.constant 320 : index
      %swap3A_566 = tpu.vector_load %arg8[%swap3A_564, %swap3A_565] {strides = array<i32>} : memref<64x512xf32, #tpu.memory_space<vmem>>, vector<1x16xf32>,
      %swap3A_567 = vector.shape_cast %swap3A_566 : vector<1x16xf32> to vector<16xf32>
      %swap3A_568 = vector.shape_cast %add3A_563 : vector<16xf32> to vector<1x16xf32>
      tpu.vector_store %arg8[%swap3A_564, %swap3A_565], %swap3A_568 {strides = array<i32>} : memref<64x512xf32, #tpu.memory_space<vmem>>, vector<1x16xf32>,
      %get3A_569 = arith.index_cast %scan3A_212 : i32 to index
      %get3A_570 = arith.constant 336 : index
      %get3A_571 = tpu.vector_load %arg8[%get3A_569, %get3A_570] {strides = array<i32>} : memref<64x512xf32, #tpu.memory_space<vmem>>, vector<1x16xf32>,
      %get3A_572 = vector.shape_cast %get3A_571 : vector<1x16xf32> to vector<16xf32>
      %mul3A_573 = arith.constant 22.6274166 : f32
      %mul3A_574 = vector.broadcast %mul3A_573 : f32 to vector<16xf32>
      %mul3A_575 = arith.mulf %get3A_572, %mul3A_574 : vector<16xf32>
      %get3A_576 = arith.index_cast %scan3A_212 : i32 to index
      %get3A_577 = arith.constant 336 : index
      %get3A_578 = tpu.vector_load %arg7[%get3A_576, %get3A_577] {strides = array<i32>} : memref<64x512xf32, #tpu.memory_space<vmem>>, vector<1x16xf32>,
      %get3A_579 = vector.shape_cast %get3A_578 : vector<1x16xf32> to vector<16xf32>
      %add3A_580 = arith.addf %mul3A_575, %get3A_579 : vector<16xf32>
      %swap3A_581 = arith.index_cast %scan3A_212 : i32 to index
      %swap3A_582 = arith.constant 336 : index
      %swap3A_583 = tpu.vector_load %arg8[%swap3A_581, %swap3A_582] {strides = array<i32>} : memref<64x512xf32, #tpu.memory_space<vmem>>, vector<1x16xf32>,
      %swap3A_584 = vector.shape_cast %swap3A_583 : vector<1x16xf32> to vector<16xf32>
      %swap3A_585 = vector.shape_cast %add3A_580 : vector<16xf32> to vector<1x16xf32>
      tpu.vector_store %arg8[%swap3A_581, %swap3A_582], %swap3A_585 {strides = array<i32>} : memref<64x512xf32, #tpu.memory_space<vmem>>, vector<1x16xf32>,
      %get3A_586 = arith.index_cast %scan3A_212 : i32 to index
      %get3A_587 = arith.constant 352 : index
      %get3A_588 = tpu.vector_load %arg8[%get3A_586, %get3A_587] {strides = array<i32>} : memref<64x512xf32, #tpu.memory_space<vmem>>, vector<1x16xf32>,
      %get3A_589 = vector.shape_cast %get3A_588 : vector<1x16xf32> to vector<16xf32>
      %mul3A_590 = arith.constant 22.6274166 : f32
      %mul3A_591 = vector.broadcast %mul3A_590 : f32 to vector<16xf32>
      %mul3A_592 = arith.mulf %get3A_589, %mul3A_591 : vector<16xf32>
      %get3A_593 = arith.index_cast %scan3A_212 : i32 to index
      %get3A_594 = arith.constant 352 : index
      %get3A_595 = tpu.vector_load %arg7[%get3A_593, %get3A_594] {strides = array<i32>} : memref<64x512xf32, #tpu.memory_space<vmem>>, vector<1x16xf32>,
      %get3A_596 = vector.shape_cast %get3A_595 : vector<1x16xf32> to vector<16xf32>
      %add3A_597 = arith.addf %mul3A_592, %get3A_596 : vector<16xf32>
      %swap3A_598 = arith.index_cast %scan3A_212 : i32 to index
      %swap3A_599 = arith.constant 352 : index
      %swap3A_600 = tpu.vector_load %arg8[%swap3A_598, %swap3A_599] {strides = array<i32>} : memref<64x512xf32, #tpu.memory_space<vmem>>, vector<1x16xf32>,
      %swap3A_601 = vector.shape_cast %swap3A_600 : vector<1x16xf32> to vector<16xf32>
      %swap3A_602 = vector.shape_cast %add3A_597 : vector<16xf32> to vector<1x16xf32>
      tpu.vector_store %arg8[%swap3A_598, %swap3A_599], %swap3A_602 {strides = array<i32>} : memref<64x512xf32, #tpu.memory_space<vmem>>, vector<1x16xf32>,
      %get3A_603 = arith.index_cast %scan3A_212 : i32 to index
      %get3A_604 = arith.constant 368 : index
      %get3A_605 = tpu.vector_load %arg8[%get3A_603, %get3A_604] {strides = array<i32>} : memref<64x512xf32, #tpu.memory_space<vmem>>, vector<1x16xf32>,
      %get3A_606 = vector.shape_cast %get3A_605 : vector<1x16xf32> to vector<16xf32>
      %mul3A_607 = arith.constant 22.6274166 : f32
      %mul3A_608 = vector.broadcast %mul3A_607 : f32 to vector<16xf32>
      %mul3A_609 = arith.mulf %get3A_606, %mul3A_608 : vector<16xf32>
      %get3A_610 = arith.index_cast %scan3A_212 : i32 to index
      %get3A_611 = arith.constant 368 : index
      %get3A_612 = tpu.vector_load %arg7[%get3A_610, %get3A_611] {strides = array<i32>} : memref<64x512xf32, #tpu.memory_space<vmem>>, vector<1x16xf32>,
      %get3A_613 = vector.shape_cast %get3A_612 : vector<1x16xf32> to vector<16xf32>
      %add3A_614 = arith.addf %mul3A_609, %get3A_613 : vector<16xf32>
      %swap3A_615 = arith.index_cast %scan3A_212 : i32 to index
      %swap3A_616 = arith.constant 368 : index
      %swap3A_617 = tpu.vector_load %arg8[%swap3A_615, %swap3A_616] {strides = array<i32>} : memref<64x512xf32, #tpu.memory_space<vmem>>, vector<1x16xf32>,
      %swap3A_618 = vector.shape_cast %swap3A_617 : vector<1x16xf32> to vector<16xf32>
      %swap3A_619 = vector.shape_cast %add3A_614 : vector<16xf32> to vector<1x16xf32>
      tpu.vector_store %arg8[%swap3A_615, %swap3A_616], %swap3A_619 {strides = array<i32>} : memref<64x512xf32, #tpu.memory_space<vmem>>, vector<1x16xf32>,
      %get3A_620 = arith.index_cast %scan3A_212 : i32 to index
      %get3A_621 = arith.constant 384 : index
      %get3A_622 = tpu.vector_load %arg8[%get3A_620, %get3A_621] {strides = array<i32>} : memref<64x512xf32, #tpu.memory_space<vmem>>, vector<1x16xf32>,
      %get3A_623 = vector.shape_cast %get3A_622 : vector<1x16xf32> to vector<16xf32>
      %mul3A_624 = arith.constant 22.6274166 : f32
      %mul3A_625 = vector.broadcast %mul3A_624 : f32 to vector<16xf32>
      %mul3A_626 = arith.mulf %get3A_623, %mul3A_625 : vector<16xf32>
      %get3A_627 = arith.index_cast %scan3A_212 : i32 to index
      %get3A_628 = arith.constant 384 : index
      %get3A_629 = tpu.vector_load %arg7[%get3A_627, %get3A_628] {strides = array<i32>} : memref<64x512xf32, #tpu.memory_space<vmem>>, vector<1x16xf32>,
      %get3A_630 = vector.shape_cast %get3A_629 : vector<1x16xf32> to vector<16xf32>
      %add3A_631 = arith.addf %mul3A_626, %get3A_630 : vector<16xf32>
      %swap3A_632 = arith.index_cast %scan3A_212 : i32 to index
      %swap3A_633 = arith.constant 384 : index
      %swap3A_634 = tpu.vector_load %arg8[%swap3A_632, %swap3A_633] {strides = array<i32>} : memref<64x512xf32, #tpu.memory_space<vmem>>, vector<1x16xf32>,
      %swap3A_635 = vector.shape_cast %swap3A_634 : vector<1x16xf32> to vector<16xf32>
      %swap3A_636 = vector.shape_cast %add3A_631 : vector<16xf32> to vector<1x16xf32>
      tpu.vector_store %arg8[%swap3A_632, %swap3A_633], %swap3A_636 {strides = array<i32>} : memref<64x512xf32, #tpu.memory_space<vmem>>, vector<1x16xf32>,
      %get3A_637 = arith.index_cast %scan3A_212 : i32 to index
      %get3A_638 = arith.constant 400 : index
      %get3A_639 = tpu.vector_load %arg8[%get3A_637, %get3A_638] {strides = array<i32>} : memref<64x512xf32, #tpu.memory_space<vmem>>, vector<1x16xf32>,
      %get3A_640 = vector.shape_cast %get3A_639 : vector<1x16xf32> to vector<16xf32>
      %mul3A_641 = arith.constant 22.6274166 : f32
      %mul3A_642 = vector.broadcast %mul3A_641 : f32 to vector<16xf32>
      %mul3A_643 = arith.mulf %get3A_640, %mul3A_642 : vector<16xf32>
      %get3A_644 = arith.index_cast %scan3A_212 : i32 to index
      %get3A_645 = arith.constant 400 : index
      %get3A_646 = tpu.vector_load %arg7[%get3A_644, %get3A_645] {strides = array<i32>} : memref<64x512xf32, #tpu.memory_space<vmem>>, vector<1x16xf32>,
      %get3A_647 = vector.shape_cast %get3A_646 : vector<1x16xf32> to vector<16xf32>
      %add3A_648 = arith.addf %mul3A_643, %get3A_647 : vector<16xf32>
      %swap3A_649 = arith.index_cast %scan3A_212 : i32 to index
      %swap3A_650 = arith.constant 400 : index
      %swap3A_651 = tpu.vector_load %arg8[%swap3A_649, %swap3A_650] {strides = array<i32>} : memref<64x512xf32, #tpu.memory_space<vmem>>, vector<1x16xf32>,
      %swap3A_652 = vector.shape_cast %swap3A_651 : vector<1x16xf32> to vector<16xf32>
      %swap3A_653 = vector.shape_cast %add3A_648 : vector<16xf32> to vector<1x16xf32>
      tpu.vector_store %arg8[%swap3A_649, %swap3A_650], %swap3A_653 {strides = array<i32>} : memref<64x512xf32, #tpu.memory_space<vmem>>, vector<1x16xf32>,
      %get3A_654 = arith.index_cast %scan3A_212 : i32 to index
      %get3A_655 = arith.constant 416 : index
      %get3A_656 = tpu.vector_load %arg8[%get3A_654, %get3A_655] {strides = array<i32>} : memref<64x512xf32, #tpu.memory_space<vmem>>, vector<1x16xf32>,
      %get3A_657 = vector.shape_cast %get3A_656 : vector<1x16xf32> to vector<16xf32>
      %mul3A_658 = arith.constant 22.6274166 : f32
      %mul3A_659 = vector.broadcast %mul3A_658 : f32 to vector<16xf32>
      %mul3A_660 = arith.mulf %get3A_657, %mul3A_659 : vector<16xf32>
      %get3A_661 = arith.index_cast %scan3A_212 : i32 to index
      %get3A_662 = arith.constant 416 : index
      %get3A_663 = tpu.vector_load %arg7[%get3A_661, %get3A_662] {strides = array<i32>} : memref<64x512xf32, #tpu.memory_space<vmem>>, vector<1x16xf32>,
      %get3A_664 = vector.shape_cast %get3A_663 : vector<1x16xf32> to vector<16xf32>
      %add3A_665 = arith.addf %mul3A_660, %get3A_664 : vector<16xf32>
      %swap3A_666 = arith.index_cast %scan3A_212 : i32 to index
      %swap3A_667 = arith.constant 416 : index
      %swap3A_668 = tpu.vector_load %arg8[%swap3A_666, %swap3A_667] {strides = array<i32>} : memref<64x512xf32, #tpu.memory_space<vmem>>, vector<1x16xf32>,
      %swap3A_669 = vector.shape_cast %swap3A_668 : vector<1x16xf32> to vector<16xf32>
      %swap3A_670 = vector.shape_cast %add3A_665 : vector<16xf32> to vector<1x16xf32>
      tpu.vector_store %arg8[%swap3A_666, %swap3A_667], %swap3A_670 {strides = array<i32>} : memref<64x512xf32, #tpu.memory_space<vmem>>, vector<1x16xf32>,
      %get3A_671 = arith.index_cast %scan3A_212 : i32 to index
      %get3A_672 = arith.constant 432 : index
      %get3A_673 = tpu.vector_load %arg8[%get3A_671, %get3A_672] {strides = array<i32>} : memref<64x512xf32, #tpu.memory_space<vmem>>, vector<1x16xf32>,
      %get3A_674 = vector.shape_cast %get3A_673 : vector<1x16xf32> to vector<16xf32>
      %mul3A_675 = arith.constant 22.6274166 : f32
      %mul3A_676 = vector.broadcast %mul3A_675 : f32 to vector<16xf32>
      %mul3A_677 = arith.mulf %get3A_674, %mul3A_676 : vector<16xf32>
      %get3A_678 = arith.index_cast %scan3A_212 : i32 to index
      %get3A_679 = arith.constant 432 : index
      %get3A_680 = tpu.vector_load %arg7[%get3A_678, %get3A_679] {strides = array<i32>} : memref<64x512xf32, #tpu.memory_space<vmem>>, vector<1x16xf32>,
      %get3A_681 = vector.shape_cast %get3A_680 : vector<1x16xf32> to vector<16xf32>
      %add3A_682 = arith.addf %mul3A_677, %get3A_681 : vector<16xf32>
      %swap3A_683 = arith.index_cast %scan3A_212 : i32 to index
      %swap3A_684 = arith.constant 432 : index
      %swap3A_685 = tpu.vector_load %arg8[%swap3A_683, %swap3A_684] {strides = array<i32>} : memref<64x512xf32, #tpu.memory_space<vmem>>, vector<1x16xf32>,
      %swap3A_686 = vector.shape_cast %swap3A_685 : vector<1x16xf32> to vector<16xf32>
      %swap3A_687 = vector.shape_cast %add3A_682 : vector<16xf32> to vector<1x16xf32>
      tpu.vector_store %arg8[%swap3A_683, %swap3A_684], %swap3A_687 {strides = array<i32>} : memref<64x512xf32, #tpu.memory_space<vmem>>, vector<1x16xf32>,
      %get3A_688 = arith.index_cast %scan3A_212 : i32 to index
      %get3A_689 = arith.constant 448 : index
      %get3A_690 = tpu.vector_load %arg8[%get3A_688, %get3A_689] {strides = array<i32>} : memref<64x512xf32, #tpu.memory_space<vmem>>, vector<1x16xf32>,
      %get3A_691 = vector.shape_cast %get3A_690 : vector<1x16xf32> to vector<16xf32>
      %mul3A_692 = arith.constant 22.6274166 : f32
      %mul3A_693 = vector.broadcast %mul3A_692 : f32 to vector<16xf32>
      %mul3A_694 = arith.mulf %get3A_691, %mul3A_693 : vector<16xf32>
      %get3A_695 = arith.index_cast %scan3A_212 : i32 to index
      %get3A_696 = arith.constant 448 : index
      %get3A_697 = tpu.vector_load %arg7[%get3A_695, %get3A_696] {strides = array<i32>} : memref<64x512xf32, #tpu.memory_space<vmem>>, vector<1x16xf32>,
      %get3A_698 = vector.shape_cast %get3A_697 : vector<1x16xf32> to vector<16xf32>
      %add3A_699 = arith.addf %mul3A_694, %get3A_698 : vector<16xf32>
      %swap3A_700 = arith.index_cast %scan3A_212 : i32 to index
      %swap3A_701 = arith.constant 448 : index
      %swap3A_702 = tpu.vector_load %arg8[%swap3A_700, %swap3A_701] {strides = array<i32>} : memref<64x512xf32, #tpu.memory_space<vmem>>, vector<1x16xf32>,
      %swap3A_703 = vector.shape_cast %swap3A_702 : vector<1x16xf32> to vector<16xf32>
      %swap3A_704 = vector.shape_cast %add3A_699 : vector<16xf32> to vector<1x16xf32>
      tpu.vector_store %arg8[%swap3A_700, %swap3A_701], %swap3A_704 {strides = array<i32>} : memref<64x512xf32, #tpu.memory_space<vmem>>, vector<1x16xf32>,
      %get3A_705 = arith.index_cast %scan3A_212 : i32 to index
      %get3A_706 = arith.constant 464 : index
      %get3A_707 = tpu.vector_load %arg8[%get3A_705, %get3A_706] {strides = array<i32>} : memref<64x512xf32, #tpu.memory_space<vmem>>, vector<1x16xf32>,
      %get3A_708 = vector.shape_cast %get3A_707 : vector<1x16xf32> to vector<16xf32>
      %mul3A_709 = arith.constant 22.6274166 : f32
      %mul3A_710 = vector.broadcast %mul3A_709 : f32 to vector<16xf32>
      %mul3A_711 = arith.mulf %get3A_708, %mul3A_710 : vector<16xf32>
      %get3A_712 = arith.index_cast %scan3A_212 : i32 to index
      %get3A_713 = arith.constant 464 : index
      %get3A_714 = tpu.vector_load %arg7[%get3A_712, %get3A_713] {strides = array<i32>} : memref<64x512xf32, #tpu.memory_space<vmem>>, vector<1x16xf32>,
      %get3A_715 = vector.shape_cast %get3A_714 : vector<1x16xf32> to vector<16xf32>
      %add3A_716 = arith.addf %mul3A_711, %get3A_715 : vector<16xf32>
      %swap3A_717 = arith.index_cast %scan3A_212 : i32 to index
      %swap3A_718 = arith.constant 464 : index
      %swap3A_719 = tpu.vector_load %arg8[%swap3A_717, %swap3A_718] {strides = array<i32>} : memref<64x512xf32, #tpu.memory_space<vmem>>, vector<1x16xf32>,
      %swap3A_720 = vector.shape_cast %swap3A_719 : vector<1x16xf32> to vector<16xf32>
      %swap3A_721 = vector.shape_cast %add3A_716 : vector<16xf32> to vector<1x16xf32>
      tpu.vector_store %arg8[%swap3A_717, %swap3A_718], %swap3A_721 {strides = array<i32>} : memref<64x512xf32, #tpu.memory_space<vmem>>, vector<1x16xf32>,
      %get3A_722 = arith.index_cast %scan3A_212 : i32 to index
      %get3A_723 = arith.constant 480 : index
      %get3A_724 = tpu.vector_load %arg8[%get3A_722, %get3A_723] {strides = array<i32>} : memref<64x512xf32, #tpu.memory_space<vmem>>, vector<1x16xf32>,
      %get3A_725 = vector.shape_cast %get3A_724 : vector<1x16xf32> to vector<16xf32>
      %mul3A_726 = arith.constant 22.6274166 : f32
      %mul3A_727 = vector.broadcast %mul3A_726 : f32 to vector<16xf32>
      %mul3A_728 = arith.mulf %get3A_725, %mul3A_727 : vector<16xf32>
      %get3A_729 = arith.index_cast %scan3A_212 : i32 to index
      %get3A_730 = arith.constant 480 : index
      %get3A_731 = tpu.vector_load %arg7[%get3A_729, %get3A_730] {strides = array<i32>} : memref<64x512xf32, #tpu.memory_space<vmem>>, vector<1x16xf32>,
      %get3A_732 = vector.shape_cast %get3A_731 : vector<1x16xf32> to vector<16xf32>
      %add3A_733 = arith.addf %mul3A_728, %get3A_732 : vector<16xf32>
      %swap3A_734 = arith.index_cast %scan3A_212 : i32 to index
      %swap3A_735 = arith.constant 480 : index
      %swap3A_736 = tpu.vector_load %arg8[%swap3A_734, %swap3A_735] {strides = array<i32>} : memref<64x512xf32, #tpu.memory_space<vmem>>, vector<1x16xf32>,
      %swap3A_737 = vector.shape_cast %swap3A_736 : vector<1x16xf32> to vector<16xf32>
      %swap3A_738 = vector.shape_cast %add3A_733 : vector<16xf32> to vector<1x16xf32>
      tpu.vector_store %arg8[%swap3A_734, %swap3A_735], %swap3A_738 {strides = array<i32>} : memref<64x512xf32, #tpu.memory_space<vmem>>, vector<1x16xf32>,
      %get3A_739 = arith.index_cast %scan3A_212 : i32 to index
      %get3A_740 = arith.constant 496 : index
      %get3A_741 = tpu.vector_load %arg8[%get3A_739, %get3A_740] {strides = array<i32>} : memref<64x512xf32, #tpu.memory_space<vmem>>, vector<1x16xf32>,
      %get3A_742 = vector.shape_cast %get3A_741 : vector<1x16xf32> to vector<16xf32>
      %mul3A_743 = arith.constant 22.6274166 : f32
      %mul3A_744 = vector.broadcast %mul3A_743 : f32 to vector<16xf32>
      %mul3A_745 = arith.mulf %get3A_742, %mul3A_744 : vector<16xf32>
      %get3A_746 = arith.index_cast %scan3A_212 : i32 to index
      %get3A_747 = arith.constant 496 : index
      %get3A_748 = tpu.vector_load %arg7[%get3A_746, %get3A_747] {strides = array<i32>} : memref<64x512xf32, #tpu.memory_space<vmem>>, vector<1x16xf32>,
      %get3A_749 = vector.shape_cast %get3A_748 : vector<1x16xf32> to vector<16xf32>
      %add3A_750 = arith.addf %mul3A_745, %get3A_749 : vector<16xf32>
      %swap3A_751 = arith.index_cast %scan3A_212 : i32 to index
      %swap3A_752 = arith.constant 496 : index
      %swap3A_753 = tpu.vector_load %arg8[%swap3A_751, %swap3A_752] {strides = array<i32>} : memref<64x512xf32, #tpu.memory_space<vmem>>, vector<1x16xf32>,
      %swap3A_754 = vector.shape_cast %swap3A_753 : vector<1x16xf32> to vector<16xf32>
      %swap3A_755 = vector.shape_cast %add3A_750 : vector<16xf32> to vector<1x16xf32>
      tpu.vector_store %arg8[%swap3A_751, %swap3A_752], %swap3A_755 {strides = array<i32>} : memref<64x512xf32, #tpu.memory_space<vmem>>, vector<1x16xf32>,
      %scan3A_756 = arith.constant 0 : i32
      scf.yield %scan3A_756 : i32
    }
    %scan3A_177 = arith.constant 64 : i32
    %add3A_178 = arith.constant 4096 : i32
    %add3A_179 = arith.addi %add3A_178, %mul3A_2 : i32
    %dma_start3A_180 = arith.constant 0 : i32
    %dma_start3A_181 = tpu.memref_slice %arg5[%add3A_179, %dma_start3A_180] : memref<8192x512xf32, #tpu.memory_space<hbm>> -> memref<64x512xf32, #tpu.memory_space<hbm>>
    %dma_start3A_182 = arith.constant 0 : i32
    %dma_start3A_183 = tpu.memref_slice %arg5[%add3A_179, %dma_start3A_182] : memref<8192x512xf32, #tpu.memory_space<hbm>> -> memref<64x512xf32, #tpu.memory_space<hbm>>
    tpu.enqueue_dma source(%arg8 : memref<64x512xf32, #tpu.memory_space<vmem>>) target(%dma_start3A_183 : memref<64x512xf32, #tpu.memory_space<hbm>>) target_semaphore(%arg12 : memref<!tpu.dma_semaphore, #tpu.memory_space<semaphore_mem>>)
    %dma_wait3A_184 = arith.constant 3 : i32
    %dma_wait3A_185 = arith.constant 0 : i32
    %dma_wait3A_186 = tpu.memref_slice %arg6[%dma_wait3A_184, %dma_wait3A_185] : memref<4x64xi32, #tpu.memory_space<vmem>> -> memref<1x64xi32, #tpu.memory_space<vmem>>
    %dma_wait3A_187 = tpu.memref_squeeze %dma_wait3A_186 : memref<1x64xi32, #tpu.memory_space<vmem>> -> memref<64xi32, #tpu.memory_space<vmem>>
    %dma_wait3A_188 = arith.constant 0 : i32
    %dma_wait3A_189 = arith.constant 0 : i32
    %dma_wait3A_190 = tpu.memref_slice %arg3[%dma_wait3A_188, %dma_wait3A_189] : memref<100000x512xf32, #tpu.memory_space<hbm>> -> memref<100000x512xf32, #tpu.memory_space<hbm>>
    tpu.wait_indirect_dma semaphore(%arg11 : memref<!tpu.dma_semaphore, #tpu.memory_space<semaphore_mem>>) src(%dma_wait3A_190 : memref<100000x512xf32, #tpu.memory_space<hbm>>) dst(%arg9 : memref<64x512xf32, #tpu.memory_space<vmem>>)
    %scan3A_191 = arith.constant 0 : i32
    %scan3A_192 = arith.constant 0 : i32
    %scan3A_193 = arith.constant 64 : i32
    %scan3A_194 = arith.addi %scan3A_192, %scan3A_193 : i32
    %scan3A_195 = arith.constant 1 : i32
    %scan3A_196 = scf.for %scan3A_212 = %scan3A_192 to %scan3A_194 step %scan3A_195 iter_args(%scan3A_213 = %scan3A_191) -> (i32)  : i32 {
      %get3A = arith.index_cast %scan3A_212 : i32 to index
      %get3A_214 = arith.constant 0 : index
      %get3A_215 = tpu.vector_load %arg9[%get3A, %get3A_214] {strides = array<i32>} : memref<64x512xf32, #tpu.memory_space<vmem>>, vector<1x16xf32>,
      %get3A_216 = vector.shape_cast %get3A_215 : vector<1x16xf32> to vector<16xf32>
      %mul3A_217 = arith.constant 22.6274166 : f32
      %mul3A_218 = vector.broadcast %mul3A_217 : f32 to vector<16xf32>
      %mul3A_219 = arith.mulf %get3A_216, %mul3A_218 : vector<16xf32>
      %get3A_220 = arith.index_cast %scan3A_212 : i32 to index
      %get3A_221 = arith.constant 0 : index
      %get3A_222 = tpu.vector_load %arg7[%get3A_220, %get3A_221] {strides = array<i32>} : memref<64x512xf32, #tpu.memory_space<vmem>>, vector<1x16xf32>,
      %get3A_223 = vector.shape_cast %get3A_222 : vector<1x16xf32> to vector<16xf32>
      %add3A_224 = arith.addf %mul3A_219, %get3A_223 : vector<16xf32>
      %swap3A = arith.index_cast %scan3A_212 : i32 to index
      %swap3A_225 = arith.constant 0 : index
      %swap3A_226 = tpu.vector_load %arg9[%swap3A, %swap3A_225] {strides = array<i32>} : memref<64x512xf32, #tpu.memory_space<vmem>>, vector<1x16xf32>,
      %swap3A_227 = vector.shape_cast %swap3A_226 : vector<1x16xf32> to vector<16xf32>
      %swap3A_228 = vector.shape_cast %add3A_224 : vector<16xf32> to vector<1x16xf32>
      tpu.vector_store %arg9[%swap3A, %swap3A_225], %swap3A_228 {strides = array<i32>} : memref<64x512xf32, #tpu.memory_space<vmem>>, vector<1x16xf32>,
      %get3A_229 = arith.index_cast %scan3A_212 : i32 to index
      %get3A_230 = arith.constant 16 : index
      %get3A_231 = tpu.vector_load %arg9[%get3A_229, %get3A_230] {strides = array<i32>} : memref<64x512xf32, #tpu.memory_space<vmem>>, vector<1x16xf32>,
      %get3A_232 = vector.shape_cast %get3A_231 : vector<1x16xf32> to vector<16xf32>
      %mul3A_233 = arith.constant 22.6274166 : f32
      %mul3A_234 = vector.broadcast %mul3A_233 : f32 to vector<16xf32>
      %mul3A_235 = arith.mulf %get3A_232, %mul3A_234 : vector<16xf32>
      %get3A_236 = arith.index_cast %scan3A_212 : i32 to index
      %get3A_237 = arith.constant 16 : index
      %get3A_238 = tpu.vector_load %arg7[%get3A_236, %get3A_237] {strides = array<i32>} : memref<64x512xf32, #tpu.memory_space<vmem>>, vector<1x16xf32>,
      %get3A_239 = vector.shape_cast %get3A_238 : vector<1x16xf32> to vector<16xf32>
      %add3A_240 = arith.addf %mul3A_235, %get3A_239 : vector<16xf32>
      %swap3A_241 = arith.index_cast %scan3A_212 : i32 to index
      %swap3A_242 = arith.constant 16 : index
      %swap3A_243 = tpu.vector_load %arg9[%swap3A_241, %swap3A_242] {strides = array<i32>} : memref<64x512xf32, #tpu.memory_space<vmem>>, vector<1x16xf32>,
      %swap3A_244 = vector.shape_cast %swap3A_243 : vector<1x16xf32> to vector<16xf32>
      %swap3A_245 = vector.shape_cast %add3A_240 : vector<16xf32> to vector<1x16xf32>
      tpu.vector_store %arg9[%swap3A_241, %swap3A_242], %swap3A_245 {strides = array<i32>} : memref<64x512xf32, #tpu.memory_space<vmem>>, vector<1x16xf32>,
      %get3A_246 = arith.index_cast %scan3A_212 : i32 to index
      %get3A_247 = arith.constant 32 : index
      %get3A_248 = tpu.vector_load %arg9[%get3A_246, %get3A_247] {strides = array<i32>} : memref<64x512xf32, #tpu.memory_space<vmem>>, vector<1x16xf32>,
      %get3A_249 = vector.shape_cast %get3A_248 : vector<1x16xf32> to vector<16xf32>
      %mul3A_250 = arith.constant 22.6274166 : f32
      %mul3A_251 = vector.broadcast %mul3A_250 : f32 to vector<16xf32>
      %mul3A_252 = arith.mulf %get3A_249, %mul3A_251 : vector<16xf32>
      %get3A_253 = arith.index_cast %scan3A_212 : i32 to index
      %get3A_254 = arith.constant 32 : index
      %get3A_255 = tpu.vector_load %arg7[%get3A_253, %get3A_254] {strides = array<i32>} : memref<64x512xf32, #tpu.memory_space<vmem>>, vector<1x16xf32>,
      %get3A_256 = vector.shape_cast %get3A_255 : vector<1x16xf32> to vector<16xf32>
      %add3A_257 = arith.addf %mul3A_252, %get3A_256 : vector<16xf32>
      %swap3A_258 = arith.index_cast %scan3A_212 : i32 to index
      %swap3A_259 = arith.constant 32 : index
      %swap3A_260 = tpu.vector_load %arg9[%swap3A_258, %swap3A_259] {strides = array<i32>} : memref<64x512xf32, #tpu.memory_space<vmem>>, vector<1x16xf32>,
      %swap3A_261 = vector.shape_cast %swap3A_260 : vector<1x16xf32> to vector<16xf32>
      %swap3A_262 = vector.shape_cast %add3A_257 : vector<16xf32> to vector<1x16xf32>
      tpu.vector_store %arg9[%swap3A_258, %swap3A_259], %swap3A_262 {strides = array<i32>} : memref<64x512xf32, #tpu.memory_space<vmem>>, vector<1x16xf32>,
      %get3A_263 = arith.index_cast %scan3A_212 : i32 to index
      %get3A_264 = arith.constant 48 : index
      %get3A_265 = tpu.vector_load %arg9[%get3A_263, %get3A_264] {strides = array<i32>} : memref<64x512xf32, #tpu.memory_space<vmem>>, vector<1x16xf32>,
      %get3A_266 = vector.shape_cast %get3A_265 : vector<1x16xf32> to vector<16xf32>
      %mul3A_267 = arith.constant 22.6274166 : f32
      %mul3A_268 = vector.broadcast %mul3A_267 : f32 to vector<16xf32>
      %mul3A_269 = arith.mulf %get3A_266, %mul3A_268 : vector<16xf32>
      %get3A_270 = arith.index_cast %scan3A_212 : i32 to index
      %get3A_271 = arith.constant 48 : index
      %get3A_272 = tpu.vector_load %arg7[%get3A_270, %get3A_271] {strides = array<i32>} : memref<64x512xf32, #tpu.memory_space<vmem>>, vector<1x16xf32>,
      %get3A_273 = vector.shape_cast %get3A_272 : vector<1x16xf32> to vector<16xf32>
      %add3A_274 = arith.addf %mul3A_269, %get3A_273 : vector<16xf32>
      %swap3A_275 = arith.index_cast %scan3A_212 : i32 to index
      %swap3A_276 = arith.constant 48 : index
      %swap3A_277 = tpu.vector_load %arg9[%swap3A_275, %swap3A_276] {strides = array<i32>} : memref<64x512xf32, #tpu.memory_space<vmem>>, vector<1x16xf32>,
      %swap3A_278 = vector.shape_cast %swap3A_277 : vector<1x16xf32> to vector<16xf32>
      %swap3A_279 = vector.shape_cast %add3A_274 : vector<16xf32> to vector<1x16xf32>
      tpu.vector_store %arg9[%swap3A_275, %swap3A_276], %swap3A_279 {strides = array<i32>} : memref<64x512xf32, #tpu.memory_space<vmem>>, vector<1x16xf32>,
      %get3A_280 = arith.index_cast %scan3A_212 : i32 to index
      %get3A_281 = arith.constant 64 : index
      %get3A_282 = tpu.vector_load %arg9[%get3A_280, %get3A_281] {strides = array<i32>} : memref<64x512xf32, #tpu.memory_space<vmem>>, vector<1x16xf32>,
      %get3A_283 = vector.shape_cast %get3A_282 : vector<1x16xf32> to vector<16xf32>
      %mul3A_284 = arith.constant 22.6274166 : f32
      %mul3A_285 = vector.broadcast %mul3A_284 : f32 to vector<16xf32>
      %mul3A_286 = arith.mulf %get3A_283, %mul3A_285 : vector<16xf32>
      %get3A_287 = arith.index_cast %scan3A_212 : i32 to index
      %get3A_288 = arith.constant 64 : index
      %get3A_289 = tpu.vector_load %arg7[%get3A_287, %get3A_288] {strides = array<i32>} : memref<64x512xf32, #tpu.memory_space<vmem>>, vector<1x16xf32>,
      %get3A_290 = vector.shape_cast %get3A_289 : vector<1x16xf32> to vector<16xf32>
      %add3A_291 = arith.addf %mul3A_286, %get3A_290 : vector<16xf32>
      %swap3A_292 = arith.index_cast %scan3A_212 : i32 to index
      %swap3A_293 = arith.constant 64 : index
      %swap3A_294 = tpu.vector_load %arg9[%swap3A_292, %swap3A_293] {strides = array<i32>} : memref<64x512xf32, #tpu.memory_space<vmem>>, vector<1x16xf32>,
      %swap3A_295 = vector.shape_cast %swap3A_294 : vector<1x16xf32> to vector<16xf32>
      %swap3A_296 = vector.shape_cast %add3A_291 : vector<16xf32> to vector<1x16xf32>
      tpu.vector_store %arg9[%swap3A_292, %swap3A_293], %swap3A_296 {strides = array<i32>} : memref<64x512xf32, #tpu.memory_space<vmem>>, vector<1x16xf32>,
      %get3A_297 = arith.index_cast %scan3A_212 : i32 to index
      %get3A_298 = arith.constant 80 : index
      %get3A_299 = tpu.vector_load %arg9[%get3A_297, %get3A_298] {strides = array<i32>} : memref<64x512xf32, #tpu.memory_space<vmem>>, vector<1x16xf32>,
      %get3A_300 = vector.shape_cast %get3A_299 : vector<1x16xf32> to vector<16xf32>
      %mul3A_301 = arith.constant 22.6274166 : f32
      %mul3A_302 = vector.broadcast %mul3A_301 : f32 to vector<16xf32>
      %mul3A_303 = arith.mulf %get3A_300, %mul3A_302 : vector<16xf32>
      %get3A_304 = arith.index_cast %scan3A_212 : i32 to index
      %get3A_305 = arith.constant 80 : index
      %get3A_306 = tpu.vector_load %arg7[%get3A_304, %get3A_305] {strides = array<i32>} : memref<64x512xf32, #tpu.memory_space<vmem>>, vector<1x16xf32>,
      %get3A_307 = vector.shape_cast %get3A_306 : vector<1x16xf32> to vector<16xf32>
      %add3A_308 = arith.addf %mul3A_303, %get3A_307 : vector<16xf32>
      %swap3A_309 = arith.index_cast %scan3A_212 : i32 to index
      %swap3A_310 = arith.constant 80 : index
      %swap3A_311 = tpu.vector_load %arg9[%swap3A_309, %swap3A_310] {strides = array<i32>} : memref<64x512xf32, #tpu.memory_space<vmem>>, vector<1x16xf32>,
      %swap3A_312 = vector.shape_cast %swap3A_311 : vector<1x16xf32> to vector<16xf32>
      %swap3A_313 = vector.shape_cast %add3A_308 : vector<16xf32> to vector<1x16xf32>
      tpu.vector_store %arg9[%swap3A_309, %swap3A_310], %swap3A_313 {strides = array<i32>} : memref<64x512xf32, #tpu.memory_space<vmem>>, vector<1x16xf32>,
      %get3A_314 = arith.index_cast %scan3A_212 : i32 to index
      %get3A_315 = arith.constant 96 : index
      %get3A_316 = tpu.vector_load %arg9[%get3A_314, %get3A_315] {strides = array<i32>} : memref<64x512xf32, #tpu.memory_space<vmem>>, vector<1x16xf32>,
      %get3A_317 = vector.shape_cast %get3A_316 : vector<1x16xf32> to vector<16xf32>
      %mul3A_318 = arith.constant 22.6274166 : f32
      %mul3A_319 = vector.broadcast %mul3A_318 : f32 to vector<16xf32>
      %mul3A_320 = arith.mulf %get3A_317, %mul3A_319 : vector<16xf32>
      %get3A_321 = arith.index_cast %scan3A_212 : i32 to index
      %get3A_322 = arith.constant 96 : index
      %get3A_323 = tpu.vector_load %arg7[%get3A_321, %get3A_322] {strides = array<i32>} : memref<64x512xf32, #tpu.memory_space<vmem>>, vector<1x16xf32>,
      %get3A_324 = vector.shape_cast %get3A_323 : vector<1x16xf32> to vector<16xf32>
      %add3A_325 = arith.addf %mul3A_320, %get3A_324 : vector<16xf32>
      %swap3A_326 = arith.index_cast %scan3A_212 : i32 to index
      %swap3A_327 = arith.constant 96 : index
      %swap3A_328 = tpu.vector_load %arg9[%swap3A_326, %swap3A_327] {strides = array<i32>} : memref<64x512xf32, #tpu.memory_space<vmem>>, vector<1x16xf32>,
      %swap3A_329 = vector.shape_cast %swap3A_328 : vector<1x16xf32> to vector<16xf32>
      %swap3A_330 = vector.shape_cast %add3A_325 : vector<16xf32> to vector<1x16xf32>
      tpu.vector_store %arg9[%swap3A_326, %swap3A_327], %swap3A_330 {strides = array<i32>} : memref<64x512xf32, #tpu.memory_space<vmem>>, vector<1x16xf32>,
      %get3A_331 = arith.index_cast %scan3A_212 : i32 to index
      %get3A_332 = arith.constant 112 : index
      %get3A_333 = tpu.vector_load %arg9[%get3A_331, %get3A_332] {strides = array<i32>} : memref<64x512xf32, #tpu.memory_space<vmem>>, vector<1x16xf32>,
      %get3A_334 = vector.shape_cast %get3A_333 : vector<1x16xf32> to vector<16xf32>
      %mul3A_335 = arith.constant 22.6274166 : f32
      %mul3A_336 = vector.broadcast %mul3A_335 : f32 to vector<16xf32>
      %mul3A_337 = arith.mulf %get3A_334, %mul3A_336 : vector<16xf32>
      %get3A_338 = arith.index_cast %scan3A_212 : i32 to index
      %get3A_339 = arith.constant 112 : index
      %get3A_340 = tpu.vector_load %arg7[%get3A_338, %get3A_339] {strides = array<i32>} : memref<64x512xf32, #tpu.memory_space<vmem>>, vector<1x16xf32>,
      %get3A_341 = vector.shape_cast %get3A_340 : vector<1x16xf32> to vector<16xf32>
      %add3A_342 = arith.addf %mul3A_337, %get3A_341 : vector<16xf32>
      %swap3A_343 = arith.index_cast %scan3A_212 : i32 to index
      %swap3A_344 = arith.constant 112 : index
      %swap3A_345 = tpu.vector_load %arg9[%swap3A_343, %swap3A_344] {strides = array<i32>} : memref<64x512xf32, #tpu.memory_space<vmem>>, vector<1x16xf32>,
      %swap3A_346 = vector.shape_cast %swap3A_345 : vector<1x16xf32> to vector<16xf32>
      %swap3A_347 = vector.shape_cast %add3A_342 : vector<16xf32> to vector<1x16xf32>
      tpu.vector_store %arg9[%swap3A_343, %swap3A_344], %swap3A_347 {strides = array<i32>} : memref<64x512xf32, #tpu.memory_space<vmem>>, vector<1x16xf32>,
      %get3A_348 = arith.index_cast %scan3A_212 : i32 to index
      %get3A_349 = arith.constant 128 : index
      %get3A_350 = tpu.vector_load %arg9[%get3A_348, %get3A_349] {strides = array<i32>} : memref<64x512xf32, #tpu.memory_space<vmem>>, vector<1x16xf32>,
      %get3A_351 = vector.shape_cast %get3A_350 : vector<1x16xf32> to vector<16xf32>
      %mul3A_352 = arith.constant 22.6274166 : f32
      %mul3A_353 = vector.broadcast %mul3A_352 : f32 to vector<16xf32>
      %mul3A_354 = arith.mulf %get3A_351, %mul3A_353 : vector<16xf32>
      %get3A_355 = arith.index_cast %scan3A_212 : i32 to index
      %get3A_356 = arith.constant 128 : index
      %get3A_357 = tpu.vector_load %arg7[%get3A_355, %get3A_356] {strides = array<i32>} : memref<64x512xf32, #tpu.memory_space<vmem>>, vector<1x16xf32>,
      %get3A_358 = vector.shape_cast %get3A_357 : vector<1x16xf32> to vector<16xf32>
      %add3A_359 = arith.addf %mul3A_354, %get3A_358 : vector<16xf32>
      %swap3A_360 = arith.index_cast %scan3A_212 : i32 to index
      %swap3A_361 = arith.constant 128 : index
      %swap3A_362 = tpu.vector_load %arg9[%swap3A_360, %swap3A_361] {strides = array<i32>} : memref<64x512xf32, #tpu.memory_space<vmem>>, vector<1x16xf32>,
      %swap3A_363 = vector.shape_cast %swap3A_362 : vector<1x16xf32> to vector<16xf32>
      %swap3A_364 = vector.shape_cast %add3A_359 : vector<16xf32> to vector<1x16xf32>
      tpu.vector_store %arg9[%swap3A_360, %swap3A_361], %swap3A_364 {strides = array<i32>} : memref<64x512xf32, #tpu.memory_space<vmem>>, vector<1x16xf32>,
      %get3A_365 = arith.index_cast %scan3A_212 : i32 to index
      %get3A_366 = arith.constant 144 : index
      %get3A_367 = tpu.vector_load %arg9[%get3A_365, %get3A_366] {strides = array<i32>} : memref<64x512xf32, #tpu.memory_space<vmem>>, vector<1x16xf32>,
      %get3A_368 = vector.shape_cast %get3A_367 : vector<1x16xf32> to vector<16xf32>
      %mul3A_369 = arith.constant 22.6274166 : f32
      %mul3A_370 = vector.broadcast %mul3A_369 : f32 to vector<16xf32>
      %mul3A_371 = arith.mulf %get3A_368, %mul3A_370 : vector<16xf32>
      %get3A_372 = arith.index_cast %scan3A_212 : i32 to index
      %get3A_373 = arith.constant 144 : index
      %get3A_374 = tpu.vector_load %arg7[%get3A_372, %get3A_373] {strides = array<i32>} : memref<64x512xf32, #tpu.memory_space<vmem>>, vector<1x16xf32>,
      %get3A_375 = vector.shape_cast %get3A_374 : vector<1x16xf32> to vector<16xf32>
      %add3A_376 = arith.addf %mul3A_371, %get3A_375 : vector<16xf32>
      %swap3A_377 = arith.index_cast %scan3A_212 : i32 to index
      %swap3A_378 = arith.constant 144 : index
      %swap3A_379 = tpu.vector_load %arg9[%swap3A_377, %swap3A_378] {strides = array<i32>} : memref<64x512xf32, #tpu.memory_space<vmem>>, vector<1x16xf32>,
      %swap3A_380 = vector.shape_cast %swap3A_379 : vector<1x16xf32> to vector<16xf32>
      %swap3A_381 = vector.shape_cast %add3A_376 : vector<16xf32> to vector<1x16xf32>
      tpu.vector_store %arg9[%swap3A_377, %swap3A_378], %swap3A_381 {strides = array<i32>} : memref<64x512xf32, #tpu.memory_space<vmem>>, vector<1x16xf32>,
      %get3A_382 = arith.index_cast %scan3A_212 : i32 to index
      %get3A_383 = arith.constant 160 : index
      %get3A_384 = tpu.vector_load %arg9[%get3A_382, %get3A_383] {strides = array<i32>} : memref<64x512xf32, #tpu.memory_space<vmem>>, vector<1x16xf32>,
      %get3A_385 = vector.shape_cast %get3A_384 : vector<1x16xf32> to vector<16xf32>
      %mul3A_386 = arith.constant 22.6274166 : f32
      %mul3A_387 = vector.broadcast %mul3A_386 : f32 to vector<16xf32>
      %mul3A_388 = arith.mulf %get3A_385, %mul3A_387 : vector<16xf32>
      %get3A_389 = arith.index_cast %scan3A_212 : i32 to index
      %get3A_390 = arith.constant 160 : index
      %get3A_391 = tpu.vector_load %arg7[%get3A_389, %get3A_390] {strides = array<i32>} : memref<64x512xf32, #tpu.memory_space<vmem>>, vector<1x16xf32>,
      %get3A_392 = vector.shape_cast %get3A_391 : vector<1x16xf32> to vector<16xf32>
      %add3A_393 = arith.addf %mul3A_388, %get3A_392 : vector<16xf32>
      %swap3A_394 = arith.index_cast %scan3A_212 : i32 to index
      %swap3A_395 = arith.constant 160 : index
      %swap3A_396 = tpu.vector_load %arg9[%swap3A_394, %swap3A_395] {strides = array<i32>} : memref<64x512xf32, #tpu.memory_space<vmem>>, vector<1x16xf32>,
      %swap3A_397 = vector.shape_cast %swap3A_396 : vector<1x16xf32> to vector<16xf32>
      %swap3A_398 = vector.shape_cast %add3A_393 : vector<16xf32> to vector<1x16xf32>
      tpu.vector_store %arg9[%swap3A_394, %swap3A_395], %swap3A_398 {strides = array<i32>} : memref<64x512xf32, #tpu.memory_space<vmem>>, vector<1x16xf32>,
      %get3A_399 = arith.index_cast %scan3A_212 : i32 to index
      %get3A_400 = arith.constant 176 : index
      %get3A_401 = tpu.vector_load %arg9[%get3A_399, %get3A_400] {strides = array<i32>} : memref<64x512xf32, #tpu.memory_space<vmem>>, vector<1x16xf32>,
      %get3A_402 = vector.shape_cast %get3A_401 : vector<1x16xf32> to vector<16xf32>
      %mul3A_403 = arith.constant 22.6274166 : f32
      %mul3A_404 = vector.broadcast %mul3A_403 : f32 to vector<16xf32>
      %mul3A_405 = arith.mulf %get3A_402, %mul3A_404 : vector<16xf32>
      %get3A_406 = arith.index_cast %scan3A_212 : i32 to index
      %get3A_407 = arith.constant 176 : index
      %get3A_408 = tpu.vector_load %arg7[%get3A_406, %get3A_407] {strides = array<i32>} : memref<64x512xf32, #tpu.memory_space<vmem>>, vector<1x16xf32>,
      %get3A_409 = vector.shape_cast %get3A_408 : vector<1x16xf32> to vector<16xf32>
      %add3A_410 = arith.addf %mul3A_405, %get3A_409 : vector<16xf32>
      %swap3A_411 = arith.index_cast %scan3A_212 : i32 to index
      %swap3A_412 = arith.constant 176 : index
      %swap3A_413 = tpu.vector_load %arg9[%swap3A_411, %swap3A_412] {strides = array<i32>} : memref<64x512xf32, #tpu.memory_space<vmem>>, vector<1x16xf32>,
      %swap3A_414 = vector.shape_cast %swap3A_413 : vector<1x16xf32> to vector<16xf32>
      %swap3A_415 = vector.shape_cast %add3A_410 : vector<16xf32> to vector<1x16xf32>
      tpu.vector_store %arg9[%swap3A_411, %swap3A_412], %swap3A_415 {strides = array<i32>} : memref<64x512xf32, #tpu.memory_space<vmem>>, vector<1x16xf32>,
      %get3A_416 = arith.index_cast %scan3A_212 : i32 to index
      %get3A_417 = arith.constant 192 : index
      %get3A_418 = tpu.vector_load %arg9[%get3A_416, %get3A_417] {strides = array<i32>} : memref<64x512xf32, #tpu.memory_space<vmem>>, vector<1x16xf32>,
      %get3A_419 = vector.shape_cast %get3A_418 : vector<1x16xf32> to vector<16xf32>
      %mul3A_420 = arith.constant 22.6274166 : f32
      %mul3A_421 = vector.broadcast %mul3A_420 : f32 to vector<16xf32>
      %mul3A_422 = arith.mulf %get3A_419, %mul3A_421 : vector<16xf32>
      %get3A_423 = arith.index_cast %scan3A_212 : i32 to index
      %get3A_424 = arith.constant 192 : index
      %get3A_425 = tpu.vector_load %arg7[%get3A_423, %get3A_424] {strides = array<i32>} : memref<64x512xf32, #tpu.memory_space<vmem>>, vector<1x16xf32>,
      %get3A_426 = vector.shape_cast %get3A_425 : vector<1x16xf32> to vector<16xf32>
      %add3A_427 = arith.addf %mul3A_422, %get3A_426 : vector<16xf32>
      %swap3A_428 = arith.index_cast %scan3A_212 : i32 to index
      %swap3A_429 = arith.constant 192 : index
      %swap3A_430 = tpu.vector_load %arg9[%swap3A_428, %swap3A_429] {strides = array<i32>} : memref<64x512xf32, #tpu.memory_space<vmem>>, vector<1x16xf32>,
      %swap3A_431 = vector.shape_cast %swap3A_430 : vector<1x16xf32> to vector<16xf32>
      %swap3A_432 = vector.shape_cast %add3A_427 : vector<16xf32> to vector<1x16xf32>
      tpu.vector_store %arg9[%swap3A_428, %swap3A_429], %swap3A_432 {strides = array<i32>} : memref<64x512xf32, #tpu.memory_space<vmem>>, vector<1x16xf32>,
      %get3A_433 = arith.index_cast %scan3A_212 : i32 to index
      %get3A_434 = arith.constant 208 : index
      %get3A_435 = tpu.vector_load %arg9[%get3A_433, %get3A_434] {strides = array<i32>} : memref<64x512xf32, #tpu.memory_space<vmem>>, vector<1x16xf32>,
      %get3A_436 = vector.shape_cast %get3A_435 : vector<1x16xf32> to vector<16xf32>
      %mul3A_437 = arith.constant 22.6274166 : f32
      %mul3A_438 = vector.broadcast %mul3A_437 : f32 to vector<16xf32>
      %mul3A_439 = arith.mulf %get3A_436, %mul3A_438 : vector<16xf32>
      %get3A_440 = arith.index_cast %scan3A_212 : i32 to index
      %get3A_441 = arith.constant 208 : index
      %get3A_442 = tpu.vector_load %arg7[%get3A_440, %get3A_441] {strides = array<i32>} : memref<64x512xf32, #tpu.memory_space<vmem>>, vector<1x16xf32>,
      %get3A_443 = vector.shape_cast %get3A_442 : vector<1x16xf32> to vector<16xf32>
      %add3A_444 = arith.addf %mul3A_439, %get3A_443 : vector<16xf32>
      %swap3A_445 = arith.index_cast %scan3A_212 : i32 to index
      %swap3A_446 = arith.constant 208 : index
      %swap3A_447 = tpu.vector_load %arg9[%swap3A_445, %swap3A_446] {strides = array<i32>} : memref<64x512xf32, #tpu.memory_space<vmem>>, vector<1x16xf32>,
      %swap3A_448 = vector.shape_cast %swap3A_447 : vector<1x16xf32> to vector<16xf32>
      %swap3A_449 = vector.shape_cast %add3A_444 : vector<16xf32> to vector<1x16xf32>
      tpu.vector_store %arg9[%swap3A_445, %swap3A_446], %swap3A_449 {strides = array<i32>} : memref<64x512xf32, #tpu.memory_space<vmem>>, vector<1x16xf32>,
      %get3A_450 = arith.index_cast %scan3A_212 : i32 to index
      %get3A_451 = arith.constant 224 : index
      %get3A_452 = tpu.vector_load %arg9[%get3A_450, %get3A_451] {strides = array<i32>} : memref<64x512xf32, #tpu.memory_space<vmem>>, vector<1x16xf32>,
      %get3A_453 = vector.shape_cast %get3A_452 : vector<1x16xf32> to vector<16xf32>
      %mul3A_454 = arith.constant 22.6274166 : f32
      %mul3A_455 = vector.broadcast %mul3A_454 : f32 to vector<16xf32>
      %mul3A_456 = arith.mulf %get3A_453, %mul3A_455 : vector<16xf32>
      %get3A_457 = arith.index_cast %scan3A_212 : i32 to index
      %get3A_458 = arith.constant 224 : index
      %get3A_459 = tpu.vector_load %arg7[%get3A_457, %get3A_458] {strides = array<i32>} : memref<64x512xf32, #tpu.memory_space<vmem>>, vector<1x16xf32>,
      %get3A_460 = vector.shape_cast %get3A_459 : vector<1x16xf32> to vector<16xf32>
      %add3A_461 = arith.addf %mul3A_456, %get3A_460 : vector<16xf32>
      %swap3A_462 = arith.index_cast %scan3A_212 : i32 to index
      %swap3A_463 = arith.constant 224 : index
      %swap3A_464 = tpu.vector_load %arg9[%swap3A_462, %swap3A_463] {strides = array<i32>} : memref<64x512xf32, #tpu.memory_space<vmem>>, vector<1x16xf32>,
      %swap3A_465 = vector.shape_cast %swap3A_464 : vector<1x16xf32> to vector<16xf32>
      %swap3A_466 = vector.shape_cast %add3A_461 : vector<16xf32> to vector<1x16xf32>
      tpu.vector_store %arg9[%swap3A_462, %swap3A_463], %swap3A_466 {strides = array<i32>} : memref<64x512xf32, #tpu.memory_space<vmem>>, vector<1x16xf32>,
      %get3A_467 = arith.index_cast %scan3A_212 : i32 to index
      %get3A_468 = arith.constant 240 : index
      %get3A_469 = tpu.vector_load %arg9[%get3A_467, %get3A_468] {strides = array<i32>} : memref<64x512xf32, #tpu.memory_space<vmem>>, vector<1x16xf32>,
      %get3A_470 = vector.shape_cast %get3A_469 : vector<1x16xf32> to vector<16xf32>
      %mul3A_471 = arith.constant 22.6274166 : f32
      %mul3A_472 = vector.broadcast %mul3A_471 : f32 to vector<16xf32>
      %mul3A_473 = arith.mulf %get3A_470, %mul3A_472 : vector<16xf32>
      %get3A_474 = arith.index_cast %scan3A_212 : i32 to index
      %get3A_475 = arith.constant 240 : index
      %get3A_476 = tpu.vector_load %arg7[%get3A_474, %get3A_475] {strides = array<i32>} : memref<64x512xf32, #tpu.memory_space<vmem>>, vector<1x16xf32>,
      %get3A_477 = vector.shape_cast %get3A_476 : vector<1x16xf32> to vector<16xf32>
      %add3A_478 = arith.addf %mul3A_473, %get3A_477 : vector<16xf32>
      %swap3A_479 = arith.index_cast %scan3A_212 : i32 to index
      %swap3A_480 = arith.constant 240 : index
      %swap3A_481 = tpu.vector_load %arg9[%swap3A_479, %swap3A_480] {strides = array<i32>} : memref<64x512xf32, #tpu.memory_space<vmem>>, vector<1x16xf32>,
      %swap3A_482 = vector.shape_cast %swap3A_481 : vector<1x16xf32> to vector<16xf32>
      %swap3A_483 = vector.shape_cast %add3A_478 : vector<16xf32> to vector<1x16xf32>
      tpu.vector_store %arg9[%swap3A_479, %swap3A_480], %swap3A_483 {strides = array<i32>} : memref<64x512xf32, #tpu.memory_space<vmem>>, vector<1x16xf32>,
      %get3A_484 = arith.index_cast %scan3A_212 : i32 to index
      %get3A_485 = arith.constant 256 : index
      %get3A_486 = tpu.vector_load %arg9[%get3A_484, %get3A_485] {strides = array<i32>} : memref<64x512xf32, #tpu.memory_space<vmem>>, vector<1x16xf32>,
      %get3A_487 = vector.shape_cast %get3A_486 : vector<1x16xf32> to vector<16xf32>
      %mul3A_488 = arith.constant 22.6274166 : f32
      %mul3A_489 = vector.broadcast %mul3A_488 : f32 to vector<16xf32>
      %mul3A_490 = arith.mulf %get3A_487, %mul3A_489 : vector<16xf32>
      %get3A_491 = arith.index_cast %scan3A_212 : i32 to index
      %get3A_492 = arith.constant 256 : index
      %get3A_493 = tpu.vector_load %arg7[%get3A_491, %get3A_492] {strides = array<i32>} : memref<64x512xf32, #tpu.memory_space<vmem>>, vector<1x16xf32>,
      %get3A_494 = vector.shape_cast %get3A_493 : vector<1x16xf32> to vector<16xf32>
      %add3A_495 = arith.addf %mul3A_490, %get3A_494 : vector<16xf32>
      %swap3A_496 = arith.index_cast %scan3A_212 : i32 to index
      %swap3A_497 = arith.constant 256 : index
      %swap3A_498 = tpu.vector_load %arg9[%swap3A_496, %swap3A_497] {strides = array<i32>} : memref<64x512xf32, #tpu.memory_space<vmem>>, vector<1x16xf32>,
      %swap3A_499 = vector.shape_cast %swap3A_498 : vector<1x16xf32> to vector<16xf32>
      %swap3A_500 = vector.shape_cast %add3A_495 : vector<16xf32> to vector<1x16xf32>
      tpu.vector_store %arg9[%swap3A_496, %swap3A_497], %swap3A_500 {strides = array<i32>} : memref<64x512xf32, #tpu.memory_space<vmem>>, vector<1x16xf32>,
      %get3A_501 = arith.index_cast %scan3A_212 : i32 to index
      %get3A_502 = arith.constant 272 : index
      %get3A_503 = tpu.vector_load %arg9[%get3A_501, %get3A_502] {strides = array<i32>} : memref<64x512xf32, #tpu.memory_space<vmem>>, vector<1x16xf32>,
      %get3A_504 = vector.shape_cast %get3A_503 : vector<1x16xf32> to vector<16xf32>
      %mul3A_505 = arith.constant 22.6274166 : f32
      %mul3A_506 = vector.broadcast %mul3A_505 : f32 to vector<16xf32>
      %mul3A_507 = arith.mulf %get3A_504, %mul3A_506 : vector<16xf32>
      %get3A_508 = arith.index_cast %scan3A_212 : i32 to index
      %get3A_509 = arith.constant 272 : index
      %get3A_510 = tpu.vector_load %arg7[%get3A_508, %get3A_509] {strides = array<i32>} : memref<64x512xf32, #tpu.memory_space<vmem>>, vector<1x16xf32>,
      %get3A_511 = vector.shape_cast %get3A_510 : vector<1x16xf32> to vector<16xf32>
      %add3A_512 = arith.addf %mul3A_507, %get3A_511 : vector<16xf32>
      %swap3A_513 = arith.index_cast %scan3A_212 : i32 to index
      %swap3A_514 = arith.constant 272 : index
      %swap3A_515 = tpu.vector_load %arg9[%swap3A_513, %swap3A_514] {strides = array<i32>} : memref<64x512xf32, #tpu.memory_space<vmem>>, vector<1x16xf32>,
      %swap3A_516 = vector.shape_cast %swap3A_515 : vector<1x16xf32> to vector<16xf32>
      %swap3A_517 = vector.shape_cast %add3A_512 : vector<16xf32> to vector<1x16xf32>
      tpu.vector_store %arg9[%swap3A_513, %swap3A_514], %swap3A_517 {strides = array<i32>} : memref<64x512xf32, #tpu.memory_space<vmem>>, vector<1x16xf32>,
      %get3A_518 = arith.index_cast %scan3A_212 : i32 to index
      %get3A_519 = arith.constant 288 : index
      %get3A_520 = tpu.vector_load %arg9[%get3A_518, %get3A_519] {strides = array<i32>} : memref<64x512xf32, #tpu.memory_space<vmem>>, vector<1x16xf32>,
      %get3A_521 = vector.shape_cast %get3A_520 : vector<1x16xf32> to vector<16xf32>
      %mul3A_522 = arith.constant 22.6274166 : f32
      %mul3A_523 = vector.broadcast %mul3A_522 : f32 to vector<16xf32>
      %mul3A_524 = arith.mulf %get3A_521, %mul3A_523 : vector<16xf32>
      %get3A_525 = arith.index_cast %scan3A_212 : i32 to index
      %get3A_526 = arith.constant 288 : index
      %get3A_527 = tpu.vector_load %arg7[%get3A_525, %get3A_526] {strides = array<i32>} : memref<64x512xf32, #tpu.memory_space<vmem>>, vector<1x16xf32>,
      %get3A_528 = vector.shape_cast %get3A_527 : vector<1x16xf32> to vector<16xf32>
      %add3A_529 = arith.addf %mul3A_524, %get3A_528 : vector<16xf32>
      %swap3A_530 = arith.index_cast %scan3A_212 : i32 to index
      %swap3A_531 = arith.constant 288 : index
      %swap3A_532 = tpu.vector_load %arg9[%swap3A_530, %swap3A_531] {strides = array<i32>} : memref<64x512xf32, #tpu.memory_space<vmem>>, vector<1x16xf32>,
      %swap3A_533 = vector.shape_cast %swap3A_532 : vector<1x16xf32> to vector<16xf32>
      %swap3A_534 = vector.shape_cast %add3A_529 : vector<16xf32> to vector<1x16xf32>
      tpu.vector_store %arg9[%swap3A_530, %swap3A_531], %swap3A_534 {strides = array<i32>} : memref<64x512xf32, #tpu.memory_space<vmem>>, vector<1x16xf32>,
      %get3A_535 = arith.index_cast %scan3A_212 : i32 to index
      %get3A_536 = arith.constant 304 : index
      %get3A_537 = tpu.vector_load %arg9[%get3A_535, %get3A_536] {strides = array<i32>} : memref<64x512xf32, #tpu.memory_space<vmem>>, vector<1x16xf32>,
      %get3A_538 = vector.shape_cast %get3A_537 : vector<1x16xf32> to vector<16xf32>
      %mul3A_539 = arith.constant 22.6274166 : f32
      %mul3A_540 = vector.broadcast %mul3A_539 : f32 to vector<16xf32>
      %mul3A_541 = arith.mulf %get3A_538, %mul3A_540 : vector<16xf32>
      %get3A_542 = arith.index_cast %scan3A_212 : i32 to index
      %get3A_543 = arith.constant 304 : index
      %get3A_544 = tpu.vector_load %arg7[%get3A_542, %get3A_543] {strides = array<i32>} : memref<64x512xf32, #tpu.memory_space<vmem>>, vector<1x16xf32>,
      %get3A_545 = vector.shape_cast %get3A_544 : vector<1x16xf32> to vector<16xf32>
      %add3A_546 = arith.addf %mul3A_541, %get3A_545 : vector<16xf32>
      %swap3A_547 = arith.index_cast %scan3A_212 : i32 to index
      %swap3A_548 = arith.constant 304 : index
      %swap3A_549 = tpu.vector_load %arg9[%swap3A_547, %swap3A_548] {strides = array<i32>} : memref<64x512xf32, #tpu.memory_space<vmem>>, vector<1x16xf32>,
      %swap3A_550 = vector.shape_cast %swap3A_549 : vector<1x16xf32> to vector<16xf32>
      %swap3A_551 = vector.shape_cast %add3A_546 : vector<16xf32> to vector<1x16xf32>
      tpu.vector_store %arg9[%swap3A_547, %swap3A_548], %swap3A_551 {strides = array<i32>} : memref<64x512xf32, #tpu.memory_space<vmem>>, vector<1x16xf32>,
      %get3A_552 = arith.index_cast %scan3A_212 : i32 to index
      %get3A_553 = arith.constant 320 : index
      %get3A_554 = tpu.vector_load %arg9[%get3A_552, %get3A_553] {strides = array<i32>} : memref<64x512xf32, #tpu.memory_space<vmem>>, vector<1x16xf32>,
      %get3A_555 = vector.shape_cast %get3A_554 : vector<1x16xf32> to vector<16xf32>
      %mul3A_556 = arith.constant 22.6274166 : f32
      %mul3A_557 = vector.broadcast %mul3A_556 : f32 to vector<16xf32>
      %mul3A_558 = arith.mulf %get3A_555, %mul3A_557 : vector<16xf32>
      %get3A_559 = arith.index_cast %scan3A_212 : i32 to index
      %get3A_560 = arith.constant 320 : index
      %get3A_561 = tpu.vector_load %arg7[%get3A_559, %get3A_560] {strides = array<i32>} : memref<64x512xf32, #tpu.memory_space<vmem>>, vector<1x16xf32>,
      %get3A_562 = vector.shape_cast %get3A_561 : vector<1x16xf32> to vector<16xf32>
      %add3A_563 = arith.addf %mul3A_558, %get3A_562 : vector<16xf32>
      %swap3A_564 = arith.index_cast %scan3A_212 : i32 to index
      %swap3A_565 = arith.constant 320 : index
      %swap3A_566 = tpu.vector_load %arg9[%swap3A_564, %swap3A_565] {strides = array<i32>} : memref<64x512xf32, #tpu.memory_space<vmem>>, vector<1x16xf32>,
      %swap3A_567 = vector.shape_cast %swap3A_566 : vector<1x16xf32> to vector<16xf32>
      %swap3A_568 = vector.shape_cast %add3A_563 : vector<16xf32> to vector<1x16xf32>
      tpu.vector_store %arg9[%swap3A_564, %swap3A_565], %swap3A_568 {strides = array<i32>} : memref<64x512xf32, #tpu.memory_space<vmem>>, vector<1x16xf32>,
      %get3A_569 = arith.index_cast %scan3A_212 : i32 to index
      %get3A_570 = arith.constant 336 : index
      %get3A_571 = tpu.vector_load %arg9[%get3A_569, %get3A_570] {strides = array<i32>} : memref<64x512xf32, #tpu.memory_space<vmem>>, vector<1x16xf32>,
      %get3A_572 = vector.shape_cast %get3A_571 : vector<1x16xf32> to vector<16xf32>
      %mul3A_573 = arith.constant 22.6274166 : f32
      %mul3A_574 = vector.broadcast %mul3A_573 : f32 to vector<16xf32>
      %mul3A_575 = arith.mulf %get3A_572, %mul3A_574 : vector<16xf32>
      %get3A_576 = arith.index_cast %scan3A_212 : i32 to index
      %get3A_577 = arith.constant 336 : index
      %get3A_578 = tpu.vector_load %arg7[%get3A_576, %get3A_577] {strides = array<i32>} : memref<64x512xf32, #tpu.memory_space<vmem>>, vector<1x16xf32>,
      %get3A_579 = vector.shape_cast %get3A_578 : vector<1x16xf32> to vector<16xf32>
      %add3A_580 = arith.addf %mul3A_575, %get3A_579 : vector<16xf32>
      %swap3A_581 = arith.index_cast %scan3A_212 : i32 to index
      %swap3A_582 = arith.constant 336 : index
      %swap3A_583 = tpu.vector_load %arg9[%swap3A_581, %swap3A_582] {strides = array<i32>} : memref<64x512xf32, #tpu.memory_space<vmem>>, vector<1x16xf32>,
      %swap3A_584 = vector.shape_cast %swap3A_583 : vector<1x16xf32> to vector<16xf32>
      %swap3A_585 = vector.shape_cast %add3A_580 : vector<16xf32> to vector<1x16xf32>
      tpu.vector_store %arg9[%swap3A_581, %swap3A_582], %swap3A_585 {strides = array<i32>} : memref<64x512xf32, #tpu.memory_space<vmem>>, vector<1x16xf32>,
      %get3A_586 = arith.index_cast %scan3A_212 : i32 to index
      %get3A_587 = arith.constant 352 : index
      %get3A_588 = tpu.vector_load %arg9[%get3A_586, %get3A_587] {strides = array<i32>} : memref<64x512xf32, #tpu.memory_space<vmem>>, vector<1x16xf32>,
      %get3A_589 = vector.shape_cast %get3A_588 : vector<1x16xf32> to vector<16xf32>
      %mul3A_590 = arith.constant 22.6274166 : f32
      %mul3A_591 = vector.broadcast %mul3A_590 : f32 to vector<16xf32>
      %mul3A_592 = arith.mulf %get3A_589, %mul3A_591 : vector<16xf32>
      %get3A_593 = arith.index_cast %scan3A_212 : i32 to index
      %get3A_594 = arith.constant 352 : index
      %get3A_595 = tpu.vector_load %arg7[%get3A_593, %get3A_594] {strides = array<i32>} : memref<64x512xf32, #tpu.memory_space<vmem>>, vector<1x16xf32>,
      %get3A_596 = vector.shape_cast %get3A_595 : vector<1x16xf32> to vector<16xf32>
      %add3A_597 = arith.addf %mul3A_592, %get3A_596 : vector<16xf32>
      %swap3A_598 = arith.index_cast %scan3A_212 : i32 to index
      %swap3A_599 = arith.constant 352 : index
      %swap3A_600 = tpu.vector_load %arg9[%swap3A_598, %swap3A_599] {strides = array<i32>} : memref<64x512xf32, #tpu.memory_space<vmem>>, vector<1x16xf32>,
      %swap3A_601 = vector.shape_cast %swap3A_600 : vector<1x16xf32> to vector<16xf32>
      %swap3A_602 = vector.shape_cast %add3A_597 : vector<16xf32> to vector<1x16xf32>
      tpu.vector_store %arg9[%swap3A_598, %swap3A_599], %swap3A_602 {strides = array<i32>} : memref<64x512xf32, #tpu.memory_space<vmem>>, vector<1x16xf32>,
      %get3A_603 = arith.index_cast %scan3A_212 : i32 to index
      %get3A_604 = arith.constant 368 : index
      %get3A_605 = tpu.vector_load %arg9[%get3A_603, %get3A_604] {strides = array<i32>} : memref<64x512xf32, #tpu.memory_space<vmem>>, vector<1x16xf32>,
      %get3A_606 = vector.shape_cast %get3A_605 : vector<1x16xf32> to vector<16xf32>
      %mul3A_607 = arith.constant 22.6274166 : f32
      %mul3A_608 = vector.broadcast %mul3A_607 : f32 to vector<16xf32>
      %mul3A_609 = arith.mulf %get3A_606, %mul3A_608 : vector<16xf32>
      %get3A_610 = arith.index_cast %scan3A_212 : i32 to index
      %get3A_611 = arith.constant 368 : index
      %get3A_612 = tpu.vector_load %arg7[%get3A_610, %get3A_611] {strides = array<i32>} : memref<64x512xf32, #tpu.memory_space<vmem>>, vector<1x16xf32>,
      %get3A_613 = vector.shape_cast %get3A_612 : vector<1x16xf32> to vector<16xf32>
      %add3A_614 = arith.addf %mul3A_609, %get3A_613 : vector<16xf32>
      %swap3A_615 = arith.index_cast %scan3A_212 : i32 to index
      %swap3A_616 = arith.constant 368 : index
      %swap3A_617 = tpu.vector_load %arg9[%swap3A_615, %swap3A_616] {strides = array<i32>} : memref<64x512xf32, #tpu.memory_space<vmem>>, vector<1x16xf32>,
      %swap3A_618 = vector.shape_cast %swap3A_617 : vector<1x16xf32> to vector<16xf32>
      %swap3A_619 = vector.shape_cast %add3A_614 : vector<16xf32> to vector<1x16xf32>
      tpu.vector_store %arg9[%swap3A_615, %swap3A_616], %swap3A_619 {strides = array<i32>} : memref<64x512xf32, #tpu.memory_space<vmem>>, vector<1x16xf32>,
      %get3A_620 = arith.index_cast %scan3A_212 : i32 to index
      %get3A_621 = arith.constant 384 : index
      %get3A_622 = tpu.vector_load %arg9[%get3A_620, %get3A_621] {strides = array<i32>} : memref<64x512xf32, #tpu.memory_space<vmem>>, vector<1x16xf32>,
      %get3A_623 = vector.shape_cast %get3A_622 : vector<1x16xf32> to vector<16xf32>
      %mul3A_624 = arith.constant 22.6274166 : f32
      %mul3A_625 = vector.broadcast %mul3A_624 : f32 to vector<16xf32>
      %mul3A_626 = arith.mulf %get3A_623, %mul3A_625 : vector<16xf32>
      %get3A_627 = arith.index_cast %scan3A_212 : i32 to index
      %get3A_628 = arith.constant 384 : index
      %get3A_629 = tpu.vector_load %arg7[%get3A_627, %get3A_628] {strides = array<i32>} : memref<64x512xf32, #tpu.memory_space<vmem>>, vector<1x16xf32>,
      %get3A_630 = vector.shape_cast %get3A_629 : vector<1x16xf32> to vector<16xf32>
      %add3A_631 = arith.addf %mul3A_626, %get3A_630 : vector<16xf32>
      %swap3A_632 = arith.index_cast %scan3A_212 : i32 to index
      %swap3A_633 = arith.constant 384 : index
      %swap3A_634 = tpu.vector_load %arg9[%swap3A_632, %swap3A_633] {strides = array<i32>} : memref<64x512xf32, #tpu.memory_space<vmem>>, vector<1x16xf32>,
      %swap3A_635 = vector.shape_cast %swap3A_634 : vector<1x16xf32> to vector<16xf32>
      %swap3A_636 = vector.shape_cast %add3A_631 : vector<16xf32> to vector<1x16xf32>
      tpu.vector_store %arg9[%swap3A_632, %swap3A_633], %swap3A_636 {strides = array<i32>} : memref<64x512xf32, #tpu.memory_space<vmem>>, vector<1x16xf32>,
      %get3A_637 = arith.index_cast %scan3A_212 : i32 to index
      %get3A_638 = arith.constant 400 : index
      %get3A_639 = tpu.vector_load %arg9[%get3A_637, %get3A_638] {strides = array<i32>} : memref<64x512xf32, #tpu.memory_space<vmem>>, vector<1x16xf32>,
      %get3A_640 = vector.shape_cast %get3A_639 : vector<1x16xf32> to vector<16xf32>
      %mul3A_641 = arith.constant 22.6274166 : f32
      %mul3A_642 = vector.broadcast %mul3A_641 : f32 to vector<16xf32>
      %mul3A_643 = arith.mulf %get3A_640, %mul3A_642 : vector<16xf32>
      %get3A_644 = arith.index_cast %scan3A_212 : i32 to index
      %get3A_645 = arith.constant 400 : index
      %get3A_646 = tpu.vector_load %arg7[%get3A_644, %get3A_645] {strides = array<i32>} : memref<64x512xf32, #tpu.memory_space<vmem>>, vector<1x16xf32>,
      %get3A_647 = vector.shape_cast %get3A_646 : vector<1x16xf32> to vector<16xf32>
      %add3A_648 = arith.addf %mul3A_643, %get3A_647 : vector<16xf32>
      %swap3A_649 = arith.index_cast %scan3A_212 : i32 to index
      %swap3A_650 = arith.constant 400 : index
      %swap3A_651 = tpu.vector_load %arg9[%swap3A_649, %swap3A_650] {strides = array<i32>} : memref<64x512xf32, #tpu.memory_space<vmem>>, vector<1x16xf32>,
      %swap3A_652 = vector.shape_cast %swap3A_651 : vector<1x16xf32> to vector<16xf32>
      %swap3A_653 = vector.shape_cast %add3A_648 : vector<16xf32> to vector<1x16xf32>
      tpu.vector_store %arg9[%swap3A_649, %swap3A_650], %swap3A_653 {strides = array<i32>} : memref<64x512xf32, #tpu.memory_space<vmem>>, vector<1x16xf32>,
      %get3A_654 = arith.index_cast %scan3A_212 : i32 to index
      %get3A_655 = arith.constant 416 : index
      %get3A_656 = tpu.vector_load %arg9[%get3A_654, %get3A_655] {strides = array<i32>} : memref<64x512xf32, #tpu.memory_space<vmem>>, vector<1x16xf32>,
      %get3A_657 = vector.shape_cast %get3A_656 : vector<1x16xf32> to vector<16xf32>
      %mul3A_658 = arith.constant 22.6274166 : f32
      %mul3A_659 = vector.broadcast %mul3A_658 : f32 to vector<16xf32>
      %mul3A_660 = arith.mulf %get3A_657, %mul3A_659 : vector<16xf32>
      %get3A_661 = arith.index_cast %scan3A_212 : i32 to index
      %get3A_662 = arith.constant 416 : index
      %get3A_663 = tpu.vector_load %arg7[%get3A_661, %get3A_662] {strides = array<i32>} : memref<64x512xf32, #tpu.memory_space<vmem>>, vector<1x16xf32>,
      %get3A_664 = vector.shape_cast %get3A_663 : vector<1x16xf32> to vector<16xf32>
      %add3A_665 = arith.addf %mul3A_660, %get3A_664 : vector<16xf32>
      %swap3A_666 = arith.index_cast %scan3A_212 : i32 to index
      %swap3A_667 = arith.constant 416 : index
      %swap3A_668 = tpu.vector_load %arg9[%swap3A_666, %swap3A_667] {strides = array<i32>} : memref<64x512xf32, #tpu.memory_space<vmem>>, vector<1x16xf32>,
      %swap3A_669 = vector.shape_cast %swap3A_668 : vector<1x16xf32> to vector<16xf32>
      %swap3A_670 = vector.shape_cast %add3A_665 : vector<16xf32> to vector<1x16xf32>
      tpu.vector_store %arg9[%swap3A_666, %swap3A_667], %swap3A_670 {strides = array<i32>} : memref<64x512xf32, #tpu.memory_space<vmem>>, vector<1x16xf32>,
      %get3A_671 = arith.index_cast %scan3A_212 : i32 to index
      %get3A_672 = arith.constant 432 : index
      %get3A_673 = tpu.vector_load %arg9[%get3A_671, %get3A_672] {strides = array<i32>} : memref<64x512xf32, #tpu.memory_space<vmem>>, vector<1x16xf32>,
      %get3A_674 = vector.shape_cast %get3A_673 : vector<1x16xf32> to vector<16xf32>
      %mul3A_675 = arith.constant 22.6274166 : f32
      %mul3A_676 = vector.broadcast %mul3A_675 : f32 to vector<16xf32>
      %mul3A_677 = arith.mulf %get3A_674, %mul3A_676 : vector<16xf32>
      %get3A_678 = arith.index_cast %scan3A_212 : i32 to index
      %get3A_679 = arith.constant 432 : index
      %get3A_680 = tpu.vector_load %arg7[%get3A_678, %get3A_679] {strides = array<i32>} : memref<64x512xf32, #tpu.memory_space<vmem>>, vector<1x16xf32>,
      %get3A_681 = vector.shape_cast %get3A_680 : vector<1x16xf32> to vector<16xf32>
      %add3A_682 = arith.addf %mul3A_677, %get3A_681 : vector<16xf32>
      %swap3A_683 = arith.index_cast %scan3A_212 : i32 to index
      %swap3A_684 = arith.constant 432 : index
      %swap3A_685 = tpu.vector_load %arg9[%swap3A_683, %swap3A_684] {strides = array<i32>} : memref<64x512xf32, #tpu.memory_space<vmem>>, vector<1x16xf32>,
      %swap3A_686 = vector.shape_cast %swap3A_685 : vector<1x16xf32> to vector<16xf32>
      %swap3A_687 = vector.shape_cast %add3A_682 : vector<16xf32> to vector<1x16xf32>
      tpu.vector_store %arg9[%swap3A_683, %swap3A_684], %swap3A_687 {strides = array<i32>} : memref<64x512xf32, #tpu.memory_space<vmem>>, vector<1x16xf32>,
      %get3A_688 = arith.index_cast %scan3A_212 : i32 to index
      %get3A_689 = arith.constant 448 : index
      %get3A_690 = tpu.vector_load %arg9[%get3A_688, %get3A_689] {strides = array<i32>} : memref<64x512xf32, #tpu.memory_space<vmem>>, vector<1x16xf32>,
      %get3A_691 = vector.shape_cast %get3A_690 : vector<1x16xf32> to vector<16xf32>
      %mul3A_692 = arith.constant 22.6274166 : f32
      %mul3A_693 = vector.broadcast %mul3A_692 : f32 to vector<16xf32>
      %mul3A_694 = arith.mulf %get3A_691, %mul3A_693 : vector<16xf32>
      %get3A_695 = arith.index_cast %scan3A_212 : i32 to index
      %get3A_696 = arith.constant 448 : index
      %get3A_697 = tpu.vector_load %arg7[%get3A_695, %get3A_696] {strides = array<i32>} : memref<64x512xf32, #tpu.memory_space<vmem>>, vector<1x16xf32>,
      %get3A_698 = vector.shape_cast %get3A_697 : vector<1x16xf32> to vector<16xf32>
      %add3A_699 = arith.addf %mul3A_694, %get3A_698 : vector<16xf32>
      %swap3A_700 = arith.index_cast %scan3A_212 : i32 to index
      %swap3A_701 = arith.constant 448 : index
      %swap3A_702 = tpu.vector_load %arg9[%swap3A_700, %swap3A_701] {strides = array<i32>} : memref<64x512xf32, #tpu.memory_space<vmem>>, vector<1x16xf32>,
      %swap3A_703 = vector.shape_cast %swap3A_702 : vector<1x16xf32> to vector<16xf32>
      %swap3A_704 = vector.shape_cast %add3A_699 : vector<16xf32> to vector<1x16xf32>
      tpu.vector_store %arg9[%swap3A_700, %swap3A_701], %swap3A_704 {strides = array<i32>} : memref<64x512xf32, #tpu.memory_space<vmem>>, vector<1x16xf32>,
      %get3A_705 = arith.index_cast %scan3A_212 : i32 to index
      %get3A_706 = arith.constant 464 : index
      %get3A_707 = tpu.vector_load %arg9[%get3A_705, %get3A_706] {strides = array<i32>} : memref<64x512xf32, #tpu.memory_space<vmem>>, vector<1x16xf32>,
      %get3A_708 = vector.shape_cast %get3A_707 : vector<1x16xf32> to vector<16xf32>
      %mul3A_709 = arith.constant 22.6274166 : f32
      %mul3A_710 = vector.broadcast %mul3A_709 : f32 to vector<16xf32>
      %mul3A_711 = arith.mulf %get3A_708, %mul3A_710 : vector<16xf32>
      %get3A_712 = arith.index_cast %scan3A_212 : i32 to index
      %get3A_713 = arith.constant 464 : index
      %get3A_714 = tpu.vector_load %arg7[%get3A_712, %get3A_713] {strides = array<i32>} : memref<64x512xf32, #tpu.memory_space<vmem>>, vector<1x16xf32>,
      %get3A_715 = vector.shape_cast %get3A_714 : vector<1x16xf32> to vector<16xf32>
      %add3A_716 = arith.addf %mul3A_711, %get3A_715 : vector<16xf32>
      %swap3A_717 = arith.index_cast %scan3A_212 : i32 to index
      %swap3A_718 = arith.constant 464 : index
      %swap3A_719 = tpu.vector_load %arg9[%swap3A_717, %swap3A_718] {strides = array<i32>} : memref<64x512xf32, #tpu.memory_space<vmem>>, vector<1x16xf32>,
      %swap3A_720 = vector.shape_cast %swap3A_719 : vector<1x16xf32> to vector<16xf32>
      %swap3A_721 = vector.shape_cast %add3A_716 : vector<16xf32> to vector<1x16xf32>
      tpu.vector_store %arg9[%swap3A_717, %swap3A_718], %swap3A_721 {strides = array<i32>} : memref<64x512xf32, #tpu.memory_space<vmem>>, vector<1x16xf32>,
      %get3A_722 = arith.index_cast %scan3A_212 : i32 to index
      %get3A_723 = arith.constant 480 : index
      %get3A_724 = tpu.vector_load %arg9[%get3A_722, %get3A_723] {strides = array<i32>} : memref<64x512xf32, #tpu.memory_space<vmem>>, vector<1x16xf32>,
      %get3A_725 = vector.shape_cast %get3A_724 : vector<1x16xf32> to vector<16xf32>
      %mul3A_726 = arith.constant 22.6274166 : f32
      %mul3A_727 = vector.broadcast %mul3A_726 : f32 to vector<16xf32>
      %mul3A_728 = arith.mulf %get3A_725, %mul3A_727 : vector<16xf32>
      %get3A_729 = arith.index_cast %scan3A_212 : i32 to index
      %get3A_730 = arith.constant 480 : index
      %get3A_731 = tpu.vector_load %arg7[%get3A_729, %get3A_730] {strides = array<i32>} : memref<64x512xf32, #tpu.memory_space<vmem>>, vector<1x16xf32>,
      %get3A_732 = vector.shape_cast %get3A_731 : vector<1x16xf32> to vector<16xf32>
      %add3A_733 = arith.addf %mul3A_728, %get3A_732 : vector<16xf32>
      %swap3A_734 = arith.index_cast %scan3A_212 : i32 to index
      %swap3A_735 = arith.constant 480 : index
      %swap3A_736 = tpu.vector_load %arg9[%swap3A_734, %swap3A_735] {strides = array<i32>} : memref<64x512xf32, #tpu.memory_space<vmem>>, vector<1x16xf32>,
      %swap3A_737 = vector.shape_cast %swap3A_736 : vector<1x16xf32> to vector<16xf32>
      %swap3A_738 = vector.shape_cast %add3A_733 : vector<16xf32> to vector<1x16xf32>
      tpu.vector_store %arg9[%swap3A_734, %swap3A_735], %swap3A_738 {strides = array<i32>} : memref<64x512xf32, #tpu.memory_space<vmem>>, vector<1x16xf32>,
      %get3A_739 = arith.index_cast %scan3A_212 : i32 to index
      %get3A_740 = arith.constant 496 : index
      %get3A_741 = tpu.vector_load %arg9[%get3A_739, %get3A_740] {strides = array<i32>} : memref<64x512xf32, #tpu.memory_space<vmem>>, vector<1x16xf32>,
      %get3A_742 = vector.shape_cast %get3A_741 : vector<1x16xf32> to vector<16xf32>
      %mul3A_743 = arith.constant 22.6274166 : f32
      %mul3A_744 = vector.broadcast %mul3A_743 : f32 to vector<16xf32>
      %mul3A_745 = arith.mulf %get3A_742, %mul3A_744 : vector<16xf32>
      %get3A_746 = arith.index_cast %scan3A_212 : i32 to index
      %get3A_747 = arith.constant 496 : index
      %get3A_748 = tpu.vector_load %arg7[%get3A_746, %get3A_747] {strides = array<i32>} : memref<64x512xf32, #tpu.memory_space<vmem>>, vector<1x16xf32>,
      %get3A_749 = vector.shape_cast %get3A_748 : vector<1x16xf32> to vector<16xf32>
      %add3A_750 = arith.addf %mul3A_745, %get3A_749 : vector<16xf32>
      %swap3A_751 = arith.index_cast %scan3A_212 : i32 to index
      %swap3A_752 = arith.constant 496 : index
      %swap3A_753 = tpu.vector_load %arg9[%swap3A_751, %swap3A_752] {strides = array<i32>} : memref<64x512xf32, #tpu.memory_space<vmem>>, vector<1x16xf32>,
      %swap3A_754 = vector.shape_cast %swap3A_753 : vector<1x16xf32> to vector<16xf32>
      %swap3A_755 = vector.shape_cast %add3A_750 : vector<16xf32> to vector<1x16xf32>
      tpu.vector_store %arg9[%swap3A_751, %swap3A_752], %swap3A_755 {strides = array<i32>} : memref<64x512xf32, #tpu.memory_space<vmem>>, vector<1x16xf32>,
      %scan3A_756 = arith.constant 0 : i32
      scf.yield %scan3A_756 : i32
    }
    %scan3A_197 = arith.constant 64 : i32
    %add3A_198 = arith.constant 6144 : i32
    %add3A_199 = arith.addi %add3A_198, %mul3A_2 : i32
    %dma_start3A_200 = arith.constant 0 : i32
    %dma_start3A_201 = tpu.memref_slice %arg5[%add3A_199, %dma_start3A_200] : memref<8192x512xf32, #tpu.memory_space<hbm>> -> memref<64x512xf32, #tpu.memory_space<hbm>>
    %dma_start3A_202 = arith.constant 0 : i32
    %dma_start3A_203 = tpu.memref_slice %arg5[%add3A_199, %dma_start3A_202] : memref<8192x512xf32, #tpu.memory_space<hbm>> -> memref<64x512xf32, #tpu.memory_space<hbm>>
    tpu.enqueue_dma source(%arg9 : memref<64x512xf32, #tpu.memory_space<vmem>>) target(%dma_start3A_203 : memref<64x512xf32, #tpu.memory_space<hbm>>) target_semaphore(%arg13 : memref<!tpu.dma_semaphore, #tpu.memory_space<semaphore_mem>>)
    %dma_wait3A_204 = arith.constant 0 : i32
    %dma_wait3A_205 = tpu.memref_slice %arg5[%add3A_179, %dma_wait3A_204] : memref<8192x512xf32, #tpu.memory_space<hbm>> -> memref<64x512xf32, #tpu.memory_space<hbm>>
    %dma_wait3A_206 = arith.constant 0 : i32
    %dma_wait3A_207 = tpu.memref_slice %arg5[%add3A_179, %dma_wait3A_206] : memref<8192x512xf32, #tpu.memory_space<hbm>> -> memref<64x512xf32, #tpu.memory_space<hbm>>
    tpu.wait_dma2 semaphore(%arg12 : memref<!tpu.dma_semaphore, #tpu.memory_space<semaphore_mem>>) src(%arg8 : memref<64x512xf32, #tpu.memory_space<vmem>>) dst(%dma_wait3A_207 : memref<64x512xf32, #tpu.memory_space<hbm>>)
    %dma_wait3A_208 = arith.constant 0 : i32
    %dma_wait3A_209 = tpu.memref_slice %arg5[%add3A_199, %dma_wait3A_208] : memref<8192x512xf32, #tpu.memory_space<hbm>> -> memref<64x512xf32, #tpu.memory_space<hbm>>
    %dma_wait3A_210 = arith.constant 0 : i32
    %dma_wait3A_211 = tpu.memref_slice %arg5[%add3A_199, %dma_wait3A_210] : memref<8192x512xf32, #tpu.memory_space<hbm>> -> memref<64x512xf32, #tpu.memory_space<hbm>>
    tpu.wait_dma2 semaphore(%arg13 : memref<!tpu.dma_semaphore, #tpu.memory_space<semaphore_mem>>) src(%arg9 : memref<64x512xf32, #tpu.memory_space<vmem>>) dst(%dma_wait3A_211 : memref<64x512xf32, #tpu.memory_space<hbm>>)
    return
  }
}

</mosaic_0001>

<sc_bundles>
// kernel: kernel.3.cloned.1.call-start
scs
__scs_entry_jumppad:
0x0: {  	(pc) =	sbr.rel $0x88, $3  }
0x1: {  	(tag) =	ssettag $0x0;
	lr =	simm.s32 $0x1  }
0x2: {  	[smem:$0x3F9E] =	sst lr;
	_ =	strace $0xD0000000  }
0x3: {  	_ = 	snop  }
0x4: {  	_ = 	snop  }
0x5: {  	_ = 	snop  }
0x6: {  	_ = 	snop  }
0x7: {  	_ = 	snop  }
__scs_overlays_trampoline_lowered:
0x8: {  	[smem:$0x3FAD] =	sst s0  }
0x9: {  	[smem:$0x3FAE] =	sst s1  }
0xa: {  	[smem:$0x3FAF] =	sst s2  }
0xb: {  	[smem:$0x3FB0] =	sst s3  }
0xc: {  	[smem:$0x3FB1] =	sst s4  }
0xd: {  	[smem:$0x3FB2] =	sst s5  }
0xe: {  	[smem:$0x3FB3] =	sst s6  }
0xf: {  	[smem:$0x3FB4] =	sst s7  }
0x10: {  	[smem:$0x3FB5] =	sst s8  }
0x11: {  	[smem:$0x3FB6] =	sst s9;
	s0 =	simm.s32 @!p0 $0x0  }
0x12: {  	s1 =	sld [smem:$0x3F9C];
	s0 =	simm.s32 @p0 $0x1  }
0x13: {  	[smem:$0x3FB7] =	sst s0;
	s0 =	simm.s32 @!p1 $0x0  }
0x14: {  	s2 =	sld [smem:$0x3F9B];
	s0 =	simm.s32 @p1 $0x1  }
0x15: {  	[smem:$0x3FB8] =	sst s0;
	s0 =	simm.s32 @!p2 $0x0  }
0x16: {  	s3 =	sld [smem:$0x3FDB];
	s0 =	simm.s32 @p2 $0x1  }
0x17: {  	s4 =	simm.s32 $0x1BF5;
	[smem:$0x3FBA] =	sst s0  }
0x18: {  	s0 =	sld [smem:$0x3F9D];
	_ =	swait.ge [sflag:s4], $0x0  }
0x19: {  	s7 =	sld [smem:$0x3F9E]  }
0x1a: {  	s8 =	sadd.s32 $0xFFFFE003, lr  }
0x1b: {  	s9 =	sadd.s32 $0xFFFFFEF7, lr;
	s5 =	simm.s32 $0xFFFFFFFF;
	p2 =	slt.u32 s8, $0xFFFFF086  }
0x1c: {  	p1 =	slt.u32 s9, $0xF7A;
	s5 =	simm.s32 @!p2 $0x0  }
0x1d: {  	s5 =	simm.s32 @p1 $0x1;
	p0 =	seq.s32 s7, s2  }
0x1e: {  	s7 =	smul.u32 @!p0 $0xF7A, s2;
	p2 =	seq.s32 @!p0 s5, $0x0  }
0x1f: {  	s9 =	smul.u32 $0xF7A, s1;
	s8 =	simm.s32 @!p0 $0x1BF5;
	p2 =	por !p2, p0  }
0x20: {  	[sflag:s8] =	ssyncset.s32 @!p0 $0xFFFFF086;
	s6 =	sadd.s32 @!p0 s3, s7;
	s7 =	simm.s32 @!p0 $0x108  }
0x21: {  	s3 =	sadd.s32 s3, s9;
	s6 =	sadd.s32 @!p0 $0x88, s6;
	s7 =	simm.s32 @p2 $0x1082  }
0x22: {  	[simem:s7], [sflag:s8] =	dma.local @!p0 [hbm:s6], $0xF7A  }
0x23: {  	s9 =	sor.u32 $0xD0000000, s2;
	s6 =	simm.s32 $0x108;
	_ =	swait.ge @!p0 [sflag:s8], $0x0  }
0x24: {  	s3 =	sadd.s32 $0x88, s3;
	s6 =	simm.s32 @!p1 $0x1082;
	[sflag:s4] =	ssyncset.s32 $0xFFFFF086  }
0x25: {  	[simem:s6], [sflag:s4] =	dma.local [hbm:s3], $0xF7A  }
0x26: {  	[smem:$0x3F9E] =	sst s1;
	(tag) =	ssettag s2;
	_ =	strace s9  }
0x27: {  	s1 =	sld [smem:$0x3FAE]  }
0x28: {  	s2 =	sld [smem:$0x3FAF]  }
0x29: {  	s4 =	sld [smem:$0x3FB1]  }
0x2a: {  	p0 =	seq.s32 s5, $0x0;
	s5 =	sld [smem:$0x3FB2]  }
0x2b: {  	s6 =	sld [smem:$0x3FB3]  }
0x2c: {  	s7 =	sld [smem:$0x3FB4]  }
0x2d: {  	s3 =	simm.s32 $0x108;
	s8 =	sld [smem:$0x3FB5]  }
0x2e: {  	s3 =	simm.s32 @!p0 $0x1082;
	s9 =	sld [smem:$0x3FB6]  }
0x2f: {  	lr =	sadd.s32 s0, s3;
	s0 =	sld [smem:$0x3FAD]  }
0x30: {  	s3 =	sld [smem:$0x3FB0]  }
0x31: {  	[smem:$0x3FB9] =	sst s10  }
0x32: {  	s10 =	sld [smem:$0x3FB7];
	_ =	sdelay $0x3  }
0x33: {  	p0 =	seq.s32 s10, $0x1;
	s10 =	sld [smem:$0x3FB9];
	_ =	sdelay $0x3  }
0x34: {  	[smem:$0x3FB9] =	sst s10  }
0x35: {  	s10 =	sld [smem:$0x3FB8];
	_ =	sdelay $0x3  }
0x36: {  	p1 =	seq.s32 s10, $0x1;
	s10 =	sld [smem:$0x3FB9];
	_ =	sdelay $0x3  }
0x37: {  	[smem:$0x3FB9] =	sst s10  }
0x38: {  	s10 =	sld [smem:$0x3FBA]  }
0x39: {  	_ = 	snop;
	(pc) =	sbr.ind lr, $3  }
0x3a: {  	_ = 	snop  }
0x3b: {  	_ = 	snop  }
0x3c: {  	p2 =	seq.s32 s10, $0x1;
	s10 =	sld [smem:$0x3FB9]  }
0x3d: {  	_ =	shalt  }
0x3e: {  	_ =	shalt  }
0x3f: {  	_ =	shalt  }
0x40: {  	_ =	shalt  }
0x41: {  	_ =	shalt  }
0x42: {  	_ =	shalt  }
0x43: {  	_ =	shalt  }
0x44: {  	_ =	shalt  }
0x45: {  	_ =	shalt  }
0x46: {  	_ =	shalt  }
0x47: {  	_ =	shalt  }
0x48: {  	_ =	shalt  }
0x49: {  	_ =	shalt  }
0x4a: {  	_ =	shalt  }
0x4b: {  	_ =	shalt  }
0x4c: {  	_ =	shalt  }
0x4d: {  	_ =	shalt  }
0x4e: {  	_ =	shalt  }
0x4f: {  	_ =	shalt  }
0x50: {  	_ =	shalt  }
0x51: {  	_ =	shalt  }
0x52: {  	_ =	shalt  }
0x53: {  	_ =	shalt  }
0x54: {  	_ =	shalt  }
0x55: {  	_ =	shalt  }
0x56: {  	_ =	shalt  }
0x57: {  	_ =	shalt  }
0x58: {  	_ =	shalt  }
0x59: {  	_ =	shalt  }
0x5a: {  	_ =	shalt  }
0x5b: {  	_ =	shalt  }
0x5c: {  	_ =	shalt  }
0x5d: {  	_ =	shalt  }
0x5e: {  	_ =	shalt  }
0x5f: {  	_ =	shalt  }
0x60: {  	_ =	shalt  }
0x61: {  	_ =	shalt  }
0x62: {  	_ =	shalt  }
0x63: {  	_ =	shalt  }
0x64: {  	_ =	shalt  }
0x65: {  	_ =	shalt  }
0x66: {  	_ =	shalt  }
0x67: {  	_ =	shalt  }
0x68: {  	_ =	shalt  }
0x69: {  	_ =	shalt  }
0x6a: {  	_ =	shalt  }
0x6b: {  	_ =	shalt  }
0x6c: {  	_ =	shalt  }
0x6d: {  	_ =	shalt  }
0x6e: {  	_ =	shalt  }
0x6f: {  	_ =	shalt  }
0x70: {  	_ =	shalt  }
0x71: {  	_ =	shalt  }
0x72: {  	_ =	shalt  }
0x73: {  	_ =	shalt  }
0x74: {  	_ =	shalt  }
0x75: {  	_ =	shalt  }
0x76: {  	_ =	shalt  }
0x77: {  	_ =	shalt  }
0x78: {  	_ =	shalt  }
0x79: {  	_ =	shalt  }
0x7a: {  	_ =	shalt  }
0x7b: {  	_ =	shalt  }
0x7c: {  	_ =	shalt  }
0x7d: {  	_ =	shalt  }
0x7e: {  	_ =	shalt  }
0x7f: {  	_ =	shalt  }
0x80: {  	_ =	shalt  }
0x81: {  	_ =	shalt  }
0x82: {  	_ =	shalt  }
0x83: {  	_ =	shalt  }
0x84: {  	_ =	shalt  }
0x85: {  	_ =	shalt  }
0x86: {  	_ =	shalt  }
0x87: {  	_ =	shalt  }
.Lfunc_end0:
.L_simem_size_0:
called_computation_lowered:
.L_overlay_start_0:
0x88: {  	s2 =	sld [smem:$0x3FD9]  }
0x89: {  	s3 =	sld [smem:$0x3FFE];
	_ =	sdelay $0x1  }
0x8a: {  	s1 =	srdreg.scid  }
0x8b: {  	s0 =	sand.u32 $0x1, s1  }
0x8c: {  	s17 =	sshll.u32 s0, $0xA;
	s2 =	sadd.s32 s3, s2  }
0x8d: {  	s2 =	sadd.s32 s2, s17  }
0x8e: {  	[smem:$0x3FC5] =	sst s2  }
0x8f: {  	_ = 	snop  }
0x90: {  	s2 =	sld [smem:$0x3FC8]  }
0x91: {  	s18 =	sld [smem:$0x3FC7]  }
0x92: {  	s4 =	sld [smem:$0x3FD0];
	(tm) =	ssettm $0x1  }
0x93: {  	s5 =	sld [smem:$0x3FFB];
	_ =	sdelay $0x3  }
0x94: {  	_ =	strace s5  }
0x95: {  	s5 =	sld [smem:$0x3FFC];
	_ =	sdelay $0x3  }
0x96: {  	_ =	strace s5  }
0x97: {  	s5 =	sld [smem:$0x3FFD];
	_ =	sdelay $0x3  }
0x98: {  	_ =	strace s5  }
0x99: {  	_ =	strace $0x8FFFFFFF  }
0x9a: {  	s19 =	sld [smem:$0x3FDB];
	_ =	sdelay $0x1  }
0x9b: {  	s6 =	simm.s32 $_scs_section_size  }
0x9c: {  	s7 =	simm.s32 $_size__tile_overlayer_lowered;
	s8 =	simm.s32 $_tile_overlayer_lowered  }
0x9d: {  	s22 =	simm.s32 $0x1BFF;
	s21 =	sshll.u32 s8, $0x1;
	s5 =	sadd.s32 s6, s19  }
0x9e: {  	s9 =	simm.s32 $0x0;
	s20 =	sshll.u32 s7, $0x1;
	s7 =	sadd.s32 s21, s5  }
0x9f: {  	[timem:s9], [sflag:s22] =	dma.local [hbm:s7], s20  }
0xa0: {  	_ =	swait.ge [sflag:s22], s20  }
0xa1: {  	s6 =	ssub.s32 $0x0, s20;
	[sflag:s22] =	ssyncset.done $0x0  }
0xa2: {  	[sflag:s22] =	ssyncadd.s32 s6;
	_ =	sdelay $0x1  }
0xa3: {  	s23 =	simm.s32 $0x1B8B  }
0xa4: {  	_ =	swait.ge [sflag:s23], $0x1  }
0xa5: {  	[sflag:s23] =	ssyncset.done $0x0  }
0xa6: {  	s25 =	simm.s32 $0x1B8E;
	s24 =	sld [smem:$0x3FFE];
	[sflag:s23] =	ssyncadd.s32 $0xFFFFFFFF  }
0xa7: {  	s26 =	simm.s32 $execute0_lowered;
	[smem:$0x3FD2] =	sst s25  }
0xa8: {  	s7 =	sshll.u32 s26, $0x1;
	_ =	strace $0x80000046;
	[dreg:$0x1] =	wrdreg $0xFFFFFFFF  }
0xa9: {  	s28 =	simm.s32 $_size_execute0_lowered;
	s5 =	sadd.s32 s5, s7;
	[dreg:$0x0] =	wrdreg $0x0  }
0xaa: {  	s7 =	sshll.u32 s28, $0x1;
	[dreg:$0x2] =	wrdreg s5  }
0xab: {  	[dreg:$0x3] =	wrdreg s7  }
0xac: {  	[dreg:$0x4] =	wrdreg $0xC0  }
0xad: {  	_ =	task [dreg:s9], $0x5FFFF  }
0xae: {  	[dreg:$0x1] =	wrdreg $0xFFFFFFFF  }
0xaf: {  	[dreg:$0x0] =	wrdreg $0x60  }
0xb0: {  	[dreg:$0x2] =	wrdreg s24  }
0xb1: {  	[dreg:$0x3] =	wrdreg s2  }
0xb2: {  	[dreg:$0x4] =	wrdreg s18  }
0xb3: {  	[dreg:$0x5] =	wrdreg s4  }
0xb4: {  	[dreg:$0x6] =	wrdreg $0x9  }
0xb5: {  	_ =	task.clear_ibuf [dreg:s9], $0x7FFFF;
	_ =	strace $0x90000046  }
0xb6: {  	s29 =	simm.s32 $0x9;
	_ =	strace $0x80000048  }
0xb7: {  	_ =	swait.ge [sflag:s29], $0x1  }
0xb8: {  	[sflag:s29] =	ssyncadd.s32 $0xFFFFFFFF  }
0xb9: {  	_ =	strace $0x90000048  }
0xba: {  	_ =	sfence  }
0xbb: {  	s30 =	sld [smem:$0x0];
	_ =	sdelay $0x2  }
0xbc: {  	s31 =	sshll.u32 s1, $0xD;
	s1 =	sshrl.u32 s1, $0x2  }
0xbd: {  	s3 =	sand.u32 $0x4000, s31;
	s1 =	sadd.s32 s1, s30  }
0xbe: {  	s0 =	sor.u32 s3, s0;
	s1 =	sshll.u32 s1, $0x11  }
0xbf: {  	s0 =	sor.u32 s1, s0  }
0xc0: {  	s0 =	sadd.s32 $0x8F2B, s0  }
0xc1: {  	[sflag:s0] =	ssyncadd.remote.s32 $0x1  }
0xc2: {  	_ =	sfence.sel $0xFFFF  }
0xc3: {  	[dreg:$0x0] =	wrdreg $0xFFFFFFFF;
	(pc) =	sbr.abs _section_cstart, $3  }
0xc4: {  	[dreg:$0x1] =	wrdreg $0xFFFFFFFF  }
0xc5: {  	_ =	task.clear_ibuf [dreg:s9], $0x2FFFF;
	_ =	strace $0x9FFFFFFF  }
0xc6: {  	(tm) =	ssettm $0x7FFFFFFF  }
0xc7: {  	_ =	shalt  }
tec
execute0_lowered:
.L_overlay_start_1:
0x0: {  	(tag) =	ssettag $0x1  }
0x1: {  	s0 =	rddreg [dreg:$0x0]  }
0x2: {  	s1 =	rddreg [dreg:$0x1]  }
0x3: {  	s2 =	rddreg [dreg:$0x2]  }
0x4: {  	s4 =	rddreg [dreg:$0x3];
	s3 =	simm.s32 $0x0  }
0x5: {  	s5 =	srdreg.scid;
	s7 =	stileid.u32;
	s28 =	simm.s32 $0x13A00  }
0x6: {  	s29 =	simm.s32 $0x14A00;
	s30 =	simm.s32 $0x15200;
	s31 =	simm.s32 $0x15A00  }
0x7: {  	s15 =	simm.s32 $0x17A00;
	s16 =	simm.s32 $0x3;
	[smem:$0x7FF] =	sst s3  }
0x8: {  	s5 =	sand.u32 $0x1, s5;
	s7 =	sshll.u32 s7, $0x7;
	s0 =	sadd.s32 $0x400, s0  }
0x9: {  	s9 =	sadd.s32 $0x100, s1;
	s6 =	ssub.s32 $0x2, s5;
	s5 =	sshll.u32 s5, $0x6  }
0xa: {  	_ =	strace $0x80000047;
	s8 =	sshrl.u32 s6, $0x1;
	s5 =	sor.u32 s5, s7  }
0xb: {  	s6 =	ssub.s32 s6, s8;
	s7 =	sshrl.u32 s5, $0x3;
	s17 =	sor.u32 $0x800, s5  }
0xc: {  	s10 =	sor.u32 $0x1000, s5;
	s11 =	sor.u32 $0x1800, s5;
	s5 =	sshll.u32 s5, $0x6  }
0xd: {  	s8 =	simm.s32 $0x2;
	s7 =	sadd.s32 s0, s7;
	s18 =	sshrl.u32 s17, $0x3  }
0xe: {  	s19 =	sshrl.u32 s10, $0x3;
	s20 =	sshrl.u32 s11, $0x3;
	s21 =	sadd.s32 s2, s5  }
0xf: {  	s22 =	sadd.s32 s4, s5;
	s23 =	sshll.u32 s17, $0x6;
	s24 =	sshll.u32 s10, $0x6  }
0x10: {  	s26 =	sshll.u32 s11, $0x6;
	s14 =	smax.u32 s6, $0x1;
	s5 =	simm.s32 $0x14200  }
0x11: {  	s6 =	simm.s32 $0x16200;
	s2 =	simm.s32 $0x17200;
	[dreg:$0x5] =	wrdreg s7  }
0x12: {  	s17 =	simm.s32 $0x4;
	s10 =	simm.s32 $0x0;
	[dreg:$0x9] =	wrdreg s21  }
0x13: {  	s7 =	sadd.s32 s0, s18;
	[dreg:$0xa] =	wrdreg s22;
	s25 =	sadd.s32 s4, s24  }
0x14: {  	s13 =	sadd.s32 s4, s26;
	s18 =	simm.s32 $0x6;
	s21 =	simm.s32 $0x10200  }
0x15: {  	s26 =	simm.s32 $0x13200;
	[dreg:$0x6] =	wrdreg s7;
	s7 =	sadd.s32 s0, s19  }
0x16: {  	s0 =	sadd.s32 s0, s20;
	[dreg:$0xc] =	wrdreg s25;
	s19 =	simm.s32 $0x5  }
0x17: {  	v2 =	vlaneseq.u32;
	s20 =	simm.s32 $0x8200;
	s25 =	simm.s32 $0x12A00;
	[dreg:$0x7] =	wrdreg s7  }
0x18: {  	vm0 =	vmmov $0xffff;
	v1 =	vshrl.u32 v2, $0x3;
	[dreg:$0x8] =	wrdreg s0;
	s0 =	sadd.s32 s4, s23;
	s4 =	simm.s32 $0x12200  }
0x19: {  	v0 =	vand.u32 $0x7, v2;
	v2 =	vor.u32 $0x8, v2;
	v1 =	vmul.u32 $0x8, v1;
	s7 =	simm.s32 $0x1;
	[dreg:$0xb] =	wrdreg s0;
	s0 =	simm.s32 $0x16A00  }
.LBB2_1:
0x1a: {  	s11 =	rddreg [dreg:$0x5]  }
0x1b: {  	[tilespmem:s3], [sflag:$0x5] =	stream.linear.gather [hbm4b:s11+s3], $0x40, $0x38;
	[tilespmem:$0x18200] =	vst v63  }
0x1c: {  	s22 =	rddreg [dreg:$0x6];
	s12 =	simm.s32 $0x80  }
0x1d: {  	[tilespmem:s12], [sflag:$0x5] =	stream.linear.gather [hbm4b:s22+s3], $0x40, $0x38;
	[tilespmem:$0x18200] =	vst v63  }
0x1e: {  	s23 =	rddreg [dreg:$0x7];
	s24 =	simm.s32 $0x100  }
0x1f: {  	[tilespmem:s24], [sflag:$0x5] =	stream.linear.gather [hbm4b:s23+s3], $0x40, $0x38;
	[tilespmem:$0x18200] =	vst v63  }
0x20: {  	s12 =	rddreg [dreg:$0x8];
	s22 =	simm.s32 $0x180  }
0x21: {  	[tilespmem:s22], [sflag:$0x5] =	stream.linear.gather [hbm4b:s12+s3], $0x40, $0x38;
	[tilespmem:$0x18200] =	vst v63  }
0x22: {  	s23 =	rddreg [dreg:$0x9];
	s24 =	simm.s32 $0x200  }
0x23: {  	[tilespmem:s24], [sflag:$0x6] =	stream.linear.gather [hbm4b:s23+s3], $0x8000, $0x38;
	[tilespmem:$0x18200] =	vst v63  }
0x24: {  	_ =	swait.ge [sflag:s19], $0x40  }
0x25: {  	[sflag:s19] =	ssyncset.done $0x0  }
0x26: {  	[sflag:s19] =	ssyncadd.s32 $0xFFFFFFC0  }
0x27: {  	_ =	swait.ge [sflag:s19], $0x40  }
0x28: {  	[sflag:s19] =	ssyncset.done $0x0  }
0x29: {  	[sflag:s19] =	ssyncadd.s32 $0xFFFFFFC0  }
0x2a: {  	_ =	swait.ge [sflag:s19], $0x40  }
0x2b: {  	[sflag:s19] =	ssyncset.done $0x0  }
0x2c: {  	[sflag:s19] =	ssyncadd.s32 $0xFFFFFFC0  }
0x2d: {  	_ =	swait.ge [sflag:s19], $0x40  }
0x2e: {  	[sflag:s19] =	ssyncset.done $0x0  }
0x2f: {  	[sflag:s19] =	ssyncadd.s32 $0xFFFFFFC0  }
0x30: {  	v3 =	vld [tilespmem:$0x0];
	_ =	sdelay $0x4  }
0x31: {  	v4 =	vshll.u32 v3, $0x2  }
0x32: {  	v3 =	vand.u32 $0x7, v3;
	v4 =	vand.u32 $0xFFFFFFE0, v4  }
0x33: {  	v3 =	vor.u32 v3, v4  }
0x34: {  	v4 =	vperm.xlane v3, v0;
	_ =	sdelay $0x1  }
0x35: {  	v4 =	vadd.s32 v1, v4;
	_ =	sdelay $0x1  }
0x36: {  	v3 =	vperm.xlane v3, v2;
	_ =	sdelay $0x1  }
0x37: {  	v3 =	vadd.s32 v1, v3  }
0x38: {  	[tilespmem:s20], [sflag:$0x1] =	stream.indirect_vreg.gather [hbm4b:s1+s3], $0x80, v4, vm0, $0xb8;
	[tilespmem:$0x18200] =	vst v63  }
0x39: {  	s22 =	simm.s32 $0x8A00  }
0x3a: {  	[tilespmem:s22], [sflag:$0x1] =	stream.indirect_vreg.gather [hbm4b:s9+s3], $0x80, v4, vm0, $0xb8;
	[tilespmem:$0x18200] =	vst v63  }
0x3b: {  	s23 =	simm.s32 $0x9200  }
0x3c: {  	[tilespmem:s23], [sflag:$0x1] =	stream.indirect_vreg.gather [hbm4b:s1+s3], $0x80, v3, vm0, $0xb8;
	[tilespmem:$0x18200] =	vst v63  }
0x3d: {  	s24 =	simm.s32 $0x9A00  }
0x3e: {  	[tilespmem:s24], [sflag:$0x1] =	stream.indirect_vreg.gather [hbm4b:s9+s3], $0x80, v3, vm0, $0xb8;
	[tilespmem:$0x18200] =	vst v63  }
0x3f: {  	v3 =	vld [tilespmem:$0x10];
	_ =	sdelay $0x4  }
0x40: {  	v4 =	vshll.u32 v3, $0x2  }
0x41: {  	v3 =	vand.u32 $0x7, v3;
	v4 =	vand.u32 $0xFFFFFFE0, v4  }
0x42: {  	v3 =	vor.u32 v3, v4  }
0x43: {  	v4 =	vperm.xlane v3, v0;
	_ =	sdelay $0x1  }
0x44: {  	v4 =	vadd.s32 v1, v4;
	_ =	sdelay $0x1  }
0x45: {  	v3 =	vperm.xlane v3, v2;
	_ =	sdelay $0x1  }
0x46: {  	s12 =	simm.s32 $0xA200;
	v3 =	vadd.s32 v1, v3  }
0x47: {  	[tilespmem:s12], [sflag:$0x1] =	stream.indirect_vreg.gather [hbm4b:s1+s3], $0x80, v4, vm0, $0xb8;
	[tilespmem:$0x18200] =	vst v63  }
0x48: {  	s22 =	simm.s32 $0xAA00  }
0x49: {  	[tilespmem:s22], [sflag:$0x1] =	stream.indirect_vreg.gather [hbm4b:s9+s3], $0x80, v4, vm0, $0xb8;
	[tilespmem:$0x18200] =	vst v63  }
0x4a: {  	s23 =	simm.s32 $0xB200  }
0x4b: {  	[tilespmem:s23], [sflag:$0x1] =	stream.indirect_vreg.gather [hbm4b:s1+s3], $0x80, v3, vm0, $0xb8;
	[tilespmem:$0x18200] =	vst v63  }
0x4c: {  	s24 =	simm.s32 $0xBA00  }
0x4d: {  	[tilespmem:s24], [sflag:$0x1] =	stream.indirect_vreg.gather [hbm4b:s9+s3], $0x80, v3, vm0, $0xb8;
	[tilespmem:$0x18200] =	vst v63  }
0x4e: {  	v3 =	vld [tilespmem:$0x20];
	_ =	sdelay $0x4  }
0x4f: {  	v4 =	vshll.u32 v3, $0x2  }
0x50: {  	v3 =	vand.u32 $0x7, v3;
	v4 =	vand.u32 $0xFFFFFFE0, v4  }
0x51: {  	v3 =	vor.u32 v3, v4  }
0x52: {  	v4 =	vperm.xlane v3, v0;
	_ =	sdelay $0x1  }
0x53: {  	v4 =	vadd.s32 v1, v4;
	_ =	sdelay $0x1  }
0x54: {  	v3 =	vperm.xlane v3, v2;
	_ =	sdelay $0x1  }
0x55: {  	s12 =	simm.s32 $0xC200;
	v3 =	vadd.s32 v1, v3  }
0x56: {  	[tilespmem:s12], [sflag:$0x1] =	stream.indirect_vreg.gather [hbm4b:s1+s3], $0x80, v4, vm0, $0xb8;
	[tilespmem:$0x18200] =	vst v63  }
0x57: {  	s22 =	simm.s32 $0xCA00  }
0x58: {  	[tilespmem:s22], [sflag:$0x1] =	stream.indirect_vreg.gather [hbm4b:s9+s3], $0x80, v4, vm0, $0xb8;
	[tilespmem:$0x18200] =	vst v63  }
0x59: {  	s23 =	simm.s32 $0xD200  }
0x5a: {  	[tilespmem:s23], [sflag:$0x1] =	stream.indirect_vreg.gather [hbm4b:s1+s3], $0x80, v3, vm0, $0xb8;
	[tilespmem:$0x18200] =	vst v63  }
0x5b: {  	s24 =	simm.s32 $0xDA00  }
0x5c: {  	[tilespmem:s24], [sflag:$0x1] =	stream.indirect_vreg.gather [hbm4b:s9+s3], $0x80, v3, vm0, $0xb8;
	[tilespmem:$0x18200] =	vst v63  }
0x5d: {  	v3 =	vld [tilespmem:$0x30];
	_ =	sdelay $0x4  }
0x5e: {  	v4 =	vshll.u32 v3, $0x2  }
0x5f: {  	v3 =	vand.u32 $0x7, v3;
	v4 =	vand.u32 $0xFFFFFFE0, v4  }
0x60: {  	v3 =	vor.u32 v3, v4  }
0x61: {  	v4 =	vperm.xlane v3, v0;
	_ =	sdelay $0x1  }
0x62: {  	v4 =	vadd.s32 v1, v4;
	_ =	sdelay $0x1  }
0x63: {  	v3 =	vperm.xlane v3, v2;
	_ =	sdelay $0x1  }
0x64: {  	s12 =	simm.s32 $0xE200;
	v3 =	vadd.s32 v1, v3  }
0x65: {  	[tilespmem:s12], [sflag:$0x1] =	stream.indirect_vreg.gather [hbm4b:s1+s3], $0x80, v4, vm0, $0xb8;
	[tilespmem:$0x18200] =	vst v63  }
0x66: {  	s22 =	simm.s32 $0xEA00  }
0x67: {  	[tilespmem:s22], [sflag:$0x1] =	stream.indirect_vreg.gather [hbm4b:s9+s3], $0x80, v4, vm0, $0xb8;
	[tilespmem:$0x18200] =	vst v63  }
0x68: {  	s23 =	simm.s32 $0xF200  }
0x69: {  	[tilespmem:s23], [sflag:$0x1] =	stream.indirect_vreg.gather [hbm4b:s1+s3], $0x80, v3, vm0, $0xb8;
	[tilespmem:$0x18200] =	vst v63  }
0x6a: {  	s24 =	simm.s32 $0xFA00  }
0x6b: {  	[tilespmem:s24], [sflag:$0x1] =	stream.indirect_vreg.gather [hbm4b:s9+s3], $0x80, v3, vm0, $0xb8;
	[tilespmem:$0x18200] =	vst v63  }
0x6c: {  	_ =	swait.ge [sflag:s18], $0x8000  }
0x6d: {  	[sflag:s18] =	ssyncset.done $0x0  }
0x6e: {  	[sflag:s18] =	ssyncadd.s32 $0xFFFF8000  }
0x6f: {  	v3 =	vld [tilespmem:$0x80];
	_ =	sdelay $0x4  }
0x70: {  	v4 =	vshll.u32 v3, $0x2  }
0x71: {  	v3 =	vand.u32 $0x7, v3;
	v4 =	vand.u32 $0xFFFFFFE0, v4  }
0x72: {  	v3 =	vor.u32 v3, v4  }
0x73: {  	v4 =	vperm.xlane v3, v0;
	_ =	sdelay $0x1  }
0x74: {  	v4 =	vadd.s32 v1, v4;
	_ =	sdelay $0x1  }
0x75: {  	v3 =	vperm.xlane v3, v2;
	_ =	sdelay $0x1  }
0x76: {  	v3 =	vadd.s32 v1, v3  }
0x77: {  	[tilespmem:s21], [sflag:$0x2] =	stream.indirect_vreg.gather [hbm4b:s1+s3], $0x80, v4, vm0, $0xb8;
	[tilespmem:$0x18200] =	vst v63  }
0x78: {  	s12 =	simm.s32 $0x10A00  }
0x79: {  	[tilespmem:s12], [sflag:$0x2] =	stream.indirect_vreg.gather [hbm4b:s9+s3], $0x80, v4, vm0, $0xb8;
	[tilespmem:$0x18200] =	vst v63  }
0x7a: {  	s22 =	simm.s32 $0x11200  }
0x7b: {  	[tilespmem:s22], [sflag:$0x2] =	stream.indirect_vreg.gather [hbm4b:s1+s3], $0x80, v3, vm0, $0xb8;
	[tilespmem:$0x18200] =	vst v63  }
0x7c: {  	s23 =	simm.s32 $0x11A00  }
0x7d: {  	[tilespmem:s23], [sflag:$0x2] =	stream.indirect_vreg.gather [hbm4b:s9+s3], $0x80, v3, vm0, $0xb8;
	[tilespmem:$0x18200] =	vst v63  }
0x7e: {  	v3 =	vld [tilespmem:$0x90];
	_ =	sdelay $0x4  }
0x7f: {  	v4 =	vshll.u32 v3, $0x2  }
0x80: {  	v3 =	vand.u32 $0x7, v3;
	v4 =	vand.u32 $0xFFFFFFE0, v4  }
0x81: {  	v3 =	vor.u32 v3, v4  }
0x82: {  	v4 =	vperm.xlane v3, v0;
	_ =	sdelay $0x1  }
0x83: {  	v4 =	vadd.s32 v1, v4;
	_ =	sdelay $0x1  }
0x84: {  	v3 =	vperm.xlane v3, v2;
	_ =	sdelay $0x1  }
0x85: {  	v3 =	vadd.s32 v1, v3  }
0x86: {  	[tilespmem:s4], [sflag:$0x2] =	stream.indirect_vreg.gather [hbm4b:s1+s3], $0x80, v4, vm0, $0xb8;
	[tilespmem:$0x18200] =	vst v63  }
0x87: {  	_ = 	snop  }
0x88: {  	[tilespmem:s25], [sflag:$0x2] =	stream.indirect_vreg.gather [hbm4b:s9+s3], $0x80, v4, vm0, $0xb8;
	[tilespmem:$0x18200] =	vst v63  }
0x89: {  	_ = 	snop  }
0x8a: {  	[tilespmem:s26], [sflag:$0x2] =	stream.indirect_vreg.gather [hbm4b:s1+s3], $0x80, v3, vm0, $0xb8;
	[tilespmem:$0x18200] =	vst v63  }
0x8b: {  	_ = 	snop  }
0x8c: {  	[tilespmem:s28], [sflag:$0x2] =	stream.indirect_vreg.gather [hbm4b:s9+s3], $0x80, v3, vm0, $0xb8;
	[tilespmem:$0x18200] =	vst v63  }
0x8d: {  	v3 =	vld [tilespmem:$0xA0];
	_ =	sdelay $0x4  }
0x8e: {  	v4 =	vshll.u32 v3, $0x2  }
0x8f: {  	v3 =	vand.u32 $0x7, v3;
	v4 =	vand.u32 $0xFFFFFFE0, v4  }
0x90: {  	v3 =	vor.u32 v3, v4  }
0x91: {  	v4 =	vperm.xlane v3, v0;
	_ =	sdelay $0x1  }
0x92: {  	v4 =	vadd.s32 v1, v4;
	_ =	sdelay $0x1  }
0x93: {  	v3 =	vperm.xlane v3, v2;
	_ =	sdelay $0x1  }
0x94: {  	v3 =	vadd.s32 v1, v3  }
0x95: {  	[tilespmem:s5], [sflag:$0x2] =	stream.indirect_vreg.gather [hbm4b:s1+s3], $0x80, v4, vm0, $0xb8;
	[tilespmem:$0x18200] =	vst v63  }
0x96: {  	_ = 	snop  }
0x97: {  	[tilespmem:s29], [sflag:$0x2] =	stream.indirect_vreg.gather [hbm4b:s9+s3], $0x80, v4, vm0, $0xb8;
	[tilespmem:$0x18200] =	vst v63  }
0x98: {  	_ = 	snop  }
0x99: {  	[tilespmem:s30], [sflag:$0x2] =	stream.indirect_vreg.gather [hbm4b:s1+s3], $0x80, v3, vm0, $0xb8;
	[tilespmem:$0x18200] =	vst v63  }
0x9a: {  	_ = 	snop  }
0x9b: {  	[tilespmem:s31], [sflag:$0x2] =	stream.indirect_vreg.gather [hbm4b:s9+s3], $0x80, v3, vm0, $0xb8;
	[tilespmem:$0x18200] =	vst v63  }
0x9c: {  	v3 =	vld [tilespmem:$0xB0];
	_ =	sdelay $0x4  }
0x9d: {  	v4 =	vshll.u32 v3, $0x2  }
0x9e: {  	v3 =	vand.u32 $0x7, v3;
	v4 =	vand.u32 $0xFFFFFFE0, v4  }
0x9f: {  	v3 =	vor.u32 v3, v4  }
0xa0: {  	v4 =	vperm.xlane v3, v0;
	_ =	sdelay $0x1  }
0xa1: {  	v4 =	vadd.s32 v1, v4;
	_ =	sdelay $0x1  }
0xa2: {  	v3 =	vperm.xlane v3, v2;
	_ =	sdelay $0x1  }
0xa3: {  	v3 =	vadd.s32 v1, v3  }
0xa4: {  	[tilespmem:s6], [sflag:$0x2] =	stream.indirect_vreg.gather [hbm4b:s1+s3], $0x80, v4, vm0, $0xb8;
	[tilespmem:$0x18200] =	vst v63  }
0xa5: {  	_ = 	snop  }
0xa6: {  	[tilespmem:s0], [sflag:$0x2] =	stream.indirect_vreg.gather [hbm4b:s9+s3], $0x80, v4, vm0, $0xb8;
	[tilespmem:$0x18200] =	vst v63  }
0xa7: {  	_ = 	snop  }
0xa8: {  	[tilespmem:s2], [sflag:$0x2] =	stream.indirect_vreg.gather [hbm4b:s1+s3], $0x80, v3, vm0, $0xb8;
	[tilespmem:$0x18200] =	vst v63  }
0xa9: {  	_ = 	snop  }
0xaa: {  	[tilespmem:s15], [sflag:$0x2] =	stream.indirect_vreg.gather [hbm4b:s9+s3], $0x80, v3, vm0, $0xb8;
	[tilespmem:$0x18200] =	vst v63  }
0xab: {  	_ =	swait.ge [sflag:s7], $0x8000  }
0xac: {  	s24 =	sand.u32 $0x7000, s3;
	s22 =	sand.u32 $0x380, s3;
	[sflag:s7] =	ssyncset.done $0x0  }
0xad: {  	s22 =	sor.u32 s22, s24;
	[sflag:s7] =	ssyncadd.s32 $0xFFFF8000  }
0xae: {  	v10 =	vld [tilespmem:s22+$0x200]  }
0xaf: {  	v11 =	vld [tilespmem:s22+$0x210]  }
0xb0: {  	v12 =	vld [tilespmem:s22+$0x220]  }
0xb1: {  	v13 =	vld [tilespmem:s22+$0x230]  }
0xb2: {  	v14 =	vld [tilespmem:s22+$0x240]  }
0xb3: {  	v15 =	vld [tilespmem:s22+$0x250]  }
0xb4: {  	v16 =	vld [tilespmem:s22+$0x260]  }
0xb5: {  	v17 =	vld [tilespmem:s22+$0x270]  }
0xb6: {  	v18 =	vld [tilespmem:s22+$0x600]  }
0xb7: {  	v19 =	vld [tilespmem:s22+$0x610]  }
0xb8: {  	v20 =	vld [tilespmem:s22+$0x620]  }
0xb9: {  	v21 =	vld [tilespmem:s22+$0x630]  }
0xba: {  	v22 =	vld [tilespmem:s22+$0x640]  }
0xbb: {  	v23 =	vld [tilespmem:s22+$0x650]  }
0xbc: {  	v24 =	vld [tilespmem:s22+$0x660]  }
0xbd: {  	v25 =	vld [tilespmem:s22+$0x670]  }
0xbe: {  	v26 =	vld [tilespmem:s22+$0xA00]  }
0xbf: {  	v27 =	vld [tilespmem:s22+$0xA10]  }
0xc0: {  	v28 =	vld [tilespmem:s22+$0xA20]  }
0xc1: {  	v29 =	vld [tilespmem:s22+$0xA30]  }
0xc2: {  	v30 =	vld [tilespmem:s22+$0xA40]  }
0xc3: {  	v31 =	vld [tilespmem:s22+$0xA50]  }
0xc4: {  	v32 =	vld [tilespmem:s22+$0xA60]  }
0xc5: {  	v9 =	vld [tilespmem:s22+$0xA70]  }
0xc6: {  	v8 =	vld [tilespmem:s22+$0xE00]  }
0xc7: {  	v7 =	vld [tilespmem:s22+$0xE10]  }
0xc8: {  	v6 =	vld [tilespmem:s22+$0xE20]  }
0xc9: {  	v5 =	vld [tilespmem:s22+$0xE30]  }
0xca: {  	v4 =	vld [tilespmem:s22+$0xE40]  }
0xcb: {  	v3 =	vld [tilespmem:s22+$0xE50]  }
0xcc: {  	v33 =	vld [tilespmem:s22+$0x8200]  }
0xcd: {  	v34 =	vld [tilespmem:s22+$0x8210]  }
0xce: {  	v35 =	vld [tilespmem:s22+$0x8220]  }
0xcf: {  	v36 =	vld [tilespmem:s22+$0x8230]  }
0xd0: {  	v37 =	vld [tilespmem:s22+$0x8240]  }
0xd1: {  	v38 =	vld [tilespmem:s22+$0x8250];
	v33 =	vmul.f32 $2.262741660e+01, v33  }
0xd2: {  	v39 =	vld [tilespmem:s22+$0x8260];
	v34 =	vmul.f32 $2.262741660e+01, v34  }
0xd3: {  	v59 =	vld [tilespmem:s22+$0x8270];
	v58 =	vmul.f32 $2.262741660e+01, v35;
	v10 =	vadd.f32 v10, v33  }
0xd4: {  	v61 =	vld [tilespmem:s22+$0x8600];
	v60 =	vmul.f32 $2.262741660e+01, v36;
	v11 =	vadd.f32 v11, v34  }
0xd5: {  	v62 =	vld [tilespmem:s22+$0x8610];
	[tilespmem:s22+$0x8200] =	vst v10;
	v10 =	vadd.f32 v12, v58;
	v12 =	vmul.f32 $2.262741660e+01, v37  }
0xd6: {  	v63 =	vld [tilespmem:s22+$0x8620];
	[tilespmem:s22+$0x8210] =	vst v11;
	v11 =	vadd.f32 v13, v60;
	v13 =	vmul.f32 $2.262741660e+01, v38  }
0xd7: {  	[tilespmem:s22+$0x8220] =	vst v10;
	v10 =	vadd.f32 v14, v12;
	v12 =	vmul.f32 $2.262741660e+01, v39;
	v14 =	vld [tilespmem:s22+$0x8630]  }
0xd8: {  	[tilespmem:s22+$0x8230] =	vst v11;
	v11 =	vadd.f32 v15, v13;
	v13 =	vmul.f32 $2.262741660e+01, v59;
	v15 =	vld [tilespmem:s22+$0x8640]  }
0xd9: {  	[tilespmem:s22+$0x8240] =	vst v10;
	v10 =	vadd.f32 v16, v12;
	v12 =	vmul.f32 $2.262741660e+01, v61;
	v16 =	vld [tilespmem:s22+$0x8650]  }
0xda: {  	[tilespmem:s22+$0x8250] =	vst v11;
	v11 =	vadd.f32 v17, v13;
	v13 =	vmul.f32 $2.262741660e+01, v62;
	v17 =	vld [tilespmem:s22+$0x8660]  }
0xdb: {  	[tilespmem:s22+$0x8260] =	vst v10;
	v10 =	vadd.f32 v18, v12;
	v12 =	vmul.f32 $2.262741660e+01, v63;
	v18 =	vld [tilespmem:s22+$0x8670]  }
0xdc: {  	[tilespmem:s22+$0x8270] =	vst v11;
	v11 =	vadd.f32 v19, v13;
	v13 =	vmul.f32 $2.262741660e+01, v14;
	v14 =	vld [tilespmem:s22+$0x8A00]  }
0xdd: {  	[tilespmem:s22+$0x8600] =	vst v10;
	v10 =	vadd.f32 v20, v12;
	v12 =	vmul.f32 $2.262741660e+01, v15;
	v15 =	vld [tilespmem:s22+$0x8A10]  }
0xde: {  	[tilespmem:s22+$0x8610] =	vst v11;
	v11 =	vadd.f32 v21, v13;
	v13 =	vmul.f32 $2.262741660e+01, v16;
	v16 =	vld [tilespmem:s22+$0x8A20]  }
0xdf: {  	[tilespmem:s22+$0x8620] =	vst v10;
	v10 =	vadd.f32 v22, v12;
	v12 =	vmul.f32 $2.262741660e+01, v17;
	v17 =	vld [tilespmem:s22+$0x8A30]  }
0xe0: {  	[tilespmem:s22+$0x8630] =	vst v11;
	v11 =	vadd.f32 v23, v13;
	v13 =	vmul.f32 $2.262741660e+01, v18;
	v18 =	vld [tilespmem:s22+$0x8A40]  }
0xe1: {  	v19 =	vld [tilespmem:s22+$0x8A50];
	[tilespmem:s22+$0x8640] =	vst v10;
	v10 =	vadd.f32 v24, v12;
	v12 =	vmul.f32 $2.262741660e+01, v14  }
0xe2: {  	[tilespmem:s22+$0x8650] =	vst v11;
	v11 =	vadd.f32 v25, v13;
	v13 =	vmul.f32 $2.262741660e+01, v15;
	v15 =	vld [tilespmem:s22+$0x8A60]  }
0xe3: {  	[tilespmem:s22+$0x8660] =	vst v10;
	v10 =	vadd.f32 v26, v12;
	v12 =	vmul.f32 $2.262741660e+01, v16;
	v16 =	vld [tilespmem:s22+$0x8A70]  }
0xe4: {  	v20 =	vld [tilespmem:s22+$0x8E00];
	[tilespmem:s22+$0x8670] =	vst v11;
	v11 =	vadd.f32 v27, v13;
	v13 =	vmul.f32 $2.262741660e+01, v17  }
0xe5: {  	v14 =	vld [tilespmem:s22+$0x8E10];
	[tilespmem:s22+$0x8A00] =	vst v10;
	v10 =	vadd.f32 v28, v12;
	v12 =	vmul.f32 $2.262741660e+01, v18  }
0xe6: {  	v17 =	vmul.f32 $2.262741660e+01, v19;
	[tilespmem:s22+$0x8A10] =	vst v11;
	v11 =	vadd.f32 v29, v13;
	v13 =	vld [tilespmem:s22+$0x8E20]  }
0xe7: {  	[tilespmem:s22+$0x8A20] =	vst v10;
	v10 =	vadd.f32 v30, v12;
	v18 =	vmul.f32 $2.262741660e+01, v15;
	v12 =	vld [tilespmem:s22+$0x8E30]  }
0xe8: {  	v15 =	vadd.f32 v31, v17;
	[tilespmem:s22+$0x8A30] =	vst v11;
	v11 =	vld [tilespmem:s22+$0x8E40];
	v17 =	vmul.f32 $2.262741660e+01, v16  }
0xe9: {  	s11 =	simm.s32 $0x0;
	s23 =	simm.s32 $0x200;
	v16 =	vmul.f32 $2.262741660e+01, v20;
	[tilespmem:s22+$0x8A40] =	vst v10;
	v18 =	vadd.f32 v32, v18;
	v10 =	vld [tilespmem:s22+$0x8E50]  }
.LBB2_2:
0xea: {  	p0 =	sne.s32 s23, $0x7E00;
	[tilespmem:s22+$0x8A50] =	vst v15;
	v9 =	vadd.f32 v9, v17;
	v14 =	vmul.f32 $2.262741660e+01, v14;
	v15 =	vld [tilespmem:s22+$0x8E60]  }
0xeb: {  	s11 =	sadd.s32 $0x80, s11;
	[tilespmem:s22+$0x8A60] =	vst v18;
	v8 =	vadd.f32 v8, v16;
	v13 =	vmul.f32 $2.262741660e+01, v13;
	v16 =	vld [tilespmem:s22+$0x8E70]  }
0xec: {  	s24 =	sand.u32 $0x7000, s23;
	s12 =	sand.u32 $0x380, s11;
	[tilespmem:s22+$0x8A70] =	vst v9;
	v7 =	vadd.f32 v7, v14;
	v9 =	vmul.f32 $2.262741660e+01, v12;
	v12 =	vld [tilespmem:s22+$0xE60]  }
0xed: {  	s12 =	sor.u32 s12, s24;
	[tilespmem:s22+$0x8E00] =	vst v8;
	v6 =	vadd.f32 v6, v13;
	v8 =	vmul.f32 $2.262741660e+01, v11;
	v11 =	vld [tilespmem:s22+$0xE70]  }
0xee: {  	v17 =	vld [tilespmem:s12+$0x200];
	[tilespmem:s22+$0x8E10] =	vst v7;
	v5 =	vadd.f32 v5, v9;
	v7 =	vmul.f32 $2.262741660e+01, v10  }
0xef: {  	v18 =	vld [tilespmem:s12+$0x210];
	[tilespmem:s22+$0x8E20] =	vst v6;
	v4 =	vadd.f32 v4, v8;
	v6 =	vmul.f32 $2.262741660e+01, v15  }
0xf0: {  	v15 =	vld [tilespmem:s12+$0x220];
	[tilespmem:s22+$0x8E30] =	vst v5;
	v3 =	vadd.f32 v3, v7;
	v5 =	vmul.f32 $2.262741660e+01, v16  }
0xf1: {  	v16 =	vld [tilespmem:s12+$0x230];
	[tilespmem:s22+$0x8E40] =	vst v4;
	v4 =	vadd.f32 v12, v6  }
0xf2: {  	v19 =	vld [tilespmem:s12+$0x240];
	[tilespmem:s22+$0x8E50] =	vst v3;
	v3 =	vadd.f32 v11, v5  }
0xf3: {  	v20 =	vld [tilespmem:s12+$0x250];
	[tilespmem:s22+$0x8E60] =	vst v4  }
0xf4: {  	v21 =	vld [tilespmem:s12+$0x260];
	[tilespmem:s22+$0x8E70] =	vst v3;
	s22 =	smov.u32 s12  }
0xf5: {  	v22 =	vld [tilespmem:s22+$0x270]  }
0xf6: {  	v23 =	vld [tilespmem:s22+$0x600]  }
0xf7: {  	v24 =	vld [tilespmem:s22+$0x610]  }
0xf8: {  	v25 =	vld [tilespmem:s22+$0x620]  }
0xf9: {  	v26 =	vld [tilespmem:s22+$0x630]  }
0xfa: {  	v27 =	vld [tilespmem:s22+$0x640]  }
0xfb: {  	v28 =	vld [tilespmem:s22+$0x650]  }
0xfc: {  	v29 =	vld [tilespmem:s22+$0x660]  }
0xfd: {  	v30 =	vld [tilespmem:s22+$0x670]  }
0xfe: {  	v31 =	vld [tilespmem:s22+$0xA00]  }
0xff: {  	v32 =	vld [tilespmem:s22+$0xA10]  }
0x100: {  	v14 =	vld [tilespmem:s22+$0xA20]  }
0x101: {  	v13 =	vld [tilespmem:s22+$0xA30]  }
0x102: {  	v12 =	vld [tilespmem:s22+$0xA40]  }
0x103: {  	v11 =	vld [tilespmem:s22+$0xA50]  }
0x104: {  	v10 =	vld [tilespmem:s22+$0xA60]  }
0x105: {  	v9 =	vld [tilespmem:s22+$0xA70]  }
0x106: {  	v8 =	vld [tilespmem:s22+$0xE00]  }
0x107: {  	v7 =	vld [tilespmem:s22+$0xE10]  }
0x108: {  	v6 =	vld [tilespmem:s22+$0xE20]  }
0x109: {  	v5 =	vld [tilespmem:s22+$0xE30]  }
0x10a: {  	v4 =	vld [tilespmem:s22+$0xE40]  }
0x10b: {  	v3 =	vld [tilespmem:s22+$0xE50]  }
0x10c: {  	v33 =	vld [tilespmem:s22+$0x8200]  }
0x10d: {  	v34 =	vld [tilespmem:s22+$0x8210]  }
0x10e: {  	v35 =	vld [tilespmem:s22+$0x8220]  }
0x10f: {  	v36 =	vld [tilespmem:s22+$0x8230]  }
0x110: {  	v37 =	vld [tilespmem:s22+$0x8240]  }
0x111: {  	v33 =	vmul.f32 $2.262741660e+01, v33;
	v38 =	vld [tilespmem:s22+$0x8250]  }
0x112: {  	v34 =	vmul.f32 $2.262741660e+01, v34;
	v39 =	vld [tilespmem:s22+$0x8260]  }
0x113: {  	v17 =	vadd.f32 v17, v33;
	v33 =	vmul.f32 $2.262741660e+01, v35;
	v35 =	vld [tilespmem:s22+$0x8270]  }
0x114: {  	v18 =	vadd.f32 v18, v34;
	v34 =	vmul.f32 $2.262741660e+01, v36;
	v36 =	vld [tilespmem:s22+$0x8600]  }
0x115: {  	[tilespmem:s22+$0x8200] =	vst v17;
	v15 =	vadd.f32 v15, v33;
	v17 =	vmul.f32 $2.262741660e+01, v37;
	v33 =	vld [tilespmem:s22+$0x8610]  }
0x116: {  	[tilespmem:s22+$0x8210] =	vst v18;
	v16 =	vadd.f32 v16, v34;
	v18 =	vmul.f32 $2.262741660e+01, v38;
	v34 =	vld [tilespmem:s22+$0x8620]  }
0x117: {  	[tilespmem:s22+$0x8220] =	vst v15;
	v15 =	vadd.f32 v19, v17;
	v17 =	vmul.f32 $2.262741660e+01, v39;
	v19 =	vld [tilespmem:s22+$0x8630]  }
0x118: {  	[tilespmem:s22+$0x8230] =	vst v16;
	v16 =	vadd.f32 v20, v18;
	v18 =	vmul.f32 $2.262741660e+01, v35;
	v20 =	vld [tilespmem:s22+$0x8640]  }
0x119: {  	[tilespmem:s22+$0x8240] =	vst v15;
	v15 =	vadd.f32 v21, v17;
	v17 =	vmul.f32 $2.262741660e+01, v36;
	v21 =	vld [tilespmem:s22+$0x8650]  }
0x11a: {  	[tilespmem:s22+$0x8250] =	vst v16;
	v16 =	vadd.f32 v22, v18;
	v18 =	vmul.f32 $2.262741660e+01, v33;
	v22 =	vld [tilespmem:s22+$0x8660]  }
0x11b: {  	[tilespmem:s22+$0x8260] =	vst v15;
	v15 =	vadd.f32 v23, v17;
	v17 =	vmul.f32 $2.262741660e+01, v34;
	v23 =	vld [tilespmem:s22+$0x8670]  }
0x11c: {  	[tilespmem:s22+$0x8270] =	vst v16;
	v16 =	vadd.f32 v24, v18;
	v18 =	vmul.f32 $2.262741660e+01, v19;
	v19 =	vld [tilespmem:s22+$0x8A00]  }
0x11d: {  	[tilespmem:s22+$0x8600] =	vst v15;
	v15 =	vadd.f32 v25, v17;
	v17 =	vmul.f32 $2.262741660e+01, v20;
	v20 =	vld [tilespmem:s22+$0x8A10]  }
0x11e: {  	[tilespmem:s22+$0x8610] =	vst v16;
	v16 =	vadd.f32 v26, v18;
	v18 =	vmul.f32 $2.262741660e+01, v21;
	v21 =	vld [tilespmem:s22+$0x8A20]  }
0x11f: {  	[tilespmem:s22+$0x8620] =	vst v15;
	v15 =	vadd.f32 v27, v17;
	v17 =	vmul.f32 $2.262741660e+01, v22;
	v22 =	vld [tilespmem:s22+$0x8A30]  }
0x120: {  	[tilespmem:s22+$0x8630] =	vst v16;
	v16 =	vadd.f32 v28, v18;
	v18 =	vmul.f32 $2.262741660e+01, v23;
	v23 =	vld [tilespmem:s22+$0x8A40]  }
0x121: {  	[tilespmem:s22+$0x8640] =	vst v15;
	v15 =	vadd.f32 v29, v17;
	v17 =	vmul.f32 $2.262741660e+01, v19;
	v19 =	vld [tilespmem:s22+$0x8A50]  }
0x122: {  	[tilespmem:s22+$0x8650] =	vst v16;
	v16 =	vadd.f32 v30, v18;
	v18 =	vmul.f32 $2.262741660e+01, v20;
	v20 =	vld [tilespmem:s22+$0x8A60]  }
0x123: {  	[tilespmem:s22+$0x8660] =	vst v15;
	v15 =	vadd.f32 v31, v17;
	v17 =	vmul.f32 $2.262741660e+01, v21;
	v21 =	vld [tilespmem:s22+$0x8A70]  }
0x124: {  	[tilespmem:s22+$0x8670] =	vst v16;
	v16 =	vadd.f32 v32, v18;
	v18 =	vmul.f32 $2.262741660e+01, v22;
	v22 =	vld [tilespmem:s22+$0x8E00]  }
.Ltmp0:
0x125: {  	[tilespmem:s22+$0x8A00] =	vst v15;
	v15 =	vadd.f32 v14, v17;
	v17 =	vmul.f32 $2.262741660e+01, v23;
	v14 =	vld [tilespmem:s22+$0x8E10];
	(pc) =	sbr.rel @p0 .LBB2_2-.Ltmp0, $4  }
0x126: {  	[tilespmem:s22+$0x8A10] =	vst v16;
	v16 =	vadd.f32 v13, v18;
	v18 =	vmul.f32 $2.262741660e+01, v19;
	v13 =	vld [tilespmem:s22+$0x8E20]  }
0x127: {  	[tilespmem:s22+$0x8A20] =	vst v15;
	v19 =	vadd.f32 v12, v17;
	v20 =	vmul.f32 $2.262741660e+01, v20;
	v12 =	vld [tilespmem:s22+$0x8E30]  }
0x128: {  	[tilespmem:s22+$0x8A30] =	vst v16;
	v15 =	vadd.f32 v11, v18;
	v17 =	vmul.f32 $2.262741660e+01, v21;
	v11 =	vld [tilespmem:s22+$0x8E40]  }
0x129: {  	s23 =	sadd.s32 $0x200, s23;
	[tilespmem:s22+$0x8A40] =	vst v19;
	v18 =	vadd.f32 v10, v20;
	v16 =	vmul.f32 $2.262741660e+01, v22;
	v10 =	vld [tilespmem:s22+$0x8E50]  }
0x12a: {  	v9 =	vadd.f32 v9, v17  }
0x12b: {  	[tilespmem:s22+$0x8A50] =	vst v15;
	v15 =	vld [tilespmem:s22+$0x8E60];
	v14 =	vmul.f32 $2.262741660e+01, v14  }
0x12c: {  	v8 =	vadd.f32 v8, v16;
	v16 =	vld [tilespmem:s22+$0x8E70];
	[tilespmem:s22+$0x8A70] =	vst v9;
	v9 =	vmul.f32 $2.262741660e+01, v13  }
0x12d: {  	[tilespmem:s22+$0x8A60] =	vst v18;
	v13 =	vld [tilespmem:s22+$0xE60];
	v7 =	vadd.f32 v7, v14;
	v12 =	vmul.f32 $2.262741660e+01, v12  }
0x12e: {  	[tilespmem:s22+$0x8E00] =	vst v8;
	v8 =	vmul.f32 $2.262741660e+01, v11;
	v6 =	vadd.f32 v6, v9;
	v9 =	vld [tilespmem:s22+$0xE70]  }
0x12f: {  	[tilespmem:s22+$0x8E10] =	vst v7;
	v5 =	vadd.f32 v5, v12;
	v7 =	vmul.f32 $2.262741660e+01, v10  }
0x130: {  	v4 =	vadd.f32 v4, v8;
	[tilespmem:s22+$0x8E20] =	vst v6;
	v6 =	vmul.f32 $2.262741660e+01, v15  }
0x131: {  	[tilespmem:s22+$0x8E30] =	vst v5;
	v3 =	vadd.f32 v3, v7;
	v5 =	vmul.f32 $2.262741660e+01, v16  }
0x132: {  	[tilespmem:s22+$0x8E40] =	vst v4;
	v4 =	vadd.f32 v13, v6  }
0x133: {  	[tilespmem:s22+$0x8E50] =	vst v3;
	v3 =	vadd.f32 v9, v5  }
0x134: {  	[tilespmem:s22+$0x8E60] =	vst v4  }
0x135: {  	s11 =	rddreg [dreg:$0xa];
	[tilespmem:s22+$0x8E70] =	vst v3;
	s22 =	simm.s32 $0x0  }
0x136: {  	[hbm4b:s11+s22] =	stream.linear.scatter [tilespmem:s20], [sflag:$0x3], $0x8000, $0x38;
	[tilespmem:$0x18200] =	vst v63  }
0x137: {  	_ =	swait.ge [sflag:s16], $0x8000  }
0x138: {  	[sflag:s16] =	ssyncset.done $0x0  }
0x139: {  	[sflag:s16] =	ssyncadd.s32 $0xFFFF8000  }
0x13a: {  	v3 =	vld [tilespmem:$0x100];
	_ =	sdelay $0x4  }
0x13b: {  	v4 =	vshll.u32 v3, $0x2  }
0x13c: {  	v3 =	vand.u32 $0x7, v3;
	v4 =	vand.u32 $0xFFFFFFE0, v4  }
0x13d: {  	v3 =	vor.u32 v3, v4  }
0x13e: {  	v4 =	vperm.xlane v3, v0;
	_ =	sdelay $0x1  }
0x13f: {  	v4 =	vadd.s32 v1, v4;
	_ =	sdelay $0x1  }
0x140: {  	v3 =	vperm.xlane v3, v2;
	_ =	sdelay $0x1  }
0x141: {  	v3 =	vadd.s32 v1, v3  }
0x142: {  	[tilespmem:s20], [sflag:$0x1] =	stream.indirect_vreg.gather [hbm4b:s1+s22], $0x80, v4, vm0, $0xb8;
	[tilespmem:$0x18200] =	vst v63  }
0x143: {  	s24 =	simm.s32 $0x8A00  }
0x144: {  	[tilespmem:s24], [sflag:$0x1] =	stream.indirect_vreg.gather [hbm4b:s9+s22], $0x80, v4, vm0, $0xb8;
	[tilespmem:$0x18200] =	vst v63  }
0x145: {  	s12 =	simm.s32 $0x9200  }
0x146: {  	[tilespmem:s12], [sflag:$0x1] =	stream.indirect_vreg.gather [hbm4b:s1+s22], $0x80, v3, vm0, $0xb8;
	[tilespmem:$0x18200] =	vst v63  }
0x147: {  	s23 =	simm.s32 $0x9A00  }
0x148: {  	[tilespmem:s23], [sflag:$0x1] =	stream.indirect_vreg.gather [hbm4b:s9+s22], $0x80, v3, vm0, $0xb8;
	[tilespmem:$0x18200] =	vst v63  }
0x149: {  	v3 =	vld [tilespmem:$0x110];
	_ =	sdelay $0x4  }
0x14a: {  	v4 =	vshll.u32 v3, $0x2  }
0x14b: {  	v3 =	vand.u32 $0x7, v3;
	v4 =	vand.u32 $0xFFFFFFE0, v4  }
0x14c: {  	v3 =	vor.u32 v3, v4  }
0x14d: {  	v4 =	vperm.xlane v3, v0;
	_ =	sdelay $0x1  }
0x14e: {  	v4 =	vadd.s32 v1, v4;
	_ =	sdelay $0x1  }
0x14f: {  	v3 =	vperm.xlane v3, v2;
	_ =	sdelay $0x1  }
0x150: {  	s24 =	simm.s32 $0xA200;
	v3 =	vadd.s32 v1, v3  }
0x151: {  	[tilespmem:s24], [sflag:$0x1] =	stream.indirect_vreg.gather [hbm4b:s1+s22], $0x80, v4, vm0, $0xb8;
	[tilespmem:$0x18200] =	vst v63  }
0x152: {  	s12 =	simm.s32 $0xAA00  }
0x153: {  	[tilespmem:s12], [sflag:$0x1] =	stream.indirect_vreg.gather [hbm4b:s9+s22], $0x80, v4, vm0, $0xb8;
	[tilespmem:$0x18200] =	vst v63  }
0x154: {  	s23 =	simm.s32 $0xB200  }
0x155: {  	[tilespmem:s23], [sflag:$0x1] =	stream.indirect_vreg.gather [hbm4b:s1+s22], $0x80, v3, vm0, $0xb8;
	[tilespmem:$0x18200] =	vst v63  }
0x156: {  	s24 =	simm.s32 $0xBA00  }
0x157: {  	[tilespmem:s24], [sflag:$0x1] =	stream.indirect_vreg.gather [hbm4b:s9+s22], $0x80, v3, vm0, $0xb8;
	[tilespmem:$0x18200] =	vst v63  }
0x158: {  	v3 =	vld [tilespmem:$0x120];
	_ =	sdelay $0x4  }
0x159: {  	v4 =	vshll.u32 v3, $0x2  }
0x15a: {  	v3 =	vand.u32 $0x7, v3;
	v4 =	vand.u32 $0xFFFFFFE0, v4  }
0x15b: {  	v3 =	vor.u32 v3, v4  }
0x15c: {  	v4 =	vperm.xlane v3, v0;
	_ =	sdelay $0x1  }
0x15d: {  	v4 =	vadd.s32 v1, v4;
	_ =	sdelay $0x1  }
0x15e: {  	v3 =	vperm.xlane v3, v2;
	_ =	sdelay $0x1  }
0x15f: {  	s12 =	simm.s32 $0xC200;
	v3 =	vadd.s32 v1, v3  }
0x160: {  	[tilespmem:s12], [sflag:$0x1] =	stream.indirect_vreg.gather [hbm4b:s1+s22], $0x80, v4, vm0, $0xb8;
	[tilespmem:$0x18200] =	vst v63  }
0x161: {  	s23 =	simm.s32 $0xCA00  }
0x162: {  	[tilespmem:s23], [sflag:$0x1] =	stream.indirect_vreg.gather [hbm4b:s9+s22], $0x80, v4, vm0, $0xb8;
	[tilespmem:$0x18200] =	vst v63  }
0x163: {  	s24 =	simm.s32 $0xD200  }
0x164: {  	[tilespmem:s24], [sflag:$0x1] =	stream.indirect_vreg.gather [hbm4b:s1+s22], $0x80, v3, vm0, $0xb8;
	[tilespmem:$0x18200] =	vst v63  }
0x165: {  	s12 =	simm.s32 $0xDA00  }
0x166: {  	[tilespmem:s12], [sflag:$0x1] =	stream.indirect_vreg.gather [hbm4b:s9+s22], $0x80, v3, vm0, $0xb8;
	[tilespmem:$0x18200] =	vst v63  }
0x167: {  	v3 =	vld [tilespmem:$0x130];
	_ =	sdelay $0x4  }
0x168: {  	v4 =	vshll.u32 v3, $0x2  }
0x169: {  	v3 =	vand.u32 $0x7, v3;
	v4 =	vand.u32 $0xFFFFFFE0, v4  }
0x16a: {  	v3 =	vor.u32 v3, v4  }
0x16b: {  	v4 =	vperm.xlane v3, v0;
	_ =	sdelay $0x1  }
0x16c: {  	v4 =	vadd.s32 v1, v4;
	_ =	sdelay $0x1  }
0x16d: {  	v3 =	vperm.xlane v3, v2;
	_ =	sdelay $0x1  }
0x16e: {  	s23 =	simm.s32 $0xE200;
	v3 =	vadd.s32 v1, v3  }
0x16f: {  	[tilespmem:s23], [sflag:$0x1] =	stream.indirect_vreg.gather [hbm4b:s1+s22], $0x80, v4, vm0, $0xb8;
	[tilespmem:$0x18200] =	vst v63  }
0x170: {  	s24 =	simm.s32 $0xEA00  }
0x171: {  	[tilespmem:s24], [sflag:$0x1] =	stream.indirect_vreg.gather [hbm4b:s9+s22], $0x80, v4, vm0, $0xb8;
	[tilespmem:$0x18200] =	vst v63  }
0x172: {  	s12 =	simm.s32 $0xF200  }
0x173: {  	[tilespmem:s12], [sflag:$0x1] =	stream.indirect_vreg.gather [hbm4b:s1+s22], $0x80, v3, vm0, $0xb8;
	[tilespmem:$0x18200] =	vst v63  }
0x174: {  	s23 =	simm.s32 $0xFA00  }
0x175: {  	[tilespmem:s23], [sflag:$0x1] =	stream.indirect_vreg.gather [hbm4b:s9+s22], $0x80, v3, vm0, $0xb8;
	[tilespmem:$0x18200] =	vst v63  }
0x176: {  	_ =	swait.ge [sflag:s8], $0x8000  }
0x177: {  	s24 =	sand.u32 $0x7000, s22;
	s12 =	sand.u32 $0x380, s22;
	[sflag:s8] =	ssyncset.done $0x0  }
0x178: {  	s23 =	sor.u32 s12, s24;
	[sflag:s8] =	ssyncadd.s32 $0xFFFF8000  }
0x179: {  	v10 =	vld [tilespmem:s23+$0x200]  }
0x17a: {  	v11 =	vld [tilespmem:s23+$0x210]  }
0x17b: {  	v12 =	vld [tilespmem:s23+$0x220]  }
0x17c: {  	v13 =	vld [tilespmem:s23+$0x230]  }
0x17d: {  	v14 =	vld [tilespmem:s23+$0x240]  }
0x17e: {  	v15 =	vld [tilespmem:s23+$0x250]  }
0x17f: {  	v16 =	vld [tilespmem:s23+$0x260]  }
0x180: {  	v17 =	vld [tilespmem:s23+$0x270]  }
0x181: {  	v18 =	vld [tilespmem:s23+$0x600]  }
0x182: {  	v19 =	vld [tilespmem:s23+$0x610]  }
0x183: {  	v20 =	vld [tilespmem:s23+$0x620]  }
0x184: {  	v21 =	vld [tilespmem:s23+$0x630]  }
0x185: {  	v22 =	vld [tilespmem:s23+$0x640]  }
0x186: {  	v23 =	vld [tilespmem:s23+$0x650]  }
0x187: {  	v24 =	vld [tilespmem:s23+$0x660]  }
0x188: {  	v25 =	vld [tilespmem:s23+$0x670]  }
0x189: {  	v26 =	vld [tilespmem:s23+$0xA00]  }
0x18a: {  	v27 =	vld [tilespmem:s23+$0xA10]  }
0x18b: {  	v28 =	vld [tilespmem:s23+$0xA20]  }
0x18c: {  	v29 =	vld [tilespmem:s23+$0xA30]  }
0x18d: {  	v30 =	vld [tilespmem:s23+$0xA40]  }
0x18e: {  	v31 =	vld [tilespmem:s23+$0xA50]  }
0x18f: {  	v32 =	vld [tilespmem:s23+$0xA60]  }
0x190: {  	v9 =	vld [tilespmem:s23+$0xA70]  }
0x191: {  	v8 =	vld [tilespmem:s23+$0xE00]  }
0x192: {  	v7 =	vld [tilespmem:s23+$0xE10]  }
0x193: {  	v6 =	vld [tilespmem:s23+$0xE20]  }
0x194: {  	v5 =	vld [tilespmem:s23+$0xE30]  }
0x195: {  	v4 =	vld [tilespmem:s23+$0xE40]  }
0x196: {  	v3 =	vld [tilespmem:s23+$0xE50]  }
0x197: {  	v33 =	vld [tilespmem:s23+$0x10200]  }
0x198: {  	v34 =	vld [tilespmem:s23+$0x10210]  }
0x199: {  	v35 =	vld [tilespmem:s23+$0x10220]  }
0x19a: {  	v36 =	vld [tilespmem:s23+$0x10230]  }
0x19b: {  	v37 =	vld [tilespmem:s23+$0x10240]  }
0x19c: {  	v38 =	vld [tilespmem:s23+$0x10250];
	v33 =	vmul.f32 $2.262741660e+01, v33  }
0x19d: {  	v39 =	vld [tilespmem:s23+$0x10260];
	v34 =	vmul.f32 $2.262741660e+01, v34  }
0x19e: {  	v59 =	vld [tilespmem:s23+$0x10270];
	v58 =	vmul.f32 $2.262741660e+01, v35;
	v10 =	vadd.f32 v10, v33  }
0x19f: {  	v61 =	vld [tilespmem:s23+$0x10600];
	v60 =	vmul.f32 $2.262741660e+01, v36;
	v11 =	vadd.f32 v11, v34  }
0x1a0: {  	v62 =	vld [tilespmem:s23+$0x10610];
	[tilespmem:s23+$0x10200] =	vst v10;
	v10 =	vadd.f32 v12, v58;
	v12 =	vmul.f32 $2.262741660e+01, v37  }
0x1a1: {  	v63 =	vld [tilespmem:s23+$0x10620];
	[tilespmem:s23+$0x10210] =	vst v11;
	v11 =	vadd.f32 v13, v60;
	v13 =	vmul.f32 $2.262741660e+01, v38  }
0x1a2: {  	[tilespmem:s23+$0x10220] =	vst v10;
	v10 =	vadd.f32 v14, v12;
	v12 =	vmul.f32 $2.262741660e+01, v39;
	v14 =	vld [tilespmem:s23+$0x10630]  }
0x1a3: {  	[tilespmem:s23+$0x10230] =	vst v11;
	v11 =	vadd.f32 v15, v13;
	v13 =	vmul.f32 $2.262741660e+01, v59;
	v15 =	vld [tilespmem:s23+$0x10640]  }
0x1a4: {  	[tilespmem:s23+$0x10240] =	vst v10;
	v10 =	vadd.f32 v16, v12;
	v12 =	vmul.f32 $2.262741660e+01, v61;
	v16 =	vld [tilespmem:s23+$0x10650]  }
0x1a5: {  	[tilespmem:s23+$0x10250] =	vst v11;
	v11 =	vadd.f32 v17, v13;
	v13 =	vmul.f32 $2.262741660e+01, v62;
	v17 =	vld [tilespmem:s23+$0x10660]  }
0x1a6: {  	[tilespmem:s23+$0x10260] =	vst v10;
	v10 =	vadd.f32 v18, v12;
	v12 =	vmul.f32 $2.262741660e+01, v63;
	v18 =	vld [tilespmem:s23+$0x10670]  }
0x1a7: {  	[tilespmem:s23+$0x10270] =	vst v11;
	v11 =	vadd.f32 v19, v13;
	v13 =	vmul.f32 $2.262741660e+01, v14;
	v14 =	vld [tilespmem:s23+$0x10A00]  }
0x1a8: {  	[tilespmem:s23+$0x10600] =	vst v10;
	v10 =	vadd.f32 v20, v12;
	v12 =	vmul.f32 $2.262741660e+01, v15;
	v15 =	vld [tilespmem:s23+$0x10A10]  }
0x1a9: {  	[tilespmem:s23+$0x10610] =	vst v11;
	v11 =	vadd.f32 v21, v13;
	v13 =	vmul.f32 $2.262741660e+01, v16;
	v16 =	vld [tilespmem:s23+$0x10A20]  }
0x1aa: {  	[tilespmem:s23+$0x10620] =	vst v10;
	v10 =	vadd.f32 v22, v12;
	v12 =	vmul.f32 $2.262741660e+01, v17;
	v17 =	vld [tilespmem:s23+$0x10A30]  }
0x1ab: {  	[tilespmem:s23+$0x10630] =	vst v11;
	v11 =	vadd.f32 v23, v13;
	v13 =	vmul.f32 $2.262741660e+01, v18;
	v18 =	vld [tilespmem:s23+$0x10A40]  }
0x1ac: {  	v19 =	vld [tilespmem:s23+$0x10A50];
	[tilespmem:s23+$0x10640] =	vst v10;
	v10 =	vadd.f32 v24, v12;
	v12 =	vmul.f32 $2.262741660e+01, v14  }
0x1ad: {  	[tilespmem:s23+$0x10650] =	vst v11;
	v11 =	vadd.f32 v25, v13;
	v13 =	vmul.f32 $2.262741660e+01, v15;
	v15 =	vld [tilespmem:s23+$0x10A60]  }
0x1ae: {  	[tilespmem:s23+$0x10660] =	vst v10;
	v10 =	vadd.f32 v26, v12;
	v12 =	vmul.f32 $2.262741660e+01, v16;
	v16 =	vld [tilespmem:s23+$0x10A70]  }
0x1af: {  	v20 =	vld [tilespmem:s23+$0x10E00];
	[tilespmem:s23+$0x10670] =	vst v11;
	v11 =	vadd.f32 v27, v13;
	v13 =	vmul.f32 $2.262741660e+01, v17  }
0x1b0: {  	v14 =	vld [tilespmem:s23+$0x10E10];
	[tilespmem:s23+$0x10A00] =	vst v10;
	v10 =	vadd.f32 v28, v12;
	v12 =	vmul.f32 $2.262741660e+01, v18  }
0x1b1: {  	v17 =	vmul.f32 $2.262741660e+01, v19;
	[tilespmem:s23+$0x10A10] =	vst v11;
	v11 =	vadd.f32 v29, v13;
	v13 =	vld [tilespmem:s23+$0x10E20]  }
0x1b2: {  	[tilespmem:s23+$0x10A20] =	vst v10;
	v10 =	vadd.f32 v30, v12;
	v18 =	vmul.f32 $2.262741660e+01, v15;
	v12 =	vld [tilespmem:s23+$0x10E30]  }
0x1b3: {  	v15 =	vadd.f32 v31, v17;
	[tilespmem:s23+$0x10A30] =	vst v11;
	v11 =	vld [tilespmem:s23+$0x10E40];
	v17 =	vmul.f32 $2.262741660e+01, v16  }
0x1b4: {  	s11 =	simm.s32 $0x200;
	v16 =	vmul.f32 $2.262741660e+01, v20;
	[tilespmem:s23+$0x10A40] =	vst v10;
	v18 =	vadd.f32 v32, v18;
	v10 =	vld [tilespmem:s23+$0x10E50]  }
.LBB2_4:
0x1b5: {  	p0 =	sne.s32 s11, $0x7E00;
	[tilespmem:s23+$0x10A50] =	vst v15;
	v9 =	vadd.f32 v9, v17;
	v14 =	vmul.f32 $2.262741660e+01, v14;
	v15 =	vld [tilespmem:s23+$0x10E60]  }
0x1b6: {  	s22 =	sadd.s32 $0x80, s22;
	[tilespmem:s23+$0x10A60] =	vst v18;
	v8 =	vadd.f32 v8, v16;
	v13 =	vmul.f32 $2.262741660e+01, v13;
	v16 =	vld [tilespmem:s23+$0x10E70]  }
0x1b7: {  	s12 =	sand.u32 $0x7000, s11;
	s24 =	sand.u32 $0x380, s22;
	[tilespmem:s23+$0x10A70] =	vst v9;
	v7 =	vadd.f32 v7, v14;
	v9 =	vmul.f32 $2.262741660e+01, v12;
	v12 =	vld [tilespmem:s23+$0xE60]  }
0x1b8: {  	s12 =	sor.u32 s24, s12;
	[tilespmem:s23+$0x10E00] =	vst v8;
	v6 =	vadd.f32 v6, v13;
	v8 =	vmul.f32 $2.262741660e+01, v11;
	v11 =	vld [tilespmem:s23+$0xE70]  }
0x1b9: {  	v17 =	vld [tilespmem:s12+$0x200];
	[tilespmem:s23+$0x10E10] =	vst v7;
	v5 =	vadd.f32 v5, v9;
	v7 =	vmul.f32 $2.262741660e+01, v10  }
0x1ba: {  	v18 =	vld [tilespmem:s12+$0x210];
	[tilespmem:s23+$0x10E20] =	vst v6;
	v4 =	vadd.f32 v4, v8;
	v6 =	vmul.f32 $2.262741660e+01, v15  }
0x1bb: {  	v15 =	vld [tilespmem:s12+$0x220];
	[tilespmem:s23+$0x10E30] =	vst v5;
	v3 =	vadd.f32 v3, v7;
	v5 =	vmul.f32 $2.262741660e+01, v16  }
0x1bc: {  	v16 =	vld [tilespmem:s12+$0x230];
	[tilespmem:s23+$0x10E40] =	vst v4;
	v4 =	vadd.f32 v12, v6  }
0x1bd: {  	v19 =	vld [tilespmem:s12+$0x240];
	[tilespmem:s23+$0x10E50] =	vst v3;
	v3 =	vadd.f32 v11, v5  }
0x1be: {  	v20 =	vld [tilespmem:s12+$0x250];
	[tilespmem:s23+$0x10E60] =	vst v4  }
0x1bf: {  	v21 =	vld [tilespmem:s12+$0x260];
	[tilespmem:s23+$0x10E70] =	vst v3;
	s23 =	smov.u32 s12  }
0x1c0: {  	v22 =	vld [tilespmem:s23+$0x270]  }
0x1c1: {  	v23 =	vld [tilespmem:s23+$0x600]  }
0x1c2: {  	v24 =	vld [tilespmem:s23+$0x610]  }
0x1c3: {  	v25 =	vld [tilespmem:s23+$0x620]  }
0x1c4: {  	v26 =	vld [tilespmem:s23+$0x630]  }
0x1c5: {  	v27 =	vld [tilespmem:s23+$0x640]  }
0x1c6: {  	v28 =	vld [tilespmem:s23+$0x650]  }
0x1c7: {  	v29 =	vld [tilespmem:s23+$0x660]  }
0x1c8: {  	v30 =	vld [tilespmem:s23+$0x670]  }
0x1c9: {  	v31 =	vld [tilespmem:s23+$0xA00]  }
0x1ca: {  	v32 =	vld [tilespmem:s23+$0xA10]  }
0x1cb: {  	v14 =	vld [tilespmem:s23+$0xA20]  }
0x1cc: {  	v13 =	vld [tilespmem:s23+$0xA30]  }
0x1cd: {  	v12 =	vld [tilespmem:s23+$0xA40]  }
0x1ce: {  	v11 =	vld [tilespmem:s23+$0xA50]  }
0x1cf: {  	v10 =	vld [tilespmem:s23+$0xA60]  }
0x1d0: {  	v9 =	vld [tilespmem:s23+$0xA70]  }
0x1d1: {  	v8 =	vld [tilespmem:s23+$0xE00]  }
0x1d2: {  	v7 =	vld [tilespmem:s23+$0xE10]  }
0x1d3: {  	v6 =	vld [tilespmem:s23+$0xE20]  }
0x1d4: {  	v5 =	vld [tilespmem:s23+$0xE30]  }
0x1d5: {  	v4 =	vld [tilespmem:s23+$0xE40]  }
0x1d6: {  	v3 =	vld [tilespmem:s23+$0xE50]  }
0x1d7: {  	v33 =	vld [tilespmem:s23+$0x10200]  }
0x1d8: {  	v34 =	vld [tilespmem:s23+$0x10210]  }
0x1d9: {  	v35 =	vld [tilespmem:s23+$0x10220]  }
0x1da: {  	v36 =	vld [tilespmem:s23+$0x10230]  }
0x1db: {  	v37 =	vld [tilespmem:s23+$0x10240]  }
0x1dc: {  	v33 =	vmul.f32 $2.262741660e+01, v33;
	v38 =	vld [tilespmem:s23+$0x10250]  }
0x1dd: {  	v34 =	vmul.f32 $2.262741660e+01, v34;
	v39 =	vld [tilespmem:s23+$0x10260]  }
0x1de: {  	v17 =	vadd.f32 v17, v33;
	v33 =	vmul.f32 $2.262741660e+01, v35;
	v35 =	vld [tilespmem:s23+$0x10270]  }
0x1df: {  	v18 =	vadd.f32 v18, v34;
	v34 =	vmul.f32 $2.262741660e+01, v36;
	v36 =	vld [tilespmem:s23+$0x10600]  }
0x1e0: {  	[tilespmem:s23+$0x10200] =	vst v17;
	v15 =	vadd.f32 v15, v33;
	v17 =	vmul.f32 $2.262741660e+01, v37;
	v33 =	vld [tilespmem:s23+$0x10610]  }
0x1e1: {  	[tilespmem:s23+$0x10210] =	vst v18;
	v16 =	vadd.f32 v16, v34;
	v18 =	vmul.f32 $2.262741660e+01, v38;
	v34 =	vld [tilespmem:s23+$0x10620]  }
0x1e2: {  	[tilespmem:s23+$0x10220] =	vst v15;
	v15 =	vadd.f32 v19, v17;
	v17 =	vmul.f32 $2.262741660e+01, v39;
	v19 =	vld [tilespmem:s23+$0x10630]  }
0x1e3: {  	[tilespmem:s23+$0x10230] =	vst v16;
	v16 =	vadd.f32 v20, v18;
	v18 =	vmul.f32 $2.262741660e+01, v35;
	v20 =	vld [tilespmem:s23+$0x10640]  }
0x1e4: {  	[tilespmem:s23+$0x10240] =	vst v15;
	v15 =	vadd.f32 v21, v17;
	v17 =	vmul.f32 $2.262741660e+01, v36;
	v21 =	vld [tilespmem:s23+$0x10650]  }
0x1e5: {  	[tilespmem:s23+$0x10250] =	vst v16;
	v16 =	vadd.f32 v22, v18;
	v18 =	vmul.f32 $2.262741660e+01, v33;
	v22 =	vld [tilespmem:s23+$0x10660]  }
0x1e6: {  	[tilespmem:s23+$0x10260] =	vst v15;
	v15 =	vadd.f32 v23, v17;
	v17 =	vmul.f32 $2.262741660e+01, v34;
	v23 =	vld [tilespmem:s23+$0x10670]  }
0x1e7: {  	[tilespmem:s23+$0x10270] =	vst v16;
	v16 =	vadd.f32 v24, v18;
	v18 =	vmul.f32 $2.262741660e+01, v19;
	v19 =	vld [tilespmem:s23+$0x10A00]  }
0x1e8: {  	[tilespmem:s23+$0x10600] =	vst v15;
	v15 =	vadd.f32 v25, v17;
	v17 =	vmul.f32 $2.262741660e+01, v20;
	v20 =	vld [tilespmem:s23+$0x10A10]  }
0x1e9: {  	[tilespmem:s23+$0x10610] =	vst v16;
	v16 =	vadd.f32 v26, v18;
	v18 =	vmul.f32 $2.262741660e+01, v21;
	v21 =	vld [tilespmem:s23+$0x10A20]  }
0x1ea: {  	[tilespmem:s23+$0x10620] =	vst v15;
	v15 =	vadd.f32 v27, v17;
	v17 =	vmul.f32 $2.262741660e+01, v22;
	v22 =	vld [tilespmem:s23+$0x10A30]  }
0x1eb: {  	[tilespmem:s23+$0x10630] =	vst v16;
	v16 =	vadd.f32 v28, v18;
	v18 =	vmul.f32 $2.262741660e+01, v23;
	v23 =	vld [tilespmem:s23+$0x10A40]  }
0x1ec: {  	[tilespmem:s23+$0x10640] =	vst v15;
	v15 =	vadd.f32 v29, v17;
	v17 =	vmul.f32 $2.262741660e+01, v19;
	v19 =	vld [tilespmem:s23+$0x10A50]  }
0x1ed: {  	[tilespmem:s23+$0x10650] =	vst v16;
	v16 =	vadd.f32 v30, v18;
	v18 =	vmul.f32 $2.262741660e+01, v20;
	v20 =	vld [tilespmem:s23+$0x10A60]  }
0x1ee: {  	[tilespmem:s23+$0x10660] =	vst v15;
	v15 =	vadd.f32 v31, v17;
	v17 =	vmul.f32 $2.262741660e+01, v21;
	v21 =	vld [tilespmem:s23+$0x10A70]  }
0x1ef: {  	[tilespmem:s23+$0x10670] =	vst v16;
	v16 =	vadd.f32 v32, v18;
	v18 =	vmul.f32 $2.262741660e+01, v22;
	v22 =	vld [tilespmem:s23+$0x10E00]  }
.Ltmp1:
0x1f0: {  	[tilespmem:s23+$0x10A00] =	vst v15;
	v15 =	vadd.f32 v14, v17;
	v17 =	vmul.f32 $2.262741660e+01, v23;
	v14 =	vld [tilespmem:s23+$0x10E10];
	(pc) =	sbr.rel @p0 .LBB2_4-.Ltmp1, $4  }
0x1f1: {  	[tilespmem:s23+$0x10A10] =	vst v16;
	v16 =	vadd.f32 v13, v18;
	v18 =	vmul.f32 $2.262741660e+01, v19;
	v13 =	vld [tilespmem:s23+$0x10E20]  }
0x1f2: {  	[tilespmem:s23+$0x10A20] =	vst v15;
	v19 =	vadd.f32 v12, v17;
	v20 =	vmul.f32 $2.262741660e+01, v20;
	v12 =	vld [tilespmem:s23+$0x10E30]  }
0x1f3: {  	[tilespmem:s23+$0x10A30] =	vst v16;
	v15 =	vadd.f32 v11, v18;
	v17 =	vmul.f32 $2.262741660e+01, v21;
	v11 =	vld [tilespmem:s23+$0x10E40]  }
0x1f4: {  	s11 =	sadd.s32 $0x200, s11;
	[tilespmem:s23+$0x10A40] =	vst v19;
	v18 =	vadd.f32 v10, v20;
	v16 =	vmul.f32 $2.262741660e+01, v22;
	v10 =	vld [tilespmem:s23+$0x10E50]  }
0x1f5: {  	v9 =	vadd.f32 v9, v17  }
0x1f6: {  	[tilespmem:s23+$0x10A50] =	vst v15;
	v15 =	vld [tilespmem:s23+$0x10E60];
	v14 =	vmul.f32 $2.262741660e+01, v14  }
0x1f7: {  	v8 =	vadd.f32 v8, v16;
	v16 =	vld [tilespmem:s23+$0x10E70];
	[tilespmem:s23+$0x10A70] =	vst v9;
	v9 =	vmul.f32 $2.262741660e+01, v13  }
0x1f8: {  	[tilespmem:s23+$0x10A60] =	vst v18;
	v13 =	vld [tilespmem:s23+$0xE60];
	v7 =	vadd.f32 v7, v14;
	v12 =	vmul.f32 $2.262741660e+01, v12  }
0x1f9: {  	[tilespmem:s23+$0x10E00] =	vst v8;
	v8 =	vmul.f32 $2.262741660e+01, v11;
	v6 =	vadd.f32 v6, v9;
	v9 =	vld [tilespmem:s23+$0xE70]  }
0x1fa: {  	[tilespmem:s23+$0x10E10] =	vst v7;
	v5 =	vadd.f32 v5, v12;
	v7 =	vmul.f32 $2.262741660e+01, v10  }
0x1fb: {  	v4 =	vadd.f32 v4, v8;
	[tilespmem:s23+$0x10E20] =	vst v6;
	v6 =	vmul.f32 $2.262741660e+01, v15  }
0x1fc: {  	[tilespmem:s23+$0x10E30] =	vst v5;
	v3 =	vadd.f32 v3, v7;
	v5 =	vmul.f32 $2.262741660e+01, v16  }
0x1fd: {  	[tilespmem:s23+$0x10E40] =	vst v4;
	v4 =	vadd.f32 v13, v6  }
0x1fe: {  	[tilespmem:s23+$0x10E50] =	vst v3;
	v3 =	vadd.f32 v9, v5  }
0x1ff: {  	[tilespmem:s23+$0x10E60] =	vst v4  }
0x200: {  	s22 =	simm.s32 $0x0;
	s11 =	rddreg [dreg:$0xb];
	[tilespmem:s23+$0x10E70] =	vst v3  }
0x201: {  	[hbm4b:s11+s22] =	stream.linear.scatter [tilespmem:s21], [sflag:$0x4], $0x8000, $0x38;
	[tilespmem:$0x18200] =	vst v63  }
0x202: {  	_ =	swait.ge [sflag:s17], $0x8000  }
0x203: {  	[sflag:s17] =	ssyncset.done $0x0  }
0x204: {  	[sflag:s17] =	ssyncadd.s32 $0xFFFF8000  }
0x205: {  	v3 =	vld [tilespmem:$0x180];
	_ =	sdelay $0x4  }
0x206: {  	v4 =	vshll.u32 v3, $0x2  }
0x207: {  	v3 =	vand.u32 $0x7, v3;
	v4 =	vand.u32 $0xFFFFFFE0, v4  }
0x208: {  	v3 =	vor.u32 v3, v4  }
0x209: {  	v4 =	vperm.xlane v3, v0;
	_ =	sdelay $0x1  }
0x20a: {  	v4 =	vadd.s32 v1, v4;
	_ =	sdelay $0x1  }
0x20b: {  	v3 =	vperm.xlane v3, v2;
	_ =	sdelay $0x1  }
0x20c: {  	v3 =	vadd.s32 v1, v3  }
0x20d: {  	[tilespmem:s21], [sflag:$0x2] =	stream.indirect_vreg.gather [hbm4b:s1+s22], $0x80, v4, vm0, $0xb8;
	[tilespmem:$0x18200] =	vst v63  }
0x20e: {  	s24 =	simm.s32 $0x10A00  }
0x20f: {  	[tilespmem:s24], [sflag:$0x2] =	stream.indirect_vreg.gather [hbm4b:s9+s22], $0x80, v4, vm0, $0xb8;
	[tilespmem:$0x18200] =	vst v63  }
0x210: {  	s12 =	simm.s32 $0x11200  }
0x211: {  	[tilespmem:s12], [sflag:$0x2] =	stream.indirect_vreg.gather [hbm4b:s1+s22], $0x80, v3, vm0, $0xb8;
	[tilespmem:$0x18200] =	vst v63  }
0x212: {  	s23 =	simm.s32 $0x11A00  }
0x213: {  	[tilespmem:s23], [sflag:$0x2] =	stream.indirect_vreg.gather [hbm4b:s9+s22], $0x80, v3, vm0, $0xb8;
	[tilespmem:$0x18200] =	vst v63  }
0x214: {  	v3 =	vld [tilespmem:$0x190];
	_ =	sdelay $0x4  }
0x215: {  	v4 =	vshll.u32 v3, $0x2  }
0x216: {  	v3 =	vand.u32 $0x7, v3;
	v4 =	vand.u32 $0xFFFFFFE0, v4  }
0x217: {  	v3 =	vor.u32 v3, v4  }
0x218: {  	v4 =	vperm.xlane v3, v0;
	_ =	sdelay $0x1  }
0x219: {  	v4 =	vadd.s32 v1, v4;
	_ =	sdelay $0x1  }
0x21a: {  	v3 =	vperm.xlane v3, v2;
	_ =	sdelay $0x1  }
0x21b: {  	v3 =	vadd.s32 v1, v3  }
0x21c: {  	[tilespmem:s4], [sflag:$0x2] =	stream.indirect_vreg.gather [hbm4b:s1+s22], $0x80, v4, vm0, $0xb8;
	[tilespmem:$0x18200] =	vst v63  }
0x21d: {  	_ = 	snop  }
0x21e: {  	[tilespmem:s25], [sflag:$0x2] =	stream.indirect_vreg.gather [hbm4b:s9+s22], $0x80, v4, vm0, $0xb8;
	[tilespmem:$0x18200] =	vst v63  }
0x21f: {  	_ = 	snop  }
0x220: {  	[tilespmem:s26], [sflag:$0x2] =	stream.indirect_vreg.gather [hbm4b:s1+s22], $0x80, v3, vm0, $0xb8;
	[tilespmem:$0x18200] =	vst v63  }
0x221: {  	_ = 	snop  }
0x222: {  	[tilespmem:s28], [sflag:$0x2] =	stream.indirect_vreg.gather [hbm4b:s9+s22], $0x80, v3, vm0, $0xb8;
	[tilespmem:$0x18200] =	vst v63  }
0x223: {  	v3 =	vld [tilespmem:$0x1A0];
	_ =	sdelay $0x4  }
0x224: {  	v4 =	vshll.u32 v3, $0x2  }
0x225: {  	v3 =	vand.u32 $0x7, v3;
	v4 =	vand.u32 $0xFFFFFFE0, v4  }
0x226: {  	v3 =	vor.u32 v3, v4  }
0x227: {  	v4 =	vperm.xlane v3, v0;
	_ =	sdelay $0x1  }
0x228: {  	v4 =	vadd.s32 v1, v4;
	_ =	sdelay $0x1  }
0x229: {  	v3 =	vperm.xlane v3, v2;
	_ =	sdelay $0x1  }
0x22a: {  	v3 =	vadd.s32 v1, v3  }
0x22b: {  	[tilespmem:s5], [sflag:$0x2] =	stream.indirect_vreg.gather [hbm4b:s1+s22], $0x80, v4, vm0, $0xb8;
	[tilespmem:$0x18200] =	vst v63  }
0x22c: {  	_ = 	snop  }
0x22d: {  	[tilespmem:s29], [sflag:$0x2] =	stream.indirect_vreg.gather [hbm4b:s9+s22], $0x80, v4, vm0, $0xb8;
	[tilespmem:$0x18200] =	vst v63  }
0x22e: {  	_ = 	snop  }
0x22f: {  	[tilespmem:s30], [sflag:$0x2] =	stream.indirect_vreg.gather [hbm4b:s1+s22], $0x80, v3, vm0, $0xb8;
	[tilespmem:$0x18200] =	vst v63  }
0x230: {  	_ = 	snop  }
0x231: {  	[tilespmem:s31], [sflag:$0x2] =	stream.indirect_vreg.gather [hbm4b:s9+s22], $0x80, v3, vm0, $0xb8;
	[tilespmem:$0x18200] =	vst v63  }
0x232: {  	v3 =	vld [tilespmem:$0x1B0];
	_ =	sdelay $0x4  }
0x233: {  	v4 =	vshll.u32 v3, $0x2  }
0x234: {  	v3 =	vand.u32 $0x7, v3;
	v4 =	vand.u32 $0xFFFFFFE0, v4  }
0x235: {  	v3 =	vor.u32 v3, v4  }
0x236: {  	v4 =	vperm.xlane v3, v0;
	_ =	sdelay $0x1  }
0x237: {  	v4 =	vadd.s32 v1, v4;
	_ =	sdelay $0x1  }
0x238: {  	v3 =	vperm.xlane v3, v2;
	_ =	sdelay $0x1  }
0x239: {  	v3 =	vadd.s32 v1, v3  }
0x23a: {  	[tilespmem:s6], [sflag:$0x2] =	stream.indirect_vreg.gather [hbm4b:s1+s22], $0x80, v4, vm0, $0xb8;
	[tilespmem:$0x18200] =	vst v63  }
0x23b: {  	_ = 	snop  }
0x23c: {  	[tilespmem:s0], [sflag:$0x2] =	stream.indirect_vreg.gather [hbm4b:s9+s22], $0x80, v4, vm0, $0xb8;
	[tilespmem:$0x18200] =	vst v63  }
0x23d: {  	_ = 	snop  }
0x23e: {  	[tilespmem:s2], [sflag:$0x2] =	stream.indirect_vreg.gather [hbm4b:s1+s22], $0x80, v3, vm0, $0xb8;
	[tilespmem:$0x18200] =	vst v63  }
0x23f: {  	_ = 	snop  }
0x240: {  	[tilespmem:s15], [sflag:$0x2] =	stream.indirect_vreg.gather [hbm4b:s9+s22], $0x80, v3, vm0, $0xb8;
	[tilespmem:$0x18200] =	vst v63  }
0x241: {  	_ =	swait.ge [sflag:s7], $0x8000  }
0x242: {  	s24 =	sand.u32 $0x7000, s22;
	s12 =	sand.u32 $0x380, s22;
	[sflag:s7] =	ssyncset.done $0x0  }
0x243: {  	s23 =	sor.u32 s12, s24;
	[sflag:s7] =	ssyncadd.s32 $0xFFFF8000  }
0x244: {  	v10 =	vld [tilespmem:s23+$0x200]  }
0x245: {  	v11 =	vld [tilespmem:s23+$0x210]  }
0x246: {  	v12 =	vld [tilespmem:s23+$0x220]  }
0x247: {  	v13 =	vld [tilespmem:s23+$0x230]  }
0x248: {  	v14 =	vld [tilespmem:s23+$0x240]  }
0x249: {  	v15 =	vld [tilespmem:s23+$0x250]  }
0x24a: {  	v16 =	vld [tilespmem:s23+$0x260]  }
0x24b: {  	v17 =	vld [tilespmem:s23+$0x270]  }
0x24c: {  	v18 =	vld [tilespmem:s23+$0x600]  }
0x24d: {  	v19 =	vld [tilespmem:s23+$0x610]  }
0x24e: {  	v20 =	vld [tilespmem:s23+$0x620]  }
0x24f: {  	v21 =	vld [tilespmem:s23+$0x630]  }
0x250: {  	v22 =	vld [tilespmem:s23+$0x640]  }
0x251: {  	v23 =	vld [tilespmem:s23+$0x650]  }
0x252: {  	v24 =	vld [tilespmem:s23+$0x660]  }
0x253: {  	v25 =	vld [tilespmem:s23+$0x670]  }
0x254: {  	v26 =	vld [tilespmem:s23+$0xA00]  }
0x255: {  	v27 =	vld [tilespmem:s23+$0xA10]  }
0x256: {  	v28 =	vld [tilespmem:s23+$0xA20]  }
0x257: {  	v29 =	vld [tilespmem:s23+$0xA30]  }
0x258: {  	v30 =	vld [tilespmem:s23+$0xA40]  }
0x259: {  	v31 =	vld [tilespmem:s23+$0xA50]  }
0x25a: {  	v32 =	vld [tilespmem:s23+$0xA60]  }
0x25b: {  	v9 =	vld [tilespmem:s23+$0xA70]  }
0x25c: {  	v8 =	vld [tilespmem:s23+$0xE00]  }
0x25d: {  	v7 =	vld [tilespmem:s23+$0xE10]  }
0x25e: {  	v6 =	vld [tilespmem:s23+$0xE20]  }
0x25f: {  	v5 =	vld [tilespmem:s23+$0xE30]  }
0x260: {  	v4 =	vld [tilespmem:s23+$0xE40]  }
0x261: {  	v3 =	vld [tilespmem:s23+$0xE50]  }
0x262: {  	v33 =	vld [tilespmem:s23+$0x8200]  }
0x263: {  	v34 =	vld [tilespmem:s23+$0x8210]  }
0x264: {  	v35 =	vld [tilespmem:s23+$0x8220]  }
0x265: {  	v36 =	vld [tilespmem:s23+$0x8230]  }
0x266: {  	v37 =	vld [tilespmem:s23+$0x8240]  }
0x267: {  	v38 =	vld [tilespmem:s23+$0x8250];
	v33 =	vmul.f32 $2.262741660e+01, v33  }
0x268: {  	v39 =	vld [tilespmem:s23+$0x8260];
	v34 =	vmul.f32 $2.262741660e+01, v34  }
0x269: {  	v59 =	vld [tilespmem:s23+$0x8270];
	v58 =	vmul.f32 $2.262741660e+01, v35;
	v10 =	vadd.f32 v10, v33  }
0x26a: {  	v61 =	vld [tilespmem:s23+$0x8600];
	v60 =	vmul.f32 $2.262741660e+01, v36;
	v11 =	vadd.f32 v11, v34  }
0x26b: {  	v62 =	vld [tilespmem:s23+$0x8610];
	[tilespmem:s23+$0x8200] =	vst v10;
	v10 =	vadd.f32 v12, v58;
	v12 =	vmul.f32 $2.262741660e+01, v37  }
0x26c: {  	v63 =	vld [tilespmem:s23+$0x8620];
	[tilespmem:s23+$0x8210] =	vst v11;
	v11 =	vadd.f32 v13, v60;
	v13 =	vmul.f32 $2.262741660e+01, v38  }
0x26d: {  	[tilespmem:s23+$0x8220] =	vst v10;
	v10 =	vadd.f32 v14, v12;
	v12 =	vmul.f32 $2.262741660e+01, v39;
	v14 =	vld [tilespmem:s23+$0x8630]  }
0x26e: {  	[tilespmem:s23+$0x8230] =	vst v11;
	v11 =	vadd.f32 v15, v13;
	v13 =	vmul.f32 $2.262741660e+01, v59;
	v15 =	vld [tilespmem:s23+$0x8640]  }
0x26f: {  	[tilespmem:s23+$0x8240] =	vst v10;
	v10 =	vadd.f32 v16, v12;
	v12 =	vmul.f32 $2.262741660e+01, v61;
	v16 =	vld [tilespmem:s23+$0x8650]  }
0x270: {  	[tilespmem:s23+$0x8250] =	vst v11;
	v11 =	vadd.f32 v17, v13;
	v13 =	vmul.f32 $2.262741660e+01, v62;
	v17 =	vld [tilespmem:s23+$0x8660]  }
0x271: {  	[tilespmem:s23+$0x8260] =	vst v10;
	v10 =	vadd.f32 v18, v12;
	v12 =	vmul.f32 $2.262741660e+01, v63;
	v18 =	vld [tilespmem:s23+$0x8670]  }
0x272: {  	[tilespmem:s23+$0x8270] =	vst v11;
	v11 =	vadd.f32 v19, v13;
	v13 =	vmul.f32 $2.262741660e+01, v14;
	v14 =	vld [tilespmem:s23+$0x8A00]  }
0x273: {  	[tilespmem:s23+$0x8600] =	vst v10;
	v10 =	vadd.f32 v20, v12;
	v12 =	vmul.f32 $2.262741660e+01, v15;
	v15 =	vld [tilespmem:s23+$0x8A10]  }
0x274: {  	[tilespmem:s23+$0x8610] =	vst v11;
	v11 =	vadd.f32 v21, v13;
	v13 =	vmul.f32 $2.262741660e+01, v16;
	v16 =	vld [tilespmem:s23+$0x8A20]  }
0x275: {  	[tilespmem:s23+$0x8620] =	vst v10;
	v10 =	vadd.f32 v22, v12;
	v12 =	vmul.f32 $2.262741660e+01, v17;
	v17 =	vld [tilespmem:s23+$0x8A30]  }
0x276: {  	[tilespmem:s23+$0x8630] =	vst v11;
	v11 =	vadd.f32 v23, v13;
	v13 =	vmul.f32 $2.262741660e+01, v18;
	v18 =	vld [tilespmem:s23+$0x8A40]  }
0x277: {  	v19 =	vld [tilespmem:s23+$0x8A50];
	[tilespmem:s23+$0x8640] =	vst v10;
	v10 =	vadd.f32 v24, v12;
	v12 =	vmul.f32 $2.262741660e+01, v14  }
0x278: {  	[tilespmem:s23+$0x8650] =	vst v11;
	v11 =	vadd.f32 v25, v13;
	v13 =	vmul.f32 $2.262741660e+01, v15;
	v15 =	vld [tilespmem:s23+$0x8A60]  }
0x279: {  	[tilespmem:s23+$0x8660] =	vst v10;
	v10 =	vadd.f32 v26, v12;
	v12 =	vmul.f32 $2.262741660e+01, v16;
	v16 =	vld [tilespmem:s23+$0x8A70]  }
0x27a: {  	v20 =	vld [tilespmem:s23+$0x8E00];
	[tilespmem:s23+$0x8670] =	vst v11;
	v11 =	vadd.f32 v27, v13;
	v13 =	vmul.f32 $2.262741660e+01, v17  }
0x27b: {  	v14 =	vld [tilespmem:s23+$0x8E10];
	[tilespmem:s23+$0x8A00] =	vst v10;
	v10 =	vadd.f32 v28, v12;
	v12 =	vmul.f32 $2.262741660e+01, v18  }
0x27c: {  	v17 =	vmul.f32 $2.262741660e+01, v19;
	[tilespmem:s23+$0x8A10] =	vst v11;
	v11 =	vadd.f32 v29, v13;
	v13 =	vld [tilespmem:s23+$0x8E20]  }
0x27d: {  	[tilespmem:s23+$0x8A20] =	vst v10;
	v10 =	vadd.f32 v30, v12;
	v18 =	vmul.f32 $2.262741660e+01, v15;
	v12 =	vld [tilespmem:s23+$0x8E30]  }
0x27e: {  	v15 =	vadd.f32 v31, v17;
	[tilespmem:s23+$0x8A30] =	vst v11;
	v11 =	vld [tilespmem:s23+$0x8E40];
	v17 =	vmul.f32 $2.262741660e+01, v16  }
0x27f: {  	s11 =	simm.s32 $0x200;
	v16 =	vmul.f32 $2.262741660e+01, v20;
	[tilespmem:s23+$0x8A40] =	vst v10;
	v18 =	vadd.f32 v32, v18;
	v10 =	vld [tilespmem:s23+$0x8E50]  }
.LBB2_6:
0x280: {  	p0 =	sne.s32 s11, $0x7E00;
	[tilespmem:s23+$0x8A50] =	vst v15;
	v9 =	vadd.f32 v9, v17;
	v14 =	vmul.f32 $2.262741660e+01, v14;
	v15 =	vld [tilespmem:s23+$0x8E60]  }
0x281: {  	s22 =	sadd.s32 $0x80, s22;
	[tilespmem:s23+$0x8A60] =	vst v18;
	v8 =	vadd.f32 v8, v16;
	v13 =	vmul.f32 $2.262741660e+01, v13;
	v16 =	vld [tilespmem:s23+$0x8E70]  }
0x282: {  	s12 =	sand.u32 $0x7000, s11;
	s24 =	sand.u32 $0x380, s22;
	[tilespmem:s23+$0x8A70] =	vst v9;
	v7 =	vadd.f32 v7, v14;
	v9 =	vmul.f32 $2.262741660e+01, v12;
	v12 =	vld [tilespmem:s23+$0xE60]  }
0x283: {  	s12 =	sor.u32 s24, s12;
	[tilespmem:s23+$0x8E00] =	vst v8;
	v6 =	vadd.f32 v6, v13;
	v8 =	vmul.f32 $2.262741660e+01, v11;
	v11 =	vld [tilespmem:s23+$0xE70]  }
0x284: {  	v17 =	vld [tilespmem:s12+$0x200];
	[tilespmem:s23+$0x8E10] =	vst v7;
	v5 =	vadd.f32 v5, v9;
	v7 =	vmul.f32 $2.262741660e+01, v10  }
0x285: {  	v18 =	vld [tilespmem:s12+$0x210];
	[tilespmem:s23+$0x8E20] =	vst v6;
	v4 =	vadd.f32 v4, v8;
	v6 =	vmul.f32 $2.262741660e+01, v15  }
0x286: {  	v15 =	vld [tilespmem:s12+$0x220];
	[tilespmem:s23+$0x8E30] =	vst v5;
	v3 =	vadd.f32 v3, v7;
	v5 =	vmul.f32 $2.262741660e+01, v16  }
0x287: {  	v16 =	vld [tilespmem:s12+$0x230];
	[tilespmem:s23+$0x8E40] =	vst v4;
	v4 =	vadd.f32 v12, v6  }
0x288: {  	v19 =	vld [tilespmem:s12+$0x240];
	[tilespmem:s23+$0x8E50] =	vst v3;
	v3 =	vadd.f32 v11, v5  }
0x289: {  	v20 =	vld [tilespmem:s12+$0x250];
	[tilespmem:s23+$0x8E60] =	vst v4  }
0x28a: {  	v21 =	vld [tilespmem:s12+$0x260];
	[tilespmem:s23+$0x8E70] =	vst v3;
	s23 =	smov.u32 s12  }
0x28b: {  	v22 =	vld [tilespmem:s23+$0x270]  }
0x28c: {  	v23 =	vld [tilespmem:s23+$0x600]  }
0x28d: {  	v24 =	vld [tilespmem:s23+$0x610]  }
0x28e: {  	v25 =	vld [tilespmem:s23+$0x620]  }
0x28f: {  	v26 =	vld [tilespmem:s23+$0x630]  }
0x290: {  	v27 =	vld [tilespmem:s23+$0x640]  }
0x291: {  	v28 =	vld [tilespmem:s23+$0x650]  }
0x292: {  	v29 =	vld [tilespmem:s23+$0x660]  }
0x293: {  	v30 =	vld [tilespmem:s23+$0x670]  }
0x294: {  	v31 =	vld [tilespmem:s23+$0xA00]  }
0x295: {  	v32 =	vld [tilespmem:s23+$0xA10]  }
0x296: {  	v14 =	vld [tilespmem:s23+$0xA20]  }
0x297: {  	v13 =	vld [tilespmem:s23+$0xA30]  }
0x298: {  	v12 =	vld [tilespmem:s23+$0xA40]  }
0x299: {  	v11 =	vld [tilespmem:s23+$0xA50]  }
0x29a: {  	v10 =	vld [tilespmem:s23+$0xA60]  }
0x29b: {  	v9 =	vld [tilespmem:s23+$0xA70]  }
0x29c: {  	v8 =	vld [tilespmem:s23+$0xE00]  }
0x29d: {  	v7 =	vld [tilespmem:s23+$0xE10]  }
0x29e: {  	v6 =	vld [tilespmem:s23+$0xE20]  }
0x29f: {  	v5 =	vld [tilespmem:s23+$0xE30]  }
0x2a0: {  	v4 =	vld [tilespmem:s23+$0xE40]  }
0x2a1: {  	v3 =	vld [tilespmem:s23+$0xE50]  }
0x2a2: {  	v33 =	vld [tilespmem:s23+$0x8200]  }
0x2a3: {  	v34 =	vld [tilespmem:s23+$0x8210]  }
0x2a4: {  	v35 =	vld [tilespmem:s23+$0x8220]  }
0x2a5: {  	v36 =	vld [tilespmem:s23+$0x8230]  }
0x2a6: {  	v37 =	vld [tilespmem:s23+$0x8240]  }
0x2a7: {  	v33 =	vmul.f32 $2.262741660e+01, v33;
	v38 =	vld [tilespmem:s23+$0x8250]  }
0x2a8: {  	v34 =	vmul.f32 $2.262741660e+01, v34;
	v39 =	vld [tilespmem:s23+$0x8260]  }
0x2a9: {  	v17 =	vadd.f32 v17, v33;
	v33 =	vmul.f32 $2.262741660e+01, v35;
	v35 =	vld [tilespmem:s23+$0x8270]  }
0x2aa: {  	v18 =	vadd.f32 v18, v34;
	v34 =	vmul.f32 $2.262741660e+01, v36;
	v36 =	vld [tilespmem:s23+$0x8600]  }
0x2ab: {  	[tilespmem:s23+$0x8200] =	vst v17;
	v15 =	vadd.f32 v15, v33;
	v17 =	vmul.f32 $2.262741660e+01, v37;
	v33 =	vld [tilespmem:s23+$0x8610]  }
0x2ac: {  	[tilespmem:s23+$0x8210] =	vst v18;
	v16 =	vadd.f32 v16, v34;
	v18 =	vmul.f32 $2.262741660e+01, v38;
	v34 =	vld [tilespmem:s23+$0x8620]  }
0x2ad: {  	[tilespmem:s23+$0x8220] =	vst v15;
	v15 =	vadd.f32 v19, v17;
	v17 =	vmul.f32 $2.262741660e+01, v39;
	v19 =	vld [tilespmem:s23+$0x8630]  }
0x2ae: {  	[tilespmem:s23+$0x8230] =	vst v16;
	v16 =	vadd.f32 v20, v18;
	v18 =	vmul.f32 $2.262741660e+01, v35;
	v20 =	vld [tilespmem:s23+$0x8640]  }
0x2af: {  	[tilespmem:s23+$0x8240] =	vst v15;
	v15 =	vadd.f32 v21, v17;
	v17 =	vmul.f32 $2.262741660e+01, v36;
	v21 =	vld [tilespmem:s23+$0x8650]  }
0x2b0: {  	[tilespmem:s23+$0x8250] =	vst v16;
	v16 =	vadd.f32 v22, v18;
	v18 =	vmul.f32 $2.262741660e+01, v33;
	v22 =	vld [tilespmem:s23+$0x8660]  }
0x2b1: {  	[tilespmem:s23+$0x8260] =	vst v15;
	v15 =	vadd.f32 v23, v17;
	v17 =	vmul.f32 $2.262741660e+01, v34;
	v23 =	vld [tilespmem:s23+$0x8670]  }
0x2b2: {  	[tilespmem:s23+$0x8270] =	vst v16;
	v16 =	vadd.f32 v24, v18;
	v18 =	vmul.f32 $2.262741660e+01, v19;
	v19 =	vld [tilespmem:s23+$0x8A00]  }
0x2b3: {  	[tilespmem:s23+$0x8600] =	vst v15;
	v15 =	vadd.f32 v25, v17;
	v17 =	vmul.f32 $2.262741660e+01, v20;
	v20 =	vld [tilespmem:s23+$0x8A10]  }
0x2b4: {  	[tilespmem:s23+$0x8610] =	vst v16;
	v16 =	vadd.f32 v26, v18;
	v18 =	vmul.f32 $2.262741660e+01, v21;
	v21 =	vld [tilespmem:s23+$0x8A20]  }
0x2b5: {  	[tilespmem:s23+$0x8620] =	vst v15;
	v15 =	vadd.f32 v27, v17;
	v17 =	vmul.f32 $2.262741660e+01, v22;
	v22 =	vld [tilespmem:s23+$0x8A30]  }
0x2b6: {  	[tilespmem:s23+$0x8630] =	vst v16;
	v16 =	vadd.f32 v28, v18;
	v18 =	vmul.f32 $2.262741660e+01, v23;
	v23 =	vld [tilespmem:s23+$0x8A40]  }
0x2b7: {  	[tilespmem:s23+$0x8640] =	vst v15;
	v15 =	vadd.f32 v29, v17;
	v17 =	vmul.f32 $2.262741660e+01, v19;
	v19 =	vld [tilespmem:s23+$0x8A50]  }
0x2b8: {  	[tilespmem:s23+$0x8650] =	vst v16;
	v16 =	vadd.f32 v30, v18;
	v18 =	vmul.f32 $2.262741660e+01, v20;
	v20 =	vld [tilespmem:s23+$0x8A60]  }
0x2b9: {  	[tilespmem:s23+$0x8660] =	vst v15;
	v15 =	vadd.f32 v31, v17;
	v17 =	vmul.f32 $2.262741660e+01, v21;
	v21 =	vld [tilespmem:s23+$0x8A70]  }
0x2ba: {  	[tilespmem:s23+$0x8670] =	vst v16;
	v16 =	vadd.f32 v32, v18;
	v18 =	vmul.f32 $2.262741660e+01, v22;
	v22 =	vld [tilespmem:s23+$0x8E00]  }
.Ltmp2:
0x2bb: {  	[tilespmem:s23+$0x8A00] =	vst v15;
	v15 =	vadd.f32 v14, v17;
	v17 =	vmul.f32 $2.262741660e+01, v23;
	v14 =	vld [tilespmem:s23+$0x8E10];
	(pc) =	sbr.rel @p0 .LBB2_6-.Ltmp2, $4  }
0x2bc: {  	[tilespmem:s23+$0x8A10] =	vst v16;
	v16 =	vadd.f32 v13, v18;
	v18 =	vmul.f32 $2.262741660e+01, v19;
	v13 =	vld [tilespmem:s23+$0x8E20]  }
0x2bd: {  	[tilespmem:s23+$0x8A20] =	vst v15;
	v19 =	vadd.f32 v12, v17;
	v20 =	vmul.f32 $2.262741660e+01, v20;
	v12 =	vld [tilespmem:s23+$0x8E30]  }
0x2be: {  	[tilespmem:s23+$0x8A30] =	vst v16;
	v15 =	vadd.f32 v11, v18;
	v17 =	vmul.f32 $2.262741660e+01, v21;
	v11 =	vld [tilespmem:s23+$0x8E40]  }
0x2bf: {  	s11 =	sadd.s32 $0x200, s11;
	[tilespmem:s23+$0x8A40] =	vst v19;
	v18 =	vadd.f32 v10, v20;
	v16 =	vmul.f32 $2.262741660e+01, v22;
	v10 =	vld [tilespmem:s23+$0x8E50]  }
0x2c0: {  	v9 =	vadd.f32 v9, v17  }
0x2c1: {  	[tilespmem:s23+$0x8A50] =	vst v15;
	v15 =	vld [tilespmem:s23+$0x8E60];
	v14 =	vmul.f32 $2.262741660e+01, v14  }
0x2c2: {  	v8 =	vadd.f32 v8, v16;
	v16 =	vld [tilespmem:s23+$0x8E70];
	[tilespmem:s23+$0x8A70] =	vst v9;
	v9 =	vmul.f32 $2.262741660e+01, v13  }
0x2c3: {  	[tilespmem:s23+$0x8A60] =	vst v18;
	v13 =	vld [tilespmem:s23+$0xE60];
	v7 =	vadd.f32 v7, v14;
	v12 =	vmul.f32 $2.262741660e+01, v12  }
0x2c4: {  	[tilespmem:s23+$0x8E00] =	vst v8;
	v8 =	vmul.f32 $2.262741660e+01, v11;
	v6 =	vadd.f32 v6, v9;
	v9 =	vld [tilespmem:s23+$0xE70]  }
0x2c5: {  	[tilespmem:s23+$0x8E10] =	vst v7;
	v5 =	vadd.f32 v5, v12;
	v7 =	vmul.f32 $2.262741660e+01, v10  }
0x2c6: {  	v4 =	vadd.f32 v4, v8;
	[tilespmem:s23+$0x8E20] =	vst v6;
	v6 =	vmul.f32 $2.262741660e+01, v15  }
0x2c7: {  	[tilespmem:s23+$0x8E30] =	vst v5;
	v3 =	vadd.f32 v3, v7;
	v5 =	vmul.f32 $2.262741660e+01, v16  }
0x2c8: {  	[tilespmem:s23+$0x8E40] =	vst v4;
	v4 =	vadd.f32 v13, v6  }
0x2c9: {  	[tilespmem:s23+$0x8E50] =	vst v3;
	v3 =	vadd.f32 v9, v5  }
0x2ca: {  	[tilespmem:s23+$0x8E60] =	vst v4  }
0x2cb: {  	s11 =	rddreg [dreg:$0xc];
	[tilespmem:s23+$0x8E70] =	vst v3;
	s23 =	simm.s32 $0x0  }
0x2cc: {  	[hbm4b:s11+s23] =	stream.linear.scatter [tilespmem:s20], [sflag:$0x3], $0x8000, $0x38;
	[tilespmem:$0x18200] =	vst v63  }
0x2cd: {  	_ =	swait.ge [sflag:s8], $0x8000  }
0x2ce: {  	s24 =	sand.u32 $0x7000, s23;
	s12 =	sand.u32 $0x380, s23;
	[sflag:s8] =	ssyncset.done $0x0  }
0x2cf: {  	s22 =	sor.u32 s12, s24;
	[sflag:s8] =	ssyncadd.s32 $0xFFFF8000  }
0x2d0: {  	v10 =	vld [tilespmem:s22+$0x200]  }
0x2d1: {  	v11 =	vld [tilespmem:s22+$0x210]  }
0x2d2: {  	v12 =	vld [tilespmem:s22+$0x220]  }
0x2d3: {  	v13 =	vld [tilespmem:s22+$0x230]  }
0x2d4: {  	v14 =	vld [tilespmem:s22+$0x240]  }
0x2d5: {  	v15 =	vld [tilespmem:s22+$0x250]  }
0x2d6: {  	v16 =	vld [tilespmem:s22+$0x260]  }
0x2d7: {  	v17 =	vld [tilespmem:s22+$0x270]  }
0x2d8: {  	v18 =	vld [tilespmem:s22+$0x600]  }
0x2d9: {  	v19 =	vld [tilespmem:s22+$0x610]  }
0x2da: {  	v20 =	vld [tilespmem:s22+$0x620]  }
0x2db: {  	v21 =	vld [tilespmem:s22+$0x630]  }
0x2dc: {  	v22 =	vld [tilespmem:s22+$0x640]  }
0x2dd: {  	v23 =	vld [tilespmem:s22+$0x650]  }
0x2de: {  	v24 =	vld [tilespmem:s22+$0x660]  }
0x2df: {  	v25 =	vld [tilespmem:s22+$0x670]  }
0x2e0: {  	v26 =	vld [tilespmem:s22+$0xA00]  }
0x2e1: {  	v27 =	vld [tilespmem:s22+$0xA10]  }
0x2e2: {  	v28 =	vld [tilespmem:s22+$0xA20]  }
0x2e3: {  	v29 =	vld [tilespmem:s22+$0xA30]  }
0x2e4: {  	v30 =	vld [tilespmem:s22+$0xA40]  }
0x2e5: {  	v31 =	vld [tilespmem:s22+$0xA50]  }
0x2e6: {  	v32 =	vld [tilespmem:s22+$0xA60]  }
0x2e7: {  	v9 =	vld [tilespmem:s22+$0xA70]  }
0x2e8: {  	v8 =	vld [tilespmem:s22+$0xE00]  }
0x2e9: {  	v7 =	vld [tilespmem:s22+$0xE10]  }
0x2ea: {  	v6 =	vld [tilespmem:s22+$0xE20]  }
0x2eb: {  	v5 =	vld [tilespmem:s22+$0xE30]  }
0x2ec: {  	v4 =	vld [tilespmem:s22+$0xE40]  }
0x2ed: {  	v3 =	vld [tilespmem:s22+$0xE50]  }
0x2ee: {  	v33 =	vld [tilespmem:s22+$0x10200]  }
0x2ef: {  	v34 =	vld [tilespmem:s22+$0x10210]  }
0x2f0: {  	v35 =	vld [tilespmem:s22+$0x10220]  }
0x2f1: {  	v36 =	vld [tilespmem:s22+$0x10230]  }
0x2f2: {  	v37 =	vld [tilespmem:s22+$0x10240]  }
0x2f3: {  	v38 =	vld [tilespmem:s22+$0x10250];
	v33 =	vmul.f32 $2.262741660e+01, v33  }
0x2f4: {  	v39 =	vld [tilespmem:s22+$0x10260];
	v34 =	vmul.f32 $2.262741660e+01, v34  }
0x2f5: {  	v59 =	vld [tilespmem:s22+$0x10270];
	v58 =	vmul.f32 $2.262741660e+01, v35;
	v10 =	vadd.f32 v10, v33  }
0x2f6: {  	v61 =	vld [tilespmem:s22+$0x10600];
	v60 =	vmul.f32 $2.262741660e+01, v36;
	v11 =	vadd.f32 v11, v34  }
0x2f7: {  	v62 =	vld [tilespmem:s22+$0x10610];
	[tilespmem:s22+$0x10200] =	vst v10;
	v10 =	vadd.f32 v12, v58;
	v12 =	vmul.f32 $2.262741660e+01, v37  }
0x2f8: {  	v63 =	vld [tilespmem:s22+$0x10620];
	[tilespmem:s22+$0x10210] =	vst v11;
	v11 =	vadd.f32 v13, v60;
	v13 =	vmul.f32 $2.262741660e+01, v38  }
0x2f9: {  	[tilespmem:s22+$0x10220] =	vst v10;
	v10 =	vadd.f32 v14, v12;
	v12 =	vmul.f32 $2.262741660e+01, v39;
	v14 =	vld [tilespmem:s22+$0x10630]  }
0x2fa: {  	[tilespmem:s22+$0x10230] =	vst v11;
	v11 =	vadd.f32 v15, v13;
	v13 =	vmul.f32 $2.262741660e+01, v59;
	v15 =	vld [tilespmem:s22+$0x10640]  }
0x2fb: {  	[tilespmem:s22+$0x10240] =	vst v10;
	v10 =	vadd.f32 v16, v12;
	v12 =	vmul.f32 $2.262741660e+01, v61;
	v16 =	vld [tilespmem:s22+$0x10650]  }
0x2fc: {  	[tilespmem:s22+$0x10250] =	vst v11;
	v11 =	vadd.f32 v17, v13;
	v13 =	vmul.f32 $2.262741660e+01, v62;
	v17 =	vld [tilespmem:s22+$0x10660]  }
0x2fd: {  	[tilespmem:s22+$0x10260] =	vst v10;
	v10 =	vadd.f32 v18, v12;
	v12 =	vmul.f32 $2.262741660e+01, v63;
	v18 =	vld [tilespmem:s22+$0x10670]  }
0x2fe: {  	[tilespmem:s22+$0x10270] =	vst v11;
	v11 =	vadd.f32 v19, v13;
	v13 =	vmul.f32 $2.262741660e+01, v14;
	v14 =	vld [tilespmem:s22+$0x10A00]  }
0x2ff: {  	[tilespmem:s22+$0x10600] =	vst v10;
	v10 =	vadd.f32 v20, v12;
	v12 =	vmul.f32 $2.262741660e+01, v15;
	v15 =	vld [tilespmem:s22+$0x10A10]  }
0x300: {  	[tilespmem:s22+$0x10610] =	vst v11;
	v11 =	vadd.f32 v21, v13;
	v13 =	vmul.f32 $2.262741660e+01, v16;
	v16 =	vld [tilespmem:s22+$0x10A20]  }
0x301: {  	[tilespmem:s22+$0x10620] =	vst v10;
	v10 =	vadd.f32 v22, v12;
	v12 =	vmul.f32 $2.262741660e+01, v17;
	v17 =	vld [tilespmem:s22+$0x10A30]  }
0x302: {  	[tilespmem:s22+$0x10630] =	vst v11;
	v11 =	vadd.f32 v23, v13;
	v13 =	vmul.f32 $2.262741660e+01, v18;
	v18 =	vld [tilespmem:s22+$0x10A40]  }
0x303: {  	v19 =	vld [tilespmem:s22+$0x10A50];
	[tilespmem:s22+$0x10640] =	vst v10;
	v10 =	vadd.f32 v24, v12;
	v12 =	vmul.f32 $2.262741660e+01, v14  }
0x304: {  	[tilespmem:s22+$0x10650] =	vst v11;
	v11 =	vadd.f32 v25, v13;
	v13 =	vmul.f32 $2.262741660e+01, v15;
	v15 =	vld [tilespmem:s22+$0x10A60]  }
0x305: {  	[tilespmem:s22+$0x10660] =	vst v10;
	v10 =	vadd.f32 v26, v12;
	v12 =	vmul.f32 $2.262741660e+01, v16;
	v16 =	vld [tilespmem:s22+$0x10A70]  }
0x306: {  	v20 =	vld [tilespmem:s22+$0x10E00];
	[tilespmem:s22+$0x10670] =	vst v11;
	v11 =	vadd.f32 v27, v13;
	v13 =	vmul.f32 $2.262741660e+01, v17  }
0x307: {  	v14 =	vld [tilespmem:s22+$0x10E10];
	[tilespmem:s22+$0x10A00] =	vst v10;
	v10 =	vadd.f32 v28, v12;
	v12 =	vmul.f32 $2.262741660e+01, v18  }
0x308: {  	v17 =	vmul.f32 $2.262741660e+01, v19;
	[tilespmem:s22+$0x10A10] =	vst v11;
	v11 =	vadd.f32 v29, v13;
	v13 =	vld [tilespmem:s22+$0x10E20]  }
0x309: {  	[tilespmem:s22+$0x10A20] =	vst v10;
	v10 =	vadd.f32 v30, v12;
	v18 =	vmul.f32 $2.262741660e+01, v15;
	v12 =	vld [tilespmem:s22+$0x10E30]  }
0x30a: {  	v15 =	vadd.f32 v31, v17;
	[tilespmem:s22+$0x10A30] =	vst v11;
	v11 =	vld [tilespmem:s22+$0x10E40];
	v17 =	vmul.f32 $2.262741660e+01, v16  }
0x30b: {  	s11 =	simm.s32 $0x200;
	v16 =	vmul.f32 $2.262741660e+01, v20;
	[tilespmem:s22+$0x10A40] =	vst v10;
	v18 =	vadd.f32 v32, v18;
	v10 =	vld [tilespmem:s22+$0x10E50]  }
.LBB2_8:
0x30c: {  	p0 =	sne.s32 s11, $0x7E00;
	[tilespmem:s22+$0x10A50] =	vst v15;
	v9 =	vadd.f32 v9, v17;
	v14 =	vmul.f32 $2.262741660e+01, v14;
	v15 =	vld [tilespmem:s22+$0x10E60]  }
0x30d: {  	s23 =	sadd.s32 $0x80, s23;
	[tilespmem:s22+$0x10A60] =	vst v18;
	v8 =	vadd.f32 v8, v16;
	v13 =	vmul.f32 $2.262741660e+01, v13;
	v16 =	vld [tilespmem:s22+$0x10E70]  }
0x30e: {  	s12 =	sand.u32 $0x7000, s11;
	s24 =	sand.u32 $0x380, s23;
	[tilespmem:s22+$0x10A70] =	vst v9;
	v7 =	vadd.f32 v7, v14;
	v9 =	vmul.f32 $2.262741660e+01, v12;
	v12 =	vld [tilespmem:s22+$0xE60]  }
0x30f: {  	s12 =	sor.u32 s24, s12;
	[tilespmem:s22+$0x10E00] =	vst v8;
	v6 =	vadd.f32 v6, v13;
	v8 =	vmul.f32 $2.262741660e+01, v11;
	v11 =	vld [tilespmem:s22+$0xE70]  }
0x310: {  	v17 =	vld [tilespmem:s12+$0x200];
	[tilespmem:s22+$0x10E10] =	vst v7;
	v5 =	vadd.f32 v5, v9;
	v7 =	vmul.f32 $2.262741660e+01, v10  }
0x311: {  	v18 =	vld [tilespmem:s12+$0x210];
	[tilespmem:s22+$0x10E20] =	vst v6;
	v4 =	vadd.f32 v4, v8;
	v6 =	vmul.f32 $2.262741660e+01, v15  }
0x312: {  	v15 =	vld [tilespmem:s12+$0x220];
	[tilespmem:s22+$0x10E30] =	vst v5;
	v3 =	vadd.f32 v3, v7;
	v5 =	vmul.f32 $2.262741660e+01, v16  }
0x313: {  	v16 =	vld [tilespmem:s12+$0x230];
	[tilespmem:s22+$0x10E40] =	vst v4;
	v4 =	vadd.f32 v12, v6  }
0x314: {  	v19 =	vld [tilespmem:s12+$0x240];
	[tilespmem:s22+$0x10E50] =	vst v3;
	v3 =	vadd.f32 v11, v5  }
0x315: {  	v20 =	vld [tilespmem:s12+$0x250];
	[tilespmem:s22+$0x10E60] =	vst v4  }
0x316: {  	v21 =	vld [tilespmem:s12+$0x260];
	[tilespmem:s22+$0x10E70] =	vst v3;
	s22 =	smov.u32 s12  }
0x317: {  	v22 =	vld [tilespmem:s22+$0x270]  }
0x318: {  	v23 =	vld [tilespmem:s22+$0x600]  }
0x319: {  	v24 =	vld [tilespmem:s22+$0x610]  }
0x31a: {  	v25 =	vld [tilespmem:s22+$0x620]  }
0x31b: {  	v26 =	vld [tilespmem:s22+$0x630]  }
0x31c: {  	v27 =	vld [tilespmem:s22+$0x640]  }
0x31d: {  	v28 =	vld [tilespmem:s22+$0x650]  }
0x31e: {  	v29 =	vld [tilespmem:s22+$0x660]  }
0x31f: {  	v30 =	vld [tilespmem:s22+$0x670]  }
0x320: {  	v31 =	vld [tilespmem:s22+$0xA00]  }
0x321: {  	v32 =	vld [tilespmem:s22+$0xA10]  }
0x322: {  	v14 =	vld [tilespmem:s22+$0xA20]  }
0x323: {  	v13 =	vld [tilespmem:s22+$0xA30]  }
0x324: {  	v12 =	vld [tilespmem:s22+$0xA40]  }
0x325: {  	v11 =	vld [tilespmem:s22+$0xA50]  }
0x326: {  	v10 =	vld [tilespmem:s22+$0xA60]  }
0x327: {  	v9 =	vld [tilespmem:s22+$0xA70]  }
0x328: {  	v8 =	vld [tilespmem:s22+$0xE00]  }
0x329: {  	v7 =	vld [tilespmem:s22+$0xE10]  }
0x32a: {  	v6 =	vld [tilespmem:s22+$0xE20]  }
0x32b: {  	v5 =	vld [tilespmem:s22+$0xE30]  }
0x32c: {  	v4 =	vld [tilespmem:s22+$0xE40]  }
0x32d: {  	v3 =	vld [tilespmem:s22+$0xE50]  }
0x32e: {  	v33 =	vld [tilespmem:s22+$0x10200]  }
0x32f: {  	v34 =	vld [tilespmem:s22+$0x10210]  }
0x330: {  	v35 =	vld [tilespmem:s22+$0x10220]  }
0x331: {  	v36 =	vld [tilespmem:s22+$0x10230]  }
0x332: {  	v37 =	vld [tilespmem:s22+$0x10240]  }
0x333: {  	v33 =	vmul.f32 $2.262741660e+01, v33;
	v38 =	vld [tilespmem:s22+$0x10250]  }
0x334: {  	v34 =	vmul.f32 $2.262741660e+01, v34;
	v39 =	vld [tilespmem:s22+$0x10260]  }
0x335: {  	v17 =	vadd.f32 v17, v33;
	v33 =	vmul.f32 $2.262741660e+01, v35;
	v35 =	vld [tilespmem:s22+$0x10270]  }
0x336: {  	v18 =	vadd.f32 v18, v34;
	v34 =	vmul.f32 $2.262741660e+01, v36;
	v36 =	vld [tilespmem:s22+$0x10600]  }
0x337: {  	[tilespmem:s22+$0x10200] =	vst v17;
	v15 =	vadd.f32 v15, v33;
	v17 =	vmul.f32 $2.262741660e+01, v37;
	v33 =	vld [tilespmem:s22+$0x10610]  }
0x338: {  	[tilespmem:s22+$0x10210] =	vst v18;
	v16 =	vadd.f32 v16, v34;
	v18 =	vmul.f32 $2.262741660e+01, v38;
	v34 =	vld [tilespmem:s22+$0x10620]  }
0x339: {  	[tilespmem:s22+$0x10220] =	vst v15;
	v15 =	vadd.f32 v19, v17;
	v17 =	vmul.f32 $2.262741660e+01, v39;
	v19 =	vld [tilespmem:s22+$0x10630]  }
0x33a: {  	[tilespmem:s22+$0x10230] =	vst v16;
	v16 =	vadd.f32 v20, v18;
	v18 =	vmul.f32 $2.262741660e+01, v35;
	v20 =	vld [tilespmem:s22+$0x10640]  }
0x33b: {  	[tilespmem:s22+$0x10240] =	vst v15;
	v15 =	vadd.f32 v21, v17;
	v17 =	vmul.f32 $2.262741660e+01, v36;
	v21 =	vld [tilespmem:s22+$0x10650]  }
0x33c: {  	[tilespmem:s22+$0x10250] =	vst v16;
	v16 =	vadd.f32 v22, v18;
	v18 =	vmul.f32 $2.262741660e+01, v33;
	v22 =	vld [tilespmem:s22+$0x10660]  }
0x33d: {  	[tilespmem:s22+$0x10260] =	vst v15;
	v15 =	vadd.f32 v23, v17;
	v17 =	vmul.f32 $2.262741660e+01, v34;
	v23 =	vld [tilespmem:s22+$0x10670]  }
0x33e: {  	[tilespmem:s22+$0x10270] =	vst v16;
	v16 =	vadd.f32 v24, v18;
	v18 =	vmul.f32 $2.262741660e+01, v19;
	v19 =	vld [tilespmem:s22+$0x10A00]  }
0x33f: {  	[tilespmem:s22+$0x10600] =	vst v15;
	v15 =	vadd.f32 v25, v17;
	v17 =	vmul.f32 $2.262741660e+01, v20;
	v20 =	vld [tilespmem:s22+$0x10A10]  }
0x340: {  	[tilespmem:s22+$0x10610] =	vst v16;
	v16 =	vadd.f32 v26, v18;
	v18 =	vmul.f32 $2.262741660e+01, v21;
	v21 =	vld [tilespmem:s22+$0x10A20]  }
0x341: {  	[tilespmem:s22+$0x10620] =	vst v15;
	v15 =	vadd.f32 v27, v17;
	v17 =	vmul.f32 $2.262741660e+01, v22;
	v22 =	vld [tilespmem:s22+$0x10A30]  }
0x342: {  	[tilespmem:s22+$0x10630] =	vst v16;
	v16 =	vadd.f32 v28, v18;
	v18 =	vmul.f32 $2.262741660e+01, v23;
	v23 =	vld [tilespmem:s22+$0x10A40]  }
0x343: {  	[tilespmem:s22+$0x10640] =	vst v15;
	v15 =	vadd.f32 v29, v17;
	v17 =	vmul.f32 $2.262741660e+01, v19;
	v19 =	vld [tilespmem:s22+$0x10A50]  }
0x344: {  	[tilespmem:s22+$0x10650] =	vst v16;
	v16 =	vadd.f32 v30, v18;
	v18 =	vmul.f32 $2.262741660e+01, v20;
	v20 =	vld [tilespmem:s22+$0x10A60]  }
0x345: {  	[tilespmem:s22+$0x10660] =	vst v15;
	v15 =	vadd.f32 v31, v17;
	v17 =	vmul.f32 $2.262741660e+01, v21;
	v21 =	vld [tilespmem:s22+$0x10A70]  }
0x346: {  	[tilespmem:s22+$0x10670] =	vst v16;
	v16 =	vadd.f32 v32, v18;
	v18 =	vmul.f32 $2.262741660e+01, v22;
	v22 =	vld [tilespmem:s22+$0x10E00]  }
.Ltmp3:
0x347: {  	[tilespmem:s22+$0x10A00] =	vst v15;
	v15 =	vadd.f32 v14, v17;
	v17 =	vmul.f32 $2.262741660e+01, v23;
	v14 =	vld [tilespmem:s22+$0x10E10];
	(pc) =	sbr.rel @p0 .LBB2_8-.Ltmp3, $4  }
0x348: {  	[tilespmem:s22+$0x10A10] =	vst v16;
	v16 =	vadd.f32 v13, v18;
	v18 =	vmul.f32 $2.262741660e+01, v19;
	v13 =	vld [tilespmem:s22+$0x10E20]  }
0x349: {  	[tilespmem:s22+$0x10A20] =	vst v15;
	v19 =	vadd.f32 v12, v17;
	v20 =	vmul.f32 $2.262741660e+01, v20;
	v12 =	vld [tilespmem:s22+$0x10E30]  }
0x34a: {  	[tilespmem:s22+$0x10A30] =	vst v16;
	v15 =	vadd.f32 v11, v18;
	v17 =	vmul.f32 $2.262741660e+01, v21;
	v11 =	vld [tilespmem:s22+$0x10E40]  }
0x34b: {  	s11 =	sadd.s32 $0x200, s11;
	[tilespmem:s22+$0x10A40] =	vst v19;
	v18 =	vadd.f32 v10, v20;
	v16 =	vmul.f32 $2.262741660e+01, v22;
	v10 =	vld [tilespmem:s22+$0x10E50]  }
0x34c: {  	[tilespmem:s22+$0x10A50] =	vst v15;
	v9 =	vadd.f32 v9, v17;
	v54 =	vld [tilespmem:s22+$0x10E60];
	v14 =	vmul.f32 $2.262741660e+01, v14  }
0x34d: {  	v55 =	vld [tilespmem:s22+$0x10E70];
	[tilespmem:s22+$0x10A60] =	vst v18;
	v8 =	vadd.f32 v8, v16;
	v56 =	vmul.f32 $2.262741660e+01, v13  }
0x34e: {  	v57 =	vld [tilespmem:s22+$0xE60];
	[tilespmem:s22+$0x10A70] =	vst v9;
	v7 =	vadd.f32 v7, v14;
	v12 =	vmul.f32 $2.262741660e+01, v12  }
0x34f: {  	v59 =	vld [tilespmem:s22+$0xE70];
	[tilespmem:s22+$0x10E00] =	vst v8;
	v6 =	vadd.f32 v6, v56;
	v58 =	vmul.f32 $2.262741660e+01, v11  }
0x350: {  	[tilespmem:s22+$0x10E10] =	vst v7;
	v5 =	vadd.f32 v5, v12;
	v60 =	vmul.f32 $2.262741660e+01, v10  }
0x351: {  	[tilespmem:s22+$0x10E20] =	vst v6;
	v4 =	vadd.f32 v4, v58;
	v61 =	vmul.f32 $2.262741660e+01, v54  }
0x352: {  	v62 =	vmul.f32 $2.262741660e+01, v55;
	[tilespmem:s22+$0x10E30] =	vst v5;
	v3 =	vadd.f32 v3, v60  }
0x353: {  	[tilespmem:s22+$0x10E40] =	vst v4;
	v63 =	vadd.f32 v57, v61  }
0x354: {  	[tilespmem:s22+$0x10E50] =	vst v3;
	v3 =	vadd.f32 v59, v62  }
0x355: {  	[tilespmem:s22+$0x10E60] =	vst v63  }
0x356: {  	s10 =	sadd.s32 $0x1, s10;
	[tilespmem:s22+$0x10E70] =	vst v3  }
0x357: {  	[hbm4b:s13+s3] =	stream.linear.scatter [tilespmem:s21], [sflag:$0x4], $0x8000, $0x38;
	[tilespmem:$0x18200] =	vst v63  }
0x358: {  	p0 =	sne.s32 s10, s14;
	_ =	swait.ge [sflag:s16], $0x8000  }
.Ltmp4:
0x359: {  	[sflag:s16] =	ssyncset.done $0x0;
	(pc) =	sbr.rel @p0 .LBB2_1-.Ltmp4, $4  }
0x35a: {  	[sflag:s16] =	ssyncadd.s32 $0xFFFF8000  }
0x35b: {  	_ =	swait.ge [sflag:s17], $0x8000  }
0x35c: {  	[sflag:s17] =	ssyncset.done $0x0  }
0x35d: {  	[sflag:s17] =	ssyncadd.s32 $0xFFFF8000  }
0x35e: {  	_ =	sfence.sel $0x180000  }
0x35f: {  	[bflag:$0x0] =	sbarrier.arrive $0xFFFF  }
0x360: {  	_ =	strace $0x90000047  }
0x361: {  	s0 =	stileid.u32;
	[bflag:$0x2] =	sbarrier.arrive $0xFFFF  }
0x362: {  	p0 =	sne.s32 s0, $0x0;
	s0 =	rddreg [dreg:$0x4]  }
0x363: {  	s0 =	sadd.s32 @!p0 $0x100000, s0  }
0x364: {  	[sflag:s0] =	ssyncadd.tile.s32 @!p0 $0x1;
	_ =	shalt  }
.Lfunc_end2:
_tile_overlayer_lowered:
.L_overlay_start_2:
0x365: {  	(tag) =	ssettag $0x2  }
0x366: {  	s0 =	rddreg [dreg:$0x0];
	s2 =	stileid.u32  }
0x367: {  	s1 =	rddreg [dreg:$0x1];
	p0 =	sne.s32 s2, $0x0  }
0x368: {  	s3 =	rddreg [dreg:$0x2];
	[bflag:$0x3] =	sbarrier.arrive $0xFFFF;
	s2 =	simm.s32 @!p0 $0x1C07  }
0x369: {  	[timem:s3], [sflag:s2] =	dma.local @!p0 [hbm:s0], s1  }
0x36a: {  	s0 =	simm.s32 @!p0 $0x7  }
0x36b: {  	_ =	swait.ge @!p0 [sflag:s0], s1  }
0x36c: {  	s1 =	ssub.s32 @!p0 $0x0, s1;
	[sflag:s0] =	ssyncset.done @!p0 $0x0  }
0x36d: {  	[sflag:s0] =	ssyncadd.s32 @!p0 s1  }
0x36e: {  	[bflag:$0x3] =	sbarrier.arrive $0xFFFF  }
0x36f: {  	_ =	shalt  }

</sc_bundles>
